<compile_context>
chip_gen: v7x
topology: tpu7x:2x2x1
jax: 0.10.2.dev20260603
libtpu: 0.0.44.dev20260713+nightly
codegen_flags: <defaults>
</compile_context>

<pallas_src>
import functools

import jax
import jax.numpy as jnp
from jax import lax
from jax.experimental import pallas as pl
from jax.experimental.pallas import tpu as pltpu
from jax.experimental.pallas import tpu_sc as plsc

N = 10000
E = 320000
D = 128
H = 128

NC = 2
NS = 16
NW = NC * NS
HD = D // NC
B = 100
NCH1 = E // NS // B
NCH2 = E // NW // B
CW = 16
NP = 10240
RPT = NP // NS
ZR = 80


def _zero_rows(ref, nrows, ncols):
    z16 = jnp.zeros((16,), jnp.float32)

    @pl.loop(0, nrows, step=5)
    def _(i):
        for r in range(5):
            for j in range(0, ncols, 16):
                ref[i + r, pl.ds(j, 16)] = z16


_NB = 4
_GL = 2


def _run_pipeline(nch, start_g, wait_g, start_s, wait_s, ones_fn):
    pro = _NB + (nch % _NB)

    def visit(j, sl, sln, jm2, do_ow, do_g, do_sw):
        wait_g(sl, j)
        start_s(sl, j)
        if ones_fn is not None:
            ones_fn(j, jm2, do_ow)
        if do_g:
            if do_sw:
                wait_s(sln)
            start_g(sln, j + _GL)

    for j in range(_GL):
        start_g(j % _NB, j)
    for j in range(pro):
        visit(j, j % _NB, (j + _GL) % _NB, j % 2,
              j >= 2, j + _GL < nch, j >= _GL)

    @pl.loop(pro, nch - _NB, step=_NB)
    def _(t):
        for k in range(_NB):
            visit(t + k, (pro + k) % _NB, (pro + k + _GL) % _NB,
                  (pro + k) % 2, True, True, True)

    for j in range(nch - _NB, nch):
        visit(j, j % _NB, (j + _GL) % _NB, j % 2,
              True, j + _GL < nch, True)

    for sl in range(_NB):
        wait_s(sl)


def _make_sc_pass1():
    mesh = plsc.VectorSubcoreMesh(core_axis_name="c", subcore_axis_name="s")
    out_type = (jax.ShapeDtypeStruct((NC, NP, HD), jnp.float32),
                jax.ShapeDtypeStruct((NP, CW), jnp.float32))
    scratch = (
        [pltpu.VMEM((NCH1, B), jnp.int32),
         pltpu.VMEM((NCH1, B), jnp.int32),
         pltpu.VMEM((_NB, B, HD), jnp.float32),
         pltpu.VMEM((ZR, HD), jnp.float32),
         pltpu.VMEM((ZR, CW), jnp.float32),
         pltpu.VMEM((B, CW), jnp.float32),
         pltpu.VMEM_SHARED((NP, HD), jnp.float32),
         pltpu.VMEM_SHARED((NP, CW), jnp.float32)]
        + [pltpu.SemaphoreType.DMA] * (2 * _NB + 2))

    @functools.partial(pl.kernel, out_type=out_type, mesh=mesh,
                       scratch_types=scratch,
                       compiler_params=pltpu.CompilerParams(
                           use_tc_tiling_on_sc=False))
    def sc_pass1(table, srcs_hbm, dst_hbm, acc_hbm, cnt_hbm,
                 srcv, dstv, rows, zb, zbc, ones, acc_sh, cnt_sh, *sems):
        gsems = sems[:_NB]
        ssems = sems[_NB:2 * _NB]
        osems = sems[2 * _NB:]
        c = lax.axis_index("c")
        s = lax.axis_index("s")

        _zero_rows(zb, ZR, HD)
        for k in range(RPT // ZR):
            pltpu.sync_copy(zb, acc_sh.at[pl.ds(s * RPT + k * ZR, ZR)])

        @pl.when(c == 0)
        def _():
            _zero_rows(zbc, ZR, CW)
            for k in range(RPT // ZR):
                pltpu.sync_copy(zbc, cnt_sh.at[pl.ds(s * RPT + k * ZR, ZR)])
            o16 = jnp.ones((16,), jnp.float32)

            @pl.loop(0, B, step=5)
            def _(i):
                for r in range(5):
                    ones[i + r, pl.ds(0, CW)] = o16

        pltpu.sync_copy(srcs_hbm.at[c, s], srcv)
        pltpu.sync_copy(dst_hbm.at[s], dstv)
        plsc.subcore_barrier()

        def start_g(sl, j):
            pltpu.async_copy(table.at[srcv.at[j]], rows.at[sl], gsems[sl])

        def wait_g(sl, j):
            pltpu.make_async_copy(
                table.at[srcv.at[j]], rows.at[sl], gsems[sl]).wait()

        def start_s(sl, j):
            pltpu.async_copy(rows.at[sl], acc_sh.at[dstv.at[j]], ssems[sl],
                             add=True)

        def wait_s(sl):
            pltpu.make_async_copy(
                rows.at[sl], acc_sh.at[dstv.at[0]], ssems[sl]).wait()

        def ones_fn(j, jm2, do_ow):
            @pl.when(c == 0)
            def _():
                if do_ow:
                    pltpu.make_async_copy(
                        ones, cnt_sh.at[dstv.at[0]], osems[jm2]).wait()
                pltpu.async_copy(ones, cnt_sh.at[dstv.at[j]], osems[jm2],
                                 add=True)

        _run_pipeline(NCH1, start_g, wait_g, start_s, wait_s, ones_fn)

        @pl.when(c == 0)
        def _():
            for p in range(2):
                pltpu.make_async_copy(
                    ones, cnt_sh.at[dstv.at[0]], osems[p]).wait()

        plsc.subcore_barrier()
        pltpu.sync_copy(acc_sh.at[pl.ds(s * RPT, RPT)],
                        acc_hbm.at[c, pl.ds(s * RPT, RPT)])

        @pl.when(c == 0)
        def _():
            pltpu.sync_copy(cnt_sh.at[pl.ds(s * RPT, RPT)],
                            cnt_hbm.at[pl.ds(s * RPT, RPT)])

    return sc_pass1


def _make_sc_pass2():
    mesh = plsc.VectorSubcoreMesh(core_axis_name="c", subcore_axis_name="s")
    out_type = (jax.ShapeDtypeStruct((NC, NP, CW), jnp.float32),)
    scratch = (
        [pltpu.VMEM((NCH2, B), jnp.int32),
         pltpu.VMEM((NCH2, B), jnp.int32),
         pltpu.VMEM((_NB, B, CW), jnp.float32),
         pltpu.VMEM((ZR, CW), jnp.float32),
         pltpu.VMEM_SHARED((NP, CW), jnp.float32)]
        + [pltpu.SemaphoreType.DMA] * (2 * _NB))

    @functools.partial(pl.kernel, out_type=out_type, mesh=mesh,
                       scratch_types=scratch,
                       compiler_params=pltpu.CompilerParams(
                           use_tc_tiling_on_sc=False))
    def sc_pass2(table, src_hbm, dst_hbm, z_hbm,
                 srcv, dstv, rows, zbc, acc_sh, *sems):
        gsems = sems[:_NB]
        ssems = sems[_NB:]
        c = lax.axis_index("c")
        s = lax.axis_index("s")
        wid = c * NS + s

        _zero_rows(zbc, ZR, CW)
        for k in range(RPT // ZR):
            pltpu.sync_copy(zbc, acc_sh.at[pl.ds(s * RPT + k * ZR, ZR)])

        pltpu.sync_copy(src_hbm.at[wid], srcv)
        pltpu.sync_copy(dst_hbm.at[wid], dstv)
        plsc.subcore_barrier()

        def start_g(sl, j):
            pltpu.async_copy(table.at[srcv.at[j]], rows.at[sl], gsems[sl])

        def wait_g(sl, j):
            pltpu.make_async_copy(
                table.at[srcv.at[j]], rows.at[sl], gsems[sl]).wait()

        def start_s(sl, j):
            pltpu.async_copy(rows.at[sl], acc_sh.at[dstv.at[j]], ssems[sl],
                             add=True)

        def wait_s(sl):
            pltpu.make_async_copy(
                rows.at[sl], acc_sh.at[dstv.at[0]], ssems[sl]).wait()

        _run_pipeline(NCH2, start_g, wait_g, start_s, wait_s, None)

        plsc.subcore_barrier()
        pltpu.sync_copy(acc_sh.at[pl.ds(s * RPT, RPT)],
                        z_hbm.at[c, pl.ds(s * RPT, RPT)])

    return sc_pass2


_sc_aggregate_x = _make_sc_pass1()
_sc_aggregate_y = _make_sc_pass2()

_DN = (((1,), (1,)), ((), ()))
_PREC = lax.Precision.HIGHEST
_RB = 1000


def _ka_body(x_ref, w_ref, b_ref, o_ref):
    o_ref[...] = (lax.dot_general(x_ref[...], w_ref[...], _DN,
                                  precision=_PREC) + b_ref[...])


def _kb_body(acc_ref, cnt_ref, r1_ref, w1l_ref, w2l_ref, w2r_ref,
             yb_ref, r2_ref, invc_ref):
    inv = 1.0 / jnp.maximum(cnt_ref[:, 0:1], 1.0)
    aggrn = jnp.concatenate([acc_ref[0], acc_ref[1]], axis=1) * inv
    t = lax.dot_general(aggrn, w1l_ref[...], _DN, precision=_PREC) + r1_ref[...]
    h = jnp.maximum(t, 0.0)
    y = lax.dot_general(h, w2l_ref[...], _DN, precision=_PREC)
    r2 = lax.dot_general(h, w2r_ref[...], _DN, precision=_PREC)
    yb_ref[...] = jnp.broadcast_to(y, (y.shape[0], CW))
    r2_ref[...] = r2
    invc_ref[...] = inv


def _kc_body(z_ref, invc_ref, r2_ref, b2_ref, o_ref):
    z = z_ref[0][:, 0:1] + z_ref[1][:, 0:1]
    o_ref[...] = jax.nn.sigmoid(z * invc_ref[...] + r2_ref[...] + b2_ref[...])


def kernel(x, edge_index, W1_l, b1_l, W1_r, W2_l, b2_l, W2_r):
    src = edge_index[0].astype(jnp.int32)
    dst = edge_index[1].astype(jnp.int32)
    src2 = src * 2
    srcs1 = jnp.stack([src2, src2 + 1]).reshape(NC, NS, NCH1, B)
    dst1 = dst.reshape(NS, NCH1, B)
    src_p2 = src.reshape(NW, NCH2, B)
    dst_p2 = dst.reshape(NW, NCH2, B)
    table1 = x.reshape(N * NC, HD)

    r1 = pl.pallas_call(
        _ka_body,
        out_shape=jax.ShapeDtypeStruct((N, H), jnp.float32),
        grid=(N // _RB,),
        in_specs=[pl.BlockSpec((_RB, D), lambda i: (i, 0)),
                  pl.BlockSpec((H, D), lambda i: (0, 0)),
                  pl.BlockSpec((1, H), lambda i: (0, 0))],
        out_specs=pl.BlockSpec((_RB, H), lambda i: (i, 0)),
    )(x, W1_r, b1_l.reshape(1, H))

    acc, cnt = _sc_aggregate_x(table1, srcs1, dst1)

    yb, r2, invc = pl.pallas_call(
        _kb_body,
        out_shape=(jax.ShapeDtypeStruct((N, CW), jnp.float32),
                   jax.ShapeDtypeStruct((N, 1), jnp.float32),
                   jax.ShapeDtypeStruct((N, 1), jnp.float32)),
        grid=(N // _RB,),
        in_specs=[pl.BlockSpec((NC, _RB, HD), lambda i: (0, i, 0)),
                  pl.BlockSpec((_RB, CW), lambda i: (i, 0)),
                  pl.BlockSpec((_RB, H), lambda i: (i, 0)),
                  pl.BlockSpec((H, D), lambda i: (0, 0)),
                  pl.BlockSpec((1, H), lambda i: (0, 0)),
                  pl.BlockSpec((1, H), lambda i: (0, 0))],
        out_specs=(pl.BlockSpec((_RB, CW), lambda i: (i, 0)),
                   pl.BlockSpec((_RB, 1), lambda i: (i, 0)),
                   pl.BlockSpec((_RB, 1), lambda i: (i, 0))),
    )(acc, cnt, r1, W1_l, W2_l, W2_r)

    (z,) = _sc_aggregate_y(yb, src_p2, dst_p2)

    out = pl.pallas_call(
        _kc_body,
        out_shape=jax.ShapeDtypeStruct((N, 1), jnp.float32),
        grid=(N // _RB,),
        in_specs=[pl.BlockSpec((NC, _RB, CW), lambda i: (0, i, 0)),
                  pl.BlockSpec((_RB, 1), lambda i: (i, 0)),
                  pl.BlockSpec((_RB, 1), lambda i: (i, 0)),
                  pl.BlockSpec((1, 1), lambda i: (0, 0))],
        out_specs=pl.BlockSpec((_RB, 1), lambda i: (i, 0)),
    )(z, invc, r2, b2_l.reshape(1, 1))
    return out

# --- scband reference (transcript-rebuilt; emitter-appended) ---
"""Pipeline reference for scband-my-gnn-12163347382982 (READ-ONLY COPY).

The authoritative reference and input builder live on the scoring server;
editing this copy changes nothing except your own understanding.
"""

import jax, jax.numpy as jnp
import numpy as np

N = 10000
E = 320000
D = 128
H = 128
C = 1

def setup_inputs(seed: int = 0) -> dict:
    key = jax.random.key(seed)
    ks = jax.random.split(key, 8)
    x = jax.random.normal(ks[0], (N, D), dtype=jnp.float32)
    edge_index = jax.random.randint(ks[1], (2, E), 0, N, dtype=jnp.int64)
    s1 = 1.0 / np.sqrt(D)
    s2 = 1.0 / np.sqrt(H)
    W1_l = jax.random.uniform(ks[2], (H, D), jnp.float32, -s1, s1)
    b1_l = jax.random.uniform(ks[3], (H,), jnp.float32, -s1, s1)
    W1_r = jax.random.uniform(ks[4], (H, D), jnp.float32, -s1, s1)
    W2_l = jax.random.uniform(ks[5], (C, H), jnp.float32, -s2, s2)
    b2_l = jax.random.uniform(ks[6], (C,), jnp.float32, -s2, s2)
    W2_r = jax.random.uniform(ks[7], (C, H), jnp.float32, -s2, s2)
    return {"x": x, "edge_index": edge_index, "W1_l": W1_l, "b1_l": b1_l, "W1_r": W1_r, "W2_l": W2_l, "b2_l": b2_l, "W2_r": W2_r}

def _sage_conv(x, edge_index, W_l, b_l, W_r):
    # PyG SAGEConv with aggr='mean': out = lin_l(mean_{j in N(i)} x_j) + lin_r(x_i)
    src = edge_index[0]
    dst = edge_index[1]
    n = x.shape[0]
    msg = jnp.take(x, src, axis=0)
    summed = jax.ops.segment_sum(msg, dst, num_segments=n)
    cnt = jax.ops.segment_sum(jnp.ones((msg.shape[0],), dtype=x.dtype), dst, num_segments=n)
    aggr = summed / jnp.clip(cnt, 1.0, None)[:, None]
    return aggr @ W_l.T + b_l + x @ W_r.T

def reference(x, edge_index, W1_l, b1_l, W1_r, W2_l, b2_l, W2_r):
    h = _sage_conv(x, edge_index, W1_l, b1_l, W1_r)
    h = jax.nn.relu(h)
    out = _sage_conv(h, edge_index, W2_l, b2_l, W2_r)
    return jax.nn.sigmoid(out)

if __name__ == "__main__":
    import jax
    _d = setup_inputs()
    print(jax.jit(kernel)(*tuple(_d.values())))

</pallas_src>

<mosaic_0001>
#map = affine_map<(d0, d1) -> (0, 0)>
#map1 = affine_map<(d0, d1) -> (0, 0, 0, 0)>
#map2 = affine_map<(d0, d1) -> (0, 0, 0)>
module attributes {stable_mosaic.version = 14 : i64} {
  func.func @sc_pass1(%arg0: i32, %arg1: i32, %arg2: memref<20000x64xf32, #tpu.memory_space<hbm>>, %arg3: memref<2x16x200x100xi32, #tpu.memory_space<hbm>>, %arg4: memref<16x200x100xi32, #tpu.memory_space<hbm>>, %arg5: memref<2x10240x64xf32, #tpu.memory_space<hbm>>, %arg6: memref<10240x16xf32, #tpu.memory_space<hbm>>, %arg7: memref<200x100xi32, #tpu.memory_space<vmem>>, %arg8: memref<200x100xi32, #tpu.memory_space<vmem>>, %arg9: memref<4x100x64xf32, #tpu.memory_space<vmem>>, %arg10: memref<80x64xf32, #tpu.memory_space<vmem>>, %arg11: memref<80x16xf32, #tpu.memory_space<vmem>>, %arg12: memref<100x16xf32, #tpu.memory_space<vmem>>, %arg13: memref<10240x64xf32, #tpu.memory_space<vmem_shared>>, %arg14: memref<10240x16xf32, #tpu.memory_space<vmem_shared>>, %arg15: memref<!tpu.dma_semaphore, #tpu.memory_space<semaphore_mem>>, %arg16: memref<!tpu.dma_semaphore, #tpu.memory_space<semaphore_mem>>, %arg17: memref<!tpu.dma_semaphore, #tpu.memory_space<semaphore_mem>>, %arg18: memref<!tpu.dma_semaphore, #tpu.memory_space<semaphore_mem>>, %arg19: memref<!tpu.dma_semaphore, #tpu.memory_space<semaphore_mem>>, %arg20: memref<!tpu.dma_semaphore, #tpu.memory_space<semaphore_mem>>, %arg21: memref<!tpu.dma_semaphore, #tpu.memory_space<semaphore_mem>>, %arg22: memref<!tpu.dma_semaphore, #tpu.memory_space<semaphore_mem>>, %arg23: memref<!tpu.dma_semaphore, #tpu.memory_space<semaphore_mem>>, %arg24: memref<!tpu.dma_semaphore, #tpu.memory_space<semaphore_mem>>) attributes {dimension_semantics = [#tpu.dimension_semantics<core_parallel>, #tpu.dimension_semantics<subcore_parallel>], iteration_bounds = array<i64: 2, 16>, scalar_prefetch = 0 : i64, scratch_operands = 18 : i64, tpu.core_type = #tpu.core_type<sc_vector_subcore>, window_params = [{transform_indices = #map}, {transform_indices = #map1}, {transform_indices = #map2}, {transform_indices = #map2}, {transform_indices = #map}]} {
    %broadcast_in_dim3A = arith.constant 0.000000e+00 : f32
    %broadcast_in_dim3A_0 = vector.broadcast %broadcast_in_dim3A : f32 to vector<16xf32>
    %scan3A = arith.constant 0 : i32
    %scan3A_1 = arith.constant 16 : i32
    %scan3A_2 = arith.addi %scan3A, %scan3A_1 : i32
    %scan3A_3 = arith.constant 1 : i32
    scf.for %scan3A_479 = %scan3A to %scan3A_2 step %scan3A_3  : i32 {
      %mul3A_480 = arith.constant 5 : i32
      %mul3A_481 = arith.muli %scan3A_479, %mul3A_480 : i32
      %add3A_482 = arith.constant 0 : i32
      %add3A_483 = arith.addi %add3A_482, %mul3A_481 : i32
      %add3A_484 = arith.constant 0 : i32
      %add3A_485 = arith.addi %add3A_483, %add3A_484 : i32
      %swap3A = arith.index_cast %add3A_485 : i32 to index
      %swap3A_486 = arith.constant 0 : index
      %swap3A_487 = tpu.vector_load %arg10[%swap3A, %swap3A_486] {strides = array<i32>} : memref<80x64xf32, #tpu.memory_space<vmem>>, vector<1x16xf32>,
      %swap3A_488 = vector.shape_cast %swap3A_487 : vector<1x16xf32> to vector<16xf32>
      %swap3A_489 = vector.shape_cast %broadcast_in_dim3A_0 : vector<16xf32> to vector<1x16xf32>
      tpu.vector_store %arg10[%swap3A, %swap3A_486], %swap3A_489 {strides = array<i32>} : memref<80x64xf32, #tpu.memory_space<vmem>>, vector<1x16xf32>,
      %add3A_490 = arith.constant 0 : i32
      %add3A_491 = arith.addi %add3A_483, %add3A_490 : i32
      %swap3A_492 = arith.index_cast %add3A_491 : i32 to index
      %swap3A_493 = arith.constant 16 : index
      %swap3A_494 = tpu.vector_load %arg10[%swap3A_492, %swap3A_493] {strides = array<i32>} : memref<80x64xf32, #tpu.memory_space<vmem>>, vector<1x16xf32>,
      %swap3A_495 = vector.shape_cast %swap3A_494 : vector<1x16xf32> to vector<16xf32>
      %swap3A_496 = vector.shape_cast %broadcast_in_dim3A_0 : vector<16xf32> to vector<1x16xf32>
      tpu.vector_store %arg10[%swap3A_492, %swap3A_493], %swap3A_496 {strides = array<i32>} : memref<80x64xf32, #tpu.memory_space<vmem>>, vector<1x16xf32>,
      %add3A_497 = arith.constant 0 : i32
      %add3A_498 = arith.addi %add3A_483, %add3A_497 : i32
      %swap3A_499 = arith.index_cast %add3A_498 : i32 to index
      %swap3A_500 = arith.constant 32 : index
      %swap3A_501 = tpu.vector_load %arg10[%swap3A_499, %swap3A_500] {strides = array<i32>} : memref<80x64xf32, #tpu.memory_space<vmem>>, vector<1x16xf32>,
      %swap3A_502 = vector.shape_cast %swap3A_501 : vector<1x16xf32> to vector<16xf32>
      %swap3A_503 = vector.shape_cast %broadcast_in_dim3A_0 : vector<16xf32> to vector<1x16xf32>
      tpu.vector_store %arg10[%swap3A_499, %swap3A_500], %swap3A_503 {strides = array<i32>} : memref<80x64xf32, #tpu.memory_space<vmem>>, vector<1x16xf32>,
      %add3A_504 = arith.constant 0 : i32
      %add3A_505 = arith.addi %add3A_483, %add3A_504 : i32
      %swap3A_506 = arith.index_cast %add3A_505 : i32 to index
      %swap3A_507 = arith.constant 48 : index
      %swap3A_508 = tpu.vector_load %arg10[%swap3A_506, %swap3A_507] {strides = array<i32>} : memref<80x64xf32, #tpu.memory_space<vmem>>, vector<1x16xf32>,
      %swap3A_509 = vector.shape_cast %swap3A_508 : vector<1x16xf32> to vector<16xf32>
      %swap3A_510 = vector.shape_cast %broadcast_in_dim3A_0 : vector<16xf32> to vector<1x16xf32>
      tpu.vector_store %arg10[%swap3A_506, %swap3A_507], %swap3A_510 {strides = array<i32>} : memref<80x64xf32, #tpu.memory_space<vmem>>, vector<1x16xf32>,
      %add3A_511 = arith.constant 1 : i32
      %add3A_512 = arith.addi %add3A_483, %add3A_511 : i32
      %swap3A_513 = arith.index_cast %add3A_512 : i32 to index
      %swap3A_514 = arith.constant 0 : index
      %swap3A_515 = tpu.vector_load %arg10[%swap3A_513, %swap3A_514] {strides = array<i32>} : memref<80x64xf32, #tpu.memory_space<vmem>>, vector<1x16xf32>,
      %swap3A_516 = vector.shape_cast %swap3A_515 : vector<1x16xf32> to vector<16xf32>
      %swap3A_517 = vector.shape_cast %broadcast_in_dim3A_0 : vector<16xf32> to vector<1x16xf32>
      tpu.vector_store %arg10[%swap3A_513, %swap3A_514], %swap3A_517 {strides = array<i32>} : memref<80x64xf32, #tpu.memory_space<vmem>>, vector<1x16xf32>,
      %add3A_518 = arith.constant 1 : i32
      %add3A_519 = arith.addi %add3A_483, %add3A_518 : i32
      %swap3A_520 = arith.index_cast %add3A_519 : i32 to index
      %swap3A_521 = arith.constant 16 : index
      %swap3A_522 = tpu.vector_load %arg10[%swap3A_520, %swap3A_521] {strides = array<i32>} : memref<80x64xf32, #tpu.memory_space<vmem>>, vector<1x16xf32>,
      %swap3A_523 = vector.shape_cast %swap3A_522 : vector<1x16xf32> to vector<16xf32>
      %swap3A_524 = vector.shape_cast %broadcast_in_dim3A_0 : vector<16xf32> to vector<1x16xf32>
      tpu.vector_store %arg10[%swap3A_520, %swap3A_521], %swap3A_524 {strides = array<i32>} : memref<80x64xf32, #tpu.memory_space<vmem>>, vector<1x16xf32>,
      %add3A_525 = arith.constant 1 : i32
      %add3A_526 = arith.addi %add3A_483, %add3A_525 : i32
      %swap3A_527 = arith.index_cast %add3A_526 : i32 to index
      %swap3A_528 = arith.constant 32 : index
      %swap3A_529 = tpu.vector_load %arg10[%swap3A_527, %swap3A_528] {strides = array<i32>} : memref<80x64xf32, #tpu.memory_space<vmem>>, vector<1x16xf32>,
      %swap3A_530 = vector.shape_cast %swap3A_529 : vector<1x16xf32> to vector<16xf32>
      %swap3A_531 = vector.shape_cast %broadcast_in_dim3A_0 : vector<16xf32> to vector<1x16xf32>
      tpu.vector_store %arg10[%swap3A_527, %swap3A_528], %swap3A_531 {strides = array<i32>} : memref<80x64xf32, #tpu.memory_space<vmem>>, vector<1x16xf32>,
      %add3A_532 = arith.constant 1 : i32
      %add3A_533 = arith.addi %add3A_483, %add3A_532 : i32
      %swap3A_534 = arith.index_cast %add3A_533 : i32 to index
      %swap3A_535 = arith.constant 48 : index
      %swap3A_536 = tpu.vector_load %arg10[%swap3A_534, %swap3A_535] {strides = array<i32>} : memref<80x64xf32, #tpu.memory_space<vmem>>, vector<1x16xf32>,
      %swap3A_537 = vector.shape_cast %swap3A_536 : vector<1x16xf32> to vector<16xf32>
      %swap3A_538 = vector.shape_cast %broadcast_in_dim3A_0 : vector<16xf32> to vector<1x16xf32>
      tpu.vector_store %arg10[%swap3A_534, %swap3A_535], %swap3A_538 {strides = array<i32>} : memref<80x64xf32, #tpu.memory_space<vmem>>, vector<1x16xf32>,
      %add3A_539 = arith.constant 2 : i32
      %add3A_540 = arith.addi %add3A_483, %add3A_539 : i32
      %swap3A_541 = arith.index_cast %add3A_540 : i32 to index
      %swap3A_542 = arith.constant 0 : index
      %swap3A_543 = tpu.vector_load %arg10[%swap3A_541, %swap3A_542] {strides = array<i32>} : memref<80x64xf32, #tpu.memory_space<vmem>>, vector<1x16xf32>,
      %swap3A_544 = vector.shape_cast %swap3A_543 : vector<1x16xf32> to vector<16xf32>
      %swap3A_545 = vector.shape_cast %broadcast_in_dim3A_0 : vector<16xf32> to vector<1x16xf32>
      tpu.vector_store %arg10[%swap3A_541, %swap3A_542], %swap3A_545 {strides = array<i32>} : memref<80x64xf32, #tpu.memory_space<vmem>>, vector<1x16xf32>,
      %add3A_546 = arith.constant 2 : i32
      %add3A_547 = arith.addi %add3A_483, %add3A_546 : i32
      %swap3A_548 = arith.index_cast %add3A_547 : i32 to index
      %swap3A_549 = arith.constant 16 : index
      %swap3A_550 = tpu.vector_load %arg10[%swap3A_548, %swap3A_549] {strides = array<i32>} : memref<80x64xf32, #tpu.memory_space<vmem>>, vector<1x16xf32>,
      %swap3A_551 = vector.shape_cast %swap3A_550 : vector<1x16xf32> to vector<16xf32>
      %swap3A_552 = vector.shape_cast %broadcast_in_dim3A_0 : vector<16xf32> to vector<1x16xf32>
      tpu.vector_store %arg10[%swap3A_548, %swap3A_549], %swap3A_552 {strides = array<i32>} : memref<80x64xf32, #tpu.memory_space<vmem>>, vector<1x16xf32>,
      %add3A_553 = arith.constant 2 : i32
      %add3A_554 = arith.addi %add3A_483, %add3A_553 : i32
      %swap3A_555 = arith.index_cast %add3A_554 : i32 to index
      %swap3A_556 = arith.constant 32 : index
      %swap3A_557 = tpu.vector_load %arg10[%swap3A_555, %swap3A_556] {strides = array<i32>} : memref<80x64xf32, #tpu.memory_space<vmem>>, vector<1x16xf32>,
      %swap3A_558 = vector.shape_cast %swap3A_557 : vector<1x16xf32> to vector<16xf32>
      %swap3A_559 = vector.shape_cast %broadcast_in_dim3A_0 : vector<16xf32> to vector<1x16xf32>
      tpu.vector_store %arg10[%swap3A_555, %swap3A_556], %swap3A_559 {strides = array<i32>} : memref<80x64xf32, #tpu.memory_space<vmem>>, vector<1x16xf32>,
      %add3A_560 = arith.constant 2 : i32
      %add3A_561 = arith.addi %add3A_483, %add3A_560 : i32
      %swap3A_562 = arith.index_cast %add3A_561 : i32 to index
      %swap3A_563 = arith.constant 48 : index
      %swap3A_564 = tpu.vector_load %arg10[%swap3A_562, %swap3A_563] {strides = array<i32>} : memref<80x64xf32, #tpu.memory_space<vmem>>, vector<1x16xf32>,
      %swap3A_565 = vector.shape_cast %swap3A_564 : vector<1x16xf32> to vector<16xf32>
      %swap3A_566 = vector.shape_cast %broadcast_in_dim3A_0 : vector<16xf32> to vector<1x16xf32>
      tpu.vector_store %arg10[%swap3A_562, %swap3A_563], %swap3A_566 {strides = array<i32>} : memref<80x64xf32, #tpu.memory_space<vmem>>, vector<1x16xf32>,
      %add3A_567 = arith.constant 3 : i32
      %add3A_568 = arith.addi %add3A_483, %add3A_567 : i32
      %swap3A_569 = arith.index_cast %add3A_568 : i32 to index
      %swap3A_570 = arith.constant 0 : index
      %swap3A_571 = tpu.vector_load %arg10[%swap3A_569, %swap3A_570] {strides = array<i32>} : memref<80x64xf32, #tpu.memory_space<vmem>>, vector<1x16xf32>,
      %swap3A_572 = vector.shape_cast %swap3A_571 : vector<1x16xf32> to vector<16xf32>
      %swap3A_573 = vector.shape_cast %broadcast_in_dim3A_0 : vector<16xf32> to vector<1x16xf32>
      tpu.vector_store %arg10[%swap3A_569, %swap3A_570], %swap3A_573 {strides = array<i32>} : memref<80x64xf32, #tpu.memory_space<vmem>>, vector<1x16xf32>,
      %add3A_574 = arith.constant 3 : i32
      %add3A_575 = arith.addi %add3A_483, %add3A_574 : i32
      %swap3A_576 = arith.index_cast %add3A_575 : i32 to index
      %swap3A_577 = arith.constant 16 : index
      %swap3A_578 = tpu.vector_load %arg10[%swap3A_576, %swap3A_577] {strides = array<i32>} : memref<80x64xf32, #tpu.memory_space<vmem>>, vector<1x16xf32>,
      %swap3A_579 = vector.shape_cast %swap3A_578 : vector<1x16xf32> to vector<16xf32>
      %swap3A_580 = vector.shape_cast %broadcast_in_dim3A_0 : vector<16xf32> to vector<1x16xf32>
      tpu.vector_store %arg10[%swap3A_576, %swap3A_577], %swap3A_580 {strides = array<i32>} : memref<80x64xf32, #tpu.memory_space<vmem>>, vector<1x16xf32>,
      %add3A_581 = arith.constant 3 : i32
      %add3A_582 = arith.addi %add3A_483, %add3A_581 : i32
      %swap3A_583 = arith.index_cast %add3A_582 : i32 to index
      %swap3A_584 = arith.constant 32 : index
      %swap3A_585 = tpu.vector_load %arg10[%swap3A_583, %swap3A_584] {strides = array<i32>} : memref<80x64xf32, #tpu.memory_space<vmem>>, vector<1x16xf32>,
      %swap3A_586 = vector.shape_cast %swap3A_585 : vector<1x16xf32> to vector<16xf32>
      %swap3A_587 = vector.shape_cast %broadcast_in_dim3A_0 : vector<16xf32> to vector<1x16xf32>
      tpu.vector_store %arg10[%swap3A_583, %swap3A_584], %swap3A_587 {strides = array<i32>} : memref<80x64xf32, #tpu.memory_space<vmem>>, vector<1x16xf32>,
      %add3A_588 = arith.constant 3 : i32
      %add3A_589 = arith.addi %add3A_483, %add3A_588 : i32
      %swap3A_590 = arith.index_cast %add3A_589 : i32 to index
      %swap3A_591 = arith.constant 48 : index
      %swap3A_592 = tpu.vector_load %arg10[%swap3A_590, %swap3A_591] {strides = array<i32>} : memref<80x64xf32, #tpu.memory_space<vmem>>, vector<1x16xf32>,
      %swap3A_593 = vector.shape_cast %swap3A_592 : vector<1x16xf32> to vector<16xf32>
      %swap3A_594 = vector.shape_cast %broadcast_in_dim3A_0 : vector<16xf32> to vector<1x16xf32>
      tpu.vector_store %arg10[%swap3A_590, %swap3A_591], %swap3A_594 {strides = array<i32>} : memref<80x64xf32, #tpu.memory_space<vmem>>, vector<1x16xf32>,
      %add3A_595 = arith.constant 4 : i32
      %add3A_596 = arith.addi %add3A_483, %add3A_595 : i32
      %swap3A_597 = arith.index_cast %add3A_596 : i32 to index
      %swap3A_598 = arith.constant 0 : index
      %swap3A_599 = tpu.vector_load %arg10[%swap3A_597, %swap3A_598] {strides = array<i32>} : memref<80x64xf32, #tpu.memory_space<vmem>>, vector<1x16xf32>,
      %swap3A_600 = vector.shape_cast %swap3A_599 : vector<1x16xf32> to vector<16xf32>
      %swap3A_601 = vector.shape_cast %broadcast_in_dim3A_0 : vector<16xf32> to vector<1x16xf32>
      tpu.vector_store %arg10[%swap3A_597, %swap3A_598], %swap3A_601 {strides = array<i32>} : memref<80x64xf32, #tpu.memory_space<vmem>>, vector<1x16xf32>,
      %add3A_602 = arith.constant 4 : i32
      %add3A_603 = arith.addi %add3A_483, %add3A_602 : i32
      %swap3A_604 = arith.index_cast %add3A_603 : i32 to index
      %swap3A_605 = arith.constant 16 : index
      %swap3A_606 = tpu.vector_load %arg10[%swap3A_604, %swap3A_605] {strides = array<i32>} : memref<80x64xf32, #tpu.memory_space<vmem>>, vector<1x16xf32>,
      %swap3A_607 = vector.shape_cast %swap3A_606 : vector<1x16xf32> to vector<16xf32>
      %swap3A_608 = vector.shape_cast %broadcast_in_dim3A_0 : vector<16xf32> to vector<1x16xf32>
      tpu.vector_store %arg10[%swap3A_604, %swap3A_605], %swap3A_608 {strides = array<i32>} : memref<80x64xf32, #tpu.memory_space<vmem>>, vector<1x16xf32>,
      %add3A_609 = arith.constant 4 : i32
      %add3A_610 = arith.addi %add3A_483, %add3A_609 : i32
      %swap3A_611 = arith.index_cast %add3A_610 : i32 to index
      %swap3A_612 = arith.constant 32 : index
      %swap3A_613 = tpu.vector_load %arg10[%swap3A_611, %swap3A_612] {strides = array<i32>} : memref<80x64xf32, #tpu.memory_space<vmem>>, vector<1x16xf32>,
      %swap3A_614 = vector.shape_cast %swap3A_613 : vector<1x16xf32> to vector<16xf32>
      %swap3A_615 = vector.shape_cast %broadcast_in_dim3A_0 : vector<16xf32> to vector<1x16xf32>
      tpu.vector_store %arg10[%swap3A_611, %swap3A_612], %swap3A_615 {strides = array<i32>} : memref<80x64xf32, #tpu.memory_space<vmem>>, vector<1x16xf32>,
      %add3A_616 = arith.constant 4 : i32
      %add3A_617 = arith.addi %add3A_483, %add3A_616 : i32
      %swap3A_618 = arith.index_cast %add3A_617 : i32 to index
      %swap3A_619 = arith.constant 48 : index
      %swap3A_620 = tpu.vector_load %arg10[%swap3A_618, %swap3A_619] {strides = array<i32>} : memref<80x64xf32, #tpu.memory_space<vmem>>, vector<1x16xf32>,
      %swap3A_621 = vector.shape_cast %swap3A_620 : vector<1x16xf32> to vector<16xf32>
      %swap3A_622 = vector.shape_cast %broadcast_in_dim3A_0 : vector<16xf32> to vector<1x16xf32>
      tpu.vector_store %arg10[%swap3A_618, %swap3A_619], %swap3A_622 {strides = array<i32>} : memref<80x64xf32, #tpu.memory_space<vmem>>, vector<1x16xf32>,
    }
    %scan3A_4 = arith.constant 16 : i32
    %mul3A = arith.constant 640 : i32
    %mul3A_5 = arith.muli %arg1, %mul3A : i32
    %add3A = arith.constant 0 : i32
    %add3A_6 = arith.addi %mul3A_5, %add3A : i32
    "tpu.region"() ({
      %run_scoped3A = tpu.sem_alloc : memref<!tpu.dma_semaphore, #tpu.memory_space<semaphore_mem>>
      %dma_start3A_479 = arith.constant 0 : i32
      %dma_start3A_480 = tpu.memref_slice %arg13[%add3A_6, %dma_start3A_479] : memref<10240x64xf32, #tpu.memory_space<vmem_shared>> -> memref<80x64xf32, #tpu.memory_space<vmem_shared>>
      %dma_start3A_481 = arith.constant 0 : i32
      %dma_start3A_482 = tpu.memref_slice %arg13[%add3A_6, %dma_start3A_481] : memref<10240x64xf32, #tpu.memory_space<vmem_shared>> -> memref<80x64xf32, #tpu.memory_space<vmem_shared>>
      tpu.enqueue_dma source(%arg10 : memref<80x64xf32, #tpu.memory_space<vmem>>) target(%dma_start3A_482 : memref<80x64xf32, #tpu.memory_space<vmem_shared>>) target_semaphore(%run_scoped3A : memref<!tpu.dma_semaphore, #tpu.memory_space<semaphore_mem>>)
      %dma_wait3A_483 = arith.constant 0 : i32
      %dma_wait3A_484 = tpu.memref_slice %arg13[%add3A_6, %dma_wait3A_483] : memref<10240x64xf32, #tpu.memory_space<vmem_shared>> -> memref<80x64xf32, #tpu.memory_space<vmem_shared>>
      %dma_wait3A_485 = arith.constant 0 : i32
      %dma_wait3A_486 = tpu.memref_slice %arg13[%add3A_6, %dma_wait3A_485] : memref<10240x64xf32, #tpu.memory_space<vmem_shared>> -> memref<80x64xf32, #tpu.memory_space<vmem_shared>>
      tpu.wait_dma2 semaphore(%run_scoped3A : memref<!tpu.dma_semaphore, #tpu.memory_space<semaphore_mem>>) src(%arg10 : memref<80x64xf32, #tpu.memory_space<vmem>>) dst(%dma_wait3A_486 : memref<80x64xf32, #tpu.memory_space<vmem_shared>>)
      tpu.yield
    }) : () -> ()
    %mul3A_7 = arith.constant 640 : i32
    %mul3A_8 = arith.muli %arg1, %mul3A_7 : i32
    %add3A_9 = arith.constant 80 : i32
    %add3A_10 = arith.addi %mul3A_8, %add3A_9 : i32
    "tpu.region"() ({
      %run_scoped3A = tpu.sem_alloc : memref<!tpu.dma_semaphore, #tpu.memory_space<semaphore_mem>>
      %dma_start3A_479 = arith.constant 0 : i32
      %dma_start3A_480 = tpu.memref_slice %arg13[%add3A_10, %dma_start3A_479] : memref<10240x64xf32, #tpu.memory_space<vmem_shared>> -> memref<80x64xf32, #tpu.memory_space<vmem_shared>>
      %dma_start3A_481 = arith.constant 0 : i32
      %dma_start3A_482 = tpu.memref_slice %arg13[%add3A_10, %dma_start3A_481] : memref<10240x64xf32, #tpu.memory_space<vmem_shared>> -> memref<80x64xf32, #tpu.memory_space<vmem_shared>>
      tpu.enqueue_dma source(%arg10 : memref<80x64xf32, #tpu.memory_space<vmem>>) target(%dma_start3A_482 : memref<80x64xf32, #tpu.memory_space<vmem_shared>>) target_semaphore(%run_scoped3A : memref<!tpu.dma_semaphore, #tpu.memory_space<semaphore_mem>>)
      %dma_wait3A_483 = arith.constant 0 : i32
      %dma_wait3A_484 = tpu.memref_slice %arg13[%add3A_10, %dma_wait3A_483] : memref<10240x64xf32, #tpu.memory_space<vmem_shared>> -> memref<80x64xf32, #tpu.memory_space<vmem_shared>>
      %dma_wait3A_485 = arith.constant 0 : i32
      %dma_wait3A_486 = tpu.memref_slice %arg13[%add3A_10, %dma_wait3A_485] : memref<10240x64xf32, #tpu.memory_space<vmem_shared>> -> memref<80x64xf32, #tpu.memory_space<vmem_shared>>
      tpu.wait_dma2 semaphore(%run_scoped3A : memref<!tpu.dma_semaphore, #tpu.memory_space<semaphore_mem>>) src(%arg10 : memref<80x64xf32, #tpu.memory_space<vmem>>) dst(%dma_wait3A_486 : memref<80x64xf32, #tpu.memory_space<vmem_shared>>)
      tpu.yield
    }) : () -> ()
    %mul3A_11 = arith.constant 640 : i32
    %mul3A_12 = arith.muli %arg1, %mul3A_11 : i32
    %add3A_13 = arith.constant 160 : i32
    %add3A_14 = arith.addi %mul3A_12, %add3A_13 : i32
    "tpu.region"() ({
      %run_scoped3A = tpu.sem_alloc : memref<!tpu.dma_semaphore, #tpu.memory_space<semaphore_mem>>
      %dma_start3A_479 = arith.constant 0 : i32
      %dma_start3A_480 = tpu.memref_slice %arg13[%add3A_14, %dma_start3A_479] : memref<10240x64xf32, #tpu.memory_space<vmem_shared>> -> memref<80x64xf32, #tpu.memory_space<vmem_shared>>
      %dma_start3A_481 = arith.constant 0 : i32
      %dma_start3A_482 = tpu.memref_slice %arg13[%add3A_14, %dma_start3A_481] : memref<10240x64xf32, #tpu.memory_space<vmem_shared>> -> memref<80x64xf32, #tpu.memory_space<vmem_shared>>
      tpu.enqueue_dma source(%arg10 : memref<80x64xf32, #tpu.memory_space<vmem>>) target(%dma_start3A_482 : memref<80x64xf32, #tpu.memory_space<vmem_shared>>) target_semaphore(%run_scoped3A : memref<!tpu.dma_semaphore, #tpu.memory_space<semaphore_mem>>)
      %dma_wait3A_483 = arith.constant 0 : i32
      %dma_wait3A_484 = tpu.memref_slice %arg13[%add3A_14, %dma_wait3A_483] : memref<10240x64xf32, #tpu.memory_space<vmem_shared>> -> memref<80x64xf32, #tpu.memory_space<vmem_shared>>
      %dma_wait3A_485 = arith.constant 0 : i32
      %dma_wait3A_486 = tpu.memref_slice %arg13[%add3A_14, %dma_wait3A_485] : memref<10240x64xf32, #tpu.memory_space<vmem_shared>> -> memref<80x64xf32, #tpu.memory_space<vmem_shared>>
      tpu.wait_dma2 semaphore(%run_scoped3A : memref<!tpu.dma_semaphore, #tpu.memory_space<semaphore_mem>>) src(%arg10 : memref<80x64xf32, #tpu.memory_space<vmem>>) dst(%dma_wait3A_486 : memref<80x64xf32, #tpu.memory_space<vmem_shared>>)
      tpu.yield
    }) : () -> ()
    %mul3A_15 = arith.constant 640 : i32
    %mul3A_16 = arith.muli %arg1, %mul3A_15 : i32
    %add3A_17 = arith.constant 240 : i32
    %add3A_18 = arith.addi %mul3A_16, %add3A_17 : i32
    "tpu.region"() ({
      %run_scoped3A = tpu.sem_alloc : memref<!tpu.dma_semaphore, #tpu.memory_space<semaphore_mem>>
      %dma_start3A_479 = arith.constant 0 : i32
      %dma_start3A_480 = tpu.memref_slice %arg13[%add3A_18, %dma_start3A_479] : memref<10240x64xf32, #tpu.memory_space<vmem_shared>> -> memref<80x64xf32, #tpu.memory_space<vmem_shared>>
      %dma_start3A_481 = arith.constant 0 : i32
      %dma_start3A_482 = tpu.memref_slice %arg13[%add3A_18, %dma_start3A_481] : memref<10240x64xf32, #tpu.memory_space<vmem_shared>> -> memref<80x64xf32, #tpu.memory_space<vmem_shared>>
      tpu.enqueue_dma source(%arg10 : memref<80x64xf32, #tpu.memory_space<vmem>>) target(%dma_start3A_482 : memref<80x64xf32, #tpu.memory_space<vmem_shared>>) target_semaphore(%run_scoped3A : memref<!tpu.dma_semaphore, #tpu.memory_space<semaphore_mem>>)
      %dma_wait3A_483 = arith.constant 0 : i32
      %dma_wait3A_484 = tpu.memref_slice %arg13[%add3A_18, %dma_wait3A_483] : memref<10240x64xf32, #tpu.memory_space<vmem_shared>> -> memref<80x64xf32, #tpu.memory_space<vmem_shared>>
      %dma_wait3A_485 = arith.constant 0 : i32
      %dma_wait3A_486 = tpu.memref_slice %arg13[%add3A_18, %dma_wait3A_485] : memref<10240x64xf32, #tpu.memory_space<vmem_shared>> -> memref<80x64xf32, #tpu.memory_space<vmem_shared>>
      tpu.wait_dma2 semaphore(%run_scoped3A : memref<!tpu.dma_semaphore, #tpu.memory_space<semaphore_mem>>) src(%arg10 : memref<80x64xf32, #tpu.memory_space<vmem>>) dst(%dma_wait3A_486 : memref<80x64xf32, #tpu.memory_space<vmem_shared>>)
      tpu.yield
    }) : () -> ()
    %mul3A_19 = arith.constant 640 : i32
    %mul3A_20 = arith.muli %arg1, %mul3A_19 : i32
    %add3A_21 = arith.constant 320 : i32
    %add3A_22 = arith.addi %mul3A_20, %add3A_21 : i32
    "tpu.region"() ({
      %run_scoped3A = tpu.sem_alloc : memref<!tpu.dma_semaphore, #tpu.memory_space<semaphore_mem>>
      %dma_start3A_479 = arith.constant 0 : i32
      %dma_start3A_480 = tpu.memref_slice %arg13[%add3A_22, %dma_start3A_479] : memref<10240x64xf32, #tpu.memory_space<vmem_shared>> -> memref<80x64xf32, #tpu.memory_space<vmem_shared>>
      %dma_start3A_481 = arith.constant 0 : i32
      %dma_start3A_482 = tpu.memref_slice %arg13[%add3A_22, %dma_start3A_481] : memref<10240x64xf32, #tpu.memory_space<vmem_shared>> -> memref<80x64xf32, #tpu.memory_space<vmem_shared>>
      tpu.enqueue_dma source(%arg10 : memref<80x64xf32, #tpu.memory_space<vmem>>) target(%dma_start3A_482 : memref<80x64xf32, #tpu.memory_space<vmem_shared>>) target_semaphore(%run_scoped3A : memref<!tpu.dma_semaphore, #tpu.memory_space<semaphore_mem>>)
      %dma_wait3A_483 = arith.constant 0 : i32
      %dma_wait3A_484 = tpu.memref_slice %arg13[%add3A_22, %dma_wait3A_483] : memref<10240x64xf32, #tpu.memory_space<vmem_shared>> -> memref<80x64xf32, #tpu.memory_space<vmem_shared>>
      %dma_wait3A_485 = arith.constant 0 : i32
      %dma_wait3A_486 = tpu.memref_slice %arg13[%add3A_22, %dma_wait3A_485] : memref<10240x64xf32, #tpu.memory_space<vmem_shared>> -> memref<80x64xf32, #tpu.memory_space<vmem_shared>>
      tpu.wait_dma2 semaphore(%run_scoped3A : memref<!tpu.dma_semaphore, #tpu.memory_space<semaphore_mem>>) src(%arg10 : memref<80x64xf32, #tpu.memory_space<vmem>>) dst(%dma_wait3A_486 : memref<80x64xf32, #tpu.memory_space<vmem_shared>>)
      tpu.yield
    }) : () -> ()
    %mul3A_23 = arith.constant 640 : i32
    %mul3A_24 = arith.muli %arg1, %mul3A_23 : i32
    %add3A_25 = arith.constant 400 : i32
    %add3A_26 = arith.addi %mul3A_24, %add3A_25 : i32
    "tpu.region"() ({
      %run_scoped3A = tpu.sem_alloc : memref<!tpu.dma_semaphore, #tpu.memory_space<semaphore_mem>>
      %dma_start3A_479 = arith.constant 0 : i32
      %dma_start3A_480 = tpu.memref_slice %arg13[%add3A_26, %dma_start3A_479] : memref<10240x64xf32, #tpu.memory_space<vmem_shared>> -> memref<80x64xf32, #tpu.memory_space<vmem_shared>>
      %dma_start3A_481 = arith.constant 0 : i32
      %dma_start3A_482 = tpu.memref_slice %arg13[%add3A_26, %dma_start3A_481] : memref<10240x64xf32, #tpu.memory_space<vmem_shared>> -> memref<80x64xf32, #tpu.memory_space<vmem_shared>>
      tpu.enqueue_dma source(%arg10 : memref<80x64xf32, #tpu.memory_space<vmem>>) target(%dma_start3A_482 : memref<80x64xf32, #tpu.memory_space<vmem_shared>>) target_semaphore(%run_scoped3A : memref<!tpu.dma_semaphore, #tpu.memory_space<semaphore_mem>>)
      %dma_wait3A_483 = arith.constant 0 : i32
      %dma_wait3A_484 = tpu.memref_slice %arg13[%add3A_26, %dma_wait3A_483] : memref<10240x64xf32, #tpu.memory_space<vmem_shared>> -> memref<80x64xf32, #tpu.memory_space<vmem_shared>>
      %dma_wait3A_485 = arith.constant 0 : i32
      %dma_wait3A_486 = tpu.memref_slice %arg13[%add3A_26, %dma_wait3A_485] : memref<10240x64xf32, #tpu.memory_space<vmem_shared>> -> memref<80x64xf32, #tpu.memory_space<vmem_shared>>
      tpu.wait_dma2 semaphore(%run_scoped3A : memref<!tpu.dma_semaphore, #tpu.memory_space<semaphore_mem>>) src(%arg10 : memref<80x64xf32, #tpu.memory_space<vmem>>) dst(%dma_wait3A_486 : memref<80x64xf32, #tpu.memory_space<vmem_shared>>)
      tpu.yield
    }) : () -> ()
    %mul3A_27 = arith.constant 640 : i32
    %mul3A_28 = arith.muli %arg1, %mul3A_27 : i32
    %add3A_29 = arith.constant 480 : i32
    %add3A_30 = arith.addi %mul3A_28, %add3A_29 : i32
    "tpu.region"() ({
      %run_scoped3A = tpu.sem_alloc : memref<!tpu.dma_semaphore, #tpu.memory_space<semaphore_mem>>
      %dma_start3A_479 = arith.constant 0 : i32
      %dma_start3A_480 = tpu.memref_slice %arg13[%add3A_30, %dma_start3A_479] : memref<10240x64xf32, #tpu.memory_space<vmem_shared>> -> memref<80x64xf32, #tpu.memory_space<vmem_shared>>
      %dma_start3A_481 = arith.constant 0 : i32
      %dma_start3A_482 = tpu.memref_slice %arg13[%add3A_30, %dma_start3A_481] : memref<10240x64xf32, #tpu.memory_space<vmem_shared>> -> memref<80x64xf32, #tpu.memory_space<vmem_shared>>
      tpu.enqueue_dma source(%arg10 : memref<80x64xf32, #tpu.memory_space<vmem>>) target(%dma_start3A_482 : memref<80x64xf32, #tpu.memory_space<vmem_shared>>) target_semaphore(%run_scoped3A : memref<!tpu.dma_semaphore, #tpu.memory_space<semaphore_mem>>)
      %dma_wait3A_483 = arith.constant 0 : i32
      %dma_wait3A_484 = tpu.memref_slice %arg13[%add3A_30, %dma_wait3A_483] : memref<10240x64xf32, #tpu.memory_space<vmem_shared>> -> memref<80x64xf32, #tpu.memory_space<vmem_shared>>
      %dma_wait3A_485 = arith.constant 0 : i32
      %dma_wait3A_486 = tpu.memref_slice %arg13[%add3A_30, %dma_wait3A_485] : memref<10240x64xf32, #tpu.memory_space<vmem_shared>> -> memref<80x64xf32, #tpu.memory_space<vmem_shared>>
      tpu.wait_dma2 semaphore(%run_scoped3A : memref<!tpu.dma_semaphore, #tpu.memory_space<semaphore_mem>>) src(%arg10 : memref<80x64xf32, #tpu.memory_space<vmem>>) dst(%dma_wait3A_486 : memref<80x64xf32, #tpu.memory_space<vmem_shared>>)
      tpu.yield
    }) : () -> ()
    %mul3A_31 = arith.constant 640 : i32
    %mul3A_32 = arith.muli %arg1, %mul3A_31 : i32
    %add3A_33 = arith.constant 560 : i32
    %add3A_34 = arith.addi %mul3A_32, %add3A_33 : i32
    "tpu.region"() ({
      %run_scoped3A = tpu.sem_alloc : memref<!tpu.dma_semaphore, #tpu.memory_space<semaphore_mem>>
      %dma_start3A_479 = arith.constant 0 : i32
      %dma_start3A_480 = tpu.memref_slice %arg13[%add3A_34, %dma_start3A_479] : memref<10240x64xf32, #tpu.memory_space<vmem_shared>> -> memref<80x64xf32, #tpu.memory_space<vmem_shared>>
      %dma_start3A_481 = arith.constant 0 : i32
      %dma_start3A_482 = tpu.memref_slice %arg13[%add3A_34, %dma_start3A_481] : memref<10240x64xf32, #tpu.memory_space<vmem_shared>> -> memref<80x64xf32, #tpu.memory_space<vmem_shared>>
      tpu.enqueue_dma source(%arg10 : memref<80x64xf32, #tpu.memory_space<vmem>>) target(%dma_start3A_482 : memref<80x64xf32, #tpu.memory_space<vmem_shared>>) target_semaphore(%run_scoped3A : memref<!tpu.dma_semaphore, #tpu.memory_space<semaphore_mem>>)
      %dma_wait3A_483 = arith.constant 0 : i32
      %dma_wait3A_484 = tpu.memref_slice %arg13[%add3A_34, %dma_wait3A_483] : memref<10240x64xf32, #tpu.memory_space<vmem_shared>> -> memref<80x64xf32, #tpu.memory_space<vmem_shared>>
      %dma_wait3A_485 = arith.constant 0 : i32
      %dma_wait3A_486 = tpu.memref_slice %arg13[%add3A_34, %dma_wait3A_485] : memref<10240x64xf32, #tpu.memory_space<vmem_shared>> -> memref<80x64xf32, #tpu.memory_space<vmem_shared>>
      tpu.wait_dma2 semaphore(%run_scoped3A : memref<!tpu.dma_semaphore, #tpu.memory_space<semaphore_mem>>) src(%arg10 : memref<80x64xf32, #tpu.memory_space<vmem>>) dst(%dma_wait3A_486 : memref<80x64xf32, #tpu.memory_space<vmem_shared>>)
      tpu.yield
    }) : () -> ()
    %eq3A = arith.constant 0 : i32
    %eq3A_35 = arith.cmpi eq, %arg0, %eq3A : i32
    %convert_element_type3A = arith.extui %eq3A_35 : i1 to i32
    %cond3A = arith.constant 0 : i32
    %cond3A_36 = arith.cmpi ne, %convert_element_type3A, %cond3A : i32
    scf.if %cond3A_36 {
      %broadcast_in_dim3A_479 = arith.constant 0.000000e+00 : f32
      %broadcast_in_dim3A_480 = vector.broadcast %broadcast_in_dim3A_479 : f32 to vector<16xf32>
      %scan3A_481 = arith.constant 0 : i32
      %scan3A_482 = arith.constant 16 : i32
      %scan3A_483 = arith.addi %scan3A_481, %scan3A_482 : i32
      %scan3A_484 = arith.constant 1 : i32
      scf.for %scan3A_525 = %scan3A_481 to %scan3A_483 step %scan3A_484  : i32 {
        %mul3A_526 = arith.constant 5 : i32
        %mul3A_527 = arith.muli %scan3A_525, %mul3A_526 : i32
        %add3A_528 = arith.constant 0 : i32
        %add3A_529 = arith.addi %add3A_528, %mul3A_527 : i32
        %add3A_530 = arith.constant 0 : i32
        %add3A_531 = arith.addi %add3A_529, %add3A_530 : i32
        %swap3A = arith.index_cast %add3A_531 : i32 to index
        %swap3A_532 = arith.constant 0 : index
        %swap3A_533 = tpu.vector_load %arg11[%swap3A, %swap3A_532] {strides = array<i32>} : memref<80x16xf32, #tpu.memory_space<vmem>>, vector<1x16xf32>,
        %swap3A_534 = vector.shape_cast %swap3A_533 : vector<1x16xf32> to vector<16xf32>
        %swap3A_535 = vector.shape_cast %broadcast_in_dim3A_480 : vector<16xf32> to vector<1x16xf32>
        tpu.vector_store %arg11[%swap3A, %swap3A_532], %swap3A_535 {strides = array<i32>} : memref<80x16xf32, #tpu.memory_space<vmem>>, vector<1x16xf32>,
        %add3A_536 = arith.constant 1 : i32
        %add3A_537 = arith.addi %add3A_529, %add3A_536 : i32
        %swap3A_538 = arith.index_cast %add3A_537 : i32 to index
        %swap3A_539 = arith.constant 0 : index
        %swap3A_540 = tpu.vector_load %arg11[%swap3A_538, %swap3A_539] {strides = array<i32>} : memref<80x16xf32, #tpu.memory_space<vmem>>, vector<1x16xf32>,
        %swap3A_541 = vector.shape_cast %swap3A_540 : vector<1x16xf32> to vector<16xf32>
        %swap3A_542 = vector.shape_cast %broadcast_in_dim3A_480 : vector<16xf32> to vector<1x16xf32>
        tpu.vector_store %arg11[%swap3A_538, %swap3A_539], %swap3A_542 {strides = array<i32>} : memref<80x16xf32, #tpu.memory_space<vmem>>, vector<1x16xf32>,
        %add3A_543 = arith.constant 2 : i32
        %add3A_544 = arith.addi %add3A_529, %add3A_543 : i32
        %swap3A_545 = arith.index_cast %add3A_544 : i32 to index
        %swap3A_546 = arith.constant 0 : index
        %swap3A_547 = tpu.vector_load %arg11[%swap3A_545, %swap3A_546] {strides = array<i32>} : memref<80x16xf32, #tpu.memory_space<vmem>>, vector<1x16xf32>,
        %swap3A_548 = vector.shape_cast %swap3A_547 : vector<1x16xf32> to vector<16xf32>
        %swap3A_549 = vector.shape_cast %broadcast_in_dim3A_480 : vector<16xf32> to vector<1x16xf32>
        tpu.vector_store %arg11[%swap3A_545, %swap3A_546], %swap3A_549 {strides = array<i32>} : memref<80x16xf32, #tpu.memory_space<vmem>>, vector<1x16xf32>,
        %add3A_550 = arith.constant 3 : i32
        %add3A_551 = arith.addi %add3A_529, %add3A_550 : i32
        %swap3A_552 = arith.index_cast %add3A_551 : i32 to index
        %swap3A_553 = arith.constant 0 : index
        %swap3A_554 = tpu.vector_load %arg11[%swap3A_552, %swap3A_553] {strides = array<i32>} : memref<80x16xf32, #tpu.memory_space<vmem>>, vector<1x16xf32>,
        %swap3A_555 = vector.shape_cast %swap3A_554 : vector<1x16xf32> to vector<16xf32>
        %swap3A_556 = vector.shape_cast %broadcast_in_dim3A_480 : vector<16xf32> to vector<1x16xf32>
        tpu.vector_store %arg11[%swap3A_552, %swap3A_553], %swap3A_556 {strides = array<i32>} : memref<80x16xf32, #tpu.memory_space<vmem>>, vector<1x16xf32>,
        %add3A_557 = arith.constant 4 : i32
        %add3A_558 = arith.addi %add3A_529, %add3A_557 : i32
        %swap3A_559 = arith.index_cast %add3A_558 : i32 to index
        %swap3A_560 = arith.constant 0 : index
        %swap3A_561 = tpu.vector_load %arg11[%swap3A_559, %swap3A_560] {strides = array<i32>} : memref<80x16xf32, #tpu.memory_space<vmem>>, vector<1x16xf32>,
        %swap3A_562 = vector.shape_cast %swap3A_561 : vector<1x16xf32> to vector<16xf32>
        %swap3A_563 = vector.shape_cast %broadcast_in_dim3A_480 : vector<16xf32> to vector<1x16xf32>
        tpu.vector_store %arg11[%swap3A_559, %swap3A_560], %swap3A_563 {strides = array<i32>} : memref<80x16xf32, #tpu.memory_space<vmem>>, vector<1x16xf32>,
      }
      %scan3A_485 = arith.constant 16 : i32
      %mul3A_486 = arith.constant 640 : i32
      %mul3A_487 = arith.muli %arg1, %mul3A_486 : i32
      %add3A_488 = arith.constant 0 : i32
      %add3A_489 = arith.addi %mul3A_487, %add3A_488 : i32
      "tpu.region"() ({
        %run_scoped3A = tpu.sem_alloc : memref<!tpu.dma_semaphore, #tpu.memory_space<semaphore_mem>>
        %dma_start3A_525 = arith.constant 0 : i32
        %dma_start3A_526 = tpu.memref_slice %arg14[%add3A_489, %dma_start3A_525] : memref<10240x16xf32, #tpu.memory_space<vmem_shared>> -> memref<80x16xf32, #tpu.memory_space<vmem_shared>>
        %dma_start3A_527 = arith.constant 0 : i32
        %dma_start3A_528 = tpu.memref_slice %arg14[%add3A_489, %dma_start3A_527] : memref<10240x16xf32, #tpu.memory_space<vmem_shared>> -> memref<80x16xf32, #tpu.memory_space<vmem_shared>>
        tpu.enqueue_dma source(%arg11 : memref<80x16xf32, #tpu.memory_space<vmem>>) target(%dma_start3A_528 : memref<80x16xf32, #tpu.memory_space<vmem_shared>>) target_semaphore(%run_scoped3A : memref<!tpu.dma_semaphore, #tpu.memory_space<semaphore_mem>>)
        %dma_wait3A_529 = arith.constant 0 : i32
        %dma_wait3A_530 = tpu.memref_slice %arg14[%add3A_489, %dma_wait3A_529] : memref<10240x16xf32, #tpu.memory_space<vmem_shared>> -> memref<80x16xf32, #tpu.memory_space<vmem_shared>>
        %dma_wait3A_531 = arith.constant 0 : i32
        %dma_wait3A_532 = tpu.memref_slice %arg14[%add3A_489, %dma_wait3A_531] : memref<10240x16xf32, #tpu.memory_space<vmem_shared>> -> memref<80x16xf32, #tpu.memory_space<vmem_shared>>
        tpu.wait_dma2 semaphore(%run_scoped3A : memref<!tpu.dma_semaphore, #tpu.memory_space<semaphore_mem>>) src(%arg11 : memref<80x16xf32, #tpu.memory_space<vmem>>) dst(%dma_wait3A_532 : memref<80x16xf32, #tpu.memory_space<vmem_shared>>)
        tpu.yield
      }) : () -> ()
      %mul3A_490 = arith.constant 640 : i32
      %mul3A_491 = arith.muli %arg1, %mul3A_490 : i32
      %add3A_492 = arith.constant 80 : i32
      %add3A_493 = arith.addi %mul3A_491, %add3A_492 : i32
      "tpu.region"() ({
        %run_scoped3A = tpu.sem_alloc : memref<!tpu.dma_semaphore, #tpu.memory_space<semaphore_mem>>
        %dma_start3A_525 = arith.constant 0 : i32
        %dma_start3A_526 = tpu.memref_slice %arg14[%add3A_493, %dma_start3A_525] : memref<10240x16xf32, #tpu.memory_space<vmem_shared>> -> memref<80x16xf32, #tpu.memory_space<vmem_shared>>
        %dma_start3A_527 = arith.constant 0 : i32
        %dma_start3A_528 = tpu.memref_slice %arg14[%add3A_493, %dma_start3A_527] : memref<10240x16xf32, #tpu.memory_space<vmem_shared>> -> memref<80x16xf32, #tpu.memory_space<vmem_shared>>
        tpu.enqueue_dma source(%arg11 : memref<80x16xf32, #tpu.memory_space<vmem>>) target(%dma_start3A_528 : memref<80x16xf32, #tpu.memory_space<vmem_shared>>) target_semaphore(%run_scoped3A : memref<!tpu.dma_semaphore, #tpu.memory_space<semaphore_mem>>)
        %dma_wait3A_529 = arith.constant 0 : i32
        %dma_wait3A_530 = tpu.memref_slice %arg14[%add3A_493, %dma_wait3A_529] : memref<10240x16xf32, #tpu.memory_space<vmem_shared>> -> memref<80x16xf32, #tpu.memory_space<vmem_shared>>
        %dma_wait3A_531 = arith.constant 0 : i32
        %dma_wait3A_532 = tpu.memref_slice %arg14[%add3A_493, %dma_wait3A_531] : memref<10240x16xf32, #tpu.memory_space<vmem_shared>> -> memref<80x16xf32, #tpu.memory_space<vmem_shared>>
        tpu.wait_dma2 semaphore(%run_scoped3A : memref<!tpu.dma_semaphore, #tpu.memory_space<semaphore_mem>>) src(%arg11 : memref<80x16xf32, #tpu.memory_space<vmem>>) dst(%dma_wait3A_532 : memref<80x16xf32, #tpu.memory_space<vmem_shared>>)
        tpu.yield
      }) : () -> ()
      %mul3A_494 = arith.constant 640 : i32
      %mul3A_495 = arith.muli %arg1, %mul3A_494 : i32
      %add3A_496 = arith.constant 160 : i32
      %add3A_497 = arith.addi %mul3A_495, %add3A_496 : i32
      "tpu.region"() ({
        %run_scoped3A = tpu.sem_alloc : memref<!tpu.dma_semaphore, #tpu.memory_space<semaphore_mem>>
        %dma_start3A_525 = arith.constant 0 : i32
        %dma_start3A_526 = tpu.memref_slice %arg14[%add3A_497, %dma_start3A_525] : memref<10240x16xf32, #tpu.memory_space<vmem_shared>> -> memref<80x16xf32, #tpu.memory_space<vmem_shared>>
        %dma_start3A_527 = arith.constant 0 : i32
        %dma_start3A_528 = tpu.memref_slice %arg14[%add3A_497, %dma_start3A_527] : memref<10240x16xf32, #tpu.memory_space<vmem_shared>> -> memref<80x16xf32, #tpu.memory_space<vmem_shared>>
        tpu.enqueue_dma source(%arg11 : memref<80x16xf32, #tpu.memory_space<vmem>>) target(%dma_start3A_528 : memref<80x16xf32, #tpu.memory_space<vmem_shared>>) target_semaphore(%run_scoped3A : memref<!tpu.dma_semaphore, #tpu.memory_space<semaphore_mem>>)
        %dma_wait3A_529 = arith.constant 0 : i32
        %dma_wait3A_530 = tpu.memref_slice %arg14[%add3A_497, %dma_wait3A_529] : memref<10240x16xf32, #tpu.memory_space<vmem_shared>> -> memref<80x16xf32, #tpu.memory_space<vmem_shared>>
        %dma_wait3A_531 = arith.constant 0 : i32
        %dma_wait3A_532 = tpu.memref_slice %arg14[%add3A_497, %dma_wait3A_531] : memref<10240x16xf32, #tpu.memory_space<vmem_shared>> -> memref<80x16xf32, #tpu.memory_space<vmem_shared>>
        tpu.wait_dma2 semaphore(%run_scoped3A : memref<!tpu.dma_semaphore, #tpu.memory_space<semaphore_mem>>) src(%arg11 : memref<80x16xf32, #tpu.memory_space<vmem>>) dst(%dma_wait3A_532 : memref<80x16xf32, #tpu.memory_space<vmem_shared>>)
        tpu.yield
      }) : () -> ()
      %mul3A_498 = arith.constant 640 : i32
      %mul3A_499 = arith.muli %arg1, %mul3A_498 : i32
      %add3A_500 = arith.constant 240 : i32
      %add3A_501 = arith.addi %mul3A_499, %add3A_500 : i32
      "tpu.region"() ({
        %run_scoped3A = tpu.sem_alloc : memref<!tpu.dma_semaphore, #tpu.memory_space<semaphore_mem>>
        %dma_start3A_525 = arith.constant 0 : i32
        %dma_start3A_526 = tpu.memref_slice %arg14[%add3A_501, %dma_start3A_525] : memref<10240x16xf32, #tpu.memory_space<vmem_shared>> -> memref<80x16xf32, #tpu.memory_space<vmem_shared>>
        %dma_start3A_527 = arith.constant 0 : i32
        %dma_start3A_528 = tpu.memref_slice %arg14[%add3A_501, %dma_start3A_527] : memref<10240x16xf32, #tpu.memory_space<vmem_shared>> -> memref<80x16xf32, #tpu.memory_space<vmem_shared>>
        tpu.enqueue_dma source(%arg11 : memref<80x16xf32, #tpu.memory_space<vmem>>) target(%dma_start3A_528 : memref<80x16xf32, #tpu.memory_space<vmem_shared>>) target_semaphore(%run_scoped3A : memref<!tpu.dma_semaphore, #tpu.memory_space<semaphore_mem>>)
        %dma_wait3A_529 = arith.constant 0 : i32
        %dma_wait3A_530 = tpu.memref_slice %arg14[%add3A_501, %dma_wait3A_529] : memref<10240x16xf32, #tpu.memory_space<vmem_shared>> -> memref<80x16xf32, #tpu.memory_space<vmem_shared>>
        %dma_wait3A_531 = arith.constant 0 : i32
        %dma_wait3A_532 = tpu.memref_slice %arg14[%add3A_501, %dma_wait3A_531] : memref<10240x16xf32, #tpu.memory_space<vmem_shared>> -> memref<80x16xf32, #tpu.memory_space<vmem_shared>>
        tpu.wait_dma2 semaphore(%run_scoped3A : memref<!tpu.dma_semaphore, #tpu.memory_space<semaphore_mem>>) src(%arg11 : memref<80x16xf32, #tpu.memory_space<vmem>>) dst(%dma_wait3A_532 : memref<80x16xf32, #tpu.memory_space<vmem_shared>>)
        tpu.yield
      }) : () -> ()
      %mul3A_502 = arith.constant 640 : i32
      %mul3A_503 = arith.muli %arg1, %mul3A_502 : i32
      %add3A_504 = arith.constant 320 : i32
      %add3A_505 = arith.addi %mul3A_503, %add3A_504 : i32
      "tpu.region"() ({
        %run_scoped3A = tpu.sem_alloc : memref<!tpu.dma_semaphore, #tpu.memory_space<semaphore_mem>>
        %dma_start3A_525 = arith.constant 0 : i32
        %dma_start3A_526 = tpu.memref_slice %arg14[%add3A_505, %dma_start3A_525] : memref<10240x16xf32, #tpu.memory_space<vmem_shared>> -> memref<80x16xf32, #tpu.memory_space<vmem_shared>>
        %dma_start3A_527 = arith.constant 0 : i32
        %dma_start3A_528 = tpu.memref_slice %arg14[%add3A_505, %dma_start3A_527] : memref<10240x16xf32, #tpu.memory_space<vmem_shared>> -> memref<80x16xf32, #tpu.memory_space<vmem_shared>>
        tpu.enqueue_dma source(%arg11 : memref<80x16xf32, #tpu.memory_space<vmem>>) target(%dma_start3A_528 : memref<80x16xf32, #tpu.memory_space<vmem_shared>>) target_semaphore(%run_scoped3A : memref<!tpu.dma_semaphore, #tpu.memory_space<semaphore_mem>>)
        %dma_wait3A_529 = arith.constant 0 : i32
        %dma_wait3A_530 = tpu.memref_slice %arg14[%add3A_505, %dma_wait3A_529] : memref<10240x16xf32, #tpu.memory_space<vmem_shared>> -> memref<80x16xf32, #tpu.memory_space<vmem_shared>>
        %dma_wait3A_531 = arith.constant 0 : i32
        %dma_wait3A_532 = tpu.memref_slice %arg14[%add3A_505, %dma_wait3A_531] : memref<10240x16xf32, #tpu.memory_space<vmem_shared>> -> memref<80x16xf32, #tpu.memory_space<vmem_shared>>
        tpu.wait_dma2 semaphore(%run_scoped3A : memref<!tpu.dma_semaphore, #tpu.memory_space<semaphore_mem>>) src(%arg11 : memref<80x16xf32, #tpu.memory_space<vmem>>) dst(%dma_wait3A_532 : memref<80x16xf32, #tpu.memory_space<vmem_shared>>)
        tpu.yield
      }) : () -> ()
      %mul3A_506 = arith.constant 640 : i32
      %mul3A_507 = arith.muli %arg1, %mul3A_506 : i32
      %add3A_508 = arith.constant 400 : i32
      %add3A_509 = arith.addi %mul3A_507, %add3A_508 : i32
      "tpu.region"() ({
        %run_scoped3A = tpu.sem_alloc : memref<!tpu.dma_semaphore, #tpu.memory_space<semaphore_mem>>
        %dma_start3A_525 = arith.constant 0 : i32
        %dma_start3A_526 = tpu.memref_slice %arg14[%add3A_509, %dma_start3A_525] : memref<10240x16xf32, #tpu.memory_space<vmem_shared>> -> memref<80x16xf32, #tpu.memory_space<vmem_shared>>
        %dma_start3A_527 = arith.constant 0 : i32
        %dma_start3A_528 = tpu.memref_slice %arg14[%add3A_509, %dma_start3A_527] : memref<10240x16xf32, #tpu.memory_space<vmem_shared>> -> memref<80x16xf32, #tpu.memory_space<vmem_shared>>
        tpu.enqueue_dma source(%arg11 : memref<80x16xf32, #tpu.memory_space<vmem>>) target(%dma_start3A_528 : memref<80x16xf32, #tpu.memory_space<vmem_shared>>) target_semaphore(%run_scoped3A : memref<!tpu.dma_semaphore, #tpu.memory_space<semaphore_mem>>)
        %dma_wait3A_529 = arith.constant 0 : i32
        %dma_wait3A_530 = tpu.memref_slice %arg14[%add3A_509, %dma_wait3A_529] : memref<10240x16xf32, #tpu.memory_space<vmem_shared>> -> memref<80x16xf32, #tpu.memory_space<vmem_shared>>
        %dma_wait3A_531 = arith.constant 0 : i32
        %dma_wait3A_532 = tpu.memref_slice %arg14[%add3A_509, %dma_wait3A_531] : memref<10240x16xf32, #tpu.memory_space<vmem_shared>> -> memref<80x16xf32, #tpu.memory_space<vmem_shared>>
        tpu.wait_dma2 semaphore(%run_scoped3A : memref<!tpu.dma_semaphore, #tpu.memory_space<semaphore_mem>>) src(%arg11 : memref<80x16xf32, #tpu.memory_space<vmem>>) dst(%dma_wait3A_532 : memref<80x16xf32, #tpu.memory_space<vmem_shared>>)
        tpu.yield
      }) : () -> ()
      %mul3A_510 = arith.constant 640 : i32
      %mul3A_511 = arith.muli %arg1, %mul3A_510 : i32
      %add3A_512 = arith.constant 480 : i32
      %add3A_513 = arith.addi %mul3A_511, %add3A_512 : i32
      "tpu.region"() ({
        %run_scoped3A = tpu.sem_alloc : memref<!tpu.dma_semaphore, #tpu.memory_space<semaphore_mem>>
        %dma_start3A_525 = arith.constant 0 : i32
        %dma_start3A_526 = tpu.memref_slice %arg14[%add3A_513, %dma_start3A_525] : memref<10240x16xf32, #tpu.memory_space<vmem_shared>> -> memref<80x16xf32, #tpu.memory_space<vmem_shared>>
        %dma_start3A_527 = arith.constant 0 : i32
        %dma_start3A_528 = tpu.memref_slice %arg14[%add3A_513, %dma_start3A_527] : memref<10240x16xf32, #tpu.memory_space<vmem_shared>> -> memref<80x16xf32, #tpu.memory_space<vmem_shared>>
        tpu.enqueue_dma source(%arg11 : memref<80x16xf32, #tpu.memory_space<vmem>>) target(%dma_start3A_528 : memref<80x16xf32, #tpu.memory_space<vmem_shared>>) target_semaphore(%run_scoped3A : memref<!tpu.dma_semaphore, #tpu.memory_space<semaphore_mem>>)
        %dma_wait3A_529 = arith.constant 0 : i32
        %dma_wait3A_530 = tpu.memref_slice %arg14[%add3A_513, %dma_wait3A_529] : memref<10240x16xf32, #tpu.memory_space<vmem_shared>> -> memref<80x16xf32, #tpu.memory_space<vmem_shared>>
        %dma_wait3A_531 = arith.constant 0 : i32
        %dma_wait3A_532 = tpu.memref_slice %arg14[%add3A_513, %dma_wait3A_531] : memref<10240x16xf32, #tpu.memory_space<vmem_shared>> -> memref<80x16xf32, #tpu.memory_space<vmem_shared>>
        tpu.wait_dma2 semaphore(%run_scoped3A : memref<!tpu.dma_semaphore, #tpu.memory_space<semaphore_mem>>) src(%arg11 : memref<80x16xf32, #tpu.memory_space<vmem>>) dst(%dma_wait3A_532 : memref<80x16xf32, #tpu.memory_space<vmem_shared>>)
        tpu.yield
      }) : () -> ()
      %mul3A_514 = arith.constant 640 : i32
      %mul3A_515 = arith.muli %arg1, %mul3A_514 : i32
      %add3A_516 = arith.constant 560 : i32
      %add3A_517 = arith.addi %mul3A_515, %add3A_516 : i32
      "tpu.region"() ({
        %run_scoped3A = tpu.sem_alloc : memref<!tpu.dma_semaphore, #tpu.memory_space<semaphore_mem>>
        %dma_start3A_525 = arith.constant 0 : i32
        %dma_start3A_526 = tpu.memref_slice %arg14[%add3A_517, %dma_start3A_525] : memref<10240x16xf32, #tpu.memory_space<vmem_shared>> -> memref<80x16xf32, #tpu.memory_space<vmem_shared>>
        %dma_start3A_527 = arith.constant 0 : i32
        %dma_start3A_528 = tpu.memref_slice %arg14[%add3A_517, %dma_start3A_527] : memref<10240x16xf32, #tpu.memory_space<vmem_shared>> -> memref<80x16xf32, #tpu.memory_space<vmem_shared>>
        tpu.enqueue_dma source(%arg11 : memref<80x16xf32, #tpu.memory_space<vmem>>) target(%dma_start3A_528 : memref<80x16xf32, #tpu.memory_space<vmem_shared>>) target_semaphore(%run_scoped3A : memref<!tpu.dma_semaphore, #tpu.memory_space<semaphore_mem>>)
        %dma_wait3A_529 = arith.constant 0 : i32
        %dma_wait3A_530 = tpu.memref_slice %arg14[%add3A_517, %dma_wait3A_529] : memref<10240x16xf32, #tpu.memory_space<vmem_shared>> -> memref<80x16xf32, #tpu.memory_space<vmem_shared>>
        %dma_wait3A_531 = arith.constant 0 : i32
        %dma_wait3A_532 = tpu.memref_slice %arg14[%add3A_517, %dma_wait3A_531] : memref<10240x16xf32, #tpu.memory_space<vmem_shared>> -> memref<80x16xf32, #tpu.memory_space<vmem_shared>>
        tpu.wait_dma2 semaphore(%run_scoped3A : memref<!tpu.dma_semaphore, #tpu.memory_space<semaphore_mem>>) src(%arg11 : memref<80x16xf32, #tpu.memory_space<vmem>>) dst(%dma_wait3A_532 : memref<80x16xf32, #tpu.memory_space<vmem_shared>>)
        tpu.yield
      }) : () -> ()
      %broadcast_in_dim3A_518 = arith.constant 1.000000e+00 : f32
      %broadcast_in_dim3A_519 = vector.broadcast %broadcast_in_dim3A_518 : f32 to vector<16xf32>
      %scan3A_520 = arith.constant 0 : i32
      %scan3A_521 = arith.constant 20 : i32
      %scan3A_522 = arith.addi %scan3A_520, %scan3A_521 : i32
      %scan3A_523 = arith.constant 1 : i32
      scf.for %scan3A_525 = %scan3A_520 to %scan3A_522 step %scan3A_523  : i32 {
        %mul3A_526 = arith.constant 5 : i32
        %mul3A_527 = arith.muli %scan3A_525, %mul3A_526 : i32
        %add3A_528 = arith.constant 0 : i32
        %add3A_529 = arith.addi %add3A_528, %mul3A_527 : i32
        %add3A_530 = arith.constant 0 : i32
        %add3A_531 = arith.addi %add3A_529, %add3A_530 : i32
        %swap3A = arith.index_cast %add3A_531 : i32 to index
        %swap3A_532 = arith.constant 0 : index
        %swap3A_533 = tpu.vector_load %arg12[%swap3A, %swap3A_532] {strides = array<i32>} : memref<100x16xf32, #tpu.memory_space<vmem>>, vector<1x16xf32>,
        %swap3A_534 = vector.shape_cast %swap3A_533 : vector<1x16xf32> to vector<16xf32>
        %swap3A_535 = vector.shape_cast %broadcast_in_dim3A_519 : vector<16xf32> to vector<1x16xf32>
        tpu.vector_store %arg12[%swap3A, %swap3A_532], %swap3A_535 {strides = array<i32>} : memref<100x16xf32, #tpu.memory_space<vmem>>, vector<1x16xf32>,
        %add3A_536 = arith.constant 1 : i32
        %add3A_537 = arith.addi %add3A_529, %add3A_536 : i32
        %swap3A_538 = arith.index_cast %add3A_537 : i32 to index
        %swap3A_539 = arith.constant 0 : index
        %swap3A_540 = tpu.vector_load %arg12[%swap3A_538, %swap3A_539] {strides = array<i32>} : memref<100x16xf32, #tpu.memory_space<vmem>>, vector<1x16xf32>,
        %swap3A_541 = vector.shape_cast %swap3A_540 : vector<1x16xf32> to vector<16xf32>
        %swap3A_542 = vector.shape_cast %broadcast_in_dim3A_519 : vector<16xf32> to vector<1x16xf32>
        tpu.vector_store %arg12[%swap3A_538, %swap3A_539], %swap3A_542 {strides = array<i32>} : memref<100x16xf32, #tpu.memory_space<vmem>>, vector<1x16xf32>,
        %add3A_543 = arith.constant 2 : i32
        %add3A_544 = arith.addi %add3A_529, %add3A_543 : i32
        %swap3A_545 = arith.index_cast %add3A_544 : i32 to index
        %swap3A_546 = arith.constant 0 : index
        %swap3A_547 = tpu.vector_load %arg12[%swap3A_545, %swap3A_546] {strides = array<i32>} : memref<100x16xf32, #tpu.memory_space<vmem>>, vector<1x16xf32>,
        %swap3A_548 = vector.shape_cast %swap3A_547 : vector<1x16xf32> to vector<16xf32>
        %swap3A_549 = vector.shape_cast %broadcast_in_dim3A_519 : vector<16xf32> to vector<1x16xf32>
        tpu.vector_store %arg12[%swap3A_545, %swap3A_546], %swap3A_549 {strides = array<i32>} : memref<100x16xf32, #tpu.memory_space<vmem>>, vector<1x16xf32>,
        %add3A_550 = arith.constant 3 : i32
        %add3A_551 = arith.addi %add3A_529, %add3A_550 : i32
        %swap3A_552 = arith.index_cast %add3A_551 : i32 to index
        %swap3A_553 = arith.constant 0 : index
        %swap3A_554 = tpu.vector_load %arg12[%swap3A_552, %swap3A_553] {strides = array<i32>} : memref<100x16xf32, #tpu.memory_space<vmem>>, vector<1x16xf32>,
        %swap3A_555 = vector.shape_cast %swap3A_554 : vector<1x16xf32> to vector<16xf32>
        %swap3A_556 = vector.shape_cast %broadcast_in_dim3A_519 : vector<16xf32> to vector<1x16xf32>
        tpu.vector_store %arg12[%swap3A_552, %swap3A_553], %swap3A_556 {strides = array<i32>} : memref<100x16xf32, #tpu.memory_space<vmem>>, vector<1x16xf32>,
        %add3A_557 = arith.constant 4 : i32
        %add3A_558 = arith.addi %add3A_529, %add3A_557 : i32
        %swap3A_559 = arith.index_cast %add3A_558 : i32 to index
        %swap3A_560 = arith.constant 0 : index
        %swap3A_561 = tpu.vector_load %arg12[%swap3A_559, %swap3A_560] {strides = array<i32>} : memref<100x16xf32, #tpu.memory_space<vmem>>, vector<1x16xf32>,
        %swap3A_562 = vector.shape_cast %swap3A_561 : vector<1x16xf32> to vector<16xf32>
        %swap3A_563 = vector.shape_cast %broadcast_in_dim3A_519 : vector<16xf32> to vector<1x16xf32>
        tpu.vector_store %arg12[%swap3A_559, %swap3A_560], %swap3A_563 {strides = array<i32>} : memref<100x16xf32, #tpu.memory_space<vmem>>, vector<1x16xf32>,
      }
      %scan3A_524 = arith.constant 20 : i32
    } else {
    }
    "tpu.region"() ({
      %run_scoped3A = tpu.sem_alloc : memref<!tpu.dma_semaphore, #tpu.memory_space<semaphore_mem>>
      %dma_start3A_479 = arith.constant 0 : i32
      %dma_start3A_480 = arith.constant 0 : i32
      %dma_start3A_481 = tpu.memref_slice %arg3[%arg0, %arg1, %dma_start3A_479, %dma_start3A_480] : memref<2x16x200x100xi32, #tpu.memory_space<hbm>> -> memref<1x1x200x100xi32, #tpu.memory_space<hbm>>
      %dma_start3A_482 = tpu.memref_squeeze %dma_start3A_481 : memref<1x1x200x100xi32, #tpu.memory_space<hbm>> -> memref<200x100xi32, #tpu.memory_space<hbm>>
      %dma_start3A_483 = arith.constant 0 : i32
      %dma_start3A_484 = arith.constant 0 : i32
      %dma_start3A_485 = tpu.memref_slice %arg3[%arg0, %arg1, %dma_start3A_483, %dma_start3A_484] : memref<2x16x200x100xi32, #tpu.memory_space<hbm>> -> memref<1x1x200x100xi32, #tpu.memory_space<hbm>>
      %dma_start3A_486 = tpu.memref_squeeze %dma_start3A_485 : memref<1x1x200x100xi32, #tpu.memory_space<hbm>> -> memref<200x100xi32, #tpu.memory_space<hbm>>
      tpu.enqueue_dma source(%dma_start3A_486 : memref<200x100xi32, #tpu.memory_space<hbm>>) target(%arg7 : memref<200x100xi32, #tpu.memory_space<vmem>>) target_semaphore(%run_scoped3A : memref<!tpu.dma_semaphore, #tpu.memory_space<semaphore_mem>>)
      %dma_wait3A_487 = arith.constant 0 : i32
      %dma_wait3A_488 = arith.constant 0 : i32
      %dma_wait3A_489 = tpu.memref_slice %arg3[%arg0, %arg1, %dma_wait3A_487, %dma_wait3A_488] : memref<2x16x200x100xi32, #tpu.memory_space<hbm>> -> memref<1x1x200x100xi32, #tpu.memory_space<hbm>>
      %dma_wait3A_490 = tpu.memref_squeeze %dma_wait3A_489 : memref<1x1x200x100xi32, #tpu.memory_space<hbm>> -> memref<200x100xi32, #tpu.memory_space<hbm>>
      %dma_wait3A_491 = arith.constant 0 : i32
      %dma_wait3A_492 = arith.constant 0 : i32
      %dma_wait3A_493 = tpu.memref_slice %arg3[%arg0, %arg1, %dma_wait3A_491, %dma_wait3A_492] : memref<2x16x200x100xi32, #tpu.memory_space<hbm>> -> memref<1x1x200x100xi32, #tpu.memory_space<hbm>>
      %dma_wait3A_494 = tpu.memref_squeeze %dma_wait3A_493 : memref<1x1x200x100xi32, #tpu.memory_space<hbm>> -> memref<200x100xi32, #tpu.memory_space<hbm>>
      tpu.wait_dma2 semaphore(%run_scoped3A : memref<!tpu.dma_semaphore, #tpu.memory_space<semaphore_mem>>) src(%dma_wait3A_494 : memref<200x100xi32, #tpu.memory_space<hbm>>) dst(%arg7 : memref<200x100xi32, #tpu.memory_space<vmem>>)
      tpu.yield
    }) : () -> ()
    "tpu.region"() ({
      %run_scoped3A = tpu.sem_alloc : memref<!tpu.dma_semaphore, #tpu.memory_space<semaphore_mem>>
      %dma_start3A_479 = arith.constant 0 : i32
      %dma_start3A_480 = arith.constant 0 : i32
      %dma_start3A_481 = tpu.memref_slice %arg4[%arg1, %dma_start3A_479, %dma_start3A_480] : memref<16x200x100xi32, #tpu.memory_space<hbm>> -> memref<1x200x100xi32, #tpu.memory_space<hbm>>
      %dma_start3A_482 = tpu.memref_squeeze %dma_start3A_481 : memref<1x200x100xi32, #tpu.memory_space<hbm>> -> memref<200x100xi32, #tpu.memory_space<hbm>>
      %dma_start3A_483 = arith.constant 0 : i32
      %dma_start3A_484 = arith.constant 0 : i32
      %dma_start3A_485 = tpu.memref_slice %arg4[%arg1, %dma_start3A_483, %dma_start3A_484] : memref<16x200x100xi32, #tpu.memory_space<hbm>> -> memref<1x200x100xi32, #tpu.memory_space<hbm>>
      %dma_start3A_486 = tpu.memref_squeeze %dma_start3A_485 : memref<1x200x100xi32, #tpu.memory_space<hbm>> -> memref<200x100xi32, #tpu.memory_space<hbm>>
      tpu.enqueue_dma source(%dma_start3A_486 : memref<200x100xi32, #tpu.memory_space<hbm>>) target(%arg8 : memref<200x100xi32, #tpu.memory_space<vmem>>) target_semaphore(%run_scoped3A : memref<!tpu.dma_semaphore, #tpu.memory_space<semaphore_mem>>)
      %dma_wait3A_487 = arith.constant 0 : i32
      %dma_wait3A_488 = arith.constant 0 : i32
      %dma_wait3A_489 = tpu.memref_slice %arg4[%arg1, %dma_wait3A_487, %dma_wait3A_488] : memref<16x200x100xi32, #tpu.memory_space<hbm>> -> memref<1x200x100xi32, #tpu.memory_space<hbm>>
      %dma_wait3A_490 = tpu.memref_squeeze %dma_wait3A_489 : memref<1x200x100xi32, #tpu.memory_space<hbm>> -> memref<200x100xi32, #tpu.memory_space<hbm>>
      %dma_wait3A_491 = arith.constant 0 : i32
      %dma_wait3A_492 = arith.constant 0 : i32
      %dma_wait3A_493 = tpu.memref_slice %arg4[%arg1, %dma_wait3A_491, %dma_wait3A_492] : memref<16x200x100xi32, #tpu.memory_space<hbm>> -> memref<1x200x100xi32, #tpu.memory_space<hbm>>
      %dma_wait3A_494 = tpu.memref_squeeze %dma_wait3A_493 : memref<1x200x100xi32, #tpu.memory_space<hbm>> -> memref<200x100xi32, #tpu.memory_space<hbm>>
      tpu.wait_dma2 semaphore(%run_scoped3A : memref<!tpu.dma_semaphore, #tpu.memory_space<semaphore_mem>>) src(%dma_wait3A_494 : memref<200x100xi32, #tpu.memory_space<hbm>>) dst(%arg8 : memref<200x100xi32, #tpu.memory_space<vmem>>)
      tpu.yield
    }) : () -> ()
    %barrier3A = arith.constant 0 : index
    tpu.barrier barrier_id(%barrier3A)
    %dma_start3A = arith.constant 0 : i32
    %dma_start3A_37 = arith.constant 0 : i32
    %dma_start3A_38 = arith.constant 0 : i32
    %dma_start3A_39 = arith.constant 0 : i32
    %dma_start3A_40 = tpu.memref_slice %arg9[%dma_start3A_37, %dma_start3A_38, %dma_start3A_39] : memref<4x100x64xf32, #tpu.memory_space<vmem>> -> memref<1x100x64xf32, #tpu.memory_space<vmem>>
    %dma_start3A_41 = tpu.memref_squeeze %dma_start3A_40 : memref<1x100x64xf32, #tpu.memory_space<vmem>> -> memref<100x64xf32, #tpu.memory_space<vmem>>
    %dma_start3A_42 = arith.constant 0 : i32
    %dma_start3A_43 = tpu.memref_slice %arg7[%dma_start3A, %dma_start3A_42] : memref<200x100xi32, #tpu.memory_space<vmem>> -> memref<1x100xi32, #tpu.memory_space<vmem>>
    %dma_start3A_44 = tpu.memref_squeeze %dma_start3A_43 : memref<1x100xi32, #tpu.memory_space<vmem>> -> memref<100xi32, #tpu.memory_space<vmem>>
    %dma_start3A_45 = arith.constant 0 : i32
    %dma_start3A_46 = arith.constant 0 : i32
    %dma_start3A_47 = tpu.memref_slice %arg2[%dma_start3A_45, %dma_start3A_46] : memref<20000x64xf32, #tpu.memory_space<hbm>> -> memref<20000x64xf32, #tpu.memory_space<hbm>>
    tpu.enqueue_indirect_dma source(%dma_start3A_47 : memref<20000x64xf32, #tpu.memory_space<hbm>>) target(%dma_start3A_41 : memref<100x64xf32, #tpu.memory_space<vmem>>) offsets(%dma_start3A_44 : memref<100xi32, #tpu.memory_space<vmem>>) semaphore(%arg15 : memref<!tpu.dma_semaphore, #tpu.memory_space<semaphore_mem>>)
    %dma_start3A_48 = arith.constant 1 : i32
    %dma_start3A_49 = arith.constant 1 : i32
    %dma_start3A_50 = arith.constant 0 : i32
    %dma_start3A_51 = arith.constant 0 : i32
    %dma_start3A_52 = tpu.memref_slice %arg9[%dma_start3A_49, %dma_start3A_50, %dma_start3A_51] : memref<4x100x64xf32, #tpu.memory_space<vmem>> -> memref<1x100x64xf32, #tpu.memory_space<vmem>>
    %dma_start3A_53 = tpu.memref_squeeze %dma_start3A_52 : memref<1x100x64xf32, #tpu.memory_space<vmem>> -> memref<100x64xf32, #tpu.memory_space<vmem>>
    %dma_start3A_54 = arith.constant 0 : i32
    %dma_start3A_55 = tpu.memref_slice %arg7[%dma_start3A_48, %dma_start3A_54] : memref<200x100xi32, #tpu.memory_space<vmem>> -> memref<1x100xi32, #tpu.memory_space<vmem>>
    %dma_start3A_56 = tpu.memref_squeeze %dma_start3A_55 : memref<1x100xi32, #tpu.memory_space<vmem>> -> memref<100xi32, #tpu.memory_space<vmem>>
    %dma_start3A_57 = arith.constant 0 : i32
    %dma_start3A_58 = arith.constant 0 : i32
    %dma_start3A_59 = tpu.memref_slice %arg2[%dma_start3A_57, %dma_start3A_58] : memref<20000x64xf32, #tpu.memory_space<hbm>> -> memref<20000x64xf32, #tpu.memory_space<hbm>>
    tpu.enqueue_indirect_dma source(%dma_start3A_59 : memref<20000x64xf32, #tpu.memory_space<hbm>>) target(%dma_start3A_53 : memref<100x64xf32, #tpu.memory_space<vmem>>) offsets(%dma_start3A_56 : memref<100xi32, #tpu.memory_space<vmem>>) semaphore(%arg16 : memref<!tpu.dma_semaphore, #tpu.memory_space<semaphore_mem>>)
    %dma_wait3A = arith.constant 0 : i32
    %dma_wait3A_60 = arith.constant 0 : i32
    %dma_wait3A_61 = arith.constant 0 : i32
    %dma_wait3A_62 = arith.constant 0 : i32
    %dma_wait3A_63 = tpu.memref_slice %arg9[%dma_wait3A_60, %dma_wait3A_61, %dma_wait3A_62] : memref<4x100x64xf32, #tpu.memory_space<vmem>> -> memref<1x100x64xf32, #tpu.memory_space<vmem>>
    %dma_wait3A_64 = tpu.memref_squeeze %dma_wait3A_63 : memref<1x100x64xf32, #tpu.memory_space<vmem>> -> memref<100x64xf32, #tpu.memory_space<vmem>>
    %dma_wait3A_65 = arith.constant 0 : i32
    %dma_wait3A_66 = tpu.memref_slice %arg7[%dma_wait3A, %dma_wait3A_65] : memref<200x100xi32, #tpu.memory_space<vmem>> -> memref<1x100xi32, #tpu.memory_space<vmem>>
    %dma_wait3A_67 = tpu.memref_squeeze %dma_wait3A_66 : memref<1x100xi32, #tpu.memory_space<vmem>> -> memref<100xi32, #tpu.memory_space<vmem>>
    %dma_wait3A_68 = arith.constant 0 : i32
    %dma_wait3A_69 = arith.constant 0 : i32
    %dma_wait3A_70 = tpu.memref_slice %arg2[%dma_wait3A_68, %dma_wait3A_69] : memref<20000x64xf32, #tpu.memory_space<hbm>> -> memref<20000x64xf32, #tpu.memory_space<hbm>>
    tpu.wait_indirect_dma semaphore(%arg15 : memref<!tpu.dma_semaphore, #tpu.memory_space<semaphore_mem>>) src(%dma_wait3A_70 : memref<20000x64xf32, #tpu.memory_space<hbm>>) dst(%dma_wait3A_64 : memref<100x64xf32, #tpu.memory_space<vmem>>)
    %dma_start3A_71 = arith.constant 0 : i32
    %dma_start3A_72 = arith.constant 0 : i32
    %dma_start3A_73 = arith.constant 0 : i32
    %dma_start3A_74 = arith.constant 0 : i32
    %dma_start3A_75 = tpu.memref_slice %arg9[%dma_start3A_71, %dma_start3A_73, %dma_start3A_74] : memref<4x100x64xf32, #tpu.memory_space<vmem>> -> memref<1x100x64xf32, #tpu.memory_space<vmem>>
    %dma_start3A_76 = tpu.memref_squeeze %dma_start3A_75 : memref<1x100x64xf32, #tpu.memory_space<vmem>> -> memref<100x64xf32, #tpu.memory_space<vmem>>
    %dma_start3A_77 = arith.constant 0 : i32
    %dma_start3A_78 = tpu.memref_slice %arg8[%dma_start3A_72, %dma_start3A_77] : memref<200x100xi32, #tpu.memory_space<vmem>> -> memref<1x100xi32, #tpu.memory_space<vmem>>
    %dma_start3A_79 = tpu.memref_squeeze %dma_start3A_78 : memref<1x100xi32, #tpu.memory_space<vmem>> -> memref<100xi32, #tpu.memory_space<vmem>>
    %dma_start3A_80 = arith.constant 0 : i32
    %dma_start3A_81 = arith.constant 0 : i32
    %dma_start3A_82 = tpu.memref_slice %arg13[%dma_start3A_80, %dma_start3A_81] : memref<10240x64xf32, #tpu.memory_space<vmem_shared>> -> memref<10240x64xf32, #tpu.memory_space<vmem_shared>>
    tpu.enqueue_indirect_dma source(%dma_start3A_76 : memref<100x64xf32, #tpu.memory_space<vmem>>) target(%dma_start3A_82 : memref<10240x64xf32, #tpu.memory_space<vmem_shared>>) offsets(%dma_start3A_79 : memref<100xi32, #tpu.memory_space<vmem>>) semaphore(%arg19 : memref<!tpu.dma_semaphore, #tpu.memory_space<semaphore_mem>>) {add = true}
    %eq3A_83 = arith.constant 0 : i32
    %eq3A_84 = arith.cmpi eq, %arg0, %eq3A_83 : i32
    %convert_element_type3A_85 = arith.extui %eq3A_84 : i1 to i32
    %cond3A_86 = arith.constant 0 : i32
    %cond3A_87 = arith.cmpi ne, %convert_element_type3A_85, %cond3A_86 : i32
    scf.if %cond3A_87 {
      %dma_start3A_479 = arith.constant 0 : i32
      %dma_start3A_480 = arith.constant 0 : i32
      %dma_start3A_481 = tpu.memref_slice %arg8[%dma_start3A_479, %dma_start3A_480] : memref<200x100xi32, #tpu.memory_space<vmem>> -> memref<1x100xi32, #tpu.memory_space<vmem>>
      %dma_start3A_482 = tpu.memref_squeeze %dma_start3A_481 : memref<1x100xi32, #tpu.memory_space<vmem>> -> memref<100xi32, #tpu.memory_space<vmem>>
      %dma_start3A_483 = arith.constant 0 : i32
      %dma_start3A_484 = arith.constant 0 : i32
      %dma_start3A_485 = tpu.memref_slice %arg14[%dma_start3A_483, %dma_start3A_484] : memref<10240x16xf32, #tpu.memory_space<vmem_shared>> -> memref<10240x16xf32, #tpu.memory_space<vmem_shared>>
      tpu.enqueue_indirect_dma source(%arg12 : memref<100x16xf32, #tpu.memory_space<vmem>>) target(%dma_start3A_485 : memref<10240x16xf32, #tpu.memory_space<vmem_shared>>) offsets(%dma_start3A_482 : memref<100xi32, #tpu.memory_space<vmem>>) semaphore(%arg23 : memref<!tpu.dma_semaphore, #tpu.memory_space<semaphore_mem>>) {add = true}
    } else {
    }
    %dma_start3A_88 = arith.constant 2 : i32
    %dma_start3A_89 = arith.constant 2 : i32
    %dma_start3A_90 = arith.constant 0 : i32
    %dma_start3A_91 = arith.constant 0 : i32
    %dma_start3A_92 = tpu.memref_slice %arg9[%dma_start3A_89, %dma_start3A_90, %dma_start3A_91] : memref<4x100x64xf32, #tpu.memory_space<vmem>> -> memref<1x100x64xf32, #tpu.memory_space<vmem>>
    %dma_start3A_93 = tpu.memref_squeeze %dma_start3A_92 : memref<1x100x64xf32, #tpu.memory_space<vmem>> -> memref<100x64xf32, #tpu.memory_space<vmem>>
    %dma_start3A_94 = arith.constant 0 : i32
    %dma_start3A_95 = tpu.memref_slice %arg7[%dma_start3A_88, %dma_start3A_94] : memref<200x100xi32, #tpu.memory_space<vmem>> -> memref<1x100xi32, #tpu.memory_space<vmem>>
    %dma_start3A_96 = tpu.memref_squeeze %dma_start3A_95 : memref<1x100xi32, #tpu.memory_space<vmem>> -> memref<100xi32, #tpu.memory_space<vmem>>
    %dma_start3A_97 = arith.constant 0 : i32
    %dma_start3A_98 = arith.constant 0 : i32
    %dma_start3A_99 = tpu.memref_slice %arg2[%dma_start3A_97, %dma_start3A_98] : memref<20000x64xf32, #tpu.memory_space<hbm>> -> memref<20000x64xf32, #tpu.memory_space<hbm>>
    tpu.enqueue_indirect_dma source(%dma_start3A_99 : memref<20000x64xf32, #tpu.memory_space<hbm>>) target(%dma_start3A_93 : memref<100x64xf32, #tpu.memory_space<vmem>>) offsets(%dma_start3A_96 : memref<100xi32, #tpu.memory_space<vmem>>) semaphore(%arg17 : memref<!tpu.dma_semaphore, #tpu.memory_space<semaphore_mem>>)
    %dma_wait3A_100 = arith.constant 1 : i32
    %dma_wait3A_101 = arith.constant 1 : i32
    %dma_wait3A_102 = arith.constant 0 : i32
    %dma_wait3A_103 = arith.constant 0 : i32
    %dma_wait3A_104 = tpu.memref_slice %arg9[%dma_wait3A_101, %dma_wait3A_102, %dma_wait3A_103] : memref<4x100x64xf32, #tpu.memory_space<vmem>> -> memref<1x100x64xf32, #tpu.memory_space<vmem>>
    %dma_wait3A_105 = tpu.memref_squeeze %dma_wait3A_104 : memref<1x100x64xf32, #tpu.memory_space<vmem>> -> memref<100x64xf32, #tpu.memory_space<vmem>>
    %dma_wait3A_106 = arith.constant 0 : i32
    %dma_wait3A_107 = tpu.memref_slice %arg7[%dma_wait3A_100, %dma_wait3A_106] : memref<200x100xi32, #tpu.memory_space<vmem>> -> memref<1x100xi32, #tpu.memory_space<vmem>>
    %dma_wait3A_108 = tpu.memref_squeeze %dma_wait3A_107 : memref<1x100xi32, #tpu.memory_space<vmem>> -> memref<100xi32, #tpu.memory_space<vmem>>
    %dma_wait3A_109 = arith.constant 0 : i32
    %dma_wait3A_110 = arith.constant 0 : i32
    %dma_wait3A_111 = tpu.memref_slice %arg2[%dma_wait3A_109, %dma_wait3A_110] : memref<20000x64xf32, #tpu.memory_space<hbm>> -> memref<20000x64xf32, #tpu.memory_space<hbm>>
    tpu.wait_indirect_dma semaphore(%arg16 : memref<!tpu.dma_semaphore, #tpu.memory_space<semaphore_mem>>) src(%dma_wait3A_111 : memref<20000x64xf32, #tpu.memory_space<hbm>>) dst(%dma_wait3A_105 : memref<100x64xf32, #tpu.memory_space<vmem>>)
    %dma_start3A_112 = arith.constant 1 : i32
    %dma_start3A_113 = arith.constant 1 : i32
    %dma_start3A_114 = arith.constant 0 : i32
    %dma_start3A_115 = arith.constant 0 : i32
    %dma_start3A_116 = tpu.memref_slice %arg9[%dma_start3A_112, %dma_start3A_114, %dma_start3A_115] : memref<4x100x64xf32, #tpu.memory_space<vmem>> -> memref<1x100x64xf32, #tpu.memory_space<vmem>>
    %dma_start3A_117 = tpu.memref_squeeze %dma_start3A_116 : memref<1x100x64xf32, #tpu.memory_space<vmem>> -> memref<100x64xf32, #tpu.memory_space<vmem>>
    %dma_start3A_118 = arith.constant 0 : i32
    %dma_start3A_119 = tpu.memref_slice %arg8[%dma_start3A_113, %dma_start3A_118] : memref<200x100xi32, #tpu.memory_space<vmem>> -> memref<1x100xi32, #tpu.memory_space<vmem>>
    %dma_start3A_120 = tpu.memref_squeeze %dma_start3A_119 : memref<1x100xi32, #tpu.memory_space<vmem>> -> memref<100xi32, #tpu.memory_space<vmem>>
    %dma_start3A_121 = arith.constant 0 : i32
    %dma_start3A_122 = arith.constant 0 : i32
    %dma_start3A_123 = tpu.memref_slice %arg13[%dma_start3A_121, %dma_start3A_122] : memref<10240x64xf32, #tpu.memory_space<vmem_shared>> -> memref<10240x64xf32, #tpu.memory_space<vmem_shared>>
    tpu.enqueue_indirect_dma source(%dma_start3A_117 : memref<100x64xf32, #tpu.memory_space<vmem>>) target(%dma_start3A_123 : memref<10240x64xf32, #tpu.memory_space<vmem_shared>>) offsets(%dma_start3A_120 : memref<100xi32, #tpu.memory_space<vmem>>) semaphore(%arg20 : memref<!tpu.dma_semaphore, #tpu.memory_space<semaphore_mem>>) {add = true}
    %eq3A_124 = arith.constant 0 : i32
    %eq3A_125 = arith.cmpi eq, %arg0, %eq3A_124 : i32
    %convert_element_type3A_126 = arith.extui %eq3A_125 : i1 to i32
    %cond3A_127 = arith.constant 0 : i32
    %cond3A_128 = arith.cmpi ne, %convert_element_type3A_126, %cond3A_127 : i32
    scf.if %cond3A_128 {
      %dma_start3A_479 = arith.constant 1 : i32
      %dma_start3A_480 = arith.constant 0 : i32
      %dma_start3A_481 = tpu.memref_slice %arg8[%dma_start3A_479, %dma_start3A_480] : memref<200x100xi32, #tpu.memory_space<vmem>> -> memref<1x100xi32, #tpu.memory_space<vmem>>
      %dma_start3A_482 = tpu.memref_squeeze %dma_start3A_481 : memref<1x100xi32, #tpu.memory_space<vmem>> -> memref<100xi32, #tpu.memory_space<vmem>>
      %dma_start3A_483 = arith.constant 0 : i32
      %dma_start3A_484 = arith.constant 0 : i32
      %dma_start3A_485 = tpu.memref_slice %arg14[%dma_start3A_483, %dma_start3A_484] : memref<10240x16xf32, #tpu.memory_space<vmem_shared>> -> memref<10240x16xf32, #tpu.memory_space<vmem_shared>>
      tpu.enqueue_indirect_dma source(%arg12 : memref<100x16xf32, #tpu.memory_space<vmem>>) target(%dma_start3A_485 : memref<10240x16xf32, #tpu.memory_space<vmem_shared>>) offsets(%dma_start3A_482 : memref<100xi32, #tpu.memory_space<vmem>>) semaphore(%arg24 : memref<!tpu.dma_semaphore, #tpu.memory_space<semaphore_mem>>) {add = true}
    } else {
    }
    %dma_start3A_129 = arith.constant 3 : i32
    %dma_start3A_130 = arith.constant 3 : i32
    %dma_start3A_131 = arith.constant 0 : i32
    %dma_start3A_132 = arith.constant 0 : i32
    %dma_start3A_133 = tpu.memref_slice %arg9[%dma_start3A_130, %dma_start3A_131, %dma_start3A_132] : memref<4x100x64xf32, #tpu.memory_space<vmem>> -> memref<1x100x64xf32, #tpu.memory_space<vmem>>
    %dma_start3A_134 = tpu.memref_squeeze %dma_start3A_133 : memref<1x100x64xf32, #tpu.memory_space<vmem>> -> memref<100x64xf32, #tpu.memory_space<vmem>>
    %dma_start3A_135 = arith.constant 0 : i32
    %dma_start3A_136 = tpu.memref_slice %arg7[%dma_start3A_129, %dma_start3A_135] : memref<200x100xi32, #tpu.memory_space<vmem>> -> memref<1x100xi32, #tpu.memory_space<vmem>>
    %dma_start3A_137 = tpu.memref_squeeze %dma_start3A_136 : memref<1x100xi32, #tpu.memory_space<vmem>> -> memref<100xi32, #tpu.memory_space<vmem>>
    %dma_start3A_138 = arith.constant 0 : i32
    %dma_start3A_139 = arith.constant 0 : i32
    %dma_start3A_140 = tpu.memref_slice %arg2[%dma_start3A_138, %dma_start3A_139] : memref<20000x64xf32, #tpu.memory_space<hbm>> -> memref<20000x64xf32, #tpu.memory_space<hbm>>
    tpu.enqueue_indirect_dma source(%dma_start3A_140 : memref<20000x64xf32, #tpu.memory_space<hbm>>) target(%dma_start3A_134 : memref<100x64xf32, #tpu.memory_space<vmem>>) offsets(%dma_start3A_137 : memref<100xi32, #tpu.memory_space<vmem>>) semaphore(%arg18 : memref<!tpu.dma_semaphore, #tpu.memory_space<semaphore_mem>>)
    %dma_wait3A_141 = arith.constant 2 : i32
    %dma_wait3A_142 = arith.constant 2 : i32
    %dma_wait3A_143 = arith.constant 0 : i32
    %dma_wait3A_144 = arith.constant 0 : i32
    %dma_wait3A_145 = tpu.memref_slice %arg9[%dma_wait3A_142, %dma_wait3A_143, %dma_wait3A_144] : memref<4x100x64xf32, #tpu.memory_space<vmem>> -> memref<1x100x64xf32, #tpu.memory_space<vmem>>
    %dma_wait3A_146 = tpu.memref_squeeze %dma_wait3A_145 : memref<1x100x64xf32, #tpu.memory_space<vmem>> -> memref<100x64xf32, #tpu.memory_space<vmem>>
    %dma_wait3A_147 = arith.constant 0 : i32
    %dma_wait3A_148 = tpu.memref_slice %arg7[%dma_wait3A_141, %dma_wait3A_147] : memref<200x100xi32, #tpu.memory_space<vmem>> -> memref<1x100xi32, #tpu.memory_space<vmem>>
    %dma_wait3A_149 = tpu.memref_squeeze %dma_wait3A_148 : memref<1x100xi32, #tpu.memory_space<vmem>> -> memref<100xi32, #tpu.memory_space<vmem>>
    %dma_wait3A_150 = arith.constant 0 : i32
    %dma_wait3A_151 = arith.constant 0 : i32
    %dma_wait3A_152 = tpu.memref_slice %arg2[%dma_wait3A_150, %dma_wait3A_151] : memref<20000x64xf32, #tpu.memory_space<hbm>> -> memref<20000x64xf32, #tpu.memory_space<hbm>>
    tpu.wait_indirect_dma semaphore(%arg17 : memref<!tpu.dma_semaphore, #tpu.memory_space<semaphore_mem>>) src(%dma_wait3A_152 : memref<20000x64xf32, #tpu.memory_space<hbm>>) dst(%dma_wait3A_146 : memref<100x64xf32, #tpu.memory_space<vmem>>)
    %dma_start3A_153 = arith.constant 2 : i32
    %dma_start3A_154 = arith.constant 2 : i32
    %dma_start3A_155 = arith.constant 0 : i32
    %dma_start3A_156 = arith.constant 0 : i32
    %dma_start3A_157 = tpu.memref_slice %arg9[%dma_start3A_153, %dma_start3A_155, %dma_start3A_156] : memref<4x100x64xf32, #tpu.memory_space<vmem>> -> memref<1x100x64xf32, #tpu.memory_space<vmem>>
    %dma_start3A_158 = tpu.memref_squeeze %dma_start3A_157 : memref<1x100x64xf32, #tpu.memory_space<vmem>> -> memref<100x64xf32, #tpu.memory_space<vmem>>
    %dma_start3A_159 = arith.constant 0 : i32
    %dma_start3A_160 = tpu.memref_slice %arg8[%dma_start3A_154, %dma_start3A_159] : memref<200x100xi32, #tpu.memory_space<vmem>> -> memref<1x100xi32, #tpu.memory_space<vmem>>
    %dma_start3A_161 = tpu.memref_squeeze %dma_start3A_160 : memref<1x100xi32, #tpu.memory_space<vmem>> -> memref<100xi32, #tpu.memory_space<vmem>>
    %dma_start3A_162 = arith.constant 0 : i32
    %dma_start3A_163 = arith.constant 0 : i32
    %dma_start3A_164 = tpu.memref_slice %arg13[%dma_start3A_162, %dma_start3A_163] : memref<10240x64xf32, #tpu.memory_space<vmem_shared>> -> memref<10240x64xf32, #tpu.memory_space<vmem_shared>>
    tpu.enqueue_indirect_dma source(%dma_start3A_158 : memref<100x64xf32, #tpu.memory_space<vmem>>) target(%dma_start3A_164 : memref<10240x64xf32, #tpu.memory_space<vmem_shared>>) offsets(%dma_start3A_161 : memref<100xi32, #tpu.memory_space<vmem>>) semaphore(%arg21 : memref<!tpu.dma_semaphore, #tpu.memory_space<semaphore_mem>>) {add = true}
    %eq3A_165 = arith.constant 0 : i32
    %eq3A_166 = arith.cmpi eq, %arg0, %eq3A_165 : i32
    %convert_element_type3A_167 = arith.extui %eq3A_166 : i1 to i32
    %cond3A_168 = arith.constant 0 : i32
    %cond3A_169 = arith.cmpi ne, %convert_element_type3A_167, %cond3A_168 : i32
    scf.if %cond3A_169 {
      %dma_wait3A_479 = arith.constant 0 : i32
      %dma_wait3A_480 = arith.constant 0 : i32
      %dma_wait3A_481 = tpu.memref_slice %arg8[%dma_wait3A_479, %dma_wait3A_480] : memref<200x100xi32, #tpu.memory_space<vmem>> -> memref<1x100xi32, #tpu.memory_space<vmem>>
      %dma_wait3A_482 = tpu.memref_squeeze %dma_wait3A_481 : memref<1x100xi32, #tpu.memory_space<vmem>> -> memref<100xi32, #tpu.memory_space<vmem>>
      %dma_wait3A_483 = arith.constant 0 : i32
      %dma_wait3A_484 = arith.constant 0 : i32
      %dma_wait3A_485 = tpu.memref_slice %arg14[%dma_wait3A_483, %dma_wait3A_484] : memref<10240x16xf32, #tpu.memory_space<vmem_shared>> -> memref<10240x16xf32, #tpu.memory_space<vmem_shared>>
      tpu.wait_indirect_dma semaphore(%arg23 : memref<!tpu.dma_semaphore, #tpu.memory_space<semaphore_mem>>) src(%arg12 : memref<100x16xf32, #tpu.memory_space<vmem>>) dst(%dma_wait3A_485 : memref<10240x16xf32, #tpu.memory_space<vmem_shared>>)
      %dma_start3A_486 = arith.constant 2 : i32
      %dma_start3A_487 = arith.constant 0 : i32
      %dma_start3A_488 = tpu.memref_slice %arg8[%dma_start3A_486, %dma_start3A_487] : memref<200x100xi32, #tpu.memory_space<vmem>> -> memref<1x100xi32, #tpu.memory_space<vmem>>
      %dma_start3A_489 = tpu.memref_squeeze %dma_start3A_488 : memref<1x100xi32, #tpu.memory_space<vmem>> -> memref<100xi32, #tpu.memory_space<vmem>>
      %dma_start3A_490 = arith.constant 0 : i32
      %dma_start3A_491 = arith.constant 0 : i32
      %dma_start3A_492 = tpu.memref_slice %arg14[%dma_start3A_490, %dma_start3A_491] : memref<10240x16xf32, #tpu.memory_space<vmem_shared>> -> memref<10240x16xf32, #tpu.memory_space<vmem_shared>>
      tpu.enqueue_indirect_dma source(%arg12 : memref<100x16xf32, #tpu.memory_space<vmem>>) target(%dma_start3A_492 : memref<10240x16xf32, #tpu.memory_space<vmem_shared>>) offsets(%dma_start3A_489 : memref<100xi32, #tpu.memory_space<vmem>>) semaphore(%arg23 : memref<!tpu.dma_semaphore, #tpu.memory_space<semaphore_mem>>) {add = true}
    } else {
    }
    %dma_wait3A_170 = arith.constant 0 : i32
    %dma_wait3A_171 = arith.constant 0 : i32
    %dma_wait3A_172 = arith.constant 0 : i32
    %dma_wait3A_173 = arith.constant 0 : i32
    %dma_wait3A_174 = tpu.memref_slice %arg9[%dma_wait3A_170, %dma_wait3A_172, %dma_wait3A_173] : memref<4x100x64xf32, #tpu.memory_space<vmem>> -> memref<1x100x64xf32, #tpu.memory_space<vmem>>
    %dma_wait3A_175 = tpu.memref_squeeze %dma_wait3A_174 : memref<1x100x64xf32, #tpu.memory_space<vmem>> -> memref<100x64xf32, #tpu.memory_space<vmem>>
    %dma_wait3A_176 = arith.constant 0 : i32
    %dma_wait3A_177 = tpu.memref_slice %arg8[%dma_wait3A_171, %dma_wait3A_176] : memref<200x100xi32, #tpu.memory_space<vmem>> -> memref<1x100xi32, #tpu.memory_space<vmem>>
    %dma_wait3A_178 = tpu.memref_squeeze %dma_wait3A_177 : memref<1x100xi32, #tpu.memory_space<vmem>> -> memref<100xi32, #tpu.memory_space<vmem>>
    %dma_wait3A_179 = arith.constant 0 : i32
    %dma_wait3A_180 = arith.constant 0 : i32
    %dma_wait3A_181 = tpu.memref_slice %arg13[%dma_wait3A_179, %dma_wait3A_180] : memref<10240x64xf32, #tpu.memory_space<vmem_shared>> -> memref<10240x64xf32, #tpu.memory_space<vmem_shared>>
    tpu.wait_indirect_dma semaphore(%arg19 : memref<!tpu.dma_semaphore, #tpu.memory_space<semaphore_mem>>) src(%dma_wait3A_175 : memref<100x64xf32, #tpu.memory_space<vmem>>) dst(%dma_wait3A_181 : memref<10240x64xf32, #tpu.memory_space<vmem_shared>>)
    %dma_start3A_182 = arith.constant 4 : i32
    %dma_start3A_183 = arith.constant 0 : i32
    %dma_start3A_184 = arith.constant 0 : i32
    %dma_start3A_185 = arith.constant 0 : i32
    %dma_start3A_186 = tpu.memref_slice %arg9[%dma_start3A_183, %dma_start3A_184, %dma_start3A_185] : memref<4x100x64xf32, #tpu.memory_space<vmem>> -> memref<1x100x64xf32, #tpu.memory_space<vmem>>
    %dma_start3A_187 = tpu.memref_squeeze %dma_start3A_186 : memref<1x100x64xf32, #tpu.memory_space<vmem>> -> memref<100x64xf32, #tpu.memory_space<vmem>>
    %dma_start3A_188 = arith.constant 0 : i32
    %dma_start3A_189 = tpu.memref_slice %arg7[%dma_start3A_182, %dma_start3A_188] : memref<200x100xi32, #tpu.memory_space<vmem>> -> memref<1x100xi32, #tpu.memory_space<vmem>>
    %dma_start3A_190 = tpu.memref_squeeze %dma_start3A_189 : memref<1x100xi32, #tpu.memory_space<vmem>> -> memref<100xi32, #tpu.memory_space<vmem>>
    %dma_start3A_191 = arith.constant 0 : i32
    %dma_start3A_192 = arith.constant 0 : i32
    %dma_start3A_193 = tpu.memref_slice %arg2[%dma_start3A_191, %dma_start3A_192] : memref<20000x64xf32, #tpu.memory_space<hbm>> -> memref<20000x64xf32, #tpu.memory_space<hbm>>
    tpu.enqueue_indirect_dma source(%dma_start3A_193 : memref<20000x64xf32, #tpu.memory_space<hbm>>) target(%dma_start3A_187 : memref<100x64xf32, #tpu.memory_space<vmem>>) offsets(%dma_start3A_190 : memref<100xi32, #tpu.memory_space<vmem>>) semaphore(%arg15 : memref<!tpu.dma_semaphore, #tpu.memory_space<semaphore_mem>>)
    %dma_wait3A_194 = arith.constant 3 : i32
    %dma_wait3A_195 = arith.constant 3 : i32
    %dma_wait3A_196 = arith.constant 0 : i32
    %dma_wait3A_197 = arith.constant 0 : i32
    %dma_wait3A_198 = tpu.memref_slice %arg9[%dma_wait3A_195, %dma_wait3A_196, %dma_wait3A_197] : memref<4x100x64xf32, #tpu.memory_space<vmem>> -> memref<1x100x64xf32, #tpu.memory_space<vmem>>
    %dma_wait3A_199 = tpu.memref_squeeze %dma_wait3A_198 : memref<1x100x64xf32, #tpu.memory_space<vmem>> -> memref<100x64xf32, #tpu.memory_space<vmem>>
    %dma_wait3A_200 = arith.constant 0 : i32
    %dma_wait3A_201 = tpu.memref_slice %arg7[%dma_wait3A_194, %dma_wait3A_200] : memref<200x100xi32, #tpu.memory_space<vmem>> -> memref<1x100xi32, #tpu.memory_space<vmem>>
    %dma_wait3A_202 = tpu.memref_squeeze %dma_wait3A_201 : memref<1x100xi32, #tpu.memory_space<vmem>> -> memref<100xi32, #tpu.memory_space<vmem>>
    %dma_wait3A_203 = arith.constant 0 : i32
    %dma_wait3A_204 = arith.constant 0 : i32
    %dma_wait3A_205 = tpu.memref_slice %arg2[%dma_wait3A_203, %dma_wait3A_204] : memref<20000x64xf32, #tpu.memory_space<hbm>> -> memref<20000x64xf32, #tpu.memory_space<hbm>>
    tpu.wait_indirect_dma semaphore(%arg18 : memref<!tpu.dma_semaphore, #tpu.memory_space<semaphore_mem>>) src(%dma_wait3A_205 : memref<20000x64xf32, #tpu.memory_space<hbm>>) dst(%dma_wait3A_199 : memref<100x64xf32, #tpu.memory_space<vmem>>)
    %dma_start3A_206 = arith.constant 3 : i32
    %dma_start3A_207 = arith.constant 3 : i32
    %dma_start3A_208 = arith.constant 0 : i32
    %dma_start3A_209 = arith.constant 0 : i32
    %dma_start3A_210 = tpu.memref_slice %arg9[%dma_start3A_206, %dma_start3A_208, %dma_start3A_209] : memref<4x100x64xf32, #tpu.memory_space<vmem>> -> memref<1x100x64xf32, #tpu.memory_space<vmem>>
    %dma_start3A_211 = tpu.memref_squeeze %dma_start3A_210 : memref<1x100x64xf32, #tpu.memory_space<vmem>> -> memref<100x64xf32, #tpu.memory_space<vmem>>
    %dma_start3A_212 = arith.constant 0 : i32
    %dma_start3A_213 = tpu.memref_slice %arg8[%dma_start3A_207, %dma_start3A_212] : memref<200x100xi32, #tpu.memory_space<vmem>> -> memref<1x100xi32, #tpu.memory_space<vmem>>
    %dma_start3A_214 = tpu.memref_squeeze %dma_start3A_213 : memref<1x100xi32, #tpu.memory_space<vmem>> -> memref<100xi32, #tpu.memory_space<vmem>>
    %dma_start3A_215 = arith.constant 0 : i32
    %dma_start3A_216 = arith.constant 0 : i32
    %dma_start3A_217 = tpu.memref_slice %arg13[%dma_start3A_215, %dma_start3A_216] : memref<10240x64xf32, #tpu.memory_space<vmem_shared>> -> memref<10240x64xf32, #tpu.memory_space<vmem_shared>>
    tpu.enqueue_indirect_dma source(%dma_start3A_211 : memref<100x64xf32, #tpu.memory_space<vmem>>) target(%dma_start3A_217 : memref<10240x64xf32, #tpu.memory_space<vmem_shared>>) offsets(%dma_start3A_214 : memref<100xi32, #tpu.memory_space<vmem>>) semaphore(%arg22 : memref<!tpu.dma_semaphore, #tpu.memory_space<semaphore_mem>>) {add = true}
    %eq3A_218 = arith.constant 0 : i32
    %eq3A_219 = arith.cmpi eq, %arg0, %eq3A_218 : i32
    %convert_element_type3A_220 = arith.extui %eq3A_219 : i1 to i32
    %cond3A_221 = arith.constant 0 : i32
    %cond3A_222 = arith.cmpi ne, %convert_element_type3A_220, %cond3A_221 : i32
    scf.if %cond3A_222 {
      %dma_wait3A_479 = arith.constant 0 : i32
      %dma_wait3A_480 = arith.constant 0 : i32
      %dma_wait3A_481 = tpu.memref_slice %arg8[%dma_wait3A_479, %dma_wait3A_480] : memref<200x100xi32, #tpu.memory_space<vmem>> -> memref<1x100xi32, #tpu.memory_space<vmem>>
      %dma_wait3A_482 = tpu.memref_squeeze %dma_wait3A_481 : memref<1x100xi32, #tpu.memory_space<vmem>> -> memref<100xi32, #tpu.memory_space<vmem>>
      %dma_wait3A_483 = arith.constant 0 : i32
      %dma_wait3A_484 = arith.constant 0 : i32
      %dma_wait3A_485 = tpu.memref_slice %arg14[%dma_wait3A_483, %dma_wait3A_484] : memref<10240x16xf32, #tpu.memory_space<vmem_shared>> -> memref<10240x16xf32, #tpu.memory_space<vmem_shared>>
      tpu.wait_indirect_dma semaphore(%arg24 : memref<!tpu.dma_semaphore, #tpu.memory_space<semaphore_mem>>) src(%arg12 : memref<100x16xf32, #tpu.memory_space<vmem>>) dst(%dma_wait3A_485 : memref<10240x16xf32, #tpu.memory_space<vmem_shared>>)
      %dma_start3A_486 = arith.constant 3 : i32
      %dma_start3A_487 = arith.constant 0 : i32
      %dma_start3A_488 = tpu.memref_slice %arg8[%dma_start3A_486, %dma_start3A_487] : memref<200x100xi32, #tpu.memory_space<vmem>> -> memref<1x100xi32, #tpu.memory_space<vmem>>
      %dma_start3A_489 = tpu.memref_squeeze %dma_start3A_488 : memref<1x100xi32, #tpu.memory_space<vmem>> -> memref<100xi32, #tpu.memory_space<vmem>>
      %dma_start3A_490 = arith.constant 0 : i32
      %dma_start3A_491 = arith.constant 0 : i32
      %dma_start3A_492 = tpu.memref_slice %arg14[%dma_start3A_490, %dma_start3A_491] : memref<10240x16xf32, #tpu.memory_space<vmem_shared>> -> memref<10240x16xf32, #tpu.memory_space<vmem_shared>>
      tpu.enqueue_indirect_dma source(%arg12 : memref<100x16xf32, #tpu.memory_space<vmem>>) target(%dma_start3A_492 : memref<10240x16xf32, #tpu.memory_space<vmem_shared>>) offsets(%dma_start3A_489 : memref<100xi32, #tpu.memory_space<vmem>>) semaphore(%arg24 : memref<!tpu.dma_semaphore, #tpu.memory_space<semaphore_mem>>) {add = true}
    } else {
    }
    %dma_wait3A_223 = arith.constant 1 : i32
    %dma_wait3A_224 = arith.constant 0 : i32
    %dma_wait3A_225 = arith.constant 0 : i32
    %dma_wait3A_226 = arith.constant 0 : i32
    %dma_wait3A_227 = tpu.memref_slice %arg9[%dma_wait3A_223, %dma_wait3A_225, %dma_wait3A_226] : memref<4x100x64xf32, #tpu.memory_space<vmem>> -> memref<1x100x64xf32, #tpu.memory_space<vmem>>
    %dma_wait3A_228 = tpu.memref_squeeze %dma_wait3A_227 : memref<1x100x64xf32, #tpu.memory_space<vmem>> -> memref<100x64xf32, #tpu.memory_space<vmem>>
    %dma_wait3A_229 = arith.constant 0 : i32
    %dma_wait3A_230 = tpu.memref_slice %arg8[%dma_wait3A_224, %dma_wait3A_229] : memref<200x100xi32, #tpu.memory_space<vmem>> -> memref<1x100xi32, #tpu.memory_space<vmem>>
    %dma_wait3A_231 = tpu.memref_squeeze %dma_wait3A_230 : memref<1x100xi32, #tpu.memory_space<vmem>> -> memref<100xi32, #tpu.memory_space<vmem>>
    %dma_wait3A_232 = arith.constant 0 : i32
    %dma_wait3A_233 = arith.constant 0 : i32
    %dma_wait3A_234 = tpu.memref_slice %arg13[%dma_wait3A_232, %dma_wait3A_233] : memref<10240x64xf32, #tpu.memory_space<vmem_shared>> -> memref<10240x64xf32, #tpu.memory_space<vmem_shared>>
    tpu.wait_indirect_dma semaphore(%arg20 : memref<!tpu.dma_semaphore, #tpu.memory_space<semaphore_mem>>) src(%dma_wait3A_228 : memref<100x64xf32, #tpu.memory_space<vmem>>) dst(%dma_wait3A_234 : memref<10240x64xf32, #tpu.memory_space<vmem_shared>>)
    %dma_start3A_235 = arith.constant 5 : i32
    %dma_start3A_236 = arith.constant 1 : i32
    %dma_start3A_237 = arith.constant 0 : i32
    %dma_start3A_238 = arith.constant 0 : i32
    %dma_start3A_239 = tpu.memref_slice %arg9[%dma_start3A_236, %dma_start3A_237, %dma_start3A_238] : memref<4x100x64xf32, #tpu.memory_space<vmem>> -> memref<1x100x64xf32, #tpu.memory_space<vmem>>
    %dma_start3A_240 = tpu.memref_squeeze %dma_start3A_239 : memref<1x100x64xf32, #tpu.memory_space<vmem>> -> memref<100x64xf32, #tpu.memory_space<vmem>>
    %dma_start3A_241 = arith.constant 0 : i32
    %dma_start3A_242 = tpu.memref_slice %arg7[%dma_start3A_235, %dma_start3A_241] : memref<200x100xi32, #tpu.memory_space<vmem>> -> memref<1x100xi32, #tpu.memory_space<vmem>>
    %dma_start3A_243 = tpu.memref_squeeze %dma_start3A_242 : memref<1x100xi32, #tpu.memory_space<vmem>> -> memref<100xi32, #tpu.memory_space<vmem>>
    %dma_start3A_244 = arith.constant 0 : i32
    %dma_start3A_245 = arith.constant 0 : i32
    %dma_start3A_246 = tpu.memref_slice %arg2[%dma_start3A_244, %dma_start3A_245] : memref<20000x64xf32, #tpu.memory_space<hbm>> -> memref<20000x64xf32, #tpu.memory_space<hbm>>
    tpu.enqueue_indirect_dma source(%dma_start3A_246 : memref<20000x64xf32, #tpu.memory_space<hbm>>) target(%dma_start3A_240 : memref<100x64xf32, #tpu.memory_space<vmem>>) offsets(%dma_start3A_243 : memref<100xi32, #tpu.memory_space<vmem>>) semaphore(%arg16 : memref<!tpu.dma_semaphore, #tpu.memory_space<semaphore_mem>>)
    %scan3A_247 = arith.constant 0 : i32
    %scan3A_248 = arith.constant 48 : i32
    %scan3A_249 = arith.addi %scan3A_247, %scan3A_248 : i32
    %scan3A_250 = arith.constant 1 : i32
    scf.for %scan3A_479 = %scan3A_247 to %scan3A_249 step %scan3A_250  : i32 {
      %mul3A_480 = arith.constant 4 : i32
      %mul3A_481 = arith.muli %scan3A_479, %mul3A_480 : i32
      %add3A_482 = arith.constant 4 : i32
      %add3A_483 = arith.addi %add3A_482, %mul3A_481 : i32
      %add3A_484 = arith.constant 0 : i32
      %add3A_485 = arith.addi %add3A_483, %add3A_484 : i32
      %dma_wait3A_486 = arith.constant 0 : i32
      %dma_wait3A_487 = arith.constant 0 : i32
      %dma_wait3A_488 = arith.constant 0 : i32
      %dma_wait3A_489 = tpu.memref_slice %arg9[%dma_wait3A_486, %dma_wait3A_487, %dma_wait3A_488] : memref<4x100x64xf32, #tpu.memory_space<vmem>> -> memref<1x100x64xf32, #tpu.memory_space<vmem>>
      %dma_wait3A_490 = tpu.memref_squeeze %dma_wait3A_489 : memref<1x100x64xf32, #tpu.memory_space<vmem>> -> memref<100x64xf32, #tpu.memory_space<vmem>>
      %dma_wait3A_491 = arith.constant 0 : i32
      %dma_wait3A_492 = tpu.memref_slice %arg7[%add3A_485, %dma_wait3A_491] : memref<200x100xi32, #tpu.memory_space<vmem>> -> memref<1x100xi32, #tpu.memory_space<vmem>>
      %dma_wait3A_493 = tpu.memref_squeeze %dma_wait3A_492 : memref<1x100xi32, #tpu.memory_space<vmem>> -> memref<100xi32, #tpu.memory_space<vmem>>
      %dma_wait3A_494 = arith.constant 0 : i32
      %dma_wait3A_495 = arith.constant 0 : i32
      %dma_wait3A_496 = tpu.memref_slice %arg2[%dma_wait3A_494, %dma_wait3A_495] : memref<20000x64xf32, #tpu.memory_space<hbm>> -> memref<20000x64xf32, #tpu.memory_space<hbm>>
      tpu.wait_indirect_dma semaphore(%arg15 : memref<!tpu.dma_semaphore, #tpu.memory_space<semaphore_mem>>) src(%dma_wait3A_496 : memref<20000x64xf32, #tpu.memory_space<hbm>>) dst(%dma_wait3A_490 : memref<100x64xf32, #tpu.memory_space<vmem>>)
      %dma_start3A_497 = arith.constant 0 : i32
      %dma_start3A_498 = arith.constant 0 : i32
      %dma_start3A_499 = arith.constant 0 : i32
      %dma_start3A_500 = tpu.memref_slice %arg9[%dma_start3A_497, %dma_start3A_498, %dma_start3A_499] : memref<4x100x64xf32, #tpu.memory_space<vmem>> -> memref<1x100x64xf32, #tpu.memory_space<vmem>>
      %dma_start3A_501 = tpu.memref_squeeze %dma_start3A_500 : memref<1x100x64xf32, #tpu.memory_space<vmem>> -> memref<100x64xf32, #tpu.memory_space<vmem>>
      %dma_start3A_502 = arith.constant 0 : i32
      %dma_start3A_503 = tpu.memref_slice %arg8[%add3A_485, %dma_start3A_502] : memref<200x100xi32, #tpu.memory_space<vmem>> -> memref<1x100xi32, #tpu.memory_space<vmem>>
      %dma_start3A_504 = tpu.memref_squeeze %dma_start3A_503 : memref<1x100xi32, #tpu.memory_space<vmem>> -> memref<100xi32, #tpu.memory_space<vmem>>
      %dma_start3A_505 = arith.constant 0 : i32
      %dma_start3A_506 = arith.constant 0 : i32
      %dma_start3A_507 = tpu.memref_slice %arg13[%dma_start3A_505, %dma_start3A_506] : memref<10240x64xf32, #tpu.memory_space<vmem_shared>> -> memref<10240x64xf32, #tpu.memory_space<vmem_shared>>
      tpu.enqueue_indirect_dma source(%dma_start3A_501 : memref<100x64xf32, #tpu.memory_space<vmem>>) target(%dma_start3A_507 : memref<10240x64xf32, #tpu.memory_space<vmem_shared>>) offsets(%dma_start3A_504 : memref<100xi32, #tpu.memory_space<vmem>>) semaphore(%arg19 : memref<!tpu.dma_semaphore, #tpu.memory_space<semaphore_mem>>) {add = true}
      %eq3A_508 = arith.constant 0 : i32
      %eq3A_509 = arith.cmpi eq, %arg0, %eq3A_508 : i32
      %convert_element_type3A_510 = arith.extui %eq3A_509 : i1 to i32
      %cond3A_511 = arith.constant 0 : i32
      %cond3A_512 = arith.cmpi ne, %convert_element_type3A_510, %cond3A_511 : i32
      scf.if %cond3A_512 {
        %dma_wait3A_700 = arith.constant 0 : i32
        %dma_wait3A_701 = arith.constant 0 : i32
        %dma_wait3A_702 = tpu.memref_slice %arg8[%dma_wait3A_700, %dma_wait3A_701] : memref<200x100xi32, #tpu.memory_space<vmem>> -> memref<1x100xi32, #tpu.memory_space<vmem>>
        %dma_wait3A_703 = tpu.memref_squeeze %dma_wait3A_702 : memref<1x100xi32, #tpu.memory_space<vmem>> -> memref<100xi32, #tpu.memory_space<vmem>>
        %dma_wait3A_704 = arith.constant 0 : i32
        %dma_wait3A_705 = arith.constant 0 : i32
        %dma_wait3A_706 = tpu.memref_slice %arg14[%dma_wait3A_704, %dma_wait3A_705] : memref<10240x16xf32, #tpu.memory_space<vmem_shared>> -> memref<10240x16xf32, #tpu.memory_space<vmem_shared>>
        tpu.wait_indirect_dma semaphore(%arg23 : memref<!tpu.dma_semaphore, #tpu.memory_space<semaphore_mem>>) src(%arg12 : memref<100x16xf32, #tpu.memory_space<vmem>>) dst(%dma_wait3A_706 : memref<10240x16xf32, #tpu.memory_space<vmem_shared>>)
        %dma_start3A_707 = arith.constant 0 : i32
        %dma_start3A_708 = tpu.memref_slice %arg8[%add3A_485, %dma_start3A_707] : memref<200x100xi32, #tpu.memory_space<vmem>> -> memref<1x100xi32, #tpu.memory_space<vmem>>
        %dma_start3A_709 = tpu.memref_squeeze %dma_start3A_708 : memref<1x100xi32, #tpu.memory_space<vmem>> -> memref<100xi32, #tpu.memory_space<vmem>>
        %dma_start3A_710 = arith.constant 0 : i32
        %dma_start3A_711 = arith.constant 0 : i32
        %dma_start3A_712 = tpu.memref_slice %arg14[%dma_start3A_710, %dma_start3A_711] : memref<10240x16xf32, #tpu.memory_space<vmem_shared>> -> memref<10240x16xf32, #tpu.memory_space<vmem_shared>>
        tpu.enqueue_indirect_dma source(%arg12 : memref<100x16xf32, #tpu.memory_space<vmem>>) target(%dma_start3A_712 : memref<10240x16xf32, #tpu.memory_space<vmem_shared>>) offsets(%dma_start3A_709 : memref<100xi32, #tpu.memory_space<vmem>>) semaphore(%arg23 : memref<!tpu.dma_semaphore, #tpu.memory_space<semaphore_mem>>) {add = true}
      } else {
      }
      %dma_wait3A_513 = arith.constant 2 : i32
      %dma_wait3A_514 = arith.constant 0 : i32
      %dma_wait3A_515 = arith.constant 0 : i32
      %dma_wait3A_516 = arith.constant 0 : i32
      %dma_wait3A_517 = tpu.memref_slice %arg9[%dma_wait3A_513, %dma_wait3A_515, %dma_wait3A_516] : memref<4x100x64xf32, #tpu.memory_space<vmem>> -> memref<1x100x64xf32, #tpu.memory_space<vmem>>
      %dma_wait3A_518 = tpu.memref_squeeze %dma_wait3A_517 : memref<1x100x64xf32, #tpu.memory_space<vmem>> -> memref<100x64xf32, #tpu.memory_space<vmem>>
      %dma_wait3A_519 = arith.constant 0 : i32
      %dma_wait3A_520 = tpu.memref_slice %arg8[%dma_wait3A_514, %dma_wait3A_519] : memref<200x100xi32, #tpu.memory_space<vmem>> -> memref<1x100xi32, #tpu.memory_space<vmem>>
      %dma_wait3A_521 = tpu.memref_squeeze %dma_wait3A_520 : memref<1x100xi32, #tpu.memory_space<vmem>> -> memref<100xi32, #tpu.memory_space<vmem>>
      %dma_wait3A_522 = arith.constant 0 : i32
      %dma_wait3A_523 = arith.constant 0 : i32
      %dma_wait3A_524 = tpu.memref_slice %arg13[%dma_wait3A_522, %dma_wait3A_523] : memref<10240x64xf32, #tpu.memory_space<vmem_shared>> -> memref<10240x64xf32, #tpu.memory_space<vmem_shared>>
      tpu.wait_indirect_dma semaphore(%arg21 : memref<!tpu.dma_semaphore, #tpu.memory_space<semaphore_mem>>) src(%dma_wait3A_518 : memref<100x64xf32, #tpu.memory_space<vmem>>) dst(%dma_wait3A_524 : memref<10240x64xf32, #tpu.memory_space<vmem_shared>>)
      %add3A_525 = arith.constant 2 : i32
      %add3A_526 = arith.addi %add3A_485, %add3A_525 : i32
      %dma_start3A_527 = arith.constant 2 : i32
      %dma_start3A_528 = arith.constant 0 : i32
      %dma_start3A_529 = arith.constant 0 : i32
      %dma_start3A_530 = tpu.memref_slice %arg9[%dma_start3A_527, %dma_start3A_528, %dma_start3A_529] : memref<4x100x64xf32, #tpu.memory_space<vmem>> -> memref<1x100x64xf32, #tpu.memory_space<vmem>>
      %dma_start3A_531 = tpu.memref_squeeze %dma_start3A_530 : memref<1x100x64xf32, #tpu.memory_space<vmem>> -> memref<100x64xf32, #tpu.memory_space<vmem>>
      %dma_start3A_532 = arith.constant 0 : i32
      %dma_start3A_533 = tpu.memref_slice %arg7[%add3A_526, %dma_start3A_532] : memref<200x100xi32, #tpu.memory_space<vmem>> -> memref<1x100xi32, #tpu.memory_space<vmem>>
      %dma_start3A_534 = tpu.memref_squeeze %dma_start3A_533 : memref<1x100xi32, #tpu.memory_space<vmem>> -> memref<100xi32, #tpu.memory_space<vmem>>
      %dma_start3A_535 = arith.constant 0 : i32
      %dma_start3A_536 = arith.constant 0 : i32
      %dma_start3A_537 = tpu.memref_slice %arg2[%dma_start3A_535, %dma_start3A_536] : memref<20000x64xf32, #tpu.memory_space<hbm>> -> memref<20000x64xf32, #tpu.memory_space<hbm>>
      tpu.enqueue_indirect_dma source(%dma_start3A_537 : memref<20000x64xf32, #tpu.memory_space<hbm>>) target(%dma_start3A_531 : memref<100x64xf32, #tpu.memory_space<vmem>>) offsets(%dma_start3A_534 : memref<100xi32, #tpu.memory_space<vmem>>) semaphore(%arg17 : memref<!tpu.dma_semaphore, #tpu.memory_space<semaphore_mem>>)
      %add3A_538 = arith.constant 1 : i32
      %add3A_539 = arith.addi %add3A_483, %add3A_538 : i32
      %dma_wait3A_540 = arith.constant 1 : i32
      %dma_wait3A_541 = arith.constant 0 : i32
      %dma_wait3A_542 = arith.constant 0 : i32
      %dma_wait3A_543 = tpu.memref_slice %arg9[%dma_wait3A_540, %dma_wait3A_541, %dma_wait3A_542] : memref<4x100x64xf32, #tpu.memory_space<vmem>> -> memref<1x100x64xf32, #tpu.memory_space<vmem>>
      %dma_wait3A_544 = tpu.memref_squeeze %dma_wait3A_543 : memref<1x100x64xf32, #tpu.memory_space<vmem>> -> memref<100x64xf32, #tpu.memory_space<vmem>>
      %dma_wait3A_545 = arith.constant 0 : i32
      %dma_wait3A_546 = tpu.memref_slice %arg7[%add3A_539, %dma_wait3A_545] : memref<200x100xi32, #tpu.memory_space<vmem>> -> memref<1x100xi32, #tpu.memory_space<vmem>>
      %dma_wait3A_547 = tpu.memref_squeeze %dma_wait3A_546 : memref<1x100xi32, #tpu.memory_space<vmem>> -> memref<100xi32, #tpu.memory_space<vmem>>
      %dma_wait3A_548 = arith.constant 0 : i32
      %dma_wait3A_549 = arith.constant 0 : i32
      %dma_wait3A_550 = tpu.memref_slice %arg2[%dma_wait3A_548, %dma_wait3A_549] : memref<20000x64xf32, #tpu.memory_space<hbm>> -> memref<20000x64xf32, #tpu.memory_space<hbm>>
      tpu.wait_indirect_dma semaphore(%arg16 : memref<!tpu.dma_semaphore, #tpu.memory_space<semaphore_mem>>) src(%dma_wait3A_550 : memref<20000x64xf32, #tpu.memory_space<hbm>>) dst(%dma_wait3A_544 : memref<100x64xf32, #tpu.memory_space<vmem>>)
      %dma_start3A_551 = arith.constant 1 : i32
      %dma_start3A_552 = arith.constant 0 : i32
      %dma_start3A_553 = arith.constant 0 : i32
      %dma_start3A_554 = tpu.memref_slice %arg9[%dma_start3A_551, %dma_start3A_552, %dma_start3A_553] : memref<4x100x64xf32, #tpu.memory_space<vmem>> -> memref<1x100x64xf32, #tpu.memory_space<vmem>>
      %dma_start3A_555 = tpu.memref_squeeze %dma_start3A_554 : memref<1x100x64xf32, #tpu.memory_space<vmem>> -> memref<100x64xf32, #tpu.memory_space<vmem>>
      %dma_start3A_556 = arith.constant 0 : i32
      %dma_start3A_557 = tpu.memref_slice %arg8[%add3A_539, %dma_start3A_556] : memref<200x100xi32, #tpu.memory_space<vmem>> -> memref<1x100xi32, #tpu.memory_space<vmem>>
      %dma_start3A_558 = tpu.memref_squeeze %dma_start3A_557 : memref<1x100xi32, #tpu.memory_space<vmem>> -> memref<100xi32, #tpu.memory_space<vmem>>
      %dma_start3A_559 = arith.constant 0 : i32
      %dma_start3A_560 = arith.constant 0 : i32
      %dma_start3A_561 = tpu.memref_slice %arg13[%dma_start3A_559, %dma_start3A_560] : memref<10240x64xf32, #tpu.memory_space<vmem_shared>> -> memref<10240x64xf32, #tpu.memory_space<vmem_shared>>
      tpu.enqueue_indirect_dma source(%dma_start3A_555 : memref<100x64xf32, #tpu.memory_space<vmem>>) target(%dma_start3A_561 : memref<10240x64xf32, #tpu.memory_space<vmem_shared>>) offsets(%dma_start3A_558 : memref<100xi32, #tpu.memory_space<vmem>>) semaphore(%arg20 : memref<!tpu.dma_semaphore, #tpu.memory_space<semaphore_mem>>) {add = true}
      %eq3A_562 = arith.constant 0 : i32
      %eq3A_563 = arith.cmpi eq, %arg0, %eq3A_562 : i32
      %convert_element_type3A_564 = arith.extui %eq3A_563 : i1 to i32
      %cond3A_565 = arith.constant 0 : i32
      %cond3A_566 = arith.cmpi ne, %convert_element_type3A_564, %cond3A_565 : i32
      scf.if %cond3A_566 {
        %dma_wait3A_700 = arith.constant 0 : i32
        %dma_wait3A_701 = arith.constant 0 : i32
        %dma_wait3A_702 = tpu.memref_slice %arg8[%dma_wait3A_700, %dma_wait3A_701] : memref<200x100xi32, #tpu.memory_space<vmem>> -> memref<1x100xi32, #tpu.memory_space<vmem>>
        %dma_wait3A_703 = tpu.memref_squeeze %dma_wait3A_702 : memref<1x100xi32, #tpu.memory_space<vmem>> -> memref<100xi32, #tpu.memory_space<vmem>>
        %dma_wait3A_704 = arith.constant 0 : i32
        %dma_wait3A_705 = arith.constant 0 : i32
        %dma_wait3A_706 = tpu.memref_slice %arg14[%dma_wait3A_704, %dma_wait3A_705] : memref<10240x16xf32, #tpu.memory_space<vmem_shared>> -> memref<10240x16xf32, #tpu.memory_space<vmem_shared>>
        tpu.wait_indirect_dma semaphore(%arg24 : memref<!tpu.dma_semaphore, #tpu.memory_space<semaphore_mem>>) src(%arg12 : memref<100x16xf32, #tpu.memory_space<vmem>>) dst(%dma_wait3A_706 : memref<10240x16xf32, #tpu.memory_space<vmem_shared>>)
        %dma_start3A_707 = arith.constant 0 : i32
        %dma_start3A_708 = tpu.memref_slice %arg8[%add3A_539, %dma_start3A_707] : memref<200x100xi32, #tpu.memory_space<vmem>> -> memref<1x100xi32, #tpu.memory_space<vmem>>
        %dma_start3A_709 = tpu.memref_squeeze %dma_start3A_708 : memref<1x100xi32, #tpu.memory_space<vmem>> -> memref<100xi32, #tpu.memory_space<vmem>>
        %dma_start3A_710 = arith.constant 0 : i32
        %dma_start3A_711 = arith.constant 0 : i32
        %dma_start3A_712 = tpu.memref_slice %arg14[%dma_start3A_710, %dma_start3A_711] : memref<10240x16xf32, #tpu.memory_space<vmem_shared>> -> memref<10240x16xf32, #tpu.memory_space<vmem_shared>>
        tpu.enqueue_indirect_dma source(%arg12 : memref<100x16xf32, #tpu.memory_space<vmem>>) target(%dma_start3A_712 : memref<10240x16xf32, #tpu.memory_space<vmem_shared>>) offsets(%dma_start3A_709 : memref<100xi32, #tpu.memory_space<vmem>>) semaphore(%arg24 : memref<!tpu.dma_semaphore, #tpu.memory_space<semaphore_mem>>) {add = true}
      } else {
      }
      %dma_wait3A_567 = arith.constant 3 : i32
      %dma_wait3A_568 = arith.constant 0 : i32
      %dma_wait3A_569 = arith.constant 0 : i32
      %dma_wait3A_570 = arith.constant 0 : i32
      %dma_wait3A_571 = tpu.memref_slice %arg9[%dma_wait3A_567, %dma_wait3A_569, %dma_wait3A_570] : memref<4x100x64xf32, #tpu.memory_space<vmem>> -> memref<1x100x64xf32, #tpu.memory_space<vmem>>
      %dma_wait3A_572 = tpu.memref_squeeze %dma_wait3A_571 : memref<1x100x64xf32, #tpu.memory_space<vmem>> -> memref<100x64xf32, #tpu.memory_space<vmem>>
      %dma_wait3A_573 = arith.constant 0 : i32
      %dma_wait3A_574 = tpu.memref_slice %arg8[%dma_wait3A_568, %dma_wait3A_573] : memref<200x100xi32, #tpu.memory_space<vmem>> -> memref<1x100xi32, #tpu.memory_space<vmem>>
      %dma_wait3A_575 = tpu.memref_squeeze %dma_wait3A_574 : memref<1x100xi32, #tpu.memory_space<vmem>> -> memref<100xi32, #tpu.memory_space<vmem>>
      %dma_wait3A_576 = arith.constant 0 : i32
      %dma_wait3A_577 = arith.constant 0 : i32
      %dma_wait3A_578 = tpu.memref_slice %arg13[%dma_wait3A_576, %dma_wait3A_577] : memref<10240x64xf32, #tpu.memory_space<vmem_shared>> -> memref<10240x64xf32, #tpu.memory_space<vmem_shared>>
      tpu.wait_indirect_dma semaphore(%arg22 : memref<!tpu.dma_semaphore, #tpu.memory_space<semaphore_mem>>) src(%dma_wait3A_572 : memref<100x64xf32, #tpu.memory_space<vmem>>) dst(%dma_wait3A_578 : memref<10240x64xf32, #tpu.memory_space<vmem_shared>>)
      %add3A_579 = arith.constant 2 : i32
      %add3A_580 = arith.addi %add3A_539, %add3A_579 : i32
      %dma_start3A_581 = arith.constant 3 : i32
      %dma_start3A_582 = arith.constant 0 : i32
      %dma_start3A_583 = arith.constant 0 : i32
      %dma_start3A_584 = tpu.memref_slice %arg9[%dma_start3A_581, %dma_start3A_582, %dma_start3A_583] : memref<4x100x64xf32, #tpu.memory_space<vmem>> -> memref<1x100x64xf32, #tpu.memory_space<vmem>>
      %dma_start3A_585 = tpu.memref_squeeze %dma_start3A_584 : memref<1x100x64xf32, #tpu.memory_space<vmem>> -> memref<100x64xf32, #tpu.memory_space<vmem>>
      %dma_start3A_586 = arith.constant 0 : i32
      %dma_start3A_587 = tpu.memref_slice %arg7[%add3A_580, %dma_start3A_586] : memref<200x100xi32, #tpu.memory_space<vmem>> -> memref<1x100xi32, #tpu.memory_space<vmem>>
      %dma_start3A_588 = tpu.memref_squeeze %dma_start3A_587 : memref<1x100xi32, #tpu.memory_space<vmem>> -> memref<100xi32, #tpu.memory_space<vmem>>
      %dma_start3A_589 = arith.constant 0 : i32
      %dma_start3A_590 = arith.constant 0 : i32
      %dma_start3A_591 = tpu.memref_slice %arg2[%dma_start3A_589, %dma_start3A_590] : memref<20000x64xf32, #tpu.memory_space<hbm>> -> memref<20000x64xf32, #tpu.memory_space<hbm>>
      tpu.enqueue_indirect_dma source(%dma_start3A_591 : memref<20000x64xf32, #tpu.memory_space<hbm>>) target(%dma_start3A_585 : memref<100x64xf32, #tpu.memory_space<vmem>>) offsets(%dma_start3A_588 : memref<100xi32, #tpu.memory_space<vmem>>) semaphore(%arg18 : memref<!tpu.dma_semaphore, #tpu.memory_space<semaphore_mem>>)
      %add3A_592 = arith.constant 2 : i32
      %add3A_593 = arith.addi %add3A_483, %add3A_592 : i32
      %dma_wait3A_594 = arith.constant 2 : i32
      %dma_wait3A_595 = arith.constant 0 : i32
      %dma_wait3A_596 = arith.constant 0 : i32
      %dma_wait3A_597 = tpu.memref_slice %arg9[%dma_wait3A_594, %dma_wait3A_595, %dma_wait3A_596] : memref<4x100x64xf32, #tpu.memory_space<vmem>> -> memref<1x100x64xf32, #tpu.memory_space<vmem>>
      %dma_wait3A_598 = tpu.memref_squeeze %dma_wait3A_597 : memref<1x100x64xf32, #tpu.memory_space<vmem>> -> memref<100x64xf32, #tpu.memory_space<vmem>>
      %dma_wait3A_599 = arith.constant 0 : i32
      %dma_wait3A_600 = tpu.memref_slice %arg7[%add3A_593, %dma_wait3A_599] : memref<200x100xi32, #tpu.memory_space<vmem>> -> memref<1x100xi32, #tpu.memory_space<vmem>>
      %dma_wait3A_601 = tpu.memref_squeeze %dma_wait3A_600 : memref<1x100xi32, #tpu.memory_space<vmem>> -> memref<100xi32, #tpu.memory_space<vmem>>
      %dma_wait3A_602 = arith.constant 0 : i32
      %dma_wait3A_603 = arith.constant 0 : i32
      %dma_wait3A_604 = tpu.memref_slice %arg2[%dma_wait3A_602, %dma_wait3A_603] : memref<20000x64xf32, #tpu.memory_space<hbm>> -> memref<20000x64xf32, #tpu.memory_space<hbm>>
      tpu.wait_indirect_dma semaphore(%arg17 : memref<!tpu.dma_semaphore, #tpu.memory_space<semaphore_mem>>) src(%dma_wait3A_604 : memref<20000x64xf32, #tpu.memory_space<hbm>>) dst(%dma_wait3A_598 : memref<100x64xf32, #tpu.memory_space<vmem>>)
      %dma_start3A_605 = arith.constant 2 : i32
      %dma_start3A_606 = arith.constant 0 : i32
      %dma_start3A_607 = arith.constant 0 : i32
      %dma_start3A_608 = tpu.memref_slice %arg9[%dma_start3A_605, %dma_start3A_606, %dma_start3A_607] : memref<4x100x64xf32, #tpu.memory_space<vmem>> -> memref<1x100x64xf32, #tpu.memory_space<vmem>>
      %dma_start3A_609 = tpu.memref_squeeze %dma_start3A_608 : memref<1x100x64xf32, #tpu.memory_space<vmem>> -> memref<100x64xf32, #tpu.memory_space<vmem>>
      %dma_start3A_610 = arith.constant 0 : i32
      %dma_start3A_611 = tpu.memref_slice %arg8[%add3A_593, %dma_start3A_610] : memref<200x100xi32, #tpu.memory_space<vmem>> -> memref<1x100xi32, #tpu.memory_space<vmem>>
      %dma_start3A_612 = tpu.memref_squeeze %dma_start3A_611 : memref<1x100xi32, #tpu.memory_space<vmem>> -> memref<100xi32, #tpu.memory_space<vmem>>
      %dma_start3A_613 = arith.constant 0 : i32
      %dma_start3A_614 = arith.constant 0 : i32
      %dma_start3A_615 = tpu.memref_slice %arg13[%dma_start3A_613, %dma_start3A_614] : memref<10240x64xf32, #tpu.memory_space<vmem_shared>> -> memref<10240x64xf32, #tpu.memory_space<vmem_shared>>
      tpu.enqueue_indirect_dma source(%dma_start3A_609 : memref<100x64xf32, #tpu.memory_space<vmem>>) target(%dma_start3A_615 : memref<10240x64xf32, #tpu.memory_space<vmem_shared>>) offsets(%dma_start3A_612 : memref<100xi32, #tpu.memory_space<vmem>>) semaphore(%arg21 : memref<!tpu.dma_semaphore, #tpu.memory_space<semaphore_mem>>) {add = true}
      %eq3A_616 = arith.constant 0 : i32
      %eq3A_617 = arith.cmpi eq, %arg0, %eq3A_616 : i32
      %convert_element_type3A_618 = arith.extui %eq3A_617 : i1 to i32
      %cond3A_619 = arith.constant 0 : i32
      %cond3A_620 = arith.cmpi ne, %convert_element_type3A_618, %cond3A_619 : i32
      scf.if %cond3A_620 {
        %dma_wait3A_700 = arith.constant 0 : i32
        %dma_wait3A_701 = arith.constant 0 : i32
        %dma_wait3A_702 = tpu.memref_slice %arg8[%dma_wait3A_700, %dma_wait3A_701] : memref<200x100xi32, #tpu.memory_space<vmem>> -> memref<1x100xi32, #tpu.memory_space<vmem>>
        %dma_wait3A_703 = tpu.memref_squeeze %dma_wait3A_702 : memref<1x100xi32, #tpu.memory_space<vmem>> -> memref<100xi32, #tpu.memory_space<vmem>>
        %dma_wait3A_704 = arith.constant 0 : i32
        %dma_wait3A_705 = arith.constant 0 : i32
        %dma_wait3A_706 = tpu.memref_slice %arg14[%dma_wait3A_704, %dma_wait3A_705] : memref<10240x16xf32, #tpu.memory_space<vmem_shared>> -> memref<10240x16xf32, #tpu.memory_space<vmem_shared>>
        tpu.wait_indirect_dma semaphore(%arg23 : memref<!tpu.dma_semaphore, #tpu.memory_space<semaphore_mem>>) src(%arg12 : memref<100x16xf32, #tpu.memory_space<vmem>>) dst(%dma_wait3A_706 : memref<10240x16xf32, #tpu.memory_space<vmem_shared>>)
        %dma_start3A_707 = arith.constant 0 : i32
        %dma_start3A_708 = tpu.memref_slice %arg8[%add3A_593, %dma_start3A_707] : memref<200x100xi32, #tpu.memory_space<vmem>> -> memref<1x100xi32, #tpu.memory_space<vmem>>
        %dma_start3A_709 = tpu.memref_squeeze %dma_start3A_708 : memref<1x100xi32, #tpu.memory_space<vmem>> -> memref<100xi32, #tpu.memory_space<vmem>>
        %dma_start3A_710 = arith.constant 0 : i32
        %dma_start3A_711 = arith.constant 0 : i32
        %dma_start3A_712 = tpu.memref_slice %arg14[%dma_start3A_710, %dma_start3A_711] : memref<10240x16xf32, #tpu.memory_space<vmem_shared>> -> memref<10240x16xf32, #tpu.memory_space<vmem_shared>>
        tpu.enqueue_indirect_dma source(%arg12 : memref<100x16xf32, #tpu.memory_space<vmem>>) target(%dma_start3A_712 : memref<10240x16xf32, #tpu.memory_space<vmem_shared>>) offsets(%dma_start3A_709 : memref<100xi32, #tpu.memory_space<vmem>>) semaphore(%arg23 : memref<!tpu.dma_semaphore, #tpu.memory_space<semaphore_mem>>) {add = true}
      } else {
      }
      %dma_wait3A_621 = arith.constant 0 : i32
      %dma_wait3A_622 = arith.constant 0 : i32
      %dma_wait3A_623 = arith.constant 0 : i32
      %dma_wait3A_624 = arith.constant 0 : i32
      %dma_wait3A_625 = tpu.memref_slice %arg9[%dma_wait3A_621, %dma_wait3A_623, %dma_wait3A_624] : memref<4x100x64xf32, #tpu.memory_space<vmem>> -> memref<1x100x64xf32, #tpu.memory_space<vmem>>
      %dma_wait3A_626 = tpu.memref_squeeze %dma_wait3A_625 : memref<1x100x64xf32, #tpu.memory_space<vmem>> -> memref<100x64xf32, #tpu.memory_space<vmem>>
      %dma_wait3A_627 = arith.constant 0 : i32
      %dma_wait3A_628 = tpu.memref_slice %arg8[%dma_wait3A_622, %dma_wait3A_627] : memref<200x100xi32, #tpu.memory_space<vmem>> -> memref<1x100xi32, #tpu.memory_space<vmem>>
      %dma_wait3A_629 = tpu.memref_squeeze %dma_wait3A_628 : memref<1x100xi32, #tpu.memory_space<vmem>> -> memref<100xi32, #tpu.memory_space<vmem>>
      %dma_wait3A_630 = arith.constant 0 : i32
      %dma_wait3A_631 = arith.constant 0 : i32
      %dma_wait3A_632 = tpu.memref_slice %arg13[%dma_wait3A_630, %dma_wait3A_631] : memref<10240x64xf32, #tpu.memory_space<vmem_shared>> -> memref<10240x64xf32, #tpu.memory_space<vmem_shared>>
      tpu.wait_indirect_dma semaphore(%arg19 : memref<!tpu.dma_semaphore, #tpu.memory_space<semaphore_mem>>) src(%dma_wait3A_626 : memref<100x64xf32, #tpu.memory_space<vmem>>) dst(%dma_wait3A_632 : memref<10240x64xf32, #tpu.memory_space<vmem_shared>>)
      %add3A_633 = arith.constant 2 : i32
      %add3A_634 = arith.addi %add3A_593, %add3A_633 : i32
      %dma_start3A_635 = arith.constant 0 : i32
      %dma_start3A_636 = arith.constant 0 : i32
      %dma_start3A_637 = arith.constant 0 : i32
      %dma_start3A_638 = tpu.memref_slice %arg9[%dma_start3A_635, %dma_start3A_636, %dma_start3A_637] : memref<4x100x64xf32, #tpu.memory_space<vmem>> -> memref<1x100x64xf32, #tpu.memory_space<vmem>>
      %dma_start3A_639 = tpu.memref_squeeze %dma_start3A_638 : memref<1x100x64xf32, #tpu.memory_space<vmem>> -> memref<100x64xf32, #tpu.memory_space<vmem>>
      %dma_start3A_640 = arith.constant 0 : i32
      %dma_start3A_641 = tpu.memref_slice %arg7[%add3A_634, %dma_start3A_640] : memref<200x100xi32, #tpu.memory_space<vmem>> -> memref<1x100xi32, #tpu.memory_space<vmem>>
      %dma_start3A_642 = tpu.memref_squeeze %dma_start3A_641 : memref<1x100xi32, #tpu.memory_space<vmem>> -> memref<100xi32, #tpu.memory_space<vmem>>
      %dma_start3A_643 = arith.constant 0 : i32
      %dma_start3A_644 = arith.constant 0 : i32
      %dma_start3A_645 = tpu.memref_slice %arg2[%dma_start3A_643, %dma_start3A_644] : memref<20000x64xf32, #tpu.memory_space<hbm>> -> memref<20000x64xf32, #tpu.memory_space<hbm>>
      tpu.enqueue_indirect_dma source(%dma_start3A_645 : memref<20000x64xf32, #tpu.memory_space<hbm>>) target(%dma_start3A_639 : memref<100x64xf32, #tpu.memory_space<vmem>>) offsets(%dma_start3A_642 : memref<100xi32, #tpu.memory_space<vmem>>) semaphore(%arg15 : memref<!tpu.dma_semaphore, #tpu.memory_space<semaphore_mem>>)
      %add3A_646 = arith.constant 3 : i32
      %add3A_647 = arith.addi %add3A_483, %add3A_646 : i32
      %dma_wait3A_648 = arith.constant 3 : i32
      %dma_wait3A_649 = arith.constant 0 : i32
      %dma_wait3A_650 = arith.constant 0 : i32
      %dma_wait3A_651 = tpu.memref_slice %arg9[%dma_wait3A_648, %dma_wait3A_649, %dma_wait3A_650] : memref<4x100x64xf32, #tpu.memory_space<vmem>> -> memref<1x100x64xf32, #tpu.memory_space<vmem>>
      %dma_wait3A_652 = tpu.memref_squeeze %dma_wait3A_651 : memref<1x100x64xf32, #tpu.memory_space<vmem>> -> memref<100x64xf32, #tpu.memory_space<vmem>>
      %dma_wait3A_653 = arith.constant 0 : i32
      %dma_wait3A_654 = tpu.memref_slice %arg7[%add3A_647, %dma_wait3A_653] : memref<200x100xi32, #tpu.memory_space<vmem>> -> memref<1x100xi32, #tpu.memory_space<vmem>>
      %dma_wait3A_655 = tpu.memref_squeeze %dma_wait3A_654 : memref<1x100xi32, #tpu.memory_space<vmem>> -> memref<100xi32, #tpu.memory_space<vmem>>
      %dma_wait3A_656 = arith.constant 0 : i32
      %dma_wait3A_657 = arith.constant 0 : i32
      %dma_wait3A_658 = tpu.memref_slice %arg2[%dma_wait3A_656, %dma_wait3A_657] : memref<20000x64xf32, #tpu.memory_space<hbm>> -> memref<20000x64xf32, #tpu.memory_space<hbm>>
      tpu.wait_indirect_dma semaphore(%arg18 : memref<!tpu.dma_semaphore, #tpu.memory_space<semaphore_mem>>) src(%dma_wait3A_658 : memref<20000x64xf32, #tpu.memory_space<hbm>>) dst(%dma_wait3A_652 : memref<100x64xf32, #tpu.memory_space<vmem>>)
      %dma_start3A_659 = arith.constant 3 : i32
      %dma_start3A_660 = arith.constant 0 : i32
      %dma_start3A_661 = arith.constant 0 : i32
      %dma_start3A_662 = tpu.memref_slice %arg9[%dma_start3A_659, %dma_start3A_660, %dma_start3A_661] : memref<4x100x64xf32, #tpu.memory_space<vmem>> -> memref<1x100x64xf32, #tpu.memory_space<vmem>>
      %dma_start3A_663 = tpu.memref_squeeze %dma_start3A_662 : memref<1x100x64xf32, #tpu.memory_space<vmem>> -> memref<100x64xf32, #tpu.memory_space<vmem>>
      %dma_start3A_664 = arith.constant 0 : i32
      %dma_start3A_665 = tpu.memref_slice %arg8[%add3A_647, %dma_start3A_664] : memref<200x100xi32, #tpu.memory_space<vmem>> -> memref<1x100xi32, #tpu.memory_space<vmem>>
      %dma_start3A_666 = tpu.memref_squeeze %dma_start3A_665 : memref<1x100xi32, #tpu.memory_space<vmem>> -> memref<100xi32, #tpu.memory_space<vmem>>
      %dma_start3A_667 = arith.constant 0 : i32
      %dma_start3A_668 = arith.constant 0 : i32
      %dma_start3A_669 = tpu.memref_slice %arg13[%dma_start3A_667, %dma_start3A_668] : memref<10240x64xf32, #tpu.memory_space<vmem_shared>> -> memref<10240x64xf32, #tpu.memory_space<vmem_shared>>
      tpu.enqueue_indirect_dma source(%dma_start3A_663 : memref<100x64xf32, #tpu.memory_space<vmem>>) target(%dma_start3A_669 : memref<10240x64xf32, #tpu.memory_space<vmem_shared>>) offsets(%dma_start3A_666 : memref<100xi32, #tpu.memory_space<vmem>>) semaphore(%arg22 : memref<!tpu.dma_semaphore, #tpu.memory_space<semaphore_mem>>) {add = true}
      %eq3A_670 = arith.constant 0 : i32
      %eq3A_671 = arith.cmpi eq, %arg0, %eq3A_670 : i32
      %convert_element_type3A_672 = arith.extui %eq3A_671 : i1 to i32
      %cond3A_673 = arith.constant 0 : i32
      %cond3A_674 = arith.cmpi ne, %convert_element_type3A_672, %cond3A_673 : i32
      scf.if %cond3A_674 {
        %dma_wait3A_700 = arith.constant 0 : i32
        %dma_wait3A_701 = arith.constant 0 : i32
        %dma_wait3A_702 = tpu.memref_slice %arg8[%dma_wait3A_700, %dma_wait3A_701] : memref<200x100xi32, #tpu.memory_space<vmem>> -> memref<1x100xi32, #tpu.memory_space<vmem>>
        %dma_wait3A_703 = tpu.memref_squeeze %dma_wait3A_702 : memref<1x100xi32, #tpu.memory_space<vmem>> -> memref<100xi32, #tpu.memory_space<vmem>>
        %dma_wait3A_704 = arith.constant 0 : i32
        %dma_wait3A_705 = arith.constant 0 : i32
        %dma_wait3A_706 = tpu.memref_slice %arg14[%dma_wait3A_704, %dma_wait3A_705] : memref<10240x16xf32, #tpu.memory_space<vmem_shared>> -> memref<10240x16xf32, #tpu.memory_space<vmem_shared>>
        tpu.wait_indirect_dma semaphore(%arg24 : memref<!tpu.dma_semaphore, #tpu.memory_space<semaphore_mem>>) src(%arg12 : memref<100x16xf32, #tpu.memory_space<vmem>>) dst(%dma_wait3A_706 : memref<10240x16xf32, #tpu.memory_space<vmem_shared>>)
        %dma_start3A_707 = arith.constant 0 : i32
        %dma_start3A_708 = tpu.memref_slice %arg8[%add3A_647, %dma_start3A_707] : memref<200x100xi32, #tpu.memory_space<vmem>> -> memref<1x100xi32, #tpu.memory_space<vmem>>
        %dma_start3A_709 = tpu.memref_squeeze %dma_start3A_708 : memref<1x100xi32, #tpu.memory_space<vmem>> -> memref<100xi32, #tpu.memory_space<vmem>>
        %dma_start3A_710 = arith.constant 0 : i32
        %dma_start3A_711 = arith.constant 0 : i32
        %dma_start3A_712 = tpu.memref_slice %arg14[%dma_start3A_710, %dma_start3A_711] : memref<10240x16xf32, #tpu.memory_space<vmem_shared>> -> memref<10240x16xf32, #tpu.memory_space<vmem_shared>>
        tpu.enqueue_indirect_dma source(%arg12 : memref<100x16xf32, #tpu.memory_space<vmem>>) target(%dma_start3A_712 : memref<10240x16xf32, #tpu.memory_space<vmem_shared>>) offsets(%dma_start3A_709 : memref<100xi32, #tpu.memory_space<vmem>>) semaphore(%arg24 : memref<!tpu.dma_semaphore, #tpu.memory_space<semaphore_mem>>) {add = true}
      } else {
      }
      %dma_wait3A_675 = arith.constant 1 : i32
      %dma_wait3A_676 = arith.constant 0 : i32
      %dma_wait3A_677 = arith.constant 0 : i32
      %dma_wait3A_678 = arith.constant 0 : i32
      %dma_wait3A_679 = tpu.memref_slice %arg9[%dma_wait3A_675, %dma_wait3A_677, %dma_wait3A_678] : memref<4x100x64xf32, #tpu.memory_space<vmem>> -> memref<1x100x64xf32, #tpu.memory_space<vmem>>
      %dma_wait3A_680 = tpu.memref_squeeze %dma_wait3A_679 : memref<1x100x64xf32, #tpu.memory_space<vmem>> -> memref<100x64xf32, #tpu.memory_space<vmem>>
      %dma_wait3A_681 = arith.constant 0 : i32
      %dma_wait3A_682 = tpu.memref_slice %arg8[%dma_wait3A_676, %dma_wait3A_681] : memref<200x100xi32, #tpu.memory_space<vmem>> -> memref<1x100xi32, #tpu.memory_space<vmem>>
      %dma_wait3A_683 = tpu.memref_squeeze %dma_wait3A_682 : memref<1x100xi32, #tpu.memory_space<vmem>> -> memref<100xi32, #tpu.memory_space<vmem>>
      %dma_wait3A_684 = arith.constant 0 : i32
      %dma_wait3A_685 = arith.constant 0 : i32
      %dma_wait3A_686 = tpu.memref_slice %arg13[%dma_wait3A_684, %dma_wait3A_685] : memref<10240x64xf32, #tpu.memory_space<vmem_shared>> -> memref<10240x64xf32, #tpu.memory_space<vmem_shared>>
      tpu.wait_indirect_dma semaphore(%arg20 : memref<!tpu.dma_semaphore, #tpu.memory_space<semaphore_mem>>) src(%dma_wait3A_680 : memref<100x64xf32, #tpu.memory_space<vmem>>) dst(%dma_wait3A_686 : memref<10240x64xf32, #tpu.memory_space<vmem_shared>>)
      %add3A_687 = arith.constant 2 : i32
      %add3A_688 = arith.addi %add3A_647, %add3A_687 : i32
      %dma_start3A_689 = arith.constant 1 : i32
      %dma_start3A_690 = arith.constant 0 : i32
      %dma_start3A_691 = arith.constant 0 : i32
      %dma_start3A_692 = tpu.memref_slice %arg9[%dma_start3A_689, %dma_start3A_690, %dma_start3A_691] : memref<4x100x64xf32, #tpu.memory_space<vmem>> -> memref<1x100x64xf32, #tpu.memory_space<vmem>>
      %dma_start3A_693 = tpu.memref_squeeze %dma_start3A_692 : memref<1x100x64xf32, #tpu.memory_space<vmem>> -> memref<100x64xf32, #tpu.memory_space<vmem>>
      %dma_start3A_694 = arith.constant 0 : i32
      %dma_start3A_695 = tpu.memref_slice %arg7[%add3A_688, %dma_start3A_694] : memref<200x100xi32, #tpu.memory_space<vmem>> -> memref<1x100xi32, #tpu.memory_space<vmem>>
      %dma_start3A_696 = tpu.memref_squeeze %dma_start3A_695 : memref<1x100xi32, #tpu.memory_space<vmem>> -> memref<100xi32, #tpu.memory_space<vmem>>
      %dma_start3A_697 = arith.constant 0 : i32
      %dma_start3A_698 = arith.constant 0 : i32
      %dma_start3A_699 = tpu.memref_slice %arg2[%dma_start3A_697, %dma_start3A_698] : memref<20000x64xf32, #tpu.memory_space<hbm>> -> memref<20000x64xf32, #tpu.memory_space<hbm>>
      tpu.enqueue_indirect_dma source(%dma_start3A_699 : memref<20000x64xf32, #tpu.memory_space<hbm>>) target(%dma_start3A_693 : memref<100x64xf32, #tpu.memory_space<vmem>>) offsets(%dma_start3A_696 : memref<100xi32, #tpu.memory_space<vmem>>) semaphore(%arg16 : memref<!tpu.dma_semaphore, #tpu.memory_space<semaphore_mem>>)
    }
    %scan3A_251 = arith.constant 48 : i32
    %dma_wait3A_252 = arith.constant 196 : i32
    %dma_wait3A_253 = arith.constant 0 : i32
    %dma_wait3A_254 = arith.constant 0 : i32
    %dma_wait3A_255 = arith.constant 0 : i32
    %dma_wait3A_256 = tpu.memref_slice %arg9[%dma_wait3A_253, %dma_wait3A_254, %dma_wait3A_255] : memref<4x100x64xf32, #tpu.memory_space<vmem>> -> memref<1x100x64xf32, #tpu.memory_space<vmem>>
    %dma_wait3A_257 = tpu.memref_squeeze %dma_wait3A_256 : memref<1x100x64xf32, #tpu.memory_space<vmem>> -> memref<100x64xf32, #tpu.memory_space<vmem>>
    %dma_wait3A_258 = arith.constant 0 : i32
    %dma_wait3A_259 = tpu.memref_slice %arg7[%dma_wait3A_252, %dma_wait3A_258] : memref<200x100xi32, #tpu.memory_space<vmem>> -> memref<1x100xi32, #tpu.memory_space<vmem>>
    %dma_wait3A_260 = tpu.memref_squeeze %dma_wait3A_259 : memref<1x100xi32, #tpu.memory_space<vmem>> -> memref<100xi32, #tpu.memory_space<vmem>>
    %dma_wait3A_261 = arith.constant 0 : i32
    %dma_wait3A_262 = arith.constant 0 : i32
    %dma_wait3A_263 = tpu.memref_slice %arg2[%dma_wait3A_261, %dma_wait3A_262] : memref<20000x64xf32, #tpu.memory_space<hbm>> -> memref<20000x64xf32, #tpu.memory_space<hbm>>
    tpu.wait_indirect_dma semaphore(%arg15 : memref<!tpu.dma_semaphore, #tpu.memory_space<semaphore_mem>>) src(%dma_wait3A_263 : memref<20000x64xf32, #tpu.memory_space<hbm>>) dst(%dma_wait3A_257 : memref<100x64xf32, #tpu.memory_space<vmem>>)
    %dma_start3A_264 = arith.constant 0 : i32
    %dma_start3A_265 = arith.constant 196 : i32
    %dma_start3A_266 = arith.constant 0 : i32
    %dma_start3A_267 = arith.constant 0 : i32
    %dma_start3A_268 = tpu.memref_slice %arg9[%dma_start3A_264, %dma_start3A_266, %dma_start3A_267] : memref<4x100x64xf32, #tpu.memory_space<vmem>> -> memref<1x100x64xf32, #tpu.memory_space<vmem>>
    %dma_start3A_269 = tpu.memref_squeeze %dma_start3A_268 : memref<1x100x64xf32, #tpu.memory_space<vmem>> -> memref<100x64xf32, #tpu.memory_space<vmem>>
    %dma_start3A_270 = arith.constant 0 : i32
    %dma_start3A_271 = tpu.memref_slice %arg8[%dma_start3A_265, %dma_start3A_270] : memref<200x100xi32, #tpu.memory_space<vmem>> -> memref<1x100xi32, #tpu.memory_space<vmem>>
    %dma_start3A_272 = tpu.memref_squeeze %dma_start3A_271 : memref<1x100xi32, #tpu.memory_space<vmem>> -> memref<100xi32, #tpu.memory_space<vmem>>
    %dma_start3A_273 = arith.constant 0 : i32
    %dma_start3A_274 = arith.constant 0 : i32
    %dma_start3A_275 = tpu.memref_slice %arg13[%dma_start3A_273, %dma_start3A_274] : memref<10240x64xf32, #tpu.memory_space<vmem_shared>> -> memref<10240x64xf32, #tpu.memory_space<vmem_shared>>
    tpu.enqueue_indirect_dma source(%dma_start3A_269 : memref<100x64xf32, #tpu.memory_space<vmem>>) target(%dma_start3A_275 : memref<10240x64xf32, #tpu.memory_space<vmem_shared>>) offsets(%dma_start3A_272 : memref<100xi32, #tpu.memory_space<vmem>>) semaphore(%arg19 : memref<!tpu.dma_semaphore, #tpu.memory_space<semaphore_mem>>) {add = true}
    %eq3A_276 = arith.constant 0 : i32
    %eq3A_277 = arith.cmpi eq, %arg0, %eq3A_276 : i32
    %convert_element_type3A_278 = arith.extui %eq3A_277 : i1 to i32
    %cond3A_279 = arith.constant 0 : i32
    %cond3A_280 = arith.cmpi ne, %convert_element_type3A_278, %cond3A_279 : i32
    scf.if %cond3A_280 {
      %dma_wait3A_479 = arith.constant 0 : i32
      %dma_wait3A_480 = arith.constant 0 : i32
      %dma_wait3A_481 = tpu.memref_slice %arg8[%dma_wait3A_479, %dma_wait3A_480] : memref<200x100xi32, #tpu.memory_space<vmem>> -> memref<1x100xi32, #tpu.memory_space<vmem>>
      %dma_wait3A_482 = tpu.memref_squeeze %dma_wait3A_481 : memref<1x100xi32, #tpu.memory_space<vmem>> -> memref<100xi32, #tpu.memory_space<vmem>>
      %dma_wait3A_483 = arith.constant 0 : i32
      %dma_wait3A_484 = arith.constant 0 : i32
      %dma_wait3A_485 = tpu.memref_slice %arg14[%dma_wait3A_483, %dma_wait3A_484] : memref<10240x16xf32, #tpu.memory_space<vmem_shared>> -> memref<10240x16xf32, #tpu.memory_space<vmem_shared>>
      tpu.wait_indirect_dma semaphore(%arg23 : memref<!tpu.dma_semaphore, #tpu.memory_space<semaphore_mem>>) src(%arg12 : memref<100x16xf32, #tpu.memory_space<vmem>>) dst(%dma_wait3A_485 : memref<10240x16xf32, #tpu.memory_space<vmem_shared>>)
      %dma_start3A_486 = arith.constant 196 : i32
      %dma_start3A_487 = arith.constant 0 : i32
      %dma_start3A_488 = tpu.memref_slice %arg8[%dma_start3A_486, %dma_start3A_487] : memref<200x100xi32, #tpu.memory_space<vmem>> -> memref<1x100xi32, #tpu.memory_space<vmem>>
      %dma_start3A_489 = tpu.memref_squeeze %dma_start3A_488 : memref<1x100xi32, #tpu.memory_space<vmem>> -> memref<100xi32, #tpu.memory_space<vmem>>
      %dma_start3A_490 = arith.constant 0 : i32
      %dma_start3A_491 = arith.constant 0 : i32
      %dma_start3A_492 = tpu.memref_slice %arg14[%dma_start3A_490, %dma_start3A_491] : memref<10240x16xf32, #tpu.memory_space<vmem_shared>> -> memref<10240x16xf32, #tpu.memory_space<vmem_shared>>
      tpu.enqueue_indirect_dma source(%arg12 : memref<100x16xf32, #tpu.memory_space<vmem>>) target(%dma_start3A_492 : memref<10240x16xf32, #tpu.memory_space<vmem_shared>>) offsets(%dma_start3A_489 : memref<100xi32, #tpu.memory_space<vmem>>) semaphore(%arg23 : memref<!tpu.dma_semaphore, #tpu.memory_space<semaphore_mem>>) {add = true}
    } else {
    }
    %dma_wait3A_281 = arith.constant 2 : i32
    %dma_wait3A_282 = arith.constant 0 : i32
    %dma_wait3A_283 = arith.constant 0 : i32
    %dma_wait3A_284 = arith.constant 0 : i32
    %dma_wait3A_285 = tpu.memref_slice %arg9[%dma_wait3A_281, %dma_wait3A_283, %dma_wait3A_284] : memref<4x100x64xf32, #tpu.memory_space<vmem>> -> memref<1x100x64xf32, #tpu.memory_space<vmem>>
    %dma_wait3A_286 = tpu.memref_squeeze %dma_wait3A_285 : memref<1x100x64xf32, #tpu.memory_space<vmem>> -> memref<100x64xf32, #tpu.memory_space<vmem>>
    %dma_wait3A_287 = arith.constant 0 : i32
    %dma_wait3A_288 = tpu.memref_slice %arg8[%dma_wait3A_282, %dma_wait3A_287] : memref<200x100xi32, #tpu.memory_space<vmem>> -> memref<1x100xi32, #tpu.memory_space<vmem>>
    %dma_wait3A_289 = tpu.memref_squeeze %dma_wait3A_288 : memref<1x100xi32, #tpu.memory_space<vmem>> -> memref<100xi32, #tpu.memory_space<vmem>>
    %dma_wait3A_290 = arith.constant 0 : i32
    %dma_wait3A_291 = arith.constant 0 : i32
    %dma_wait3A_292 = tpu.memref_slice %arg13[%dma_wait3A_290, %dma_wait3A_291] : memref<10240x64xf32, #tpu.memory_space<vmem_shared>> -> memref<10240x64xf32, #tpu.memory_space<vmem_shared>>
    tpu.wait_indirect_dma semaphore(%arg21 : memref<!tpu.dma_semaphore, #tpu.memory_space<semaphore_mem>>) src(%dma_wait3A_286 : memref<100x64xf32, #tpu.memory_space<vmem>>) dst(%dma_wait3A_292 : memref<10240x64xf32, #tpu.memory_space<vmem_shared>>)
    %dma_start3A_293 = arith.constant 198 : i32
    %dma_start3A_294 = arith.constant 2 : i32
    %dma_start3A_295 = arith.constant 0 : i32
    %dma_start3A_296 = arith.constant 0 : i32
    %dma_start3A_297 = tpu.memref_slice %arg9[%dma_start3A_294, %dma_start3A_295, %dma_start3A_296] : memref<4x100x64xf32, #tpu.memory_space<vmem>> -> memref<1x100x64xf32, #tpu.memory_space<vmem>>
    %dma_start3A_298 = tpu.memref_squeeze %dma_start3A_297 : memref<1x100x64xf32, #tpu.memory_space<vmem>> -> memref<100x64xf32, #tpu.memory_space<vmem>>
    %dma_start3A_299 = arith.constant 0 : i32
    %dma_start3A_300 = tpu.memref_slice %arg7[%dma_start3A_293, %dma_start3A_299] : memref<200x100xi32, #tpu.memory_space<vmem>> -> memref<1x100xi32, #tpu.memory_space<vmem>>
    %dma_start3A_301 = tpu.memref_squeeze %dma_start3A_300 : memref<1x100xi32, #tpu.memory_space<vmem>> -> memref<100xi32, #tpu.memory_space<vmem>>
    %dma_start3A_302 = arith.constant 0 : i32
    %dma_start3A_303 = arith.constant 0 : i32
    %dma_start3A_304 = tpu.memref_slice %arg2[%dma_start3A_302, %dma_start3A_303] : memref<20000x64xf32, #tpu.memory_space<hbm>> -> memref<20000x64xf32, #tpu.memory_space<hbm>>
    tpu.enqueue_indirect_dma source(%dma_start3A_304 : memref<20000x64xf32, #tpu.memory_space<hbm>>) target(%dma_start3A_298 : memref<100x64xf32, #tpu.memory_space<vmem>>) offsets(%dma_start3A_301 : memref<100xi32, #tpu.memory_space<vmem>>) semaphore(%arg17 : memref<!tpu.dma_semaphore, #tpu.memory_space<semaphore_mem>>)
    %dma_wait3A_305 = arith.constant 197 : i32
    %dma_wait3A_306 = arith.constant 1 : i32
    %dma_wait3A_307 = arith.constant 0 : i32
    %dma_wait3A_308 = arith.constant 0 : i32
    %dma_wait3A_309 = tpu.memref_slice %arg9[%dma_wait3A_306, %dma_wait3A_307, %dma_wait3A_308] : memref<4x100x64xf32, #tpu.memory_space<vmem>> -> memref<1x100x64xf32, #tpu.memory_space<vmem>>
    %dma_wait3A_310 = tpu.memref_squeeze %dma_wait3A_309 : memref<1x100x64xf32, #tpu.memory_space<vmem>> -> memref<100x64xf32, #tpu.memory_space<vmem>>
    %dma_wait3A_311 = arith.constant 0 : i32
    %dma_wait3A_312 = tpu.memref_slice %arg7[%dma_wait3A_305, %dma_wait3A_311] : memref<200x100xi32, #tpu.memory_space<vmem>> -> memref<1x100xi32, #tpu.memory_space<vmem>>
    %dma_wait3A_313 = tpu.memref_squeeze %dma_wait3A_312 : memref<1x100xi32, #tpu.memory_space<vmem>> -> memref<100xi32, #tpu.memory_space<vmem>>
    %dma_wait3A_314 = arith.constant 0 : i32
    %dma_wait3A_315 = arith.constant 0 : i32
    %dma_wait3A_316 = tpu.memref_slice %arg2[%dma_wait3A_314, %dma_wait3A_315] : memref<20000x64xf32, #tpu.memory_space<hbm>> -> memref<20000x64xf32, #tpu.memory_space<hbm>>
    tpu.wait_indirect_dma semaphore(%arg16 : memref<!tpu.dma_semaphore, #tpu.memory_space<semaphore_mem>>) src(%dma_wait3A_316 : memref<20000x64xf32, #tpu.memory_space<hbm>>) dst(%dma_wait3A_310 : memref<100x64xf32, #tpu.memory_space<vmem>>)
    %dma_start3A_317 = arith.constant 1 : i32
    %dma_start3A_318 = arith.constant 197 : i32
    %dma_start3A_319 = arith.constant 0 : i32
    %dma_start3A_320 = arith.constant 0 : i32
    %dma_start3A_321 = tpu.memref_slice %arg9[%dma_start3A_317, %dma_start3A_319, %dma_start3A_320] : memref<4x100x64xf32, #tpu.memory_space<vmem>> -> memref<1x100x64xf32, #tpu.memory_space<vmem>>
    %dma_start3A_322 = tpu.memref_squeeze %dma_start3A_321 : memref<1x100x64xf32, #tpu.memory_space<vmem>> -> memref<100x64xf32, #tpu.memory_space<vmem>>
    %dma_start3A_323 = arith.constant 0 : i32
    %dma_start3A_324 = tpu.memref_slice %arg8[%dma_start3A_318, %dma_start3A_323] : memref<200x100xi32, #tpu.memory_space<vmem>> -> memref<1x100xi32, #tpu.memory_space<vmem>>
    %dma_start3A_325 = tpu.memref_squeeze %dma_start3A_324 : memref<1x100xi32, #tpu.memory_space<vmem>> -> memref<100xi32, #tpu.memory_space<vmem>>
    %dma_start3A_326 = arith.constant 0 : i32
    %dma_start3A_327 = arith.constant 0 : i32
    %dma_start3A_328 = tpu.memref_slice %arg13[%dma_start3A_326, %dma_start3A_327] : memref<10240x64xf32, #tpu.memory_space<vmem_shared>> -> memref<10240x64xf32, #tpu.memory_space<vmem_shared>>
    tpu.enqueue_indirect_dma source(%dma_start3A_322 : memref<100x64xf32, #tpu.memory_space<vmem>>) target(%dma_start3A_328 : memref<10240x64xf32, #tpu.memory_space<vmem_shared>>) offsets(%dma_start3A_325 : memref<100xi32, #tpu.memory_space<vmem>>) semaphore(%arg20 : memref<!tpu.dma_semaphore, #tpu.memory_space<semaphore_mem>>) {add = true}
    %eq3A_329 = arith.constant 0 : i32
    %eq3A_330 = arith.cmpi eq, %arg0, %eq3A_329 : i32
    %convert_element_type3A_331 = arith.extui %eq3A_330 : i1 to i32
    %cond3A_332 = arith.constant 0 : i32
    %cond3A_333 = arith.cmpi ne, %convert_element_type3A_331, %cond3A_332 : i32
    scf.if %cond3A_333 {
      %dma_wait3A_479 = arith.constant 0 : i32
      %dma_wait3A_480 = arith.constant 0 : i32
      %dma_wait3A_481 = tpu.memref_slice %arg8[%dma_wait3A_479, %dma_wait3A_480] : memref<200x100xi32, #tpu.memory_space<vmem>> -> memref<1x100xi32, #tpu.memory_space<vmem>>
      %dma_wait3A_482 = tpu.memref_squeeze %dma_wait3A_481 : memref<1x100xi32, #tpu.memory_space<vmem>> -> memref<100xi32, #tpu.memory_space<vmem>>
      %dma_wait3A_483 = arith.constant 0 : i32
      %dma_wait3A_484 = arith.constant 0 : i32
      %dma_wait3A_485 = tpu.memref_slice %arg14[%dma_wait3A_483, %dma_wait3A_484] : memref<10240x16xf32, #tpu.memory_space<vmem_shared>> -> memref<10240x16xf32, #tpu.memory_space<vmem_shared>>
      tpu.wait_indirect_dma semaphore(%arg24 : memref<!tpu.dma_semaphore, #tpu.memory_space<semaphore_mem>>) src(%arg12 : memref<100x16xf32, #tpu.memory_space<vmem>>) dst(%dma_wait3A_485 : memref<10240x16xf32, #tpu.memory_space<vmem_shared>>)
      %dma_start3A_486 = arith.constant 197 : i32
      %dma_start3A_487 = arith.constant 0 : i32
      %dma_start3A_488 = tpu.memref_slice %arg8[%dma_start3A_486, %dma_start3A_487] : memref<200x100xi32, #tpu.memory_space<vmem>> -> memref<1x100xi32, #tpu.memory_space<vmem>>
      %dma_start3A_489 = tpu.memref_squeeze %dma_start3A_488 : memref<1x100xi32, #tpu.memory_space<vmem>> -> memref<100xi32, #tpu.memory_space<vmem>>
      %dma_start3A_490 = arith.constant 0 : i32
      %dma_start3A_491 = arith.constant 0 : i32
      %dma_start3A_492 = tpu.memref_slice %arg14[%dma_start3A_490, %dma_start3A_491] : memref<10240x16xf32, #tpu.memory_space<vmem_shared>> -> memref<10240x16xf32, #tpu.memory_space<vmem_shared>>
      tpu.enqueue_indirect_dma source(%arg12 : memref<100x16xf32, #tpu.memory_space<vmem>>) target(%dma_start3A_492 : memref<10240x16xf32, #tpu.memory_space<vmem_shared>>) offsets(%dma_start3A_489 : memref<100xi32, #tpu.memory_space<vmem>>) semaphore(%arg24 : memref<!tpu.dma_semaphore, #tpu.memory_space<semaphore_mem>>) {add = true}
    } else {
    }
    %dma_wait3A_334 = arith.constant 3 : i32
    %dma_wait3A_335 = arith.constant 0 : i32
    %dma_wait3A_336 = arith.constant 0 : i32
    %dma_wait3A_337 = arith.constant 0 : i32
    %dma_wait3A_338 = tpu.memref_slice %arg9[%dma_wait3A_334, %dma_wait3A_336, %dma_wait3A_337] : memref<4x100x64xf32, #tpu.memory_space<vmem>> -> memref<1x100x64xf32, #tpu.memory_space<vmem>>
    %dma_wait3A_339 = tpu.memref_squeeze %dma_wait3A_338 : memref<1x100x64xf32, #tpu.memory_space<vmem>> -> memref<100x64xf32, #tpu.memory_space<vmem>>
    %dma_wait3A_340 = arith.constant 0 : i32
    %dma_wait3A_341 = tpu.memref_slice %arg8[%dma_wait3A_335, %dma_wait3A_340] : memref<200x100xi32, #tpu.memory_space<vmem>> -> memref<1x100xi32, #tpu.memory_space<vmem>>
    %dma_wait3A_342 = tpu.memref_squeeze %dma_wait3A_341 : memref<1x100xi32, #tpu.memory_space<vmem>> -> memref<100xi32, #tpu.memory_space<vmem>>
    %dma_wait3A_343 = arith.constant 0 : i32
    %dma_wait3A_344 = arith.constant 0 : i32
    %dma_wait3A_345 = tpu.memref_slice %arg13[%dma_wait3A_343, %dma_wait3A_344] : memref<10240x64xf32, #tpu.memory_space<vmem_shared>> -> memref<10240x64xf32, #tpu.memory_space<vmem_shared>>
    tpu.wait_indirect_dma semaphore(%arg22 : memref<!tpu.dma_semaphore, #tpu.memory_space<semaphore_mem>>) src(%dma_wait3A_339 : memref<100x64xf32, #tpu.memory_space<vmem>>) dst(%dma_wait3A_345 : memref<10240x64xf32, #tpu.memory_space<vmem_shared>>)
    %dma_start3A_346 = arith.constant 199 : i32
    %dma_start3A_347 = arith.constant 3 : i32
    %dma_start3A_348 = arith.constant 0 : i32
    %dma_start3A_349 = arith.constant 0 : i32
    %dma_start3A_350 = tpu.memref_slice %arg9[%dma_start3A_347, %dma_start3A_348, %dma_start3A_349] : memref<4x100x64xf32, #tpu.memory_space<vmem>> -> memref<1x100x64xf32, #tpu.memory_space<vmem>>
    %dma_start3A_351 = tpu.memref_squeeze %dma_start3A_350 : memref<1x100x64xf32, #tpu.memory_space<vmem>> -> memref<100x64xf32, #tpu.memory_space<vmem>>
    %dma_start3A_352 = arith.constant 0 : i32
    %dma_start3A_353 = tpu.memref_slice %arg7[%dma_start3A_346, %dma_start3A_352] : memref<200x100xi32, #tpu.memory_space<vmem>> -> memref<1x100xi32, #tpu.memory_space<vmem>>
    %dma_start3A_354 = tpu.memref_squeeze %dma_start3A_353 : memref<1x100xi32, #tpu.memory_space<vmem>> -> memref<100xi32, #tpu.memory_space<vmem>>
    %dma_start3A_355 = arith.constant 0 : i32
    %dma_start3A_356 = arith.constant 0 : i32
    %dma_start3A_357 = tpu.memref_slice %arg2[%dma_start3A_355, %dma_start3A_356] : memref<20000x64xf32, #tpu.memory_space<hbm>> -> memref<20000x64xf32, #tpu.memory_space<hbm>>
    tpu.enqueue_indirect_dma source(%dma_start3A_357 : memref<20000x64xf32, #tpu.memory_space<hbm>>) target(%dma_start3A_351 : memref<100x64xf32, #tpu.memory_space<vmem>>) offsets(%dma_start3A_354 : memref<100xi32, #tpu.memory_space<vmem>>) semaphore(%arg18 : memref<!tpu.dma_semaphore, #tpu.memory_space<semaphore_mem>>)
    %dma_wait3A_358 = arith.constant 198 : i32
    %dma_wait3A_359 = arith.constant 2 : i32
    %dma_wait3A_360 = arith.constant 0 : i32
    %dma_wait3A_361 = arith.constant 0 : i32
    %dma_wait3A_362 = tpu.memref_slice %arg9[%dma_wait3A_359, %dma_wait3A_360, %dma_wait3A_361] : memref<4x100x64xf32, #tpu.memory_space<vmem>> -> memref<1x100x64xf32, #tpu.memory_space<vmem>>
    %dma_wait3A_363 = tpu.memref_squeeze %dma_wait3A_362 : memref<1x100x64xf32, #tpu.memory_space<vmem>> -> memref<100x64xf32, #tpu.memory_space<vmem>>
    %dma_wait3A_364 = arith.constant 0 : i32
    %dma_wait3A_365 = tpu.memref_slice %arg7[%dma_wait3A_358, %dma_wait3A_364] : memref<200x100xi32, #tpu.memory_space<vmem>> -> memref<1x100xi32, #tpu.memory_space<vmem>>
    %dma_wait3A_366 = tpu.memref_squeeze %dma_wait3A_365 : memref<1x100xi32, #tpu.memory_space<vmem>> -> memref<100xi32, #tpu.memory_space<vmem>>
    %dma_wait3A_367 = arith.constant 0 : i32
    %dma_wait3A_368 = arith.constant 0 : i32
    %dma_wait3A_369 = tpu.memref_slice %arg2[%dma_wait3A_367, %dma_wait3A_368] : memref<20000x64xf32, #tpu.memory_space<hbm>> -> memref<20000x64xf32, #tpu.memory_space<hbm>>
    tpu.wait_indirect_dma semaphore(%arg17 : memref<!tpu.dma_semaphore, #tpu.memory_space<semaphore_mem>>) src(%dma_wait3A_369 : memref<20000x64xf32, #tpu.memory_space<hbm>>) dst(%dma_wait3A_363 : memref<100x64xf32, #tpu.memory_space<vmem>>)
    %dma_start3A_370 = arith.constant 2 : i32
    %dma_start3A_371 = arith.constant 198 : i32
    %dma_start3A_372 = arith.constant 0 : i32
    %dma_start3A_373 = arith.constant 0 : i32
    %dma_start3A_374 = tpu.memref_slice %arg9[%dma_start3A_370, %dma_start3A_372, %dma_start3A_373] : memref<4x100x64xf32, #tpu.memory_space<vmem>> -> memref<1x100x64xf32, #tpu.memory_space<vmem>>
    %dma_start3A_375 = tpu.memref_squeeze %dma_start3A_374 : memref<1x100x64xf32, #tpu.memory_space<vmem>> -> memref<100x64xf32, #tpu.memory_space<vmem>>
    %dma_start3A_376 = arith.constant 0 : i32
    %dma_start3A_377 = tpu.memref_slice %arg8[%dma_start3A_371, %dma_start3A_376] : memref<200x100xi32, #tpu.memory_space<vmem>> -> memref<1x100xi32, #tpu.memory_space<vmem>>
    %dma_start3A_378 = tpu.memref_squeeze %dma_start3A_377 : memref<1x100xi32, #tpu.memory_space<vmem>> -> memref<100xi32, #tpu.memory_space<vmem>>
    %dma_start3A_379 = arith.constant 0 : i32
    %dma_start3A_380 = arith.constant 0 : i32
    %dma_start3A_381 = tpu.memref_slice %arg13[%dma_start3A_379, %dma_start3A_380] : memref<10240x64xf32, #tpu.memory_space<vmem_shared>> -> memref<10240x64xf32, #tpu.memory_space<vmem_shared>>
    tpu.enqueue_indirect_dma source(%dma_start3A_375 : memref<100x64xf32, #tpu.memory_space<vmem>>) target(%dma_start3A_381 : memref<10240x64xf32, #tpu.memory_space<vmem_shared>>) offsets(%dma_start3A_378 : memref<100xi32, #tpu.memory_space<vmem>>) semaphore(%arg21 : memref<!tpu.dma_semaphore, #tpu.memory_space<semaphore_mem>>) {add = true}
    %eq3A_382 = arith.constant 0 : i32
    %eq3A_383 = arith.cmpi eq, %arg0, %eq3A_382 : i32
    %convert_element_type3A_384 = arith.extui %eq3A_383 : i1 to i32
    %cond3A_385 = arith.constant 0 : i32
    %cond3A_386 = arith.cmpi ne, %convert_element_type3A_384, %cond3A_385 : i32
    scf.if %cond3A_386 {
      %dma_wait3A_479 = arith.constant 0 : i32
      %dma_wait3A_480 = arith.constant 0 : i32
      %dma_wait3A_481 = tpu.memref_slice %arg8[%dma_wait3A_479, %dma_wait3A_480] : memref<200x100xi32, #tpu.memory_space<vmem>> -> memref<1x100xi32, #tpu.memory_space<vmem>>
      %dma_wait3A_482 = tpu.memref_squeeze %dma_wait3A_481 : memref<1x100xi32, #tpu.memory_space<vmem>> -> memref<100xi32, #tpu.memory_space<vmem>>
      %dma_wait3A_483 = arith.constant 0 : i32
      %dma_wait3A_484 = arith.constant 0 : i32
      %dma_wait3A_485 = tpu.memref_slice %arg14[%dma_wait3A_483, %dma_wait3A_484] : memref<10240x16xf32, #tpu.memory_space<vmem_shared>> -> memref<10240x16xf32, #tpu.memory_space<vmem_shared>>
      tpu.wait_indirect_dma semaphore(%arg23 : memref<!tpu.dma_semaphore, #tpu.memory_space<semaphore_mem>>) src(%arg12 : memref<100x16xf32, #tpu.memory_space<vmem>>) dst(%dma_wait3A_485 : memref<10240x16xf32, #tpu.memory_space<vmem_shared>>)
      %dma_start3A_486 = arith.constant 198 : i32
      %dma_start3A_487 = arith.constant 0 : i32
      %dma_start3A_488 = tpu.memref_slice %arg8[%dma_start3A_486, %dma_start3A_487] : memref<200x100xi32, #tpu.memory_space<vmem>> -> memref<1x100xi32, #tpu.memory_space<vmem>>
      %dma_start3A_489 = tpu.memref_squeeze %dma_start3A_488 : memref<1x100xi32, #tpu.memory_space<vmem>> -> memref<100xi32, #tpu.memory_space<vmem>>
      %dma_start3A_490 = arith.constant 0 : i32
      %dma_start3A_491 = arith.constant 0 : i32
      %dma_start3A_492 = tpu.memref_slice %arg14[%dma_start3A_490, %dma_start3A_491] : memref<10240x16xf32, #tpu.memory_space<vmem_shared>> -> memref<10240x16xf32, #tpu.memory_space<vmem_shared>>
      tpu.enqueue_indirect_dma source(%arg12 : memref<100x16xf32, #tpu.memory_space<vmem>>) target(%dma_start3A_492 : memref<10240x16xf32, #tpu.memory_space<vmem_shared>>) offsets(%dma_start3A_489 : memref<100xi32, #tpu.memory_space<vmem>>) semaphore(%arg23 : memref<!tpu.dma_semaphore, #tpu.memory_space<semaphore_mem>>) {add = true}
    } else {
    }
    %dma_wait3A_387 = arith.constant 199 : i32
    %dma_wait3A_388 = arith.constant 3 : i32
    %dma_wait3A_389 = arith.constant 0 : i32
    %dma_wait3A_390 = arith.constant 0 : i32
    %dma_wait3A_391 = tpu.memref_slice %arg9[%dma_wait3A_388, %dma_wait3A_389, %dma_wait3A_390] : memref<4x100x64xf32, #tpu.memory_space<vmem>> -> memref<1x100x64xf32, #tpu.memory_space<vmem>>
    %dma_wait3A_392 = tpu.memref_squeeze %dma_wait3A_391 : memref<1x100x64xf32, #tpu.memory_space<vmem>> -> memref<100x64xf32, #tpu.memory_space<vmem>>
    %dma_wait3A_393 = arith.constant 0 : i32
    %dma_wait3A_394 = tpu.memref_slice %arg7[%dma_wait3A_387, %dma_wait3A_393] : memref<200x100xi32, #tpu.memory_space<vmem>> -> memref<1x100xi32, #tpu.memory_space<vmem>>
    %dma_wait3A_395 = tpu.memref_squeeze %dma_wait3A_394 : memref<1x100xi32, #tpu.memory_space<vmem>> -> memref<100xi32, #tpu.memory_space<vmem>>
    %dma_wait3A_396 = arith.constant 0 : i32
    %dma_wait3A_397 = arith.constant 0 : i32
    %dma_wait3A_398 = tpu.memref_slice %arg2[%dma_wait3A_396, %dma_wait3A_397] : memref<20000x64xf32, #tpu.memory_space<hbm>> -> memref<20000x64xf32, #tpu.memory_space<hbm>>
    tpu.wait_indirect_dma semaphore(%arg18 : memref<!tpu.dma_semaphore, #tpu.memory_space<semaphore_mem>>) src(%dma_wait3A_398 : memref<20000x64xf32, #tpu.memory_space<hbm>>) dst(%dma_wait3A_392 : memref<100x64xf32, #tpu.memory_space<vmem>>)
    %dma_start3A_399 = arith.constant 3 : i32
    %dma_start3A_400 = arith.constant 199 : i32
    %dma_start3A_401 = arith.constant 0 : i32
    %dma_start3A_402 = arith.constant 0 : i32
    %dma_start3A_403 = tpu.memref_slice %arg9[%dma_start3A_399, %dma_start3A_401, %dma_start3A_402] : memref<4x100x64xf32, #tpu.memory_space<vmem>> -> memref<1x100x64xf32, #tpu.memory_space<vmem>>
    %dma_start3A_404 = tpu.memref_squeeze %dma_start3A_403 : memref<1x100x64xf32, #tpu.memory_space<vmem>> -> memref<100x64xf32, #tpu.memory_space<vmem>>
    %dma_start3A_405 = arith.constant 0 : i32
    %dma_start3A_406 = tpu.memref_slice %arg8[%dma_start3A_400, %dma_start3A_405] : memref<200x100xi32, #tpu.memory_space<vmem>> -> memref<1x100xi32, #tpu.memory_space<vmem>>
    %dma_start3A_407 = tpu.memref_squeeze %dma_start3A_406 : memref<1x100xi32, #tpu.memory_space<vmem>> -> memref<100xi32, #tpu.memory_space<vmem>>
    %dma_start3A_408 = arith.constant 0 : i32
    %dma_start3A_409 = arith.constant 0 : i32
    %dma_start3A_410 = tpu.memref_slice %arg13[%dma_start3A_408, %dma_start3A_409] : memref<10240x64xf32, #tpu.memory_space<vmem_shared>> -> memref<10240x64xf32, #tpu.memory_space<vmem_shared>>
    tpu.enqueue_indirect_dma source(%dma_start3A_404 : memref<100x64xf32, #tpu.memory_space<vmem>>) target(%dma_start3A_410 : memref<10240x64xf32, #tpu.memory_space<vmem_shared>>) offsets(%dma_start3A_407 : memref<100xi32, #tpu.memory_space<vmem>>) semaphore(%arg22 : memref<!tpu.dma_semaphore, #tpu.memory_space<semaphore_mem>>) {add = true}
    %eq3A_411 = arith.constant 0 : i32
    %eq3A_412 = arith.cmpi eq, %arg0, %eq3A_411 : i32
    %convert_element_type3A_413 = arith.extui %eq3A_412 : i1 to i32
    %cond3A_414 = arith.constant 0 : i32
    %cond3A_415 = arith.cmpi ne, %convert_element_type3A_413, %cond3A_414 : i32
    scf.if %cond3A_415 {
      %dma_wait3A_479 = arith.constant 0 : i32
      %dma_wait3A_480 = arith.constant 0 : i32
      %dma_wait3A_481 = tpu.memref_slice %arg8[%dma_wait3A_479, %dma_wait3A_480] : memref<200x100xi32, #tpu.memory_space<vmem>> -> memref<1x100xi32, #tpu.memory_space<vmem>>
      %dma_wait3A_482 = tpu.memref_squeeze %dma_wait3A_481 : memref<1x100xi32, #tpu.memory_space<vmem>> -> memref<100xi32, #tpu.memory_space<vmem>>
      %dma_wait3A_483 = arith.constant 0 : i32
      %dma_wait3A_484 = arith.constant 0 : i32
      %dma_wait3A_485 = tpu.memref_slice %arg14[%dma_wait3A_483, %dma_wait3A_484] : memref<10240x16xf32, #tpu.memory_space<vmem_shared>> -> memref<10240x16xf32, #tpu.memory_space<vmem_shared>>
      tpu.wait_indirect_dma semaphore(%arg24 : memref<!tpu.dma_semaphore, #tpu.memory_space<semaphore_mem>>) src(%arg12 : memref<100x16xf32, #tpu.memory_space<vmem>>) dst(%dma_wait3A_485 : memref<10240x16xf32, #tpu.memory_space<vmem_shared>>)
      %dma_start3A_486 = arith.constant 199 : i32
      %dma_start3A_487 = arith.constant 0 : i32
      %dma_start3A_488 = tpu.memref_slice %arg8[%dma_start3A_486, %dma_start3A_487] : memref<200x100xi32, #tpu.memory_space<vmem>> -> memref<1x100xi32, #tpu.memory_space<vmem>>
      %dma_start3A_489 = tpu.memref_squeeze %dma_start3A_488 : memref<1x100xi32, #tpu.memory_space<vmem>> -> memref<100xi32, #tpu.memory_space<vmem>>
      %dma_start3A_490 = arith.constant 0 : i32
      %dma_start3A_491 = arith.constant 0 : i32
      %dma_start3A_492 = tpu.memref_slice %arg14[%dma_start3A_490, %dma_start3A_491] : memref<10240x16xf32, #tpu.memory_space<vmem_shared>> -> memref<10240x16xf32, #tpu.memory_space<vmem_shared>>
      tpu.enqueue_indirect_dma source(%arg12 : memref<100x16xf32, #tpu.memory_space<vmem>>) target(%dma_start3A_492 : memref<10240x16xf32, #tpu.memory_space<vmem_shared>>) offsets(%dma_start3A_489 : memref<100xi32, #tpu.memory_space<vmem>>) semaphore(%arg24 : memref<!tpu.dma_semaphore, #tpu.memory_space<semaphore_mem>>) {add = true}
    } else {
    }
    %dma_wait3A_416 = arith.constant 0 : i32
    %dma_wait3A_417 = arith.constant 0 : i32
    %dma_wait3A_418 = arith.constant 0 : i32
    %dma_wait3A_419 = arith.constant 0 : i32
    %dma_wait3A_420 = tpu.memref_slice %arg9[%dma_wait3A_416, %dma_wait3A_418, %dma_wait3A_419] : memref<4x100x64xf32, #tpu.memory_space<vmem>> -> memref<1x100x64xf32, #tpu.memory_space<vmem>>
    %dma_wait3A_421 = tpu.memref_squeeze %dma_wait3A_420 : memref<1x100x64xf32, #tpu.memory_space<vmem>> -> memref<100x64xf32, #tpu.memory_space<vmem>>
    %dma_wait3A_422 = arith.constant 0 : i32
    %dma_wait3A_423 = tpu.memref_slice %arg8[%dma_wait3A_417, %dma_wait3A_422] : memref<200x100xi32, #tpu.memory_space<vmem>> -> memref<1x100xi32, #tpu.memory_space<vmem>>
    %dma_wait3A_424 = tpu.memref_squeeze %dma_wait3A_423 : memref<1x100xi32, #tpu.memory_space<vmem>> -> memref<100xi32, #tpu.memory_space<vmem>>
    %dma_wait3A_425 = arith.constant 0 : i32
    %dma_wait3A_426 = arith.constant 0 : i32
    %dma_wait3A_427 = tpu.memref_slice %arg13[%dma_wait3A_425, %dma_wait3A_426] : memref<10240x64xf32, #tpu.memory_space<vmem_shared>> -> memref<10240x64xf32, #tpu.memory_space<vmem_shared>>
    tpu.wait_indirect_dma semaphore(%arg19 : memref<!tpu.dma_semaphore, #tpu.memory_space<semaphore_mem>>) src(%dma_wait3A_421 : memref<100x64xf32, #tpu.memory_space<vmem>>) dst(%dma_wait3A_427 : memref<10240x64xf32, #tpu.memory_space<vmem_shared>>)
    %dma_wait3A_428 = arith.constant 1 : i32
    %dma_wait3A_429 = arith.constant 0 : i32
    %dma_wait3A_430 = arith.constant 0 : i32
    %dma_wait3A_431 = arith.constant 0 : i32
    %dma_wait3A_432 = tpu.memref_slice %arg9[%dma_wait3A_428, %dma_wait3A_430, %dma_wait3A_431] : memref<4x100x64xf32, #tpu.memory_space<vmem>> -> memref<1x100x64xf32, #tpu.memory_space<vmem>>
    %dma_wait3A_433 = tpu.memref_squeeze %dma_wait3A_432 : memref<1x100x64xf32, #tpu.memory_space<vmem>> -> memref<100x64xf32, #tpu.memory_space<vmem>>
    %dma_wait3A_434 = arith.constant 0 : i32
    %dma_wait3A_435 = tpu.memref_slice %arg8[%dma_wait3A_429, %dma_wait3A_434] : memref<200x100xi32, #tpu.memory_space<vmem>> -> memref<1x100xi32, #tpu.memory_space<vmem>>
    %dma_wait3A_436 = tpu.memref_squeeze %dma_wait3A_435 : memref<1x100xi32, #tpu.memory_space<vmem>> -> memref<100xi32, #tpu.memory_space<vmem>>
    %dma_wait3A_437 = arith.constant 0 : i32
    %dma_wait3A_438 = arith.constant 0 : i32
    %dma_wait3A_439 = tpu.memref_slice %arg13[%dma_wait3A_437, %dma_wait3A_438] : memref<10240x64xf32, #tpu.memory_space<vmem_shared>> -> memref<10240x64xf32, #tpu.memory_space<vmem_shared>>
    tpu.wait_indirect_dma semaphore(%arg20 : memref<!tpu.dma_semaphore, #tpu.memory_space<semaphore_mem>>) src(%dma_wait3A_433 : memref<100x64xf32, #tpu.memory_space<vmem>>) dst(%dma_wait3A_439 : memref<10240x64xf32, #tpu.memory_space<vmem_shared>>)
    %dma_wait3A_440 = arith.constant 2 : i32
    %dma_wait3A_441 = arith.constant 0 : i32
    %dma_wait3A_442 = arith.constant 0 : i32
    %dma_wait3A_443 = arith.constant 0 : i32
    %dma_wait3A_444 = tpu.memref_slice %arg9[%dma_wait3A_440, %dma_wait3A_442, %dma_wait3A_443] : memref<4x100x64xf32, #tpu.memory_space<vmem>> -> memref<1x100x64xf32, #tpu.memory_space<vmem>>
    %dma_wait3A_445 = tpu.memref_squeeze %dma_wait3A_444 : memref<1x100x64xf32, #tpu.memory_space<vmem>> -> memref<100x64xf32, #tpu.memory_space<vmem>>
    %dma_wait3A_446 = arith.constant 0 : i32
    %dma_wait3A_447 = tpu.memref_slice %arg8[%dma_wait3A_441, %dma_wait3A_446] : memref<200x100xi32, #tpu.memory_space<vmem>> -> memref<1x100xi32, #tpu.memory_space<vmem>>
    %dma_wait3A_448 = tpu.memref_squeeze %dma_wait3A_447 : memref<1x100xi32, #tpu.memory_space<vmem>> -> memref<100xi32, #tpu.memory_space<vmem>>
    %dma_wait3A_449 = arith.constant 0 : i32
    %dma_wait3A_450 = arith.constant 0 : i32
    %dma_wait3A_451 = tpu.memref_slice %arg13[%dma_wait3A_449, %dma_wait3A_450] : memref<10240x64xf32, #tpu.memory_space<vmem_shared>> -> memref<10240x64xf32, #tpu.memory_space<vmem_shared>>
    tpu.wait_indirect_dma semaphore(%arg21 : memref<!tpu.dma_semaphore, #tpu.memory_space<semaphore_mem>>) src(%dma_wait3A_445 : memref<100x64xf32, #tpu.memory_space<vmem>>) dst(%dma_wait3A_451 : memref<10240x64xf32, #tpu.memory_space<vmem_shared>>)
    %dma_wait3A_452 = arith.constant 3 : i32
    %dma_wait3A_453 = arith.constant 0 : i32
    %dma_wait3A_454 = arith.constant 0 : i32
    %dma_wait3A_455 = arith.constant 0 : i32
    %dma_wait3A_456 = tpu.memref_slice %arg9[%dma_wait3A_452, %dma_wait3A_454, %dma_wait3A_455] : memref<4x100x64xf32, #tpu.memory_space<vmem>> -> memref<1x100x64xf32, #tpu.memory_space<vmem>>
    %dma_wait3A_457 = tpu.memref_squeeze %dma_wait3A_456 : memref<1x100x64xf32, #tpu.memory_space<vmem>> -> memref<100x64xf32, #tpu.memory_space<vmem>>
    %dma_wait3A_458 = arith.constant 0 : i32
    %dma_wait3A_459 = tpu.memref_slice %arg8[%dma_wait3A_453, %dma_wait3A_458] : memref<200x100xi32, #tpu.memory_space<vmem>> -> memref<1x100xi32, #tpu.memory_space<vmem>>
    %dma_wait3A_460 = tpu.memref_squeeze %dma_wait3A_459 : memref<1x100xi32, #tpu.memory_space<vmem>> -> memref<100xi32, #tpu.memory_space<vmem>>
    %dma_wait3A_461 = arith.constant 0 : i32
    %dma_wait3A_462 = arith.constant 0 : i32
    %dma_wait3A_463 = tpu.memref_slice %arg13[%dma_wait3A_461, %dma_wait3A_462] : memref<10240x64xf32, #tpu.memory_space<vmem_shared>> -> memref<10240x64xf32, #tpu.memory_space<vmem_shared>>
    tpu.wait_indirect_dma semaphore(%arg22 : memref<!tpu.dma_semaphore, #tpu.memory_space<semaphore_mem>>) src(%dma_wait3A_457 : memref<100x64xf32, #tpu.memory_space<vmem>>) dst(%dma_wait3A_463 : memref<10240x64xf32, #tpu.memory_space<vmem_shared>>)
    %eq3A_464 = arith.constant 0 : i32
    %eq3A_465 = arith.cmpi eq, %arg0, %eq3A_464 : i32
    %convert_element_type3A_466 = arith.extui %eq3A_465 : i1 to i32
    %cond3A_467 = arith.constant 0 : i32
    %cond3A_468 = arith.cmpi ne, %convert_element_type3A_466, %cond3A_467 : i32
    scf.if %cond3A_468 {
      %dma_wait3A_479 = arith.constant 0 : i32
      %dma_wait3A_480 = arith.constant 0 : i32
      %dma_wait3A_481 = tpu.memref_slice %arg8[%dma_wait3A_479, %dma_wait3A_480] : memref<200x100xi32, #tpu.memory_space<vmem>> -> memref<1x100xi32, #tpu.memory_space<vmem>>
      %dma_wait3A_482 = tpu.memref_squeeze %dma_wait3A_481 : memref<1x100xi32, #tpu.memory_space<vmem>> -> memref<100xi32, #tpu.memory_space<vmem>>
      %dma_wait3A_483 = arith.constant 0 : i32
      %dma_wait3A_484 = arith.constant 0 : i32
      %dma_wait3A_485 = tpu.memref_slice %arg14[%dma_wait3A_483, %dma_wait3A_484] : memref<10240x16xf32, #tpu.memory_space<vmem_shared>> -> memref<10240x16xf32, #tpu.memory_space<vmem_shared>>
      tpu.wait_indirect_dma semaphore(%arg23 : memref<!tpu.dma_semaphore, #tpu.memory_space<semaphore_mem>>) src(%arg12 : memref<100x16xf32, #tpu.memory_space<vmem>>) dst(%dma_wait3A_485 : memref<10240x16xf32, #tpu.memory_space<vmem_shared>>)
      %dma_wait3A_486 = arith.constant 0 : i32
      %dma_wait3A_487 = arith.constant 0 : i32
      %dma_wait3A_488 = tpu.memref_slice %arg8[%dma_wait3A_486, %dma_wait3A_487] : memref<200x100xi32, #tpu.memory_space<vmem>> -> memref<1x100xi32, #tpu.memory_space<vmem>>
      %dma_wait3A_489 = tpu.memref_squeeze %dma_wait3A_488 : memref<1x100xi32, #tpu.memory_space<vmem>> -> memref<100xi32, #tpu.memory_space<vmem>>
      %dma_wait3A_490 = arith.constant 0 : i32
      %dma_wait3A_491 = arith.constant 0 : i32
      %dma_wait3A_492 = tpu.memref_slice %arg14[%dma_wait3A_490, %dma_wait3A_491] : memref<10240x16xf32, #tpu.memory_space<vmem_shared>> -> memref<10240x16xf32, #tpu.memory_space<vmem_shared>>
      tpu.wait_indirect_dma semaphore(%arg24 : memref<!tpu.dma_semaphore, #tpu.memory_space<semaphore_mem>>) src(%arg12 : memref<100x16xf32, #tpu.memory_space<vmem>>) dst(%dma_wait3A_492 : memref<10240x16xf32, #tpu.memory_space<vmem_shared>>)
    } else {
    }
    %barrier3A_469 = arith.constant 0 : index
    tpu.barrier barrier_id(%barrier3A_469)
    %mul3A_470 = arith.constant 640 : i32
    %mul3A_471 = arith.muli %arg1, %mul3A_470 : i32
    %mul3A_472 = arith.constant 640 : i32
    %mul3A_473 = arith.muli %arg1, %mul3A_472 : i32
    "tpu.region"() ({
      %run_scoped3A = tpu.sem_alloc : memref<!tpu.dma_semaphore, #tpu.memory_space<semaphore_mem>>
      %dma_start3A_479 = arith.constant 0 : i32
      %dma_start3A_480 = tpu.memref_slice %arg5[%arg0, %mul3A_473, %dma_start3A_479] : memref<2x10240x64xf32, #tpu.memory_space<hbm>> -> memref<1x640x64xf32, #tpu.memory_space<hbm>>
      %dma_start3A_481 = tpu.memref_squeeze %dma_start3A_480 : memref<1x640x64xf32, #tpu.memory_space<hbm>> -> memref<640x64xf32, #tpu.memory_space<hbm>>
      %dma_start3A_482 = arith.constant 0 : i32
      %dma_start3A_483 = tpu.memref_slice %arg13[%mul3A_471, %dma_start3A_482] : memref<10240x64xf32, #tpu.memory_space<vmem_shared>> -> memref<640x64xf32, #tpu.memory_space<vmem_shared>>
      tpu.enqueue_dma source(%dma_start3A_483 : memref<640x64xf32, #tpu.memory_space<vmem_shared>>) target(%dma_start3A_481 : memref<640x64xf32, #tpu.memory_space<hbm>>) target_semaphore(%run_scoped3A : memref<!tpu.dma_semaphore, #tpu.memory_space<semaphore_mem>>)
      %dma_wait3A_484 = arith.constant 0 : i32
      %dma_wait3A_485 = tpu.memref_slice %arg5[%arg0, %mul3A_473, %dma_wait3A_484] : memref<2x10240x64xf32, #tpu.memory_space<hbm>> -> memref<1x640x64xf32, #tpu.memory_space<hbm>>
      %dma_wait3A_486 = tpu.memref_squeeze %dma_wait3A_485 : memref<1x640x64xf32, #tpu.memory_space<hbm>> -> memref<640x64xf32, #tpu.memory_space<hbm>>
      %dma_wait3A_487 = arith.constant 0 : i32
      %dma_wait3A_488 = tpu.memref_slice %arg13[%mul3A_471, %dma_wait3A_487] : memref<10240x64xf32, #tpu.memory_space<vmem_shared>> -> memref<640x64xf32, #tpu.memory_space<vmem_shared>>
      tpu.wait_dma2 semaphore(%run_scoped3A : memref<!tpu.dma_semaphore, #tpu.memory_space<semaphore_mem>>) src(%dma_wait3A_488 : memref<640x64xf32, #tpu.memory_space<vmem_shared>>) dst(%dma_wait3A_486 : memref<640x64xf32, #tpu.memory_space<hbm>>)
      tpu.yield
    }) : () -> ()
    %eq3A_474 = arith.constant 0 : i32
    %eq3A_475 = arith.cmpi eq, %arg0, %eq3A_474 : i32
    %convert_element_type3A_476 = arith.extui %eq3A_475 : i1 to i32
    %cond3A_477 = arith.constant 0 : i32
    %cond3A_478 = arith.cmpi ne, %convert_element_type3A_476, %cond3A_477 : i32
    scf.if %cond3A_478 {
      %mul3A_479 = arith.constant 640 : i32
      %mul3A_480 = arith.muli %arg1, %mul3A_479 : i32
      %mul3A_481 = arith.constant 640 : i32
      %mul3A_482 = arith.muli %arg1, %mul3A_481 : i32
      "tpu.region"() ({
        %run_scoped3A = tpu.sem_alloc : memref<!tpu.dma_semaphore, #tpu.memory_space<semaphore_mem>>
        %dma_start3A_483 = arith.constant 0 : i32
        %dma_start3A_484 = tpu.memref_slice %arg6[%mul3A_482, %dma_start3A_483] : memref<10240x16xf32, #tpu.memory_space<hbm>> -> memref<640x16xf32, #tpu.memory_space<hbm>>
        %dma_start3A_485 = arith.constant 0 : i32
        %dma_start3A_486 = tpu.memref_slice %arg14[%mul3A_480, %dma_start3A_485] : memref<10240x16xf32, #tpu.memory_space<vmem_shared>> -> memref<640x16xf32, #tpu.memory_space<vmem_shared>>
        tpu.enqueue_dma source(%dma_start3A_486 : memref<640x16xf32, #tpu.memory_space<vmem_shared>>) target(%dma_start3A_484 : memref<640x16xf32, #tpu.memory_space<hbm>>) target_semaphore(%run_scoped3A : memref<!tpu.dma_semaphore, #tpu.memory_space<semaphore_mem>>)
        %dma_wait3A_487 = arith.constant 0 : i32
        %dma_wait3A_488 = tpu.memref_slice %arg6[%mul3A_482, %dma_wait3A_487] : memref<10240x16xf32, #tpu.memory_space<hbm>> -> memref<640x16xf32, #tpu.memory_space<hbm>>
        %dma_wait3A_489 = arith.constant 0 : i32
        %dma_wait3A_490 = tpu.memref_slice %arg14[%mul3A_480, %dma_wait3A_489] : memref<10240x16xf32, #tpu.memory_space<vmem_shared>> -> memref<640x16xf32, #tpu.memory_space<vmem_shared>>
        tpu.wait_dma2 semaphore(%run_scoped3A : memref<!tpu.dma_semaphore, #tpu.memory_space<semaphore_mem>>) src(%dma_wait3A_490 : memref<640x16xf32, #tpu.memory_space<vmem_shared>>) dst(%dma_wait3A_488 : memref<640x16xf32, #tpu.memory_space<hbm>>)
        tpu.yield
      }) : () -> ()
    } else {
    }
    return
  }
}

#map = affine_map<(d0, d1) -> (0, 0)>
#map1 = affine_map<(d0, d1) -> (0, 0, 0)>
module attributes {stable_mosaic.version = 14 : i64} {
  func.func @sc_pass2(%arg0: i32, %arg1: i32, %arg2: memref<10000x16xf32, #tpu.memory_space<hbm>>, %arg3: memref<32x100x100xi32, #tpu.memory_space<hbm>>, %arg4: memref<32x100x100xi32, #tpu.memory_space<hbm>>, %arg5: memref<2x10240x16xf32, #tpu.memory_space<hbm>>, %arg6: memref<100x100xi32, #tpu.memory_space<vmem>>, %arg7: memref<100x100xi32, #tpu.memory_space<vmem>>, %arg8: memref<4x100x16xf32, #tpu.memory_space<vmem>>, %arg9: memref<80x16xf32, #tpu.memory_space<vmem>>, %arg10: memref<10240x16xf32, #tpu.memory_space<vmem_shared>>, %arg11: memref<!tpu.dma_semaphore, #tpu.memory_space<semaphore_mem>>, %arg12: memref<!tpu.dma_semaphore, #tpu.memory_space<semaphore_mem>>, %arg13: memref<!tpu.dma_semaphore, #tpu.memory_space<semaphore_mem>>, %arg14: memref<!tpu.dma_semaphore, #tpu.memory_space<semaphore_mem>>, %arg15: memref<!tpu.dma_semaphore, #tpu.memory_space<semaphore_mem>>, %arg16: memref<!tpu.dma_semaphore, #tpu.memory_space<semaphore_mem>>, %arg17: memref<!tpu.dma_semaphore, #tpu.memory_space<semaphore_mem>>, %arg18: memref<!tpu.dma_semaphore, #tpu.memory_space<semaphore_mem>>) attributes {dimension_semantics = [#tpu.dimension_semantics<core_parallel>, #tpu.dimension_semantics<subcore_parallel>], iteration_bounds = array<i64: 2, 16>, scalar_prefetch = 0 : i64, scratch_operands = 13 : i64, tpu.core_type = #tpu.core_type<sc_vector_subcore>, window_params = [{transform_indices = #map}, {transform_indices = #map1}, {transform_indices = #map1}, {transform_indices = #map1}]} {
    %mul3A = arith.constant 16 : i32
    %mul3A_0 = arith.muli %arg0, %mul3A : i32
    %add3A = arith.addi %mul3A_0, %arg1 : i32
    %broadcast_in_dim3A = arith.constant 0.000000e+00 : f32
    %broadcast_in_dim3A_1 = vector.broadcast %broadcast_in_dim3A : f32 to vector<16xf32>
    %scan3A = arith.constant 0 : i32
    %scan3A_2 = arith.constant 16 : i32
    %scan3A_3 = arith.addi %scan3A, %scan3A_2 : i32
    %scan3A_4 = arith.constant 1 : i32
    scf.for %scan3A_430 = %scan3A to %scan3A_3 step %scan3A_4  : i32 {
      %mul3A_431 = arith.constant 5 : i32
      %mul3A_432 = arith.muli %scan3A_430, %mul3A_431 : i32
      %add3A_433 = arith.constant 0 : i32
      %add3A_434 = arith.addi %add3A_433, %mul3A_432 : i32
      %add3A_435 = arith.constant 0 : i32
      %add3A_436 = arith.addi %add3A_434, %add3A_435 : i32
      %swap3A = arith.index_cast %add3A_436 : i32 to index
      %swap3A_437 = arith.constant 0 : index
      %swap3A_438 = tpu.vector_load %arg9[%swap3A, %swap3A_437] {strides = array<i32>} : memref<80x16xf32, #tpu.memory_space<vmem>>, vector<1x16xf32>,
      %swap3A_439 = vector.shape_cast %swap3A_438 : vector<1x16xf32> to vector<16xf32>
      %swap3A_440 = vector.shape_cast %broadcast_in_dim3A_1 : vector<16xf32> to vector<1x16xf32>
      tpu.vector_store %arg9[%swap3A, %swap3A_437], %swap3A_440 {strides = array<i32>} : memref<80x16xf32, #tpu.memory_space<vmem>>, vector<1x16xf32>,
      %add3A_441 = arith.constant 1 : i32
      %add3A_442 = arith.addi %add3A_434, %add3A_441 : i32
      %swap3A_443 = arith.index_cast %add3A_442 : i32 to index
      %swap3A_444 = arith.constant 0 : index
      %swap3A_445 = tpu.vector_load %arg9[%swap3A_443, %swap3A_444] {strides = array<i32>} : memref<80x16xf32, #tpu.memory_space<vmem>>, vector<1x16xf32>,
      %swap3A_446 = vector.shape_cast %swap3A_445 : vector<1x16xf32> to vector<16xf32>
      %swap3A_447 = vector.shape_cast %broadcast_in_dim3A_1 : vector<16xf32> to vector<1x16xf32>
      tpu.vector_store %arg9[%swap3A_443, %swap3A_444], %swap3A_447 {strides = array<i32>} : memref<80x16xf32, #tpu.memory_space<vmem>>, vector<1x16xf32>,
      %add3A_448 = arith.constant 2 : i32
      %add3A_449 = arith.addi %add3A_434, %add3A_448 : i32
      %swap3A_450 = arith.index_cast %add3A_449 : i32 to index
      %swap3A_451 = arith.constant 0 : index
      %swap3A_452 = tpu.vector_load %arg9[%swap3A_450, %swap3A_451] {strides = array<i32>} : memref<80x16xf32, #tpu.memory_space<vmem>>, vector<1x16xf32>,
      %swap3A_453 = vector.shape_cast %swap3A_452 : vector<1x16xf32> to vector<16xf32>
      %swap3A_454 = vector.shape_cast %broadcast_in_dim3A_1 : vector<16xf32> to vector<1x16xf32>
      tpu.vector_store %arg9[%swap3A_450, %swap3A_451], %swap3A_454 {strides = array<i32>} : memref<80x16xf32, #tpu.memory_space<vmem>>, vector<1x16xf32>,
      %add3A_455 = arith.constant 3 : i32
      %add3A_456 = arith.addi %add3A_434, %add3A_455 : i32
      %swap3A_457 = arith.index_cast %add3A_456 : i32 to index
      %swap3A_458 = arith.constant 0 : index
      %swap3A_459 = tpu.vector_load %arg9[%swap3A_457, %swap3A_458] {strides = array<i32>} : memref<80x16xf32, #tpu.memory_space<vmem>>, vector<1x16xf32>,
      %swap3A_460 = vector.shape_cast %swap3A_459 : vector<1x16xf32> to vector<16xf32>
      %swap3A_461 = vector.shape_cast %broadcast_in_dim3A_1 : vector<16xf32> to vector<1x16xf32>
      tpu.vector_store %arg9[%swap3A_457, %swap3A_458], %swap3A_461 {strides = array<i32>} : memref<80x16xf32, #tpu.memory_space<vmem>>, vector<1x16xf32>,
      %add3A_462 = arith.constant 4 : i32
      %add3A_463 = arith.addi %add3A_434, %add3A_462 : i32
      %swap3A_464 = arith.index_cast %add3A_463 : i32 to index
      %swap3A_465 = arith.constant 0 : index
      %swap3A_466 = tpu.vector_load %arg9[%swap3A_464, %swap3A_465] {strides = array<i32>} : memref<80x16xf32, #tpu.memory_space<vmem>>, vector<1x16xf32>,
      %swap3A_467 = vector.shape_cast %swap3A_466 : vector<1x16xf32> to vector<16xf32>
      %swap3A_468 = vector.shape_cast %broadcast_in_dim3A_1 : vector<16xf32> to vector<1x16xf32>
      tpu.vector_store %arg9[%swap3A_464, %swap3A_465], %swap3A_468 {strides = array<i32>} : memref<80x16xf32, #tpu.memory_space<vmem>>, vector<1x16xf32>,
    }
    %scan3A_5 = arith.constant 16 : i32
    %mul3A_6 = arith.constant 640 : i32
    %mul3A_7 = arith.muli %arg1, %mul3A_6 : i32
    %add3A_8 = arith.constant 0 : i32
    %add3A_9 = arith.addi %mul3A_7, %add3A_8 : i32
    "tpu.region"() ({
      %run_scoped3A = tpu.sem_alloc : memref<!tpu.dma_semaphore, #tpu.memory_space<semaphore_mem>>
      %dma_start3A_430 = arith.constant 0 : i32
      %dma_start3A_431 = tpu.memref_slice %arg10[%add3A_9, %dma_start3A_430] : memref<10240x16xf32, #tpu.memory_space<vmem_shared>> -> memref<80x16xf32, #tpu.memory_space<vmem_shared>>
      %dma_start3A_432 = arith.constant 0 : i32
      %dma_start3A_433 = tpu.memref_slice %arg10[%add3A_9, %dma_start3A_432] : memref<10240x16xf32, #tpu.memory_space<vmem_shared>> -> memref<80x16xf32, #tpu.memory_space<vmem_shared>>
      tpu.enqueue_dma source(%arg9 : memref<80x16xf32, #tpu.memory_space<vmem>>) target(%dma_start3A_433 : memref<80x16xf32, #tpu.memory_space<vmem_shared>>) target_semaphore(%run_scoped3A : memref<!tpu.dma_semaphore, #tpu.memory_space<semaphore_mem>>)
      %dma_wait3A_434 = arith.constant 0 : i32
      %dma_wait3A_435 = tpu.memref_slice %arg10[%add3A_9, %dma_wait3A_434] : memref<10240x16xf32, #tpu.memory_space<vmem_shared>> -> memref<80x16xf32, #tpu.memory_space<vmem_shared>>
      %dma_wait3A_436 = arith.constant 0 : i32
      %dma_wait3A_437 = tpu.memref_slice %arg10[%add3A_9, %dma_wait3A_436] : memref<10240x16xf32, #tpu.memory_space<vmem_shared>> -> memref<80x16xf32, #tpu.memory_space<vmem_shared>>
      tpu.wait_dma2 semaphore(%run_scoped3A : memref<!tpu.dma_semaphore, #tpu.memory_space<semaphore_mem>>) src(%arg9 : memref<80x16xf32, #tpu.memory_space<vmem>>) dst(%dma_wait3A_437 : memref<80x16xf32, #tpu.memory_space<vmem_shared>>)
      tpu.yield
    }) : () -> ()
    %mul3A_10 = arith.constant 640 : i32
    %mul3A_11 = arith.muli %arg1, %mul3A_10 : i32
    %add3A_12 = arith.constant 80 : i32
    %add3A_13 = arith.addi %mul3A_11, %add3A_12 : i32
    "tpu.region"() ({
      %run_scoped3A = tpu.sem_alloc : memref<!tpu.dma_semaphore, #tpu.memory_space<semaphore_mem>>
      %dma_start3A_430 = arith.constant 0 : i32
      %dma_start3A_431 = tpu.memref_slice %arg10[%add3A_13, %dma_start3A_430] : memref<10240x16xf32, #tpu.memory_space<vmem_shared>> -> memref<80x16xf32, #tpu.memory_space<vmem_shared>>
      %dma_start3A_432 = arith.constant 0 : i32
      %dma_start3A_433 = tpu.memref_slice %arg10[%add3A_13, %dma_start3A_432] : memref<10240x16xf32, #tpu.memory_space<vmem_shared>> -> memref<80x16xf32, #tpu.memory_space<vmem_shared>>
      tpu.enqueue_dma source(%arg9 : memref<80x16xf32, #tpu.memory_space<vmem>>) target(%dma_start3A_433 : memref<80x16xf32, #tpu.memory_space<vmem_shared>>) target_semaphore(%run_scoped3A : memref<!tpu.dma_semaphore, #tpu.memory_space<semaphore_mem>>)
      %dma_wait3A_434 = arith.constant 0 : i32
      %dma_wait3A_435 = tpu.memref_slice %arg10[%add3A_13, %dma_wait3A_434] : memref<10240x16xf32, #tpu.memory_space<vmem_shared>> -> memref<80x16xf32, #tpu.memory_space<vmem_shared>>
      %dma_wait3A_436 = arith.constant 0 : i32
      %dma_wait3A_437 = tpu.memref_slice %arg10[%add3A_13, %dma_wait3A_436] : memref<10240x16xf32, #tpu.memory_space<vmem_shared>> -> memref<80x16xf32, #tpu.memory_space<vmem_shared>>
      tpu.wait_dma2 semaphore(%run_scoped3A : memref<!tpu.dma_semaphore, #tpu.memory_space<semaphore_mem>>) src(%arg9 : memref<80x16xf32, #tpu.memory_space<vmem>>) dst(%dma_wait3A_437 : memref<80x16xf32, #tpu.memory_space<vmem_shared>>)
      tpu.yield
    }) : () -> ()
    %mul3A_14 = arith.constant 640 : i32
    %mul3A_15 = arith.muli %arg1, %mul3A_14 : i32
    %add3A_16 = arith.constant 160 : i32
    %add3A_17 = arith.addi %mul3A_15, %add3A_16 : i32
    "tpu.region"() ({
      %run_scoped3A = tpu.sem_alloc : memref<!tpu.dma_semaphore, #tpu.memory_space<semaphore_mem>>
      %dma_start3A_430 = arith.constant 0 : i32
      %dma_start3A_431 = tpu.memref_slice %arg10[%add3A_17, %dma_start3A_430] : memref<10240x16xf32, #tpu.memory_space<vmem_shared>> -> memref<80x16xf32, #tpu.memory_space<vmem_shared>>
      %dma_start3A_432 = arith.constant 0 : i32
      %dma_start3A_433 = tpu.memref_slice %arg10[%add3A_17, %dma_start3A_432] : memref<10240x16xf32, #tpu.memory_space<vmem_shared>> -> memref<80x16xf32, #tpu.memory_space<vmem_shared>>
      tpu.enqueue_dma source(%arg9 : memref<80x16xf32, #tpu.memory_space<vmem>>) target(%dma_start3A_433 : memref<80x16xf32, #tpu.memory_space<vmem_shared>>) target_semaphore(%run_scoped3A : memref<!tpu.dma_semaphore, #tpu.memory_space<semaphore_mem>>)
      %dma_wait3A_434 = arith.constant 0 : i32
      %dma_wait3A_435 = tpu.memref_slice %arg10[%add3A_17, %dma_wait3A_434] : memref<10240x16xf32, #tpu.memory_space<vmem_shared>> -> memref<80x16xf32, #tpu.memory_space<vmem_shared>>
      %dma_wait3A_436 = arith.constant 0 : i32
      %dma_wait3A_437 = tpu.memref_slice %arg10[%add3A_17, %dma_wait3A_436] : memref<10240x16xf32, #tpu.memory_space<vmem_shared>> -> memref<80x16xf32, #tpu.memory_space<vmem_shared>>
      tpu.wait_dma2 semaphore(%run_scoped3A : memref<!tpu.dma_semaphore, #tpu.memory_space<semaphore_mem>>) src(%arg9 : memref<80x16xf32, #tpu.memory_space<vmem>>) dst(%dma_wait3A_437 : memref<80x16xf32, #tpu.memory_space<vmem_shared>>)
      tpu.yield
    }) : () -> ()
    %mul3A_18 = arith.constant 640 : i32
    %mul3A_19 = arith.muli %arg1, %mul3A_18 : i32
    %add3A_20 = arith.constant 240 : i32
    %add3A_21 = arith.addi %mul3A_19, %add3A_20 : i32
    "tpu.region"() ({
      %run_scoped3A = tpu.sem_alloc : memref<!tpu.dma_semaphore, #tpu.memory_space<semaphore_mem>>
      %dma_start3A_430 = arith.constant 0 : i32
      %dma_start3A_431 = tpu.memref_slice %arg10[%add3A_21, %dma_start3A_430] : memref<10240x16xf32, #tpu.memory_space<vmem_shared>> -> memref<80x16xf32, #tpu.memory_space<vmem_shared>>
      %dma_start3A_432 = arith.constant 0 : i32
      %dma_start3A_433 = tpu.memref_slice %arg10[%add3A_21, %dma_start3A_432] : memref<10240x16xf32, #tpu.memory_space<vmem_shared>> -> memref<80x16xf32, #tpu.memory_space<vmem_shared>>
      tpu.enqueue_dma source(%arg9 : memref<80x16xf32, #tpu.memory_space<vmem>>) target(%dma_start3A_433 : memref<80x16xf32, #tpu.memory_space<vmem_shared>>) target_semaphore(%run_scoped3A : memref<!tpu.dma_semaphore, #tpu.memory_space<semaphore_mem>>)
      %dma_wait3A_434 = arith.constant 0 : i32
      %dma_wait3A_435 = tpu.memref_slice %arg10[%add3A_21, %dma_wait3A_434] : memref<10240x16xf32, #tpu.memory_space<vmem_shared>> -> memref<80x16xf32, #tpu.memory_space<vmem_shared>>
      %dma_wait3A_436 = arith.constant 0 : i32
      %dma_wait3A_437 = tpu.memref_slice %arg10[%add3A_21, %dma_wait3A_436] : memref<10240x16xf32, #tpu.memory_space<vmem_shared>> -> memref<80x16xf32, #tpu.memory_space<vmem_shared>>
      tpu.wait_dma2 semaphore(%run_scoped3A : memref<!tpu.dma_semaphore, #tpu.memory_space<semaphore_mem>>) src(%arg9 : memref<80x16xf32, #tpu.memory_space<vmem>>) dst(%dma_wait3A_437 : memref<80x16xf32, #tpu.memory_space<vmem_shared>>)
      tpu.yield
    }) : () -> ()
    %mul3A_22 = arith.constant 640 : i32
    %mul3A_23 = arith.muli %arg1, %mul3A_22 : i32
    %add3A_24 = arith.constant 320 : i32
    %add3A_25 = arith.addi %mul3A_23, %add3A_24 : i32
    "tpu.region"() ({
      %run_scoped3A = tpu.sem_alloc : memref<!tpu.dma_semaphore, #tpu.memory_space<semaphore_mem>>
      %dma_start3A_430 = arith.constant 0 : i32
      %dma_start3A_431 = tpu.memref_slice %arg10[%add3A_25, %dma_start3A_430] : memref<10240x16xf32, #tpu.memory_space<vmem_shared>> -> memref<80x16xf32, #tpu.memory_space<vmem_shared>>
      %dma_start3A_432 = arith.constant 0 : i32
      %dma_start3A_433 = tpu.memref_slice %arg10[%add3A_25, %dma_start3A_432] : memref<10240x16xf32, #tpu.memory_space<vmem_shared>> -> memref<80x16xf32, #tpu.memory_space<vmem_shared>>
      tpu.enqueue_dma source(%arg9 : memref<80x16xf32, #tpu.memory_space<vmem>>) target(%dma_start3A_433 : memref<80x16xf32, #tpu.memory_space<vmem_shared>>) target_semaphore(%run_scoped3A : memref<!tpu.dma_semaphore, #tpu.memory_space<semaphore_mem>>)
      %dma_wait3A_434 = arith.constant 0 : i32
      %dma_wait3A_435 = tpu.memref_slice %arg10[%add3A_25, %dma_wait3A_434] : memref<10240x16xf32, #tpu.memory_space<vmem_shared>> -> memref<80x16xf32, #tpu.memory_space<vmem_shared>>
      %dma_wait3A_436 = arith.constant 0 : i32
      %dma_wait3A_437 = tpu.memref_slice %arg10[%add3A_25, %dma_wait3A_436] : memref<10240x16xf32, #tpu.memory_space<vmem_shared>> -> memref<80x16xf32, #tpu.memory_space<vmem_shared>>
      tpu.wait_dma2 semaphore(%run_scoped3A : memref<!tpu.dma_semaphore, #tpu.memory_space<semaphore_mem>>) src(%arg9 : memref<80x16xf32, #tpu.memory_space<vmem>>) dst(%dma_wait3A_437 : memref<80x16xf32, #tpu.memory_space<vmem_shared>>)
      tpu.yield
    }) : () -> ()
    %mul3A_26 = arith.constant 640 : i32
    %mul3A_27 = arith.muli %arg1, %mul3A_26 : i32
    %add3A_28 = arith.constant 400 : i32
    %add3A_29 = arith.addi %mul3A_27, %add3A_28 : i32
    "tpu.region"() ({
      %run_scoped3A = tpu.sem_alloc : memref<!tpu.dma_semaphore, #tpu.memory_space<semaphore_mem>>
      %dma_start3A_430 = arith.constant 0 : i32
      %dma_start3A_431 = tpu.memref_slice %arg10[%add3A_29, %dma_start3A_430] : memref<10240x16xf32, #tpu.memory_space<vmem_shared>> -> memref<80x16xf32, #tpu.memory_space<vmem_shared>>
      %dma_start3A_432 = arith.constant 0 : i32
      %dma_start3A_433 = tpu.memref_slice %arg10[%add3A_29, %dma_start3A_432] : memref<10240x16xf32, #tpu.memory_space<vmem_shared>> -> memref<80x16xf32, #tpu.memory_space<vmem_shared>>
      tpu.enqueue_dma source(%arg9 : memref<80x16xf32, #tpu.memory_space<vmem>>) target(%dma_start3A_433 : memref<80x16xf32, #tpu.memory_space<vmem_shared>>) target_semaphore(%run_scoped3A : memref<!tpu.dma_semaphore, #tpu.memory_space<semaphore_mem>>)
      %dma_wait3A_434 = arith.constant 0 : i32
      %dma_wait3A_435 = tpu.memref_slice %arg10[%add3A_29, %dma_wait3A_434] : memref<10240x16xf32, #tpu.memory_space<vmem_shared>> -> memref<80x16xf32, #tpu.memory_space<vmem_shared>>
      %dma_wait3A_436 = arith.constant 0 : i32
      %dma_wait3A_437 = tpu.memref_slice %arg10[%add3A_29, %dma_wait3A_436] : memref<10240x16xf32, #tpu.memory_space<vmem_shared>> -> memref<80x16xf32, #tpu.memory_space<vmem_shared>>
      tpu.wait_dma2 semaphore(%run_scoped3A : memref<!tpu.dma_semaphore, #tpu.memory_space<semaphore_mem>>) src(%arg9 : memref<80x16xf32, #tpu.memory_space<vmem>>) dst(%dma_wait3A_437 : memref<80x16xf32, #tpu.memory_space<vmem_shared>>)
      tpu.yield
    }) : () -> ()
    %mul3A_30 = arith.constant 640 : i32
    %mul3A_31 = arith.muli %arg1, %mul3A_30 : i32
    %add3A_32 = arith.constant 480 : i32
    %add3A_33 = arith.addi %mul3A_31, %add3A_32 : i32
    "tpu.region"() ({
      %run_scoped3A = tpu.sem_alloc : memref<!tpu.dma_semaphore, #tpu.memory_space<semaphore_mem>>
      %dma_start3A_430 = arith.constant 0 : i32
      %dma_start3A_431 = tpu.memref_slice %arg10[%add3A_33, %dma_start3A_430] : memref<10240x16xf32, #tpu.memory_space<vmem_shared>> -> memref<80x16xf32, #tpu.memory_space<vmem_shared>>
      %dma_start3A_432 = arith.constant 0 : i32
      %dma_start3A_433 = tpu.memref_slice %arg10[%add3A_33, %dma_start3A_432] : memref<10240x16xf32, #tpu.memory_space<vmem_shared>> -> memref<80x16xf32, #tpu.memory_space<vmem_shared>>
      tpu.enqueue_dma source(%arg9 : memref<80x16xf32, #tpu.memory_space<vmem>>) target(%dma_start3A_433 : memref<80x16xf32, #tpu.memory_space<vmem_shared>>) target_semaphore(%run_scoped3A : memref<!tpu.dma_semaphore, #tpu.memory_space<semaphore_mem>>)
      %dma_wait3A_434 = arith.constant 0 : i32
      %dma_wait3A_435 = tpu.memref_slice %arg10[%add3A_33, %dma_wait3A_434] : memref<10240x16xf32, #tpu.memory_space<vmem_shared>> -> memref<80x16xf32, #tpu.memory_space<vmem_shared>>
      %dma_wait3A_436 = arith.constant 0 : i32
      %dma_wait3A_437 = tpu.memref_slice %arg10[%add3A_33, %dma_wait3A_436] : memref<10240x16xf32, #tpu.memory_space<vmem_shared>> -> memref<80x16xf32, #tpu.memory_space<vmem_shared>>
      tpu.wait_dma2 semaphore(%run_scoped3A : memref<!tpu.dma_semaphore, #tpu.memory_space<semaphore_mem>>) src(%arg9 : memref<80x16xf32, #tpu.memory_space<vmem>>) dst(%dma_wait3A_437 : memref<80x16xf32, #tpu.memory_space<vmem_shared>>)
      tpu.yield
    }) : () -> ()
    %mul3A_34 = arith.constant 640 : i32
    %mul3A_35 = arith.muli %arg1, %mul3A_34 : i32
    %add3A_36 = arith.constant 560 : i32
    %add3A_37 = arith.addi %mul3A_35, %add3A_36 : i32
    "tpu.region"() ({
      %run_scoped3A = tpu.sem_alloc : memref<!tpu.dma_semaphore, #tpu.memory_space<semaphore_mem>>
      %dma_start3A_430 = arith.constant 0 : i32
      %dma_start3A_431 = tpu.memref_slice %arg10[%add3A_37, %dma_start3A_430] : memref<10240x16xf32, #tpu.memory_space<vmem_shared>> -> memref<80x16xf32, #tpu.memory_space<vmem_shared>>
      %dma_start3A_432 = arith.constant 0 : i32
      %dma_start3A_433 = tpu.memref_slice %arg10[%add3A_37, %dma_start3A_432] : memref<10240x16xf32, #tpu.memory_space<vmem_shared>> -> memref<80x16xf32, #tpu.memory_space<vmem_shared>>
      tpu.enqueue_dma source(%arg9 : memref<80x16xf32, #tpu.memory_space<vmem>>) target(%dma_start3A_433 : memref<80x16xf32, #tpu.memory_space<vmem_shared>>) target_semaphore(%run_scoped3A : memref<!tpu.dma_semaphore, #tpu.memory_space<semaphore_mem>>)
      %dma_wait3A_434 = arith.constant 0 : i32
      %dma_wait3A_435 = tpu.memref_slice %arg10[%add3A_37, %dma_wait3A_434] : memref<10240x16xf32, #tpu.memory_space<vmem_shared>> -> memref<80x16xf32, #tpu.memory_space<vmem_shared>>
      %dma_wait3A_436 = arith.constant 0 : i32
      %dma_wait3A_437 = tpu.memref_slice %arg10[%add3A_37, %dma_wait3A_436] : memref<10240x16xf32, #tpu.memory_space<vmem_shared>> -> memref<80x16xf32, #tpu.memory_space<vmem_shared>>
      tpu.wait_dma2 semaphore(%run_scoped3A : memref<!tpu.dma_semaphore, #tpu.memory_space<semaphore_mem>>) src(%arg9 : memref<80x16xf32, #tpu.memory_space<vmem>>) dst(%dma_wait3A_437 : memref<80x16xf32, #tpu.memory_space<vmem_shared>>)
      tpu.yield
    }) : () -> ()
    "tpu.region"() ({
      %run_scoped3A = tpu.sem_alloc : memref<!tpu.dma_semaphore, #tpu.memory_space<semaphore_mem>>
      %dma_start3A_430 = arith.constant 0 : i32
      %dma_start3A_431 = arith.constant 0 : i32
      %dma_start3A_432 = tpu.memref_slice %arg3[%add3A, %dma_start3A_430, %dma_start3A_431] : memref<32x100x100xi32, #tpu.memory_space<hbm>> -> memref<1x100x100xi32, #tpu.memory_space<hbm>>
      %dma_start3A_433 = tpu.memref_squeeze %dma_start3A_432 : memref<1x100x100xi32, #tpu.memory_space<hbm>> -> memref<100x100xi32, #tpu.memory_space<hbm>>
      %dma_start3A_434 = arith.constant 0 : i32
      %dma_start3A_435 = arith.constant 0 : i32
      %dma_start3A_436 = tpu.memref_slice %arg3[%add3A, %dma_start3A_434, %dma_start3A_435] : memref<32x100x100xi32, #tpu.memory_space<hbm>> -> memref<1x100x100xi32, #tpu.memory_space<hbm>>
      %dma_start3A_437 = tpu.memref_squeeze %dma_start3A_436 : memref<1x100x100xi32, #tpu.memory_space<hbm>> -> memref<100x100xi32, #tpu.memory_space<hbm>>
      tpu.enqueue_dma source(%dma_start3A_437 : memref<100x100xi32, #tpu.memory_space<hbm>>) target(%arg6 : memref<100x100xi32, #tpu.memory_space<vmem>>) target_semaphore(%run_scoped3A : memref<!tpu.dma_semaphore, #tpu.memory_space<semaphore_mem>>)
      %dma_wait3A_438 = arith.constant 0 : i32
      %dma_wait3A_439 = arith.constant 0 : i32
      %dma_wait3A_440 = tpu.memref_slice %arg3[%add3A, %dma_wait3A_438, %dma_wait3A_439] : memref<32x100x100xi32, #tpu.memory_space<hbm>> -> memref<1x100x100xi32, #tpu.memory_space<hbm>>
      %dma_wait3A_441 = tpu.memref_squeeze %dma_wait3A_440 : memref<1x100x100xi32, #tpu.memory_space<hbm>> -> memref<100x100xi32, #tpu.memory_space<hbm>>
      %dma_wait3A_442 = arith.constant 0 : i32
      %dma_wait3A_443 = arith.constant 0 : i32
      %dma_wait3A_444 = tpu.memref_slice %arg3[%add3A, %dma_wait3A_442, %dma_wait3A_443] : memref<32x100x100xi32, #tpu.memory_space<hbm>> -> memref<1x100x100xi32, #tpu.memory_space<hbm>>
      %dma_wait3A_445 = tpu.memref_squeeze %dma_wait3A_444 : memref<1x100x100xi32, #tpu.memory_space<hbm>> -> memref<100x100xi32, #tpu.memory_space<hbm>>
      tpu.wait_dma2 semaphore(%run_scoped3A : memref<!tpu.dma_semaphore, #tpu.memory_space<semaphore_mem>>) src(%dma_wait3A_445 : memref<100x100xi32, #tpu.memory_space<hbm>>) dst(%arg6 : memref<100x100xi32, #tpu.memory_space<vmem>>)
      tpu.yield
    }) : () -> ()
    "tpu.region"() ({
      %run_scoped3A = tpu.sem_alloc : memref<!tpu.dma_semaphore, #tpu.memory_space<semaphore_mem>>
      %dma_start3A_430 = arith.constant 0 : i32
      %dma_start3A_431 = arith.constant 0 : i32
      %dma_start3A_432 = tpu.memref_slice %arg4[%add3A, %dma_start3A_430, %dma_start3A_431] : memref<32x100x100xi32, #tpu.memory_space<hbm>> -> memref<1x100x100xi32, #tpu.memory_space<hbm>>
      %dma_start3A_433 = tpu.memref_squeeze %dma_start3A_432 : memref<1x100x100xi32, #tpu.memory_space<hbm>> -> memref<100x100xi32, #tpu.memory_space<hbm>>
      %dma_start3A_434 = arith.constant 0 : i32
      %dma_start3A_435 = arith.constant 0 : i32
      %dma_start3A_436 = tpu.memref_slice %arg4[%add3A, %dma_start3A_434, %dma_start3A_435] : memref<32x100x100xi32, #tpu.memory_space<hbm>> -> memref<1x100x100xi32, #tpu.memory_space<hbm>>
      %dma_start3A_437 = tpu.memref_squeeze %dma_start3A_436 : memref<1x100x100xi32, #tpu.memory_space<hbm>> -> memref<100x100xi32, #tpu.memory_space<hbm>>
      tpu.enqueue_dma source(%dma_start3A_437 : memref<100x100xi32, #tpu.memory_space<hbm>>) target(%arg7 : memref<100x100xi32, #tpu.memory_space<vmem>>) target_semaphore(%run_scoped3A : memref<!tpu.dma_semaphore, #tpu.memory_space<semaphore_mem>>)
      %dma_wait3A_438 = arith.constant 0 : i32
      %dma_wait3A_439 = arith.constant 0 : i32
      %dma_wait3A_440 = tpu.memref_slice %arg4[%add3A, %dma_wait3A_438, %dma_wait3A_439] : memref<32x100x100xi32, #tpu.memory_space<hbm>> -> memref<1x100x100xi32, #tpu.memory_space<hbm>>
      %dma_wait3A_441 = tpu.memref_squeeze %dma_wait3A_440 : memref<1x100x100xi32, #tpu.memory_space<hbm>> -> memref<100x100xi32, #tpu.memory_space<hbm>>
      %dma_wait3A_442 = arith.constant 0 : i32
      %dma_wait3A_443 = arith.constant 0 : i32
      %dma_wait3A_444 = tpu.memref_slice %arg4[%add3A, %dma_wait3A_442, %dma_wait3A_443] : memref<32x100x100xi32, #tpu.memory_space<hbm>> -> memref<1x100x100xi32, #tpu.memory_space<hbm>>
      %dma_wait3A_445 = tpu.memref_squeeze %dma_wait3A_444 : memref<1x100x100xi32, #tpu.memory_space<hbm>> -> memref<100x100xi32, #tpu.memory_space<hbm>>
      tpu.wait_dma2 semaphore(%run_scoped3A : memref<!tpu.dma_semaphore, #tpu.memory_space<semaphore_mem>>) src(%dma_wait3A_445 : memref<100x100xi32, #tpu.memory_space<hbm>>) dst(%arg7 : memref<100x100xi32, #tpu.memory_space<vmem>>)
      tpu.yield
    }) : () -> ()
    %barrier3A = arith.constant 0 : index
    tpu.barrier barrier_id(%barrier3A)
    %dma_start3A = arith.constant 0 : i32
    %dma_start3A_38 = arith.constant 0 : i32
    %dma_start3A_39 = arith.constant 0 : i32
    %dma_start3A_40 = arith.constant 0 : i32
    %dma_start3A_41 = tpu.memref_slice %arg8[%dma_start3A_38, %dma_start3A_39, %dma_start3A_40] : memref<4x100x16xf32, #tpu.memory_space<vmem>> -> memref<1x100x16xf32, #tpu.memory_space<vmem>>
    %dma_start3A_42 = tpu.memref_squeeze %dma_start3A_41 : memref<1x100x16xf32, #tpu.memory_space<vmem>> -> memref<100x16xf32, #tpu.memory_space<vmem>>
    %dma_start3A_43 = arith.constant 0 : i32
    %dma_start3A_44 = tpu.memref_slice %arg6[%dma_start3A, %dma_start3A_43] : memref<100x100xi32, #tpu.memory_space<vmem>> -> memref<1x100xi32, #tpu.memory_space<vmem>>
    %dma_start3A_45 = tpu.memref_squeeze %dma_start3A_44 : memref<1x100xi32, #tpu.memory_space<vmem>> -> memref<100xi32, #tpu.memory_space<vmem>>
    %dma_start3A_46 = arith.constant 0 : i32
    %dma_start3A_47 = arith.constant 0 : i32
    %dma_start3A_48 = tpu.memref_slice %arg2[%dma_start3A_46, %dma_start3A_47] : memref<10000x16xf32, #tpu.memory_space<hbm>> -> memref<10000x16xf32, #tpu.memory_space<hbm>>
    tpu.enqueue_indirect_dma source(%dma_start3A_48 : memref<10000x16xf32, #tpu.memory_space<hbm>>) target(%dma_start3A_42 : memref<100x16xf32, #tpu.memory_space<vmem>>) offsets(%dma_start3A_45 : memref<100xi32, #tpu.memory_space<vmem>>) semaphore(%arg11 : memref<!tpu.dma_semaphore, #tpu.memory_space<semaphore_mem>>)
    %dma_start3A_49 = arith.constant 1 : i32
    %dma_start3A_50 = arith.constant 1 : i32
    %dma_start3A_51 = arith.constant 0 : i32
    %dma_start3A_52 = arith.constant 0 : i32
    %dma_start3A_53 = tpu.memref_slice %arg8[%dma_start3A_50, %dma_start3A_51, %dma_start3A_52] : memref<4x100x16xf32, #tpu.memory_space<vmem>> -> memref<1x100x16xf32, #tpu.memory_space<vmem>>
    %dma_start3A_54 = tpu.memref_squeeze %dma_start3A_53 : memref<1x100x16xf32, #tpu.memory_space<vmem>> -> memref<100x16xf32, #tpu.memory_space<vmem>>
    %dma_start3A_55 = arith.constant 0 : i32
    %dma_start3A_56 = tpu.memref_slice %arg6[%dma_start3A_49, %dma_start3A_55] : memref<100x100xi32, #tpu.memory_space<vmem>> -> memref<1x100xi32, #tpu.memory_space<vmem>>
    %dma_start3A_57 = tpu.memref_squeeze %dma_start3A_56 : memref<1x100xi32, #tpu.memory_space<vmem>> -> memref<100xi32, #tpu.memory_space<vmem>>
    %dma_start3A_58 = arith.constant 0 : i32
    %dma_start3A_59 = arith.constant 0 : i32
    %dma_start3A_60 = tpu.memref_slice %arg2[%dma_start3A_58, %dma_start3A_59] : memref<10000x16xf32, #tpu.memory_space<hbm>> -> memref<10000x16xf32, #tpu.memory_space<hbm>>
    tpu.enqueue_indirect_dma source(%dma_start3A_60 : memref<10000x16xf32, #tpu.memory_space<hbm>>) target(%dma_start3A_54 : memref<100x16xf32, #tpu.memory_space<vmem>>) offsets(%dma_start3A_57 : memref<100xi32, #tpu.memory_space<vmem>>) semaphore(%arg12 : memref<!tpu.dma_semaphore, #tpu.memory_space<semaphore_mem>>)
    %dma_wait3A = arith.constant 0 : i32
    %dma_wait3A_61 = arith.constant 0 : i32
    %dma_wait3A_62 = arith.constant 0 : i32
    %dma_wait3A_63 = arith.constant 0 : i32
    %dma_wait3A_64 = tpu.memref_slice %arg8[%dma_wait3A_61, %dma_wait3A_62, %dma_wait3A_63] : memref<4x100x16xf32, #tpu.memory_space<vmem>> -> memref<1x100x16xf32, #tpu.memory_space<vmem>>
    %dma_wait3A_65 = tpu.memref_squeeze %dma_wait3A_64 : memref<1x100x16xf32, #tpu.memory_space<vmem>> -> memref<100x16xf32, #tpu.memory_space<vmem>>
    %dma_wait3A_66 = arith.constant 0 : i32
    %dma_wait3A_67 = tpu.memref_slice %arg6[%dma_wait3A, %dma_wait3A_66] : memref<100x100xi32, #tpu.memory_space<vmem>> -> memref<1x100xi32, #tpu.memory_space<vmem>>
    %dma_wait3A_68 = tpu.memref_squeeze %dma_wait3A_67 : memref<1x100xi32, #tpu.memory_space<vmem>> -> memref<100xi32, #tpu.memory_space<vmem>>
    %dma_wait3A_69 = arith.constant 0 : i32
    %dma_wait3A_70 = arith.constant 0 : i32
    %dma_wait3A_71 = tpu.memref_slice %arg2[%dma_wait3A_69, %dma_wait3A_70] : memref<10000x16xf32, #tpu.memory_space<hbm>> -> memref<10000x16xf32, #tpu.memory_space<hbm>>
    tpu.wait_indirect_dma semaphore(%arg11 : memref<!tpu.dma_semaphore, #tpu.memory_space<semaphore_mem>>) src(%dma_wait3A_71 : memref<10000x16xf32, #tpu.memory_space<hbm>>) dst(%dma_wait3A_65 : memref<100x16xf32, #tpu.memory_space<vmem>>)
    %dma_start3A_72 = arith.constant 0 : i32
    %dma_start3A_73 = arith.constant 0 : i32
    %dma_start3A_74 = arith.constant 0 : i32
    %dma_start3A_75 = arith.constant 0 : i32
    %dma_start3A_76 = tpu.memref_slice %arg8[%dma_start3A_72, %dma_start3A_74, %dma_start3A_75] : memref<4x100x16xf32, #tpu.memory_space<vmem>> -> memref<1x100x16xf32, #tpu.memory_space<vmem>>
    %dma_start3A_77 = tpu.memref_squeeze %dma_start3A_76 : memref<1x100x16xf32, #tpu.memory_space<vmem>> -> memref<100x16xf32, #tpu.memory_space<vmem>>
    %dma_start3A_78 = arith.constant 0 : i32
    %dma_start3A_79 = tpu.memref_slice %arg7[%dma_start3A_73, %dma_start3A_78] : memref<100x100xi32, #tpu.memory_space<vmem>> -> memref<1x100xi32, #tpu.memory_space<vmem>>
    %dma_start3A_80 = tpu.memref_squeeze %dma_start3A_79 : memref<1x100xi32, #tpu.memory_space<vmem>> -> memref<100xi32, #tpu.memory_space<vmem>>
    %dma_start3A_81 = arith.constant 0 : i32
    %dma_start3A_82 = arith.constant 0 : i32
    %dma_start3A_83 = tpu.memref_slice %arg10[%dma_start3A_81, %dma_start3A_82] : memref<10240x16xf32, #tpu.memory_space<vmem_shared>> -> memref<10240x16xf32, #tpu.memory_space<vmem_shared>>
    tpu.enqueue_indirect_dma source(%dma_start3A_77 : memref<100x16xf32, #tpu.memory_space<vmem>>) target(%dma_start3A_83 : memref<10240x16xf32, #tpu.memory_space<vmem_shared>>) offsets(%dma_start3A_80 : memref<100xi32, #tpu.memory_space<vmem>>) semaphore(%arg15 : memref<!tpu.dma_semaphore, #tpu.memory_space<semaphore_mem>>) {add = true}
    %dma_start3A_84 = arith.constant 2 : i32
    %dma_start3A_85 = arith.constant 2 : i32
    %dma_start3A_86 = arith.constant 0 : i32
    %dma_start3A_87 = arith.constant 0 : i32
    %dma_start3A_88 = tpu.memref_slice %arg8[%dma_start3A_85, %dma_start3A_86, %dma_start3A_87] : memref<4x100x16xf32, #tpu.memory_space<vmem>> -> memref<1x100x16xf32, #tpu.memory_space<vmem>>
    %dma_start3A_89 = tpu.memref_squeeze %dma_start3A_88 : memref<1x100x16xf32, #tpu.memory_space<vmem>> -> memref<100x16xf32, #tpu.memory_space<vmem>>
    %dma_start3A_90 = arith.constant 0 : i32
    %dma_start3A_91 = tpu.memref_slice %arg6[%dma_start3A_84, %dma_start3A_90] : memref<100x100xi32, #tpu.memory_space<vmem>> -> memref<1x100xi32, #tpu.memory_space<vmem>>
    %dma_start3A_92 = tpu.memref_squeeze %dma_start3A_91 : memref<1x100xi32, #tpu.memory_space<vmem>> -> memref<100xi32, #tpu.memory_space<vmem>>
    %dma_start3A_93 = arith.constant 0 : i32
    %dma_start3A_94 = arith.constant 0 : i32
    %dma_start3A_95 = tpu.memref_slice %arg2[%dma_start3A_93, %dma_start3A_94] : memref<10000x16xf32, #tpu.memory_space<hbm>> -> memref<10000x16xf32, #tpu.memory_space<hbm>>
    tpu.enqueue_indirect_dma source(%dma_start3A_95 : memref<10000x16xf32, #tpu.memory_space<hbm>>) target(%dma_start3A_89 : memref<100x16xf32, #tpu.memory_space<vmem>>) offsets(%dma_start3A_92 : memref<100xi32, #tpu.memory_space<vmem>>) semaphore(%arg13 : memref<!tpu.dma_semaphore, #tpu.memory_space<semaphore_mem>>)
    %dma_wait3A_96 = arith.constant 1 : i32
    %dma_wait3A_97 = arith.constant 1 : i32
    %dma_wait3A_98 = arith.constant 0 : i32
    %dma_wait3A_99 = arith.constant 0 : i32
    %dma_wait3A_100 = tpu.memref_slice %arg8[%dma_wait3A_97, %dma_wait3A_98, %dma_wait3A_99] : memref<4x100x16xf32, #tpu.memory_space<vmem>> -> memref<1x100x16xf32, #tpu.memory_space<vmem>>
    %dma_wait3A_101 = tpu.memref_squeeze %dma_wait3A_100 : memref<1x100x16xf32, #tpu.memory_space<vmem>> -> memref<100x16xf32, #tpu.memory_space<vmem>>
    %dma_wait3A_102 = arith.constant 0 : i32
    %dma_wait3A_103 = tpu.memref_slice %arg6[%dma_wait3A_96, %dma_wait3A_102] : memref<100x100xi32, #tpu.memory_space<vmem>> -> memref<1x100xi32, #tpu.memory_space<vmem>>
    %dma_wait3A_104 = tpu.memref_squeeze %dma_wait3A_103 : memref<1x100xi32, #tpu.memory_space<vmem>> -> memref<100xi32, #tpu.memory_space<vmem>>
    %dma_wait3A_105 = arith.constant 0 : i32
    %dma_wait3A_106 = arith.constant 0 : i32
    %dma_wait3A_107 = tpu.memref_slice %arg2[%dma_wait3A_105, %dma_wait3A_106] : memref<10000x16xf32, #tpu.memory_space<hbm>> -> memref<10000x16xf32, #tpu.memory_space<hbm>>
    tpu.wait_indirect_dma semaphore(%arg12 : memref<!tpu.dma_semaphore, #tpu.memory_space<semaphore_mem>>) src(%dma_wait3A_107 : memref<10000x16xf32, #tpu.memory_space<hbm>>) dst(%dma_wait3A_101 : memref<100x16xf32, #tpu.memory_space<vmem>>)
    %dma_start3A_108 = arith.constant 1 : i32
    %dma_start3A_109 = arith.constant 1 : i32
    %dma_start3A_110 = arith.constant 0 : i32
    %dma_start3A_111 = arith.constant 0 : i32
    %dma_start3A_112 = tpu.memref_slice %arg8[%dma_start3A_108, %dma_start3A_110, %dma_start3A_111] : memref<4x100x16xf32, #tpu.memory_space<vmem>> -> memref<1x100x16xf32, #tpu.memory_space<vmem>>
    %dma_start3A_113 = tpu.memref_squeeze %dma_start3A_112 : memref<1x100x16xf32, #tpu.memory_space<vmem>> -> memref<100x16xf32, #tpu.memory_space<vmem>>
    %dma_start3A_114 = arith.constant 0 : i32
    %dma_start3A_115 = tpu.memref_slice %arg7[%dma_start3A_109, %dma_start3A_114] : memref<100x100xi32, #tpu.memory_space<vmem>> -> memref<1x100xi32, #tpu.memory_space<vmem>>
    %dma_start3A_116 = tpu.memref_squeeze %dma_start3A_115 : memref<1x100xi32, #tpu.memory_space<vmem>> -> memref<100xi32, #tpu.memory_space<vmem>>
    %dma_start3A_117 = arith.constant 0 : i32
    %dma_start3A_118 = arith.constant 0 : i32
    %dma_start3A_119 = tpu.memref_slice %arg10[%dma_start3A_117, %dma_start3A_118] : memref<10240x16xf32, #tpu.memory_space<vmem_shared>> -> memref<10240x16xf32, #tpu.memory_space<vmem_shared>>
    tpu.enqueue_indirect_dma source(%dma_start3A_113 : memref<100x16xf32, #tpu.memory_space<vmem>>) target(%dma_start3A_119 : memref<10240x16xf32, #tpu.memory_space<vmem_shared>>) offsets(%dma_start3A_116 : memref<100xi32, #tpu.memory_space<vmem>>) semaphore(%arg16 : memref<!tpu.dma_semaphore, #tpu.memory_space<semaphore_mem>>) {add = true}
    %dma_start3A_120 = arith.constant 3 : i32
    %dma_start3A_121 = arith.constant 3 : i32
    %dma_start3A_122 = arith.constant 0 : i32
    %dma_start3A_123 = arith.constant 0 : i32
    %dma_start3A_124 = tpu.memref_slice %arg8[%dma_start3A_121, %dma_start3A_122, %dma_start3A_123] : memref<4x100x16xf32, #tpu.memory_space<vmem>> -> memref<1x100x16xf32, #tpu.memory_space<vmem>>
    %dma_start3A_125 = tpu.memref_squeeze %dma_start3A_124 : memref<1x100x16xf32, #tpu.memory_space<vmem>> -> memref<100x16xf32, #tpu.memory_space<vmem>>
    %dma_start3A_126 = arith.constant 0 : i32
    %dma_start3A_127 = tpu.memref_slice %arg6[%dma_start3A_120, %dma_start3A_126] : memref<100x100xi32, #tpu.memory_space<vmem>> -> memref<1x100xi32, #tpu.memory_space<vmem>>
    %dma_start3A_128 = tpu.memref_squeeze %dma_start3A_127 : memref<1x100xi32, #tpu.memory_space<vmem>> -> memref<100xi32, #tpu.memory_space<vmem>>
    %dma_start3A_129 = arith.constant 0 : i32
    %dma_start3A_130 = arith.constant 0 : i32
    %dma_start3A_131 = tpu.memref_slice %arg2[%dma_start3A_129, %dma_start3A_130] : memref<10000x16xf32, #tpu.memory_space<hbm>> -> memref<10000x16xf32, #tpu.memory_space<hbm>>
    tpu.enqueue_indirect_dma source(%dma_start3A_131 : memref<10000x16xf32, #tpu.memory_space<hbm>>) target(%dma_start3A_125 : memref<100x16xf32, #tpu.memory_space<vmem>>) offsets(%dma_start3A_128 : memref<100xi32, #tpu.memory_space<vmem>>) semaphore(%arg14 : memref<!tpu.dma_semaphore, #tpu.memory_space<semaphore_mem>>)
    %dma_wait3A_132 = arith.constant 2 : i32
    %dma_wait3A_133 = arith.constant 2 : i32
    %dma_wait3A_134 = arith.constant 0 : i32
    %dma_wait3A_135 = arith.constant 0 : i32
    %dma_wait3A_136 = tpu.memref_slice %arg8[%dma_wait3A_133, %dma_wait3A_134, %dma_wait3A_135] : memref<4x100x16xf32, #tpu.memory_space<vmem>> -> memref<1x100x16xf32, #tpu.memory_space<vmem>>
    %dma_wait3A_137 = tpu.memref_squeeze %dma_wait3A_136 : memref<1x100x16xf32, #tpu.memory_space<vmem>> -> memref<100x16xf32, #tpu.memory_space<vmem>>
    %dma_wait3A_138 = arith.constant 0 : i32
    %dma_wait3A_139 = tpu.memref_slice %arg6[%dma_wait3A_132, %dma_wait3A_138] : memref<100x100xi32, #tpu.memory_space<vmem>> -> memref<1x100xi32, #tpu.memory_space<vmem>>
    %dma_wait3A_140 = tpu.memref_squeeze %dma_wait3A_139 : memref<1x100xi32, #tpu.memory_space<vmem>> -> memref<100xi32, #tpu.memory_space<vmem>>
    %dma_wait3A_141 = arith.constant 0 : i32
    %dma_wait3A_142 = arith.constant 0 : i32
    %dma_wait3A_143 = tpu.memref_slice %arg2[%dma_wait3A_141, %dma_wait3A_142] : memref<10000x16xf32, #tpu.memory_space<hbm>> -> memref<10000x16xf32, #tpu.memory_space<hbm>>
    tpu.wait_indirect_dma semaphore(%arg13 : memref<!tpu.dma_semaphore, #tpu.memory_space<semaphore_mem>>) src(%dma_wait3A_143 : memref<10000x16xf32, #tpu.memory_space<hbm>>) dst(%dma_wait3A_137 : memref<100x16xf32, #tpu.memory_space<vmem>>)
    %dma_start3A_144 = arith.constant 2 : i32
    %dma_start3A_145 = arith.constant 2 : i32
    %dma_start3A_146 = arith.constant 0 : i32
    %dma_start3A_147 = arith.constant 0 : i32
    %dma_start3A_148 = tpu.memref_slice %arg8[%dma_start3A_144, %dma_start3A_146, %dma_start3A_147] : memref<4x100x16xf32, #tpu.memory_space<vmem>> -> memref<1x100x16xf32, #tpu.memory_space<vmem>>
    %dma_start3A_149 = tpu.memref_squeeze %dma_start3A_148 : memref<1x100x16xf32, #tpu.memory_space<vmem>> -> memref<100x16xf32, #tpu.memory_space<vmem>>
    %dma_start3A_150 = arith.constant 0 : i32
    %dma_start3A_151 = tpu.memref_slice %arg7[%dma_start3A_145, %dma_start3A_150] : memref<100x100xi32, #tpu.memory_space<vmem>> -> memref<1x100xi32, #tpu.memory_space<vmem>>
    %dma_start3A_152 = tpu.memref_squeeze %dma_start3A_151 : memref<1x100xi32, #tpu.memory_space<vmem>> -> memref<100xi32, #tpu.memory_space<vmem>>
    %dma_start3A_153 = arith.constant 0 : i32
    %dma_start3A_154 = arith.constant 0 : i32
    %dma_start3A_155 = tpu.memref_slice %arg10[%dma_start3A_153, %dma_start3A_154] : memref<10240x16xf32, #tpu.memory_space<vmem_shared>> -> memref<10240x16xf32, #tpu.memory_space<vmem_shared>>
    tpu.enqueue_indirect_dma source(%dma_start3A_149 : memref<100x16xf32, #tpu.memory_space<vmem>>) target(%dma_start3A_155 : memref<10240x16xf32, #tpu.memory_space<vmem_shared>>) offsets(%dma_start3A_152 : memref<100xi32, #tpu.memory_space<vmem>>) semaphore(%arg17 : memref<!tpu.dma_semaphore, #tpu.memory_space<semaphore_mem>>) {add = true}
    %dma_wait3A_156 = arith.constant 0 : i32
    %dma_wait3A_157 = arith.constant 0 : i32
    %dma_wait3A_158 = arith.constant 0 : i32
    %dma_wait3A_159 = arith.constant 0 : i32
    %dma_wait3A_160 = tpu.memref_slice %arg8[%dma_wait3A_156, %dma_wait3A_158, %dma_wait3A_159] : memref<4x100x16xf32, #tpu.memory_space<vmem>> -> memref<1x100x16xf32, #tpu.memory_space<vmem>>
    %dma_wait3A_161 = tpu.memref_squeeze %dma_wait3A_160 : memref<1x100x16xf32, #tpu.memory_space<vmem>> -> memref<100x16xf32, #tpu.memory_space<vmem>>
    %dma_wait3A_162 = arith.constant 0 : i32
    %dma_wait3A_163 = tpu.memref_slice %arg7[%dma_wait3A_157, %dma_wait3A_162] : memref<100x100xi32, #tpu.memory_space<vmem>> -> memref<1x100xi32, #tpu.memory_space<vmem>>
    %dma_wait3A_164 = tpu.memref_squeeze %dma_wait3A_163 : memref<1x100xi32, #tpu.memory_space<vmem>> -> memref<100xi32, #tpu.memory_space<vmem>>
    %dma_wait3A_165 = arith.constant 0 : i32
    %dma_wait3A_166 = arith.constant 0 : i32
    %dma_wait3A_167 = tpu.memref_slice %arg10[%dma_wait3A_165, %dma_wait3A_166] : memref<10240x16xf32, #tpu.memory_space<vmem_shared>> -> memref<10240x16xf32, #tpu.memory_space<vmem_shared>>
    tpu.wait_indirect_dma semaphore(%arg15 : memref<!tpu.dma_semaphore, #tpu.memory_space<semaphore_mem>>) src(%dma_wait3A_161 : memref<100x16xf32, #tpu.memory_space<vmem>>) dst(%dma_wait3A_167 : memref<10240x16xf32, #tpu.memory_space<vmem_shared>>)
    %dma_start3A_168 = arith.constant 4 : i32
    %dma_start3A_169 = arith.constant 0 : i32
    %dma_start3A_170 = arith.constant 0 : i32
    %dma_start3A_171 = arith.constant 0 : i32
    %dma_start3A_172 = tpu.memref_slice %arg8[%dma_start3A_169, %dma_start3A_170, %dma_start3A_171] : memref<4x100x16xf32, #tpu.memory_space<vmem>> -> memref<1x100x16xf32, #tpu.memory_space<vmem>>
    %dma_start3A_173 = tpu.memref_squeeze %dma_start3A_172 : memref<1x100x16xf32, #tpu.memory_space<vmem>> -> memref<100x16xf32, #tpu.memory_space<vmem>>
    %dma_start3A_174 = arith.constant 0 : i32
    %dma_start3A_175 = tpu.memref_slice %arg6[%dma_start3A_168, %dma_start3A_174] : memref<100x100xi32, #tpu.memory_space<vmem>> -> memref<1x100xi32, #tpu.memory_space<vmem>>
    %dma_start3A_176 = tpu.memref_squeeze %dma_start3A_175 : memref<1x100xi32, #tpu.memory_space<vmem>> -> memref<100xi32, #tpu.memory_space<vmem>>
    %dma_start3A_177 = arith.constant 0 : i32
    %dma_start3A_178 = arith.constant 0 : i32
    %dma_start3A_179 = tpu.memref_slice %arg2[%dma_start3A_177, %dma_start3A_178] : memref<10000x16xf32, #tpu.memory_space<hbm>> -> memref<10000x16xf32, #tpu.memory_space<hbm>>
    tpu.enqueue_indirect_dma source(%dma_start3A_179 : memref<10000x16xf32, #tpu.memory_space<hbm>>) target(%dma_start3A_173 : memref<100x16xf32, #tpu.memory_space<vmem>>) offsets(%dma_start3A_176 : memref<100xi32, #tpu.memory_space<vmem>>) semaphore(%arg11 : memref<!tpu.dma_semaphore, #tpu.memory_space<semaphore_mem>>)
    %dma_wait3A_180 = arith.constant 3 : i32
    %dma_wait3A_181 = arith.constant 3 : i32
    %dma_wait3A_182 = arith.constant 0 : i32
    %dma_wait3A_183 = arith.constant 0 : i32
    %dma_wait3A_184 = tpu.memref_slice %arg8[%dma_wait3A_181, %dma_wait3A_182, %dma_wait3A_183] : memref<4x100x16xf32, #tpu.memory_space<vmem>> -> memref<1x100x16xf32, #tpu.memory_space<vmem>>
    %dma_wait3A_185 = tpu.memref_squeeze %dma_wait3A_184 : memref<1x100x16xf32, #tpu.memory_space<vmem>> -> memref<100x16xf32, #tpu.memory_space<vmem>>
    %dma_wait3A_186 = arith.constant 0 : i32
    %dma_wait3A_187 = tpu.memref_slice %arg6[%dma_wait3A_180, %dma_wait3A_186] : memref<100x100xi32, #tpu.memory_space<vmem>> -> memref<1x100xi32, #tpu.memory_space<vmem>>
    %dma_wait3A_188 = tpu.memref_squeeze %dma_wait3A_187 : memref<1x100xi32, #tpu.memory_space<vmem>> -> memref<100xi32, #tpu.memory_space<vmem>>
    %dma_wait3A_189 = arith.constant 0 : i32
    %dma_wait3A_190 = arith.constant 0 : i32
    %dma_wait3A_191 = tpu.memref_slice %arg2[%dma_wait3A_189, %dma_wait3A_190] : memref<10000x16xf32, #tpu.memory_space<hbm>> -> memref<10000x16xf32, #tpu.memory_space<hbm>>
    tpu.wait_indirect_dma semaphore(%arg14 : memref<!tpu.dma_semaphore, #tpu.memory_space<semaphore_mem>>) src(%dma_wait3A_191 : memref<10000x16xf32, #tpu.memory_space<hbm>>) dst(%dma_wait3A_185 : memref<100x16xf32, #tpu.memory_space<vmem>>)
    %dma_start3A_192 = arith.constant 3 : i32
    %dma_start3A_193 = arith.constant 3 : i32
    %dma_start3A_194 = arith.constant 0 : i32
    %dma_start3A_195 = arith.constant 0 : i32
    %dma_start3A_196 = tpu.memref_slice %arg8[%dma_start3A_192, %dma_start3A_194, %dma_start3A_195] : memref<4x100x16xf32, #tpu.memory_space<vmem>> -> memref<1x100x16xf32, #tpu.memory_space<vmem>>
    %dma_start3A_197 = tpu.memref_squeeze %dma_start3A_196 : memref<1x100x16xf32, #tpu.memory_space<vmem>> -> memref<100x16xf32, #tpu.memory_space<vmem>>
    %dma_start3A_198 = arith.constant 0 : i32
    %dma_start3A_199 = tpu.memref_slice %arg7[%dma_start3A_193, %dma_start3A_198] : memref<100x100xi32, #tpu.memory_space<vmem>> -> memref<1x100xi32, #tpu.memory_space<vmem>>
    %dma_start3A_200 = tpu.memref_squeeze %dma_start3A_199 : memref<1x100xi32, #tpu.memory_space<vmem>> -> memref<100xi32, #tpu.memory_space<vmem>>
    %dma_start3A_201 = arith.constant 0 : i32
    %dma_start3A_202 = arith.constant 0 : i32
    %dma_start3A_203 = tpu.memref_slice %arg10[%dma_start3A_201, %dma_start3A_202] : memref<10240x16xf32, #tpu.memory_space<vmem_shared>> -> memref<10240x16xf32, #tpu.memory_space<vmem_shared>>
    tpu.enqueue_indirect_dma source(%dma_start3A_197 : memref<100x16xf32, #tpu.memory_space<vmem>>) target(%dma_start3A_203 : memref<10240x16xf32, #tpu.memory_space<vmem_shared>>) offsets(%dma_start3A_200 : memref<100xi32, #tpu.memory_space<vmem>>) semaphore(%arg18 : memref<!tpu.dma_semaphore, #tpu.memory_space<semaphore_mem>>) {add = true}
    %dma_wait3A_204 = arith.constant 1 : i32
    %dma_wait3A_205 = arith.constant 0 : i32
    %dma_wait3A_206 = arith.constant 0 : i32
    %dma_wait3A_207 = arith.constant 0 : i32
    %dma_wait3A_208 = tpu.memref_slice %arg8[%dma_wait3A_204, %dma_wait3A_206, %dma_wait3A_207] : memref<4x100x16xf32, #tpu.memory_space<vmem>> -> memref<1x100x16xf32, #tpu.memory_space<vmem>>
    %dma_wait3A_209 = tpu.memref_squeeze %dma_wait3A_208 : memref<1x100x16xf32, #tpu.memory_space<vmem>> -> memref<100x16xf32, #tpu.memory_space<vmem>>
    %dma_wait3A_210 = arith.constant 0 : i32
    %dma_wait3A_211 = tpu.memref_slice %arg7[%dma_wait3A_205, %dma_wait3A_210] : memref<100x100xi32, #tpu.memory_space<vmem>> -> memref<1x100xi32, #tpu.memory_space<vmem>>
    %dma_wait3A_212 = tpu.memref_squeeze %dma_wait3A_211 : memref<1x100xi32, #tpu.memory_space<vmem>> -> memref<100xi32, #tpu.memory_space<vmem>>
    %dma_wait3A_213 = arith.constant 0 : i32
    %dma_wait3A_214 = arith.constant 0 : i32
    %dma_wait3A_215 = tpu.memref_slice %arg10[%dma_wait3A_213, %dma_wait3A_214] : memref<10240x16xf32, #tpu.memory_space<vmem_shared>> -> memref<10240x16xf32, #tpu.memory_space<vmem_shared>>
    tpu.wait_indirect_dma semaphore(%arg16 : memref<!tpu.dma_semaphore, #tpu.memory_space<semaphore_mem>>) src(%dma_wait3A_209 : memref<100x16xf32, #tpu.memory_space<vmem>>) dst(%dma_wait3A_215 : memref<10240x16xf32, #tpu.memory_space<vmem_shared>>)
    %dma_start3A_216 = arith.constant 5 : i32
    %dma_start3A_217 = arith.constant 1 : i32
    %dma_start3A_218 = arith.constant 0 : i32
    %dma_start3A_219 = arith.constant 0 : i32
    %dma_start3A_220 = tpu.memref_slice %arg8[%dma_start3A_217, %dma_start3A_218, %dma_start3A_219] : memref<4x100x16xf32, #tpu.memory_space<vmem>> -> memref<1x100x16xf32, #tpu.memory_space<vmem>>
    %dma_start3A_221 = tpu.memref_squeeze %dma_start3A_220 : memref<1x100x16xf32, #tpu.memory_space<vmem>> -> memref<100x16xf32, #tpu.memory_space<vmem>>
    %dma_start3A_222 = arith.constant 0 : i32
    %dma_start3A_223 = tpu.memref_slice %arg6[%dma_start3A_216, %dma_start3A_222] : memref<100x100xi32, #tpu.memory_space<vmem>> -> memref<1x100xi32, #tpu.memory_space<vmem>>
    %dma_start3A_224 = tpu.memref_squeeze %dma_start3A_223 : memref<1x100xi32, #tpu.memory_space<vmem>> -> memref<100xi32, #tpu.memory_space<vmem>>
    %dma_start3A_225 = arith.constant 0 : i32
    %dma_start3A_226 = arith.constant 0 : i32
    %dma_start3A_227 = tpu.memref_slice %arg2[%dma_start3A_225, %dma_start3A_226] : memref<10000x16xf32, #tpu.memory_space<hbm>> -> memref<10000x16xf32, #tpu.memory_space<hbm>>
    tpu.enqueue_indirect_dma source(%dma_start3A_227 : memref<10000x16xf32, #tpu.memory_space<hbm>>) target(%dma_start3A_221 : memref<100x16xf32, #tpu.memory_space<vmem>>) offsets(%dma_start3A_224 : memref<100xi32, #tpu.memory_space<vmem>>) semaphore(%arg12 : memref<!tpu.dma_semaphore, #tpu.memory_space<semaphore_mem>>)
    %scan3A_228 = arith.constant 0 : i32
    %scan3A_229 = arith.constant 23 : i32
    %scan3A_230 = arith.addi %scan3A_228, %scan3A_229 : i32
    %scan3A_231 = arith.constant 1 : i32
    scf.for %scan3A_430 = %scan3A_228 to %scan3A_230 step %scan3A_231  : i32 {
      %mul3A_431 = arith.constant 4 : i32
      %mul3A_432 = arith.muli %scan3A_430, %mul3A_431 : i32
      %add3A_433 = arith.constant 4 : i32
      %add3A_434 = arith.addi %add3A_433, %mul3A_432 : i32
      %add3A_435 = arith.constant 0 : i32
      %add3A_436 = arith.addi %add3A_434, %add3A_435 : i32
      %dma_wait3A_437 = arith.constant 0 : i32
      %dma_wait3A_438 = arith.constant 0 : i32
      %dma_wait3A_439 = arith.constant 0 : i32
      %dma_wait3A_440 = tpu.memref_slice %arg8[%dma_wait3A_437, %dma_wait3A_438, %dma_wait3A_439] : memref<4x100x16xf32, #tpu.memory_space<vmem>> -> memref<1x100x16xf32, #tpu.memory_space<vmem>>
      %dma_wait3A_441 = tpu.memref_squeeze %dma_wait3A_440 : memref<1x100x16xf32, #tpu.memory_space<vmem>> -> memref<100x16xf32, #tpu.memory_space<vmem>>
      %dma_wait3A_442 = arith.constant 0 : i32
      %dma_wait3A_443 = tpu.memref_slice %arg6[%add3A_436, %dma_wait3A_442] : memref<100x100xi32, #tpu.memory_space<vmem>> -> memref<1x100xi32, #tpu.memory_space<vmem>>
      %dma_wait3A_444 = tpu.memref_squeeze %dma_wait3A_443 : memref<1x100xi32, #tpu.memory_space<vmem>> -> memref<100xi32, #tpu.memory_space<vmem>>
      %dma_wait3A_445 = arith.constant 0 : i32
      %dma_wait3A_446 = arith.constant 0 : i32
      %dma_wait3A_447 = tpu.memref_slice %arg2[%dma_wait3A_445, %dma_wait3A_446] : memref<10000x16xf32, #tpu.memory_space<hbm>> -> memref<10000x16xf32, #tpu.memory_space<hbm>>
      tpu.wait_indirect_dma semaphore(%arg11 : memref<!tpu.dma_semaphore, #tpu.memory_space<semaphore_mem>>) src(%dma_wait3A_447 : memref<10000x16xf32, #tpu.memory_space<hbm>>) dst(%dma_wait3A_441 : memref<100x16xf32, #tpu.memory_space<vmem>>)
      %dma_start3A_448 = arith.constant 0 : i32
      %dma_start3A_449 = arith.constant 0 : i32
      %dma_start3A_450 = arith.constant 0 : i32
      %dma_start3A_451 = tpu.memref_slice %arg8[%dma_start3A_448, %dma_start3A_449, %dma_start3A_450] : memref<4x100x16xf32, #tpu.memory_space<vmem>> -> memref<1x100x16xf32, #tpu.memory_space<vmem>>
      %dma_start3A_452 = tpu.memref_squeeze %dma_start3A_451 : memref<1x100x16xf32, #tpu.memory_space<vmem>> -> memref<100x16xf32, #tpu.memory_space<vmem>>
      %dma_start3A_453 = arith.constant 0 : i32
      %dma_start3A_454 = tpu.memref_slice %arg7[%add3A_436, %dma_start3A_453] : memref<100x100xi32, #tpu.memory_space<vmem>> -> memref<1x100xi32, #tpu.memory_space<vmem>>
      %dma_start3A_455 = tpu.memref_squeeze %dma_start3A_454 : memref<1x100xi32, #tpu.memory_space<vmem>> -> memref<100xi32, #tpu.memory_space<vmem>>
      %dma_start3A_456 = arith.constant 0 : i32
      %dma_start3A_457 = arith.constant 0 : i32
      %dma_start3A_458 = tpu.memref_slice %arg10[%dma_start3A_456, %dma_start3A_457] : memref<10240x16xf32, #tpu.memory_space<vmem_shared>> -> memref<10240x16xf32, #tpu.memory_space<vmem_shared>>
      tpu.enqueue_indirect_dma source(%dma_start3A_452 : memref<100x16xf32, #tpu.memory_space<vmem>>) target(%dma_start3A_458 : memref<10240x16xf32, #tpu.memory_space<vmem_shared>>) offsets(%dma_start3A_455 : memref<100xi32, #tpu.memory_space<vmem>>) semaphore(%arg15 : memref<!tpu.dma_semaphore, #tpu.memory_space<semaphore_mem>>) {add = true}
      %dma_wait3A_459 = arith.constant 2 : i32
      %dma_wait3A_460 = arith.constant 0 : i32
      %dma_wait3A_461 = arith.constant 0 : i32
      %dma_wait3A_462 = arith.constant 0 : i32
      %dma_wait3A_463 = tpu.memref_slice %arg8[%dma_wait3A_459, %dma_wait3A_461, %dma_wait3A_462] : memref<4x100x16xf32, #tpu.memory_space<vmem>> -> memref<1x100x16xf32, #tpu.memory_space<vmem>>
      %dma_wait3A_464 = tpu.memref_squeeze %dma_wait3A_463 : memref<1x100x16xf32, #tpu.memory_space<vmem>> -> memref<100x16xf32, #tpu.memory_space<vmem>>
      %dma_wait3A_465 = arith.constant 0 : i32
      %dma_wait3A_466 = tpu.memref_slice %arg7[%dma_wait3A_460, %dma_wait3A_465] : memref<100x100xi32, #tpu.memory_space<vmem>> -> memref<1x100xi32, #tpu.memory_space<vmem>>
      %dma_wait3A_467 = tpu.memref_squeeze %dma_wait3A_466 : memref<1x100xi32, #tpu.memory_space<vmem>> -> memref<100xi32, #tpu.memory_space<vmem>>
      %dma_wait3A_468 = arith.constant 0 : i32
      %dma_wait3A_469 = arith.constant 0 : i32
      %dma_wait3A_470 = tpu.memref_slice %arg10[%dma_wait3A_468, %dma_wait3A_469] : memref<10240x16xf32, #tpu.memory_space<vmem_shared>> -> memref<10240x16xf32, #tpu.memory_space<vmem_shared>>
      tpu.wait_indirect_dma semaphore(%arg17 : memref<!tpu.dma_semaphore, #tpu.memory_space<semaphore_mem>>) src(%dma_wait3A_464 : memref<100x16xf32, #tpu.memory_space<vmem>>) dst(%dma_wait3A_470 : memref<10240x16xf32, #tpu.memory_space<vmem_shared>>)
      %add3A_471 = arith.constant 2 : i32
      %add3A_472 = arith.addi %add3A_436, %add3A_471 : i32
      %dma_start3A_473 = arith.constant 2 : i32
      %dma_start3A_474 = arith.constant 0 : i32
      %dma_start3A_475 = arith.constant 0 : i32
      %dma_start3A_476 = tpu.memref_slice %arg8[%dma_start3A_473, %dma_start3A_474, %dma_start3A_475] : memref<4x100x16xf32, #tpu.memory_space<vmem>> -> memref<1x100x16xf32, #tpu.memory_space<vmem>>
      %dma_start3A_477 = tpu.memref_squeeze %dma_start3A_476 : memref<1x100x16xf32, #tpu.memory_space<vmem>> -> memref<100x16xf32, #tpu.memory_space<vmem>>
      %dma_start3A_478 = arith.constant 0 : i32
      %dma_start3A_479 = tpu.memref_slice %arg6[%add3A_472, %dma_start3A_478] : memref<100x100xi32, #tpu.memory_space<vmem>> -> memref<1x100xi32, #tpu.memory_space<vmem>>
      %dma_start3A_480 = tpu.memref_squeeze %dma_start3A_479 : memref<1x100xi32, #tpu.memory_space<vmem>> -> memref<100xi32, #tpu.memory_space<vmem>>
      %dma_start3A_481 = arith.constant 0 : i32
      %dma_start3A_482 = arith.constant 0 : i32
      %dma_start3A_483 = tpu.memref_slice %arg2[%dma_start3A_481, %dma_start3A_482] : memref<10000x16xf32, #tpu.memory_space<hbm>> -> memref<10000x16xf32, #tpu.memory_space<hbm>>
      tpu.enqueue_indirect_dma source(%dma_start3A_483 : memref<10000x16xf32, #tpu.memory_space<hbm>>) target(%dma_start3A_477 : memref<100x16xf32, #tpu.memory_space<vmem>>) offsets(%dma_start3A_480 : memref<100xi32, #tpu.memory_space<vmem>>) semaphore(%arg13 : memref<!tpu.dma_semaphore, #tpu.memory_space<semaphore_mem>>)
      %add3A_484 = arith.constant 1 : i32
      %add3A_485 = arith.addi %add3A_434, %add3A_484 : i32
      %dma_wait3A_486 = arith.constant 1 : i32
      %dma_wait3A_487 = arith.constant 0 : i32
      %dma_wait3A_488 = arith.constant 0 : i32
      %dma_wait3A_489 = tpu.memref_slice %arg8[%dma_wait3A_486, %dma_wait3A_487, %dma_wait3A_488] : memref<4x100x16xf32, #tpu.memory_space<vmem>> -> memref<1x100x16xf32, #tpu.memory_space<vmem>>
      %dma_wait3A_490 = tpu.memref_squeeze %dma_wait3A_489 : memref<1x100x16xf32, #tpu.memory_space<vmem>> -> memref<100x16xf32, #tpu.memory_space<vmem>>
      %dma_wait3A_491 = arith.constant 0 : i32
      %dma_wait3A_492 = tpu.memref_slice %arg6[%add3A_485, %dma_wait3A_491] : memref<100x100xi32, #tpu.memory_space<vmem>> -> memref<1x100xi32, #tpu.memory_space<vmem>>
      %dma_wait3A_493 = tpu.memref_squeeze %dma_wait3A_492 : memref<1x100xi32, #tpu.memory_space<vmem>> -> memref<100xi32, #tpu.memory_space<vmem>>
      %dma_wait3A_494 = arith.constant 0 : i32
      %dma_wait3A_495 = arith.constant 0 : i32
      %dma_wait3A_496 = tpu.memref_slice %arg2[%dma_wait3A_494, %dma_wait3A_495] : memref<10000x16xf32, #tpu.memory_space<hbm>> -> memref<10000x16xf32, #tpu.memory_space<hbm>>
      tpu.wait_indirect_dma semaphore(%arg12 : memref<!tpu.dma_semaphore, #tpu.memory_space<semaphore_mem>>) src(%dma_wait3A_496 : memref<10000x16xf32, #tpu.memory_space<hbm>>) dst(%dma_wait3A_490 : memref<100x16xf32, #tpu.memory_space<vmem>>)
      %dma_start3A_497 = arith.constant 1 : i32
      %dma_start3A_498 = arith.constant 0 : i32
      %dma_start3A_499 = arith.constant 0 : i32
      %dma_start3A_500 = tpu.memref_slice %arg8[%dma_start3A_497, %dma_start3A_498, %dma_start3A_499] : memref<4x100x16xf32, #tpu.memory_space<vmem>> -> memref<1x100x16xf32, #tpu.memory_space<vmem>>
      %dma_start3A_501 = tpu.memref_squeeze %dma_start3A_500 : memref<1x100x16xf32, #tpu.memory_space<vmem>> -> memref<100x16xf32, #tpu.memory_space<vmem>>
      %dma_start3A_502 = arith.constant 0 : i32
      %dma_start3A_503 = tpu.memref_slice %arg7[%add3A_485, %dma_start3A_502] : memref<100x100xi32, #tpu.memory_space<vmem>> -> memref<1x100xi32, #tpu.memory_space<vmem>>
      %dma_start3A_504 = tpu.memref_squeeze %dma_start3A_503 : memref<1x100xi32, #tpu.memory_space<vmem>> -> memref<100xi32, #tpu.memory_space<vmem>>
      %dma_start3A_505 = arith.constant 0 : i32
      %dma_start3A_506 = arith.constant 0 : i32
      %dma_start3A_507 = tpu.memref_slice %arg10[%dma_start3A_505, %dma_start3A_506] : memref<10240x16xf32, #tpu.memory_space<vmem_shared>> -> memref<10240x16xf32, #tpu.memory_space<vmem_shared>>
      tpu.enqueue_indirect_dma source(%dma_start3A_501 : memref<100x16xf32, #tpu.memory_space<vmem>>) target(%dma_start3A_507 : memref<10240x16xf32, #tpu.memory_space<vmem_shared>>) offsets(%dma_start3A_504 : memref<100xi32, #tpu.memory_space<vmem>>) semaphore(%arg16 : memref<!tpu.dma_semaphore, #tpu.memory_space<semaphore_mem>>) {add = true}
      %dma_wait3A_508 = arith.constant 3 : i32
      %dma_wait3A_509 = arith.constant 0 : i32
      %dma_wait3A_510 = arith.constant 0 : i32
      %dma_wait3A_511 = arith.constant 0 : i32
      %dma_wait3A_512 = tpu.memref_slice %arg8[%dma_wait3A_508, %dma_wait3A_510, %dma_wait3A_511] : memref<4x100x16xf32, #tpu.memory_space<vmem>> -> memref<1x100x16xf32, #tpu.memory_space<vmem>>
      %dma_wait3A_513 = tpu.memref_squeeze %dma_wait3A_512 : memref<1x100x16xf32, #tpu.memory_space<vmem>> -> memref<100x16xf32, #tpu.memory_space<vmem>>
      %dma_wait3A_514 = arith.constant 0 : i32
      %dma_wait3A_515 = tpu.memref_slice %arg7[%dma_wait3A_509, %dma_wait3A_514] : memref<100x100xi32, #tpu.memory_space<vmem>> -> memref<1x100xi32, #tpu.memory_space<vmem>>
      %dma_wait3A_516 = tpu.memref_squeeze %dma_wait3A_515 : memref<1x100xi32, #tpu.memory_space<vmem>> -> memref<100xi32, #tpu.memory_space<vmem>>
      %dma_wait3A_517 = arith.constant 0 : i32
      %dma_wait3A_518 = arith.constant 0 : i32
      %dma_wait3A_519 = tpu.memref_slice %arg10[%dma_wait3A_517, %dma_wait3A_518] : memref<10240x16xf32, #tpu.memory_space<vmem_shared>> -> memref<10240x16xf32, #tpu.memory_space<vmem_shared>>
      tpu.wait_indirect_dma semaphore(%arg18 : memref<!tpu.dma_semaphore, #tpu.memory_space<semaphore_mem>>) src(%dma_wait3A_513 : memref<100x16xf32, #tpu.memory_space<vmem>>) dst(%dma_wait3A_519 : memref<10240x16xf32, #tpu.memory_space<vmem_shared>>)
      %add3A_520 = arith.constant 2 : i32
      %add3A_521 = arith.addi %add3A_485, %add3A_520 : i32
      %dma_start3A_522 = arith.constant 3 : i32
      %dma_start3A_523 = arith.constant 0 : i32
      %dma_start3A_524 = arith.constant 0 : i32
      %dma_start3A_525 = tpu.memref_slice %arg8[%dma_start3A_522, %dma_start3A_523, %dma_start3A_524] : memref<4x100x16xf32, #tpu.memory_space<vmem>> -> memref<1x100x16xf32, #tpu.memory_space<vmem>>
      %dma_start3A_526 = tpu.memref_squeeze %dma_start3A_525 : memref<1x100x16xf32, #tpu.memory_space<vmem>> -> memref<100x16xf32, #tpu.memory_space<vmem>>
      %dma_start3A_527 = arith.constant 0 : i32
      %dma_start3A_528 = tpu.memref_slice %arg6[%add3A_521, %dma_start3A_527] : memref<100x100xi32, #tpu.memory_space<vmem>> -> memref<1x100xi32, #tpu.memory_space<vmem>>
      %dma_start3A_529 = tpu.memref_squeeze %dma_start3A_528 : memref<1x100xi32, #tpu.memory_space<vmem>> -> memref<100xi32, #tpu.memory_space<vmem>>
      %dma_start3A_530 = arith.constant 0 : i32
      %dma_start3A_531 = arith.constant 0 : i32
      %dma_start3A_532 = tpu.memref_slice %arg2[%dma_start3A_530, %dma_start3A_531] : memref<10000x16xf32, #tpu.memory_space<hbm>> -> memref<10000x16xf32, #tpu.memory_space<hbm>>
      tpu.enqueue_indirect_dma source(%dma_start3A_532 : memref<10000x16xf32, #tpu.memory_space<hbm>>) target(%dma_start3A_526 : memref<100x16xf32, #tpu.memory_space<vmem>>) offsets(%dma_start3A_529 : memref<100xi32, #tpu.memory_space<vmem>>) semaphore(%arg14 : memref<!tpu.dma_semaphore, #tpu.memory_space<semaphore_mem>>)
      %add3A_533 = arith.constant 2 : i32
      %add3A_534 = arith.addi %add3A_434, %add3A_533 : i32
      %dma_wait3A_535 = arith.constant 2 : i32
      %dma_wait3A_536 = arith.constant 0 : i32
      %dma_wait3A_537 = arith.constant 0 : i32
      %dma_wait3A_538 = tpu.memref_slice %arg8[%dma_wait3A_535, %dma_wait3A_536, %dma_wait3A_537] : memref<4x100x16xf32, #tpu.memory_space<vmem>> -> memref<1x100x16xf32, #tpu.memory_space<vmem>>
      %dma_wait3A_539 = tpu.memref_squeeze %dma_wait3A_538 : memref<1x100x16xf32, #tpu.memory_space<vmem>> -> memref<100x16xf32, #tpu.memory_space<vmem>>
      %dma_wait3A_540 = arith.constant 0 : i32
      %dma_wait3A_541 = tpu.memref_slice %arg6[%add3A_534, %dma_wait3A_540] : memref<100x100xi32, #tpu.memory_space<vmem>> -> memref<1x100xi32, #tpu.memory_space<vmem>>
      %dma_wait3A_542 = tpu.memref_squeeze %dma_wait3A_541 : memref<1x100xi32, #tpu.memory_space<vmem>> -> memref<100xi32, #tpu.memory_space<vmem>>
      %dma_wait3A_543 = arith.constant 0 : i32
      %dma_wait3A_544 = arith.constant 0 : i32
      %dma_wait3A_545 = tpu.memref_slice %arg2[%dma_wait3A_543, %dma_wait3A_544] : memref<10000x16xf32, #tpu.memory_space<hbm>> -> memref<10000x16xf32, #tpu.memory_space<hbm>>
      tpu.wait_indirect_dma semaphore(%arg13 : memref<!tpu.dma_semaphore, #tpu.memory_space<semaphore_mem>>) src(%dma_wait3A_545 : memref<10000x16xf32, #tpu.memory_space<hbm>>) dst(%dma_wait3A_539 : memref<100x16xf32, #tpu.memory_space<vmem>>)
      %dma_start3A_546 = arith.constant 2 : i32
      %dma_start3A_547 = arith.constant 0 : i32
      %dma_start3A_548 = arith.constant 0 : i32
      %dma_start3A_549 = tpu.memref_slice %arg8[%dma_start3A_546, %dma_start3A_547, %dma_start3A_548] : memref<4x100x16xf32, #tpu.memory_space<vmem>> -> memref<1x100x16xf32, #tpu.memory_space<vmem>>
      %dma_start3A_550 = tpu.memref_squeeze %dma_start3A_549 : memref<1x100x16xf32, #tpu.memory_space<vmem>> -> memref<100x16xf32, #tpu.memory_space<vmem>>
      %dma_start3A_551 = arith.constant 0 : i32
      %dma_start3A_552 = tpu.memref_slice %arg7[%add3A_534, %dma_start3A_551] : memref<100x100xi32, #tpu.memory_space<vmem>> -> memref<1x100xi32, #tpu.memory_space<vmem>>
      %dma_start3A_553 = tpu.memref_squeeze %dma_start3A_552 : memref<1x100xi32, #tpu.memory_space<vmem>> -> memref<100xi32, #tpu.memory_space<vmem>>
      %dma_start3A_554 = arith.constant 0 : i32
      %dma_start3A_555 = arith.constant 0 : i32
      %dma_start3A_556 = tpu.memref_slice %arg10[%dma_start3A_554, %dma_start3A_555] : memref<10240x16xf32, #tpu.memory_space<vmem_shared>> -> memref<10240x16xf32, #tpu.memory_space<vmem_shared>>
      tpu.enqueue_indirect_dma source(%dma_start3A_550 : memref<100x16xf32, #tpu.memory_space<vmem>>) target(%dma_start3A_556 : memref<10240x16xf32, #tpu.memory_space<vmem_shared>>) offsets(%dma_start3A_553 : memref<100xi32, #tpu.memory_space<vmem>>) semaphore(%arg17 : memref<!tpu.dma_semaphore, #tpu.memory_space<semaphore_mem>>) {add = true}
      %dma_wait3A_557 = arith.constant 0 : i32
      %dma_wait3A_558 = arith.constant 0 : i32
      %dma_wait3A_559 = arith.constant 0 : i32
      %dma_wait3A_560 = arith.constant 0 : i32
      %dma_wait3A_561 = tpu.memref_slice %arg8[%dma_wait3A_557, %dma_wait3A_559, %dma_wait3A_560] : memref<4x100x16xf32, #tpu.memory_space<vmem>> -> memref<1x100x16xf32, #tpu.memory_space<vmem>>
      %dma_wait3A_562 = tpu.memref_squeeze %dma_wait3A_561 : memref<1x100x16xf32, #tpu.memory_space<vmem>> -> memref<100x16xf32, #tpu.memory_space<vmem>>
      %dma_wait3A_563 = arith.constant 0 : i32
      %dma_wait3A_564 = tpu.memref_slice %arg7[%dma_wait3A_558, %dma_wait3A_563] : memref<100x100xi32, #tpu.memory_space<vmem>> -> memref<1x100xi32, #tpu.memory_space<vmem>>
      %dma_wait3A_565 = tpu.memref_squeeze %dma_wait3A_564 : memref<1x100xi32, #tpu.memory_space<vmem>> -> memref<100xi32, #tpu.memory_space<vmem>>
      %dma_wait3A_566 = arith.constant 0 : i32
      %dma_wait3A_567 = arith.constant 0 : i32
      %dma_wait3A_568 = tpu.memref_slice %arg10[%dma_wait3A_566, %dma_wait3A_567] : memref<10240x16xf32, #tpu.memory_space<vmem_shared>> -> memref<10240x16xf32, #tpu.memory_space<vmem_shared>>
      tpu.wait_indirect_dma semaphore(%arg15 : memref<!tpu.dma_semaphore, #tpu.memory_space<semaphore_mem>>) src(%dma_wait3A_562 : memref<100x16xf32, #tpu.memory_space<vmem>>) dst(%dma_wait3A_568 : memref<10240x16xf32, #tpu.memory_space<vmem_shared>>)
      %add3A_569 = arith.constant 2 : i32
      %add3A_570 = arith.addi %add3A_534, %add3A_569 : i32
      %dma_start3A_571 = arith.constant 0 : i32
      %dma_start3A_572 = arith.constant 0 : i32
      %dma_start3A_573 = arith.constant 0 : i32
      %dma_start3A_574 = tpu.memref_slice %arg8[%dma_start3A_571, %dma_start3A_572, %dma_start3A_573] : memref<4x100x16xf32, #tpu.memory_space<vmem>> -> memref<1x100x16xf32, #tpu.memory_space<vmem>>
      %dma_start3A_575 = tpu.memref_squeeze %dma_start3A_574 : memref<1x100x16xf32, #tpu.memory_space<vmem>> -> memref<100x16xf32, #tpu.memory_space<vmem>>
      %dma_start3A_576 = arith.constant 0 : i32
      %dma_start3A_577 = tpu.memref_slice %arg6[%add3A_570, %dma_start3A_576] : memref<100x100xi32, #tpu.memory_space<vmem>> -> memref<1x100xi32, #tpu.memory_space<vmem>>
      %dma_start3A_578 = tpu.memref_squeeze %dma_start3A_577 : memref<1x100xi32, #tpu.memory_space<vmem>> -> memref<100xi32, #tpu.memory_space<vmem>>
      %dma_start3A_579 = arith.constant 0 : i32
      %dma_start3A_580 = arith.constant 0 : i32
      %dma_start3A_581 = tpu.memref_slice %arg2[%dma_start3A_579, %dma_start3A_580] : memref<10000x16xf32, #tpu.memory_space<hbm>> -> memref<10000x16xf32, #tpu.memory_space<hbm>>
      tpu.enqueue_indirect_dma source(%dma_start3A_581 : memref<10000x16xf32, #tpu.memory_space<hbm>>) target(%dma_start3A_575 : memref<100x16xf32, #tpu.memory_space<vmem>>) offsets(%dma_start3A_578 : memref<100xi32, #tpu.memory_space<vmem>>) semaphore(%arg11 : memref<!tpu.dma_semaphore, #tpu.memory_space<semaphore_mem>>)
      %add3A_582 = arith.constant 3 : i32
      %add3A_583 = arith.addi %add3A_434, %add3A_582 : i32
      %dma_wait3A_584 = arith.constant 3 : i32
      %dma_wait3A_585 = arith.constant 0 : i32
      %dma_wait3A_586 = arith.constant 0 : i32
      %dma_wait3A_587 = tpu.memref_slice %arg8[%dma_wait3A_584, %dma_wait3A_585, %dma_wait3A_586] : memref<4x100x16xf32, #tpu.memory_space<vmem>> -> memref<1x100x16xf32, #tpu.memory_space<vmem>>
      %dma_wait3A_588 = tpu.memref_squeeze %dma_wait3A_587 : memref<1x100x16xf32, #tpu.memory_space<vmem>> -> memref<100x16xf32, #tpu.memory_space<vmem>>
      %dma_wait3A_589 = arith.constant 0 : i32
      %dma_wait3A_590 = tpu.memref_slice %arg6[%add3A_583, %dma_wait3A_589] : memref<100x100xi32, #tpu.memory_space<vmem>> -> memref<1x100xi32, #tpu.memory_space<vmem>>
      %dma_wait3A_591 = tpu.memref_squeeze %dma_wait3A_590 : memref<1x100xi32, #tpu.memory_space<vmem>> -> memref<100xi32, #tpu.memory_space<vmem>>
      %dma_wait3A_592 = arith.constant 0 : i32
      %dma_wait3A_593 = arith.constant 0 : i32
      %dma_wait3A_594 = tpu.memref_slice %arg2[%dma_wait3A_592, %dma_wait3A_593] : memref<10000x16xf32, #tpu.memory_space<hbm>> -> memref<10000x16xf32, #tpu.memory_space<hbm>>
      tpu.wait_indirect_dma semaphore(%arg14 : memref<!tpu.dma_semaphore, #tpu.memory_space<semaphore_mem>>) src(%dma_wait3A_594 : memref<10000x16xf32, #tpu.memory_space<hbm>>) dst(%dma_wait3A_588 : memref<100x16xf32, #tpu.memory_space<vmem>>)
      %dma_start3A_595 = arith.constant 3 : i32
      %dma_start3A_596 = arith.constant 0 : i32
      %dma_start3A_597 = arith.constant 0 : i32
      %dma_start3A_598 = tpu.memref_slice %arg8[%dma_start3A_595, %dma_start3A_596, %dma_start3A_597] : memref<4x100x16xf32, #tpu.memory_space<vmem>> -> memref<1x100x16xf32, #tpu.memory_space<vmem>>
      %dma_start3A_599 = tpu.memref_squeeze %dma_start3A_598 : memref<1x100x16xf32, #tpu.memory_space<vmem>> -> memref<100x16xf32, #tpu.memory_space<vmem>>
      %dma_start3A_600 = arith.constant 0 : i32
      %dma_start3A_601 = tpu.memref_slice %arg7[%add3A_583, %dma_start3A_600] : memref<100x100xi32, #tpu.memory_space<vmem>> -> memref<1x100xi32, #tpu.memory_space<vmem>>
      %dma_start3A_602 = tpu.memref_squeeze %dma_start3A_601 : memref<1x100xi32, #tpu.memory_space<vmem>> -> memref<100xi32, #tpu.memory_space<vmem>>
      %dma_start3A_603 = arith.constant 0 : i32
      %dma_start3A_604 = arith.constant 0 : i32
      %dma_start3A_605 = tpu.memref_slice %arg10[%dma_start3A_603, %dma_start3A_604] : memref<10240x16xf32, #tpu.memory_space<vmem_shared>> -> memref<10240x16xf32, #tpu.memory_space<vmem_shared>>
      tpu.enqueue_indirect_dma source(%dma_start3A_599 : memref<100x16xf32, #tpu.memory_space<vmem>>) target(%dma_start3A_605 : memref<10240x16xf32, #tpu.memory_space<vmem_shared>>) offsets(%dma_start3A_602 : memref<100xi32, #tpu.memory_space<vmem>>) semaphore(%arg18 : memref<!tpu.dma_semaphore, #tpu.memory_space<semaphore_mem>>) {add = true}
      %dma_wait3A_606 = arith.constant 1 : i32
      %dma_wait3A_607 = arith.constant 0 : i32
      %dma_wait3A_608 = arith.constant 0 : i32
      %dma_wait3A_609 = arith.constant 0 : i32
      %dma_wait3A_610 = tpu.memref_slice %arg8[%dma_wait3A_606, %dma_wait3A_608, %dma_wait3A_609] : memref<4x100x16xf32, #tpu.memory_space<vmem>> -> memref<1x100x16xf32, #tpu.memory_space<vmem>>
      %dma_wait3A_611 = tpu.memref_squeeze %dma_wait3A_610 : memref<1x100x16xf32, #tpu.memory_space<vmem>> -> memref<100x16xf32, #tpu.memory_space<vmem>>
      %dma_wait3A_612 = arith.constant 0 : i32
      %dma_wait3A_613 = tpu.memref_slice %arg7[%dma_wait3A_607, %dma_wait3A_612] : memref<100x100xi32, #tpu.memory_space<vmem>> -> memref<1x100xi32, #tpu.memory_space<vmem>>
      %dma_wait3A_614 = tpu.memref_squeeze %dma_wait3A_613 : memref<1x100xi32, #tpu.memory_space<vmem>> -> memref<100xi32, #tpu.memory_space<vmem>>
      %dma_wait3A_615 = arith.constant 0 : i32
      %dma_wait3A_616 = arith.constant 0 : i32
      %dma_wait3A_617 = tpu.memref_slice %arg10[%dma_wait3A_615, %dma_wait3A_616] : memref<10240x16xf32, #tpu.memory_space<vmem_shared>> -> memref<10240x16xf32, #tpu.memory_space<vmem_shared>>
      tpu.wait_indirect_dma semaphore(%arg16 : memref<!tpu.dma_semaphore, #tpu.memory_space<semaphore_mem>>) src(%dma_wait3A_611 : memref<100x16xf32, #tpu.memory_space<vmem>>) dst(%dma_wait3A_617 : memref<10240x16xf32, #tpu.memory_space<vmem_shared>>)
      %add3A_618 = arith.constant 2 : i32
      %add3A_619 = arith.addi %add3A_583, %add3A_618 : i32
      %dma_start3A_620 = arith.constant 1 : i32
      %dma_start3A_621 = arith.constant 0 : i32
      %dma_start3A_622 = arith.constant 0 : i32
      %dma_start3A_623 = tpu.memref_slice %arg8[%dma_start3A_620, %dma_start3A_621, %dma_start3A_622] : memref<4x100x16xf32, #tpu.memory_space<vmem>> -> memref<1x100x16xf32, #tpu.memory_space<vmem>>
      %dma_start3A_624 = tpu.memref_squeeze %dma_start3A_623 : memref<1x100x16xf32, #tpu.memory_space<vmem>> -> memref<100x16xf32, #tpu.memory_space<vmem>>
      %dma_start3A_625 = arith.constant 0 : i32
      %dma_start3A_626 = tpu.memref_slice %arg6[%add3A_619, %dma_start3A_625] : memref<100x100xi32, #tpu.memory_space<vmem>> -> memref<1x100xi32, #tpu.memory_space<vmem>>
      %dma_start3A_627 = tpu.memref_squeeze %dma_start3A_626 : memref<1x100xi32, #tpu.memory_space<vmem>> -> memref<100xi32, #tpu.memory_space<vmem>>
      %dma_start3A_628 = arith.constant 0 : i32
      %dma_start3A_629 = arith.constant 0 : i32
      %dma_start3A_630 = tpu.memref_slice %arg2[%dma_start3A_628, %dma_start3A_629] : memref<10000x16xf32, #tpu.memory_space<hbm>> -> memref<10000x16xf32, #tpu.memory_space<hbm>>
      tpu.enqueue_indirect_dma source(%dma_start3A_630 : memref<10000x16xf32, #tpu.memory_space<hbm>>) target(%dma_start3A_624 : memref<100x16xf32, #tpu.memory_space<vmem>>) offsets(%dma_start3A_627 : memref<100xi32, #tpu.memory_space<vmem>>) semaphore(%arg12 : memref<!tpu.dma_semaphore, #tpu.memory_space<semaphore_mem>>)
    }
    %scan3A_232 = arith.constant 23 : i32
    %dma_wait3A_233 = arith.constant 96 : i32
    %dma_wait3A_234 = arith.constant 0 : i32
    %dma_wait3A_235 = arith.constant 0 : i32
    %dma_wait3A_236 = arith.constant 0 : i32
    %dma_wait3A_237 = tpu.memref_slice %arg8[%dma_wait3A_234, %dma_wait3A_235, %dma_wait3A_236] : memref<4x100x16xf32, #tpu.memory_space<vmem>> -> memref<1x100x16xf32, #tpu.memory_space<vmem>>
    %dma_wait3A_238 = tpu.memref_squeeze %dma_wait3A_237 : memref<1x100x16xf32, #tpu.memory_space<vmem>> -> memref<100x16xf32, #tpu.memory_space<vmem>>
    %dma_wait3A_239 = arith.constant 0 : i32
    %dma_wait3A_240 = tpu.memref_slice %arg6[%dma_wait3A_233, %dma_wait3A_239] : memref<100x100xi32, #tpu.memory_space<vmem>> -> memref<1x100xi32, #tpu.memory_space<vmem>>
    %dma_wait3A_241 = tpu.memref_squeeze %dma_wait3A_240 : memref<1x100xi32, #tpu.memory_space<vmem>> -> memref<100xi32, #tpu.memory_space<vmem>>
    %dma_wait3A_242 = arith.constant 0 : i32
    %dma_wait3A_243 = arith.constant 0 : i32
    %dma_wait3A_244 = tpu.memref_slice %arg2[%dma_wait3A_242, %dma_wait3A_243] : memref<10000x16xf32, #tpu.memory_space<hbm>> -> memref<10000x16xf32, #tpu.memory_space<hbm>>
    tpu.wait_indirect_dma semaphore(%arg11 : memref<!tpu.dma_semaphore, #tpu.memory_space<semaphore_mem>>) src(%dma_wait3A_244 : memref<10000x16xf32, #tpu.memory_space<hbm>>) dst(%dma_wait3A_238 : memref<100x16xf32, #tpu.memory_space<vmem>>)
    %dma_start3A_245 = arith.constant 0 : i32
    %dma_start3A_246 = arith.constant 96 : i32
    %dma_start3A_247 = arith.constant 0 : i32
    %dma_start3A_248 = arith.constant 0 : i32
    %dma_start3A_249 = tpu.memref_slice %arg8[%dma_start3A_245, %dma_start3A_247, %dma_start3A_248] : memref<4x100x16xf32, #tpu.memory_space<vmem>> -> memref<1x100x16xf32, #tpu.memory_space<vmem>>
    %dma_start3A_250 = tpu.memref_squeeze %dma_start3A_249 : memref<1x100x16xf32, #tpu.memory_space<vmem>> -> memref<100x16xf32, #tpu.memory_space<vmem>>
    %dma_start3A_251 = arith.constant 0 : i32
    %dma_start3A_252 = tpu.memref_slice %arg7[%dma_start3A_246, %dma_start3A_251] : memref<100x100xi32, #tpu.memory_space<vmem>> -> memref<1x100xi32, #tpu.memory_space<vmem>>
    %dma_start3A_253 = tpu.memref_squeeze %dma_start3A_252 : memref<1x100xi32, #tpu.memory_space<vmem>> -> memref<100xi32, #tpu.memory_space<vmem>>
    %dma_start3A_254 = arith.constant 0 : i32
    %dma_start3A_255 = arith.constant 0 : i32
    %dma_start3A_256 = tpu.memref_slice %arg10[%dma_start3A_254, %dma_start3A_255] : memref<10240x16xf32, #tpu.memory_space<vmem_shared>> -> memref<10240x16xf32, #tpu.memory_space<vmem_shared>>
    tpu.enqueue_indirect_dma source(%dma_start3A_250 : memref<100x16xf32, #tpu.memory_space<vmem>>) target(%dma_start3A_256 : memref<10240x16xf32, #tpu.memory_space<vmem_shared>>) offsets(%dma_start3A_253 : memref<100xi32, #tpu.memory_space<vmem>>) semaphore(%arg15 : memref<!tpu.dma_semaphore, #tpu.memory_space<semaphore_mem>>) {add = true}
    %dma_wait3A_257 = arith.constant 2 : i32
    %dma_wait3A_258 = arith.constant 0 : i32
    %dma_wait3A_259 = arith.constant 0 : i32
    %dma_wait3A_260 = arith.constant 0 : i32
    %dma_wait3A_261 = tpu.memref_slice %arg8[%dma_wait3A_257, %dma_wait3A_259, %dma_wait3A_260] : memref<4x100x16xf32, #tpu.memory_space<vmem>> -> memref<1x100x16xf32, #tpu.memory_space<vmem>>
    %dma_wait3A_262 = tpu.memref_squeeze %dma_wait3A_261 : memref<1x100x16xf32, #tpu.memory_space<vmem>> -> memref<100x16xf32, #tpu.memory_space<vmem>>
    %dma_wait3A_263 = arith.constant 0 : i32
    %dma_wait3A_264 = tpu.memref_slice %arg7[%dma_wait3A_258, %dma_wait3A_263] : memref<100x100xi32, #tpu.memory_space<vmem>> -> memref<1x100xi32, #tpu.memory_space<vmem>>
    %dma_wait3A_265 = tpu.memref_squeeze %dma_wait3A_264 : memref<1x100xi32, #tpu.memory_space<vmem>> -> memref<100xi32, #tpu.memory_space<vmem>>
    %dma_wait3A_266 = arith.constant 0 : i32
    %dma_wait3A_267 = arith.constant 0 : i32
    %dma_wait3A_268 = tpu.memref_slice %arg10[%dma_wait3A_266, %dma_wait3A_267] : memref<10240x16xf32, #tpu.memory_space<vmem_shared>> -> memref<10240x16xf32, #tpu.memory_space<vmem_shared>>
    tpu.wait_indirect_dma semaphore(%arg17 : memref<!tpu.dma_semaphore, #tpu.memory_space<semaphore_mem>>) src(%dma_wait3A_262 : memref<100x16xf32, #tpu.memory_space<vmem>>) dst(%dma_wait3A_268 : memref<10240x16xf32, #tpu.memory_space<vmem_shared>>)
    %dma_start3A_269 = arith.constant 98 : i32
    %dma_start3A_270 = arith.constant 2 : i32
    %dma_start3A_271 = arith.constant 0 : i32
    %dma_start3A_272 = arith.constant 0 : i32
    %dma_start3A_273 = tpu.memref_slice %arg8[%dma_start3A_270, %dma_start3A_271, %dma_start3A_272] : memref<4x100x16xf32, #tpu.memory_space<vmem>> -> memref<1x100x16xf32, #tpu.memory_space<vmem>>
    %dma_start3A_274 = tpu.memref_squeeze %dma_start3A_273 : memref<1x100x16xf32, #tpu.memory_space<vmem>> -> memref<100x16xf32, #tpu.memory_space<vmem>>
    %dma_start3A_275 = arith.constant 0 : i32
    %dma_start3A_276 = tpu.memref_slice %arg6[%dma_start3A_269, %dma_start3A_275] : memref<100x100xi32, #tpu.memory_space<vmem>> -> memref<1x100xi32, #tpu.memory_space<vmem>>
    %dma_start3A_277 = tpu.memref_squeeze %dma_start3A_276 : memref<1x100xi32, #tpu.memory_space<vmem>> -> memref<100xi32, #tpu.memory_space<vmem>>
    %dma_start3A_278 = arith.constant 0 : i32
    %dma_start3A_279 = arith.constant 0 : i32
    %dma_start3A_280 = tpu.memref_slice %arg2[%dma_start3A_278, %dma_start3A_279] : memref<10000x16xf32, #tpu.memory_space<hbm>> -> memref<10000x16xf32, #tpu.memory_space<hbm>>
    tpu.enqueue_indirect_dma source(%dma_start3A_280 : memref<10000x16xf32, #tpu.memory_space<hbm>>) target(%dma_start3A_274 : memref<100x16xf32, #tpu.memory_space<vmem>>) offsets(%dma_start3A_277 : memref<100xi32, #tpu.memory_space<vmem>>) semaphore(%arg13 : memref<!tpu.dma_semaphore, #tpu.memory_space<semaphore_mem>>)
    %dma_wait3A_281 = arith.constant 97 : i32
    %dma_wait3A_282 = arith.constant 1 : i32
    %dma_wait3A_283 = arith.constant 0 : i32
    %dma_wait3A_284 = arith.constant 0 : i32
    %dma_wait3A_285 = tpu.memref_slice %arg8[%dma_wait3A_282, %dma_wait3A_283, %dma_wait3A_284] : memref<4x100x16xf32, #tpu.memory_space<vmem>> -> memref<1x100x16xf32, #tpu.memory_space<vmem>>
    %dma_wait3A_286 = tpu.memref_squeeze %dma_wait3A_285 : memref<1x100x16xf32, #tpu.memory_space<vmem>> -> memref<100x16xf32, #tpu.memory_space<vmem>>
    %dma_wait3A_287 = arith.constant 0 : i32
    %dma_wait3A_288 = tpu.memref_slice %arg6[%dma_wait3A_281, %dma_wait3A_287] : memref<100x100xi32, #tpu.memory_space<vmem>> -> memref<1x100xi32, #tpu.memory_space<vmem>>
    %dma_wait3A_289 = tpu.memref_squeeze %dma_wait3A_288 : memref<1x100xi32, #tpu.memory_space<vmem>> -> memref<100xi32, #tpu.memory_space<vmem>>
    %dma_wait3A_290 = arith.constant 0 : i32
    %dma_wait3A_291 = arith.constant 0 : i32
    %dma_wait3A_292 = tpu.memref_slice %arg2[%dma_wait3A_290, %dma_wait3A_291] : memref<10000x16xf32, #tpu.memory_space<hbm>> -> memref<10000x16xf32, #tpu.memory_space<hbm>>
    tpu.wait_indirect_dma semaphore(%arg12 : memref<!tpu.dma_semaphore, #tpu.memory_space<semaphore_mem>>) src(%dma_wait3A_292 : memref<10000x16xf32, #tpu.memory_space<hbm>>) dst(%dma_wait3A_286 : memref<100x16xf32, #tpu.memory_space<vmem>>)
    %dma_start3A_293 = arith.constant 1 : i32
    %dma_start3A_294 = arith.constant 97 : i32
    %dma_start3A_295 = arith.constant 0 : i32
    %dma_start3A_296 = arith.constant 0 : i32
    %dma_start3A_297 = tpu.memref_slice %arg8[%dma_start3A_293, %dma_start3A_295, %dma_start3A_296] : memref<4x100x16xf32, #tpu.memory_space<vmem>> -> memref<1x100x16xf32, #tpu.memory_space<vmem>>
    %dma_start3A_298 = tpu.memref_squeeze %dma_start3A_297 : memref<1x100x16xf32, #tpu.memory_space<vmem>> -> memref<100x16xf32, #tpu.memory_space<vmem>>
    %dma_start3A_299 = arith.constant 0 : i32
    %dma_start3A_300 = tpu.memref_slice %arg7[%dma_start3A_294, %dma_start3A_299] : memref<100x100xi32, #tpu.memory_space<vmem>> -> memref<1x100xi32, #tpu.memory_space<vmem>>
    %dma_start3A_301 = tpu.memref_squeeze %dma_start3A_300 : memref<1x100xi32, #tpu.memory_space<vmem>> -> memref<100xi32, #tpu.memory_space<vmem>>
    %dma_start3A_302 = arith.constant 0 : i32
    %dma_start3A_303 = arith.constant 0 : i32
    %dma_start3A_304 = tpu.memref_slice %arg10[%dma_start3A_302, %dma_start3A_303] : memref<10240x16xf32, #tpu.memory_space<vmem_shared>> -> memref<10240x16xf32, #tpu.memory_space<vmem_shared>>
    tpu.enqueue_indirect_dma source(%dma_start3A_298 : memref<100x16xf32, #tpu.memory_space<vmem>>) target(%dma_start3A_304 : memref<10240x16xf32, #tpu.memory_space<vmem_shared>>) offsets(%dma_start3A_301 : memref<100xi32, #tpu.memory_space<vmem>>) semaphore(%arg16 : memref<!tpu.dma_semaphore, #tpu.memory_space<semaphore_mem>>) {add = true}
    %dma_wait3A_305 = arith.constant 3 : i32
    %dma_wait3A_306 = arith.constant 0 : i32
    %dma_wait3A_307 = arith.constant 0 : i32
    %dma_wait3A_308 = arith.constant 0 : i32
    %dma_wait3A_309 = tpu.memref_slice %arg8[%dma_wait3A_305, %dma_wait3A_307, %dma_wait3A_308] : memref<4x100x16xf32, #tpu.memory_space<vmem>> -> memref<1x100x16xf32, #tpu.memory_space<vmem>>
    %dma_wait3A_310 = tpu.memref_squeeze %dma_wait3A_309 : memref<1x100x16xf32, #tpu.memory_space<vmem>> -> memref<100x16xf32, #tpu.memory_space<vmem>>
    %dma_wait3A_311 = arith.constant 0 : i32
    %dma_wait3A_312 = tpu.memref_slice %arg7[%dma_wait3A_306, %dma_wait3A_311] : memref<100x100xi32, #tpu.memory_space<vmem>> -> memref<1x100xi32, #tpu.memory_space<vmem>>
    %dma_wait3A_313 = tpu.memref_squeeze %dma_wait3A_312 : memref<1x100xi32, #tpu.memory_space<vmem>> -> memref<100xi32, #tpu.memory_space<vmem>>
    %dma_wait3A_314 = arith.constant 0 : i32
    %dma_wait3A_315 = arith.constant 0 : i32
    %dma_wait3A_316 = tpu.memref_slice %arg10[%dma_wait3A_314, %dma_wait3A_315] : memref<10240x16xf32, #tpu.memory_space<vmem_shared>> -> memref<10240x16xf32, #tpu.memory_space<vmem_shared>>
    tpu.wait_indirect_dma semaphore(%arg18 : memref<!tpu.dma_semaphore, #tpu.memory_space<semaphore_mem>>) src(%dma_wait3A_310 : memref<100x16xf32, #tpu.memory_space<vmem>>) dst(%dma_wait3A_316 : memref<10240x16xf32, #tpu.memory_space<vmem_shared>>)
    %dma_start3A_317 = arith.constant 99 : i32
    %dma_start3A_318 = arith.constant 3 : i32
    %dma_start3A_319 = arith.constant 0 : i32
    %dma_start3A_320 = arith.constant 0 : i32
    %dma_start3A_321 = tpu.memref_slice %arg8[%dma_start3A_318, %dma_start3A_319, %dma_start3A_320] : memref<4x100x16xf32, #tpu.memory_space<vmem>> -> memref<1x100x16xf32, #tpu.memory_space<vmem>>
    %dma_start3A_322 = tpu.memref_squeeze %dma_start3A_321 : memref<1x100x16xf32, #tpu.memory_space<vmem>> -> memref<100x16xf32, #tpu.memory_space<vmem>>
    %dma_start3A_323 = arith.constant 0 : i32
    %dma_start3A_324 = tpu.memref_slice %arg6[%dma_start3A_317, %dma_start3A_323] : memref<100x100xi32, #tpu.memory_space<vmem>> -> memref<1x100xi32, #tpu.memory_space<vmem>>
    %dma_start3A_325 = tpu.memref_squeeze %dma_start3A_324 : memref<1x100xi32, #tpu.memory_space<vmem>> -> memref<100xi32, #tpu.memory_space<vmem>>
    %dma_start3A_326 = arith.constant 0 : i32
    %dma_start3A_327 = arith.constant 0 : i32
    %dma_start3A_328 = tpu.memref_slice %arg2[%dma_start3A_326, %dma_start3A_327] : memref<10000x16xf32, #tpu.memory_space<hbm>> -> memref<10000x16xf32, #tpu.memory_space<hbm>>
    tpu.enqueue_indirect_dma source(%dma_start3A_328 : memref<10000x16xf32, #tpu.memory_space<hbm>>) target(%dma_start3A_322 : memref<100x16xf32, #tpu.memory_space<vmem>>) offsets(%dma_start3A_325 : memref<100xi32, #tpu.memory_space<vmem>>) semaphore(%arg14 : memref<!tpu.dma_semaphore, #tpu.memory_space<semaphore_mem>>)
    %dma_wait3A_329 = arith.constant 98 : i32
    %dma_wait3A_330 = arith.constant 2 : i32
    %dma_wait3A_331 = arith.constant 0 : i32
    %dma_wait3A_332 = arith.constant 0 : i32
    %dma_wait3A_333 = tpu.memref_slice %arg8[%dma_wait3A_330, %dma_wait3A_331, %dma_wait3A_332] : memref<4x100x16xf32, #tpu.memory_space<vmem>> -> memref<1x100x16xf32, #tpu.memory_space<vmem>>
    %dma_wait3A_334 = tpu.memref_squeeze %dma_wait3A_333 : memref<1x100x16xf32, #tpu.memory_space<vmem>> -> memref<100x16xf32, #tpu.memory_space<vmem>>
    %dma_wait3A_335 = arith.constant 0 : i32
    %dma_wait3A_336 = tpu.memref_slice %arg6[%dma_wait3A_329, %dma_wait3A_335] : memref<100x100xi32, #tpu.memory_space<vmem>> -> memref<1x100xi32, #tpu.memory_space<vmem>>
    %dma_wait3A_337 = tpu.memref_squeeze %dma_wait3A_336 : memref<1x100xi32, #tpu.memory_space<vmem>> -> memref<100xi32, #tpu.memory_space<vmem>>
    %dma_wait3A_338 = arith.constant 0 : i32
    %dma_wait3A_339 = arith.constant 0 : i32
    %dma_wait3A_340 = tpu.memref_slice %arg2[%dma_wait3A_338, %dma_wait3A_339] : memref<10000x16xf32, #tpu.memory_space<hbm>> -> memref<10000x16xf32, #tpu.memory_space<hbm>>
    tpu.wait_indirect_dma semaphore(%arg13 : memref<!tpu.dma_semaphore, #tpu.memory_space<semaphore_mem>>) src(%dma_wait3A_340 : memref<10000x16xf32, #tpu.memory_space<hbm>>) dst(%dma_wait3A_334 : memref<100x16xf32, #tpu.memory_space<vmem>>)
    %dma_start3A_341 = arith.constant 2 : i32
    %dma_start3A_342 = arith.constant 98 : i32
    %dma_start3A_343 = arith.constant 0 : i32
    %dma_start3A_344 = arith.constant 0 : i32
    %dma_start3A_345 = tpu.memref_slice %arg8[%dma_start3A_341, %dma_start3A_343, %dma_start3A_344] : memref<4x100x16xf32, #tpu.memory_space<vmem>> -> memref<1x100x16xf32, #tpu.memory_space<vmem>>
    %dma_start3A_346 = tpu.memref_squeeze %dma_start3A_345 : memref<1x100x16xf32, #tpu.memory_space<vmem>> -> memref<100x16xf32, #tpu.memory_space<vmem>>
    %dma_start3A_347 = arith.constant 0 : i32
    %dma_start3A_348 = tpu.memref_slice %arg7[%dma_start3A_342, %dma_start3A_347] : memref<100x100xi32, #tpu.memory_space<vmem>> -> memref<1x100xi32, #tpu.memory_space<vmem>>
    %dma_start3A_349 = tpu.memref_squeeze %dma_start3A_348 : memref<1x100xi32, #tpu.memory_space<vmem>> -> memref<100xi32, #tpu.memory_space<vmem>>
    %dma_start3A_350 = arith.constant 0 : i32
    %dma_start3A_351 = arith.constant 0 : i32
    %dma_start3A_352 = tpu.memref_slice %arg10[%dma_start3A_350, %dma_start3A_351] : memref<10240x16xf32, #tpu.memory_space<vmem_shared>> -> memref<10240x16xf32, #tpu.memory_space<vmem_shared>>
    tpu.enqueue_indirect_dma source(%dma_start3A_346 : memref<100x16xf32, #tpu.memory_space<vmem>>) target(%dma_start3A_352 : memref<10240x16xf32, #tpu.memory_space<vmem_shared>>) offsets(%dma_start3A_349 : memref<100xi32, #tpu.memory_space<vmem>>) semaphore(%arg17 : memref<!tpu.dma_semaphore, #tpu.memory_space<semaphore_mem>>) {add = true}
    %dma_wait3A_353 = arith.constant 99 : i32
    %dma_wait3A_354 = arith.constant 3 : i32
    %dma_wait3A_355 = arith.constant 0 : i32
    %dma_wait3A_356 = arith.constant 0 : i32
    %dma_wait3A_357 = tpu.memref_slice %arg8[%dma_wait3A_354, %dma_wait3A_355, %dma_wait3A_356] : memref<4x100x16xf32, #tpu.memory_space<vmem>> -> memref<1x100x16xf32, #tpu.memory_space<vmem>>
    %dma_wait3A_358 = tpu.memref_squeeze %dma_wait3A_357 : memref<1x100x16xf32, #tpu.memory_space<vmem>> -> memref<100x16xf32, #tpu.memory_space<vmem>>
    %dma_wait3A_359 = arith.constant 0 : i32
    %dma_wait3A_360 = tpu.memref_slice %arg6[%dma_wait3A_353, %dma_wait3A_359] : memref<100x100xi32, #tpu.memory_space<vmem>> -> memref<1x100xi32, #tpu.memory_space<vmem>>
    %dma_wait3A_361 = tpu.memref_squeeze %dma_wait3A_360 : memref<1x100xi32, #tpu.memory_space<vmem>> -> memref<100xi32, #tpu.memory_space<vmem>>
    %dma_wait3A_362 = arith.constant 0 : i32
    %dma_wait3A_363 = arith.constant 0 : i32
    %dma_wait3A_364 = tpu.memref_slice %arg2[%dma_wait3A_362, %dma_wait3A_363] : memref<10000x16xf32, #tpu.memory_space<hbm>> -> memref<10000x16xf32, #tpu.memory_space<hbm>>
    tpu.wait_indirect_dma semaphore(%arg14 : memref<!tpu.dma_semaphore, #tpu.memory_space<semaphore_mem>>) src(%dma_wait3A_364 : memref<10000x16xf32, #tpu.memory_space<hbm>>) dst(%dma_wait3A_358 : memref<100x16xf32, #tpu.memory_space<vmem>>)
    %dma_start3A_365 = arith.constant 3 : i32
    %dma_start3A_366 = arith.constant 99 : i32
    %dma_start3A_367 = arith.constant 0 : i32
    %dma_start3A_368 = arith.constant 0 : i32
    %dma_start3A_369 = tpu.memref_slice %arg8[%dma_start3A_365, %dma_start3A_367, %dma_start3A_368] : memref<4x100x16xf32, #tpu.memory_space<vmem>> -> memref<1x100x16xf32, #tpu.memory_space<vmem>>
    %dma_start3A_370 = tpu.memref_squeeze %dma_start3A_369 : memref<1x100x16xf32, #tpu.memory_space<vmem>> -> memref<100x16xf32, #tpu.memory_space<vmem>>
    %dma_start3A_371 = arith.constant 0 : i32
    %dma_start3A_372 = tpu.memref_slice %arg7[%dma_start3A_366, %dma_start3A_371] : memref<100x100xi32, #tpu.memory_space<vmem>> -> memref<1x100xi32, #tpu.memory_space<vmem>>
    %dma_start3A_373 = tpu.memref_squeeze %dma_start3A_372 : memref<1x100xi32, #tpu.memory_space<vmem>> -> memref<100xi32, #tpu.memory_space<vmem>>
    %dma_start3A_374 = arith.constant 0 : i32
    %dma_start3A_375 = arith.constant 0 : i32
    %dma_start3A_376 = tpu.memref_slice %arg10[%dma_start3A_374, %dma_start3A_375] : memref<10240x16xf32, #tpu.memory_space<vmem_shared>> -> memref<10240x16xf32, #tpu.memory_space<vmem_shared>>
    tpu.enqueue_indirect_dma source(%dma_start3A_370 : memref<100x16xf32, #tpu.memory_space<vmem>>) target(%dma_start3A_376 : memref<10240x16xf32, #tpu.memory_space<vmem_shared>>) offsets(%dma_start3A_373 : memref<100xi32, #tpu.memory_space<vmem>>) semaphore(%arg18 : memref<!tpu.dma_semaphore, #tpu.memory_space<semaphore_mem>>) {add = true}
    %dma_wait3A_377 = arith.constant 0 : i32
    %dma_wait3A_378 = arith.constant 0 : i32
    %dma_wait3A_379 = arith.constant 0 : i32
    %dma_wait3A_380 = arith.constant 0 : i32
    %dma_wait3A_381 = tpu.memref_slice %arg8[%dma_wait3A_377, %dma_wait3A_379, %dma_wait3A_380] : memref<4x100x16xf32, #tpu.memory_space<vmem>> -> memref<1x100x16xf32, #tpu.memory_space<vmem>>
    %dma_wait3A_382 = tpu.memref_squeeze %dma_wait3A_381 : memref<1x100x16xf32, #tpu.memory_space<vmem>> -> memref<100x16xf32, #tpu.memory_space<vmem>>
    %dma_wait3A_383 = arith.constant 0 : i32
    %dma_wait3A_384 = tpu.memref_slice %arg7[%dma_wait3A_378, %dma_wait3A_383] : memref<100x100xi32, #tpu.memory_space<vmem>> -> memref<1x100xi32, #tpu.memory_space<vmem>>
    %dma_wait3A_385 = tpu.memref_squeeze %dma_wait3A_384 : memref<1x100xi32, #tpu.memory_space<vmem>> -> memref<100xi32, #tpu.memory_space<vmem>>
    %dma_wait3A_386 = arith.constant 0 : i32
    %dma_wait3A_387 = arith.constant 0 : i32
    %dma_wait3A_388 = tpu.memref_slice %arg10[%dma_wait3A_386, %dma_wait3A_387] : memref<10240x16xf32, #tpu.memory_space<vmem_shared>> -> memref<10240x16xf32, #tpu.memory_space<vmem_shared>>
    tpu.wait_indirect_dma semaphore(%arg15 : memref<!tpu.dma_semaphore, #tpu.memory_space<semaphore_mem>>) src(%dma_wait3A_382 : memref<100x16xf32, #tpu.memory_space<vmem>>) dst(%dma_wait3A_388 : memref<10240x16xf32, #tpu.memory_space<vmem_shared>>)
    %dma_wait3A_389 = arith.constant 1 : i32
    %dma_wait3A_390 = arith.constant 0 : i32
    %dma_wait3A_391 = arith.constant 0 : i32
    %dma_wait3A_392 = arith.constant 0 : i32
    %dma_wait3A_393 = tpu.memref_slice %arg8[%dma_wait3A_389, %dma_wait3A_391, %dma_wait3A_392] : memref<4x100x16xf32, #tpu.memory_space<vmem>> -> memref<1x100x16xf32, #tpu.memory_space<vmem>>
    %dma_wait3A_394 = tpu.memref_squeeze %dma_wait3A_393 : memref<1x100x16xf32, #tpu.memory_space<vmem>> -> memref<100x16xf32, #tpu.memory_space<vmem>>
    %dma_wait3A_395 = arith.constant 0 : i32
    %dma_wait3A_396 = tpu.memref_slice %arg7[%dma_wait3A_390, %dma_wait3A_395] : memref<100x100xi32, #tpu.memory_space<vmem>> -> memref<1x100xi32, #tpu.memory_space<vmem>>
    %dma_wait3A_397 = tpu.memref_squeeze %dma_wait3A_396 : memref<1x100xi32, #tpu.memory_space<vmem>> -> memref<100xi32, #tpu.memory_space<vmem>>
    %dma_wait3A_398 = arith.constant 0 : i32
    %dma_wait3A_399 = arith.constant 0 : i32
    %dma_wait3A_400 = tpu.memref_slice %arg10[%dma_wait3A_398, %dma_wait3A_399] : memref<10240x16xf32, #tpu.memory_space<vmem_shared>> -> memref<10240x16xf32, #tpu.memory_space<vmem_shared>>
    tpu.wait_indirect_dma semaphore(%arg16 : memref<!tpu.dma_semaphore, #tpu.memory_space<semaphore_mem>>) src(%dma_wait3A_394 : memref<100x16xf32, #tpu.memory_space<vmem>>) dst(%dma_wait3A_400 : memref<10240x16xf32, #tpu.memory_space<vmem_shared>>)
    %dma_wait3A_401 = arith.constant 2 : i32
    %dma_wait3A_402 = arith.constant 0 : i32
    %dma_wait3A_403 = arith.constant 0 : i32
    %dma_wait3A_404 = arith.constant 0 : i32
    %dma_wait3A_405 = tpu.memref_slice %arg8[%dma_wait3A_401, %dma_wait3A_403, %dma_wait3A_404] : memref<4x100x16xf32, #tpu.memory_space<vmem>> -> memref<1x100x16xf32, #tpu.memory_space<vmem>>
    %dma_wait3A_406 = tpu.memref_squeeze %dma_wait3A_405 : memref<1x100x16xf32, #tpu.memory_space<vmem>> -> memref<100x16xf32, #tpu.memory_space<vmem>>
    %dma_wait3A_407 = arith.constant 0 : i32
    %dma_wait3A_408 = tpu.memref_slice %arg7[%dma_wait3A_402, %dma_wait3A_407] : memref<100x100xi32, #tpu.memory_space<vmem>> -> memref<1x100xi32, #tpu.memory_space<vmem>>
    %dma_wait3A_409 = tpu.memref_squeeze %dma_wait3A_408 : memref<1x100xi32, #tpu.memory_space<vmem>> -> memref<100xi32, #tpu.memory_space<vmem>>
    %dma_wait3A_410 = arith.constant 0 : i32
    %dma_wait3A_411 = arith.constant 0 : i32
    %dma_wait3A_412 = tpu.memref_slice %arg10[%dma_wait3A_410, %dma_wait3A_411] : memref<10240x16xf32, #tpu.memory_space<vmem_shared>> -> memref<10240x16xf32, #tpu.memory_space<vmem_shared>>
    tpu.wait_indirect_dma semaphore(%arg17 : memref<!tpu.dma_semaphore, #tpu.memory_space<semaphore_mem>>) src(%dma_wait3A_406 : memref<100x16xf32, #tpu.memory_space<vmem>>) dst(%dma_wait3A_412 : memref<10240x16xf32, #tpu.memory_space<vmem_shared>>)
    %dma_wait3A_413 = arith.constant 3 : i32
    %dma_wait3A_414 = arith.constant 0 : i32
    %dma_wait3A_415 = arith.constant 0 : i32
    %dma_wait3A_416 = arith.constant 0 : i32
    %dma_wait3A_417 = tpu.memref_slice %arg8[%dma_wait3A_413, %dma_wait3A_415, %dma_wait3A_416] : memref<4x100x16xf32, #tpu.memory_space<vmem>> -> memref<1x100x16xf32, #tpu.memory_space<vmem>>
    %dma_wait3A_418 = tpu.memref_squeeze %dma_wait3A_417 : memref<1x100x16xf32, #tpu.memory_space<vmem>> -> memref<100x16xf32, #tpu.memory_space<vmem>>
    %dma_wait3A_419 = arith.constant 0 : i32
    %dma_wait3A_420 = tpu.memref_slice %arg7[%dma_wait3A_414, %dma_wait3A_419] : memref<100x100xi32, #tpu.memory_space<vmem>> -> memref<1x100xi32, #tpu.memory_space<vmem>>
    %dma_wait3A_421 = tpu.memref_squeeze %dma_wait3A_420 : memref<1x100xi32, #tpu.memory_space<vmem>> -> memref<100xi32, #tpu.memory_space<vmem>>
    %dma_wait3A_422 = arith.constant 0 : i32
    %dma_wait3A_423 = arith.constant 0 : i32
    %dma_wait3A_424 = tpu.memref_slice %arg10[%dma_wait3A_422, %dma_wait3A_423] : memref<10240x16xf32, #tpu.memory_space<vmem_shared>> -> memref<10240x16xf32, #tpu.memory_space<vmem_shared>>
    tpu.wait_indirect_dma semaphore(%arg18 : memref<!tpu.dma_semaphore, #tpu.memory_space<semaphore_mem>>) src(%dma_wait3A_418 : memref<100x16xf32, #tpu.memory_space<vmem>>) dst(%dma_wait3A_424 : memref<10240x16xf32, #tpu.memory_space<vmem_shared>>)
    %barrier3A_425 = arith.constant 0 : index
    tpu.barrier barrier_id(%barrier3A_425)
    %mul3A_426 = arith.constant 640 : i32
    %mul3A_427 = arith.muli %arg1, %mul3A_426 : i32
    %mul3A_428 = arith.constant 640 : i32
    %mul3A_429 = arith.muli %arg1, %mul3A_428 : i32
    "tpu.region"() ({
      %run_scoped3A = tpu.sem_alloc : memref<!tpu.dma_semaphore, #tpu.memory_space<semaphore_mem>>
      %dma_start3A_430 = arith.constant 0 : i32
      %dma_start3A_431 = tpu.memref_slice %arg5[%arg0, %mul3A_429, %dma_start3A_430] : memref<2x10240x16xf32, #tpu.memory_space<hbm>> -> memref<1x640x16xf32, #tpu.memory_space<hbm>>
      %dma_start3A_432 = tpu.memref_squeeze %dma_start3A_431 : memref<1x640x16xf32, #tpu.memory_space<hbm>> -> memref<640x16xf32, #tpu.memory_space<hbm>>
      %dma_start3A_433 = arith.constant 0 : i32
      %dma_start3A_434 = tpu.memref_slice %arg10[%mul3A_427, %dma_start3A_433] : memref<10240x16xf32, #tpu.memory_space<vmem_shared>> -> memref<640x16xf32, #tpu.memory_space<vmem_shared>>
      tpu.enqueue_dma source(%dma_start3A_434 : memref<640x16xf32, #tpu.memory_space<vmem_shared>>) target(%dma_start3A_432 : memref<640x16xf32, #tpu.memory_space<hbm>>) target_semaphore(%run_scoped3A : memref<!tpu.dma_semaphore, #tpu.memory_space<semaphore_mem>>)
      %dma_wait3A_435 = arith.constant 0 : i32
      %dma_wait3A_436 = tpu.memref_slice %arg5[%arg0, %mul3A_429, %dma_wait3A_435] : memref<2x10240x16xf32, #tpu.memory_space<hbm>> -> memref<1x640x16xf32, #tpu.memory_space<hbm>>
      %dma_wait3A_437 = tpu.memref_squeeze %dma_wait3A_436 : memref<1x640x16xf32, #tpu.memory_space<hbm>> -> memref<640x16xf32, #tpu.memory_space<hbm>>
      %dma_wait3A_438 = arith.constant 0 : i32
      %dma_wait3A_439 = tpu.memref_slice %arg10[%mul3A_427, %dma_wait3A_438] : memref<10240x16xf32, #tpu.memory_space<vmem_shared>> -> memref<640x16xf32, #tpu.memory_space<vmem_shared>>
      tpu.wait_dma2 semaphore(%run_scoped3A : memref<!tpu.dma_semaphore, #tpu.memory_space<semaphore_mem>>) src(%dma_wait3A_439 : memref<640x16xf32, #tpu.memory_space<vmem_shared>>) dst(%dma_wait3A_437 : memref<640x16xf32, #tpu.memory_space<hbm>>)
      tpu.yield
    }) : () -> ()
    return
  }
}

module attributes {stable_mosaic.version = 14 : i64} {
  func.func @_ka_body(%arg0: i32, %arg1: memref<1000x128xf32, #tpu.memory_space<vmem>>, %arg2: memref<128x128xf32, #tpu.memory_space<vmem>>, %arg3: memref<1x128xf32, #tpu.memory_space<vmem>>, %arg4: memref<1000x128xf32, #tpu.memory_space<vmem>>) attributes {dimension_semantics = [#tpu.dimension_semantics<arbitrary>], iteration_bounds = array<i64: 10>, scalar_prefetch = 0 : i64, scratch_operands = 0 : i64, tpu.core_type = #tpu.core_type<tc>, window_params = [{transform_indices = @transform_0, window_bounds = array<i64: 1000, 128>}, {pipeline_mode = #tpu.pipeline_mode<synchronous>, transform_indices = @transform_1, window_bounds = array<i64: 128, 128>}, {pipeline_mode = #tpu.pipeline_mode<synchronous>, transform_indices = @transform_2, window_bounds = array<i64: 1, 128>}, {transform_indices = @transform_3, window_bounds = array<i64: 1000, 128>}]} {
    %get3A = arith.constant 0 : index
    %get3A_0 = arith.constant 0 : index
    %get3A_1 = vector.load %arg1[%get3A, %get3A_0] : memref<1000x128xf32, #tpu.memory_space<vmem>>, vector<1000x128xf32>
    %get3A_2 = arith.constant 0 : index
    %get3A_3 = arith.constant 0 : index
    %get3A_4 = vector.load %arg2[%get3A_2, %get3A_3] : memref<128x128xf32, #tpu.memory_space<vmem>>, vector<128x128xf32>
    %dot_general3A = arith.constant dense<0.000000e+00> : vector<1000x128xf32>
    %dot_general3A_5 = tpu.matmul %get3A_1, %get3A_4, %dot_general3A {dimension_numbers = #tpu.dot_dimension_numbers<[1], [1], [0], [0], [0, 0, 1, 0], [], []>, precision = #tpu.contract_precision<fp32>, transpose_lhs_hint = false} : vector<1000x128xf32>, vector<128x128xf32>, vector<1000x128xf32> -> vector<1000x128xf32>
    %get3A_6 = arith.constant 0 : index
    %get3A_7 = arith.constant 0 : index
    %get3A_8 = vector.load %arg3[%get3A_6, %get3A_7] : memref<1x128xf32, #tpu.memory_space<vmem>>, vector<1x128xf32>
    %add3A = vector.broadcast %get3A_8 : vector<1x128xf32> to vector<1000x128xf32>
    %add3A_9 = arith.addf %dot_general3A_5, %add3A : vector<1000x128xf32>
    %swap3A = arith.constant 0 : index
    %swap3A_10 = arith.constant 0 : index
    %swap3A_11 = vector.load %arg4[%swap3A, %swap3A_10] : memref<1000x128xf32, #tpu.memory_space<vmem>>, vector<1000x128xf32>
    tpu.vector_store %arg4[%swap3A, %swap3A_10], %add3A_9 {strides = array<i32>} : memref<1000x128xf32, #tpu.memory_space<vmem>>, vector<1000x128xf32>,
    return
  }
  func.func @transform_0(%arg0: i32) -> (i32, i32) {
    %c0_i32 = arith.constant 0 : i32
    %c0_i32_0 = arith.constant 0 : i32
    return %arg0, %c0_i32 : i32, i32
  }
  func.func @transform_1(%arg0: i32) -> (i32, i32) {
    %c0_i32 = arith.constant 0 : i32
    %c0_i32_0 = arith.constant 0 : i32
    %c0_i32_1 = arith.constant 0 : i32
    return %c0_i32, %c0_i32_0 : i32, i32
  }
  func.func @transform_2(%arg0: i32) -> (i32, i32) {
    %c0_i32 = arith.constant 0 : i32
    %c0_i32_0 = arith.constant 0 : i32
    %c0_i32_1 = arith.constant 0 : i32
    return %c0_i32, %c0_i32_0 : i32, i32
  }
  func.func @transform_3(%arg0: i32) -> (i32, i32) {
    %c0_i32 = arith.constant 0 : i32
    %c0_i32_0 = arith.constant 0 : i32
    return %arg0, %c0_i32 : i32, i32
  }
}

module attributes {stable_mosaic.version = 14 : i64} {
  func.func @_kb_body(%arg0: i32, %arg1: memref<2x1000x64xf32, #tpu.memory_space<vmem>>, %arg2: memref<1000x16xf32, #tpu.memory_space<vmem>>, %arg3: memref<1000x128xf32, #tpu.memory_space<vmem>>, %arg4: memref<128x128xf32, #tpu.memory_space<vmem>>, %arg5: memref<1x128xf32, #tpu.memory_space<vmem>>, %arg6: memref<1x128xf32, #tpu.memory_space<vmem>>, %arg7: memref<1000x16xf32, #tpu.memory_space<vmem>>, %arg8: memref<1000x1xf32, #tpu.memory_space<vmem>>, %arg9: memref<1000x1xf32, #tpu.memory_space<vmem>>) attributes {dimension_semantics = [#tpu.dimension_semantics<arbitrary>], iteration_bounds = array<i64: 10>, scalar_prefetch = 0 : i64, scratch_operands = 0 : i64, tpu.core_type = #tpu.core_type<tc>, window_params = [{transform_indices = @transform_0, window_bounds = array<i64: 2, 1000, 64>}, {transform_indices = @transform_1, window_bounds = array<i64: 1000, 16>}, {transform_indices = @transform_2, window_bounds = array<i64: 1000, 128>}, {pipeline_mode = #tpu.pipeline_mode<synchronous>, transform_indices = @transform_3, window_bounds = array<i64: 128, 128>}, {pipeline_mode = #tpu.pipeline_mode<synchronous>, transform_indices = @transform_4, window_bounds = array<i64: 1, 128>}, {pipeline_mode = #tpu.pipeline_mode<synchronous>, transform_indices = @transform_5, window_bounds = array<i64: 1, 128>}, {transform_indices = @transform_6, window_bounds = array<i64: 1000, 16>}, {transform_indices = @transform_7, window_bounds = array<i64: 1000, 1>}, {transform_indices = @transform_8, window_bounds = array<i64: 1000, 1>}]} {
    %get3A = arith.constant 0 : index
    %get3A_0 = arith.constant 0 : index
    %get3A_1 = vector.load %arg2[%get3A, %get3A_0] : memref<1000x16xf32, #tpu.memory_space<vmem>>, vector<1000x1xf32>
    %max3A = arith.constant 1.000000e+00 : f32
    %max3A_2 = vector.broadcast %max3A : f32 to vector<1000x1xf32>
    %max3A_3 = arith.maximumf %get3A_1, %max3A_2 : vector<1000x1xf32>
    %div3A = arith.constant 1.000000e+00 : f32
    %div3A_4 = vector.broadcast %div3A : f32 to vector<1000x1xf32>
    %div3A_5 = arith.divf %div3A_4, %max3A_3 : vector<1000x1xf32>
    %get3A_6 = arith.constant 0 : index
    %get3A_7 = arith.constant 0 : index
    %get3A_8 = arith.constant 0 : index
    %get3A_9 = vector.load %arg1[%get3A_6, %get3A_7, %get3A_8] : memref<2x1000x64xf32, #tpu.memory_space<vmem>>, vector<1x1000x64xf32>
    %get3A_10 = vector.shape_cast %get3A_9 : vector<1x1000x64xf32> to vector<1000x64xf32>
    %get3A_11 = arith.constant 1 : index
    %get3A_12 = arith.constant 0 : index
    %get3A_13 = arith.constant 0 : index
    %get3A_14 = vector.load %arg1[%get3A_11, %get3A_12, %get3A_13] : memref<2x1000x64xf32, #tpu.memory_space<vmem>>, vector<1x1000x64xf32>
    %get3A_15 = vector.shape_cast %get3A_14 : vector<1x1000x64xf32> to vector<1000x64xf32>
    %concatenate3A = tpu.concatenate %get3A_10, %get3A_15 in 1 : vector<1000x64xf32>, vector<1000x64xf32> -> vector<1000x128xf32>
    %mul3A = vector.broadcast %div3A_5 : vector<1000x1xf32> to vector<1000x128xf32>
    %mul3A_16 = arith.mulf %concatenate3A, %mul3A : vector<1000x128xf32>
    %get3A_17 = arith.constant 0 : index
    %get3A_18 = arith.constant 0 : index
    %get3A_19 = vector.load %arg4[%get3A_17, %get3A_18] : memref<128x128xf32, #tpu.memory_space<vmem>>, vector<128x128xf32>
    %dot_general3A = arith.constant dense<0.000000e+00> : vector<1000x128xf32>
    %dot_general3A_20 = tpu.matmul %mul3A_16, %get3A_19, %dot_general3A {dimension_numbers = #tpu.dot_dimension_numbers<[1], [1], [0], [0], [0, 0, 1, 0], [], []>, precision = #tpu.contract_precision<fp32>, transpose_lhs_hint = false} : vector<1000x128xf32>, vector<128x128xf32>, vector<1000x128xf32> -> vector<1000x128xf32>
    %get3A_21 = arith.constant 0 : index
    %get3A_22 = arith.constant 0 : index
    %get3A_23 = vector.load %arg3[%get3A_21, %get3A_22] : memref<1000x128xf32, #tpu.memory_space<vmem>>, vector<1000x128xf32>
    %add3A = arith.addf %dot_general3A_20, %get3A_23 : vector<1000x128xf32>
    %max3A_24 = arith.constant 0.000000e+00 : f32
    %max3A_25 = vector.broadcast %max3A_24 : f32 to vector<1000x128xf32>
    %max3A_26 = arith.maximumf %add3A, %max3A_25 : vector<1000x128xf32>
    %get3A_27 = arith.constant 0 : index
    %get3A_28 = arith.constant 0 : index
    %get3A_29 = vector.load %arg5[%get3A_27, %get3A_28] : memref<1x128xf32, #tpu.memory_space<vmem>>, vector<1x128xf32>
    %dot_general3A_30 = arith.constant dense<0.000000e+00> : vector<1000x1xf32>
    %dot_general3A_31 = tpu.matmul %max3A_26, %get3A_29, %dot_general3A_30 {dimension_numbers = #tpu.dot_dimension_numbers<[1], [1], [0], [0], [0, 0, 1, 0], [], []>, precision = #tpu.contract_precision<fp32>, transpose_lhs_hint = false} : vector<1000x128xf32>, vector<1x128xf32>, vector<1000x1xf32> -> vector<1000x1xf32>
    %get3A_32 = arith.constant 0 : index
    %get3A_33 = arith.constant 0 : index
    %get3A_34 = vector.load %arg6[%get3A_32, %get3A_33] : memref<1x128xf32, #tpu.memory_space<vmem>>, vector<1x128xf32>
    %dot_general3A_35 = arith.constant dense<0.000000e+00> : vector<1000x1xf32>
    %dot_general3A_36 = tpu.matmul %max3A_26, %get3A_34, %dot_general3A_35 {dimension_numbers = #tpu.dot_dimension_numbers<[1], [1], [0], [0], [0, 0, 1, 0], [], []>, precision = #tpu.contract_precision<fp32>, transpose_lhs_hint = false} : vector<1000x128xf32>, vector<1x128xf32>, vector<1000x1xf32> -> vector<1000x1xf32>
    %broadcast_in_dim3A = vector.shape_cast %dot_general3A_31 : vector<1000x1xf32> to vector<1000x1xf32>
    %broadcast_in_dim3A_37 = vector.broadcast %broadcast_in_dim3A : vector<1000x1xf32> to vector<1000x16xf32>
    %swap3A = arith.constant 0 : index
    %swap3A_38 = arith.constant 0 : index
    %swap3A_39 = vector.load %arg7[%swap3A, %swap3A_38] : memref<1000x16xf32, #tpu.memory_space<vmem>>, vector<1000x16xf32>
    tpu.vector_store %arg7[%swap3A, %swap3A_38], %broadcast_in_dim3A_37 {strides = array<i32>} : memref<1000x16xf32, #tpu.memory_space<vmem>>, vector<1000x16xf32>,
    %swap3A_40 = arith.constant 0 : index
    %swap3A_41 = arith.constant 0 : index
    %swap3A_42 = vector.load %arg8[%swap3A_40, %swap3A_41] : memref<1000x1xf32, #tpu.memory_space<vmem>>, vector<1000x1xf32>
    tpu.vector_store %arg8[%swap3A_40, %swap3A_41], %dot_general3A_36 {strides = array<i32>} : memref<1000x1xf32, #tpu.memory_space<vmem>>, vector<1000x1xf32>,
    %swap3A_43 = arith.constant 0 : index
    %swap3A_44 = arith.constant 0 : index
    %swap3A_45 = vector.load %arg9[%swap3A_43, %swap3A_44] : memref<1000x1xf32, #tpu.memory_space<vmem>>, vector<1000x1xf32>
    tpu.vector_store %arg9[%swap3A_43, %swap3A_44], %div3A_5 {strides = array<i32>} : memref<1000x1xf32, #tpu.memory_space<vmem>>, vector<1000x1xf32>,
    return
  }
  func.func @transform_0(%arg0: i32) -> (i32, i32, i32) {
    %c0_i32 = arith.constant 0 : i32
    %c0_i32_0 = arith.constant 0 : i32
    %c0_i32_1 = arith.constant 0 : i32
    return %c0_i32, %arg0, %c0_i32_0 : i32, i32, i32
  }
  func.func @transform_1(%arg0: i32) -> (i32, i32) {
    %c0_i32 = arith.constant 0 : i32
    %c0_i32_0 = arith.constant 0 : i32
    return %arg0, %c0_i32 : i32, i32
  }
  func.func @transform_2(%arg0: i32) -> (i32, i32) {
    %c0_i32 = arith.constant 0 : i32
    %c0_i32_0 = arith.constant 0 : i32
    return %arg0, %c0_i32 : i32, i32
  }
  func.func @transform_3(%arg0: i32) -> (i32, i32) {
    %c0_i32 = arith.constant 0 : i32
    %c0_i32_0 = arith.constant 0 : i32
    %c0_i32_1 = arith.constant 0 : i32
    return %c0_i32, %c0_i32_0 : i32, i32
  }
  func.func @transform_4(%arg0: i32) -> (i32, i32) {
    %c0_i32 = arith.constant 0 : i32
    %c0_i32_0 = arith.constant 0 : i32
    %c0_i32_1 = arith.constant 0 : i32
    return %c0_i32, %c0_i32_0 : i32, i32
  }
  func.func @transform_5(%arg0: i32) -> (i32, i32) {
    %c0_i32 = arith.constant 0 : i32
    %c0_i32_0 = arith.constant 0 : i32
    %c0_i32_1 = arith.constant 0 : i32
    return %c0_i32, %c0_i32_0 : i32, i32
  }
  func.func @transform_6(%arg0: i32) -> (i32, i32) {
    %c0_i32 = arith.constant 0 : i32
    %c0_i32_0 = arith.constant 0 : i32
    return %arg0, %c0_i32 : i32, i32
  }
  func.func @transform_7(%arg0: i32) -> (i32, i32) {
    %c0_i32 = arith.constant 0 : i32
    %c0_i32_0 = arith.constant 0 : i32
    return %arg0, %c0_i32 : i32, i32
  }
  func.func @transform_8(%arg0: i32) -> (i32, i32) {
    %c0_i32 = arith.constant 0 : i32
    %c0_i32_0 = arith.constant 0 : i32
    return %arg0, %c0_i32 : i32, i32
  }
}

module attributes {stable_mosaic.version = 14 : i64} {
  func.func @_kc_body(%arg0: i32, %arg1: memref<2x1000x16xf32, #tpu.memory_space<vmem>>, %arg2: memref<1000x1xf32, #tpu.memory_space<vmem>>, %arg3: memref<1000x1xf32, #tpu.memory_space<vmem>>, %arg4: memref<1x1xf32, #tpu.memory_space<vmem>>, %arg5: memref<1000x1xf32, #tpu.memory_space<vmem>>) attributes {dimension_semantics = [#tpu.dimension_semantics<arbitrary>], iteration_bounds = array<i64: 10>, scalar_prefetch = 0 : i64, scratch_operands = 0 : i64, tpu.core_type = #tpu.core_type<tc>, window_params = [{transform_indices = @transform_0, window_bounds = array<i64: 2, 1000, 16>}, {transform_indices = @transform_1, window_bounds = array<i64: 1000, 1>}, {transform_indices = @transform_2, window_bounds = array<i64: 1000, 1>}, {pipeline_mode = #tpu.pipeline_mode<synchronous>, transform_indices = @transform_3, window_bounds = array<i64: 1, 1>}, {transform_indices = @transform_4, window_bounds = array<i64: 1000, 1>}]} {
    %get3A = arith.constant 0 : index
    %get3A_0 = arith.constant 0 : index
    %get3A_1 = arith.constant 0 : index
    %get3A_2 = vector.load %arg1[%get3A, %get3A_0, %get3A_1] : memref<2x1000x16xf32, #tpu.memory_space<vmem>>, vector<1x1000x16xf32>
    %get3A_3 = vector.shape_cast %get3A_2 : vector<1x1000x16xf32> to vector<1000x16xf32>
    %slice3A = vector.extract_strided_slice %get3A_3 {offsets = [0, 0], sizes = [1000, 1], strides = [1, 1]} : vector<1000x16xf32> to vector<1000x1xf32>
    %get3A_4 = arith.constant 1 : index
    %get3A_5 = arith.constant 0 : index
    %get3A_6 = arith.constant 0 : index
    %get3A_7 = vector.load %arg1[%get3A_4, %get3A_5, %get3A_6] : memref<2x1000x16xf32, #tpu.memory_space<vmem>>, vector<1x1000x16xf32>
    %get3A_8 = vector.shape_cast %get3A_7 : vector<1x1000x16xf32> to vector<1000x16xf32>
    %slice3A_9 = vector.extract_strided_slice %get3A_8 {offsets = [0, 0], sizes = [1000, 1], strides = [1, 1]} : vector<1000x16xf32> to vector<1000x1xf32>
    %add3A = arith.addf %slice3A, %slice3A_9 : vector<1000x1xf32>
    %get3A_10 = arith.constant 0 : index
    %get3A_11 = arith.constant 0 : index
    %get3A_12 = vector.load %arg2[%get3A_10, %get3A_11] : memref<1000x1xf32, #tpu.memory_space<vmem>>, vector<1000x1xf32>
    %mul3A = arith.mulf %add3A, %get3A_12 : vector<1000x1xf32>
    %get3A_13 = arith.constant 0 : index
    %get3A_14 = arith.constant 0 : index
    %get3A_15 = vector.load %arg3[%get3A_13, %get3A_14] : memref<1000x1xf32, #tpu.memory_space<vmem>>, vector<1000x1xf32>
    %add3A_16 = arith.addf %mul3A, %get3A_15 : vector<1000x1xf32>
    %get3A_17 = arith.constant 0 : index
    %get3A_18 = arith.constant 0 : index
    %get3A_19 = vector.load %arg4[%get3A_17, %get3A_18] : memref<1x1xf32, #tpu.memory_space<vmem>>, vector<1x1xf32>
    %add3A_20 = vector.broadcast %get3A_19 : vector<1x1xf32> to vector<1000x1xf32>
    %add3A_21 = arith.addf %add3A_16, %add3A_20 : vector<1000x1xf32>
    %logistic3A = arith.negf %add3A_21 : vector<1000x1xf32>
    %logistic3A_22 = math.exp %logistic3A : vector<1000x1xf32>
    %logistic3A_23 = arith.constant 1.000000e+00 : f32
    %logistic3A_24 = vector.broadcast %logistic3A_23 : f32 to vector<1000x1xf32>
    %logistic3A_25 = arith.addf %logistic3A_24, %logistic3A_22 : vector<1000x1xf32>
    %logistic3A_26 = arith.divf %logistic3A_24, %logistic3A_25 : vector<1000x1xf32>
    %swap3A = arith.constant 0 : index
    %swap3A_27 = arith.constant 0 : index
    %swap3A_28 = vector.load %arg5[%swap3A, %swap3A_27] : memref<1000x1xf32, #tpu.memory_space<vmem>>, vector<1000x1xf32>
    tpu.vector_store %arg5[%swap3A, %swap3A_27], %logistic3A_26 {strides = array<i32>} : memref<1000x1xf32, #tpu.memory_space<vmem>>, vector<1000x1xf32>,
    return
  }
  func.func @transform_0(%arg0: i32) -> (i32, i32, i32) {
    %c0_i32 = arith.constant 0 : i32
    %c0_i32_0 = arith.constant 0 : i32
    %c0_i32_1 = arith.constant 0 : i32
    return %c0_i32, %arg0, %c0_i32_0 : i32, i32, i32
  }
  func.func @transform_1(%arg0: i32) -> (i32, i32) {
    %c0_i32 = arith.constant 0 : i32
    %c0_i32_0 = arith.constant 0 : i32
    return %arg0, %c0_i32 : i32, i32
  }
  func.func @transform_2(%arg0: i32) -> (i32, i32) {
    %c0_i32 = arith.constant 0 : i32
    %c0_i32_0 = arith.constant 0 : i32
    return %arg0, %c0_i32 : i32, i32
  }
  func.func @transform_3(%arg0: i32) -> (i32, i32) {
    %c0_i32 = arith.constant 0 : i32
    %c0_i32_0 = arith.constant 0 : i32
    %c0_i32_1 = arith.constant 0 : i32
    return %c0_i32, %c0_i32_0 : i32, i32
  }
  func.func @transform_4(%arg0: i32) -> (i32, i32) {
    %c0_i32 = arith.constant 0 : i32
    %c0_i32_0 = arith.constant 0 : i32
    return %arg0, %c0_i32 : i32, i32
  }
}

</mosaic_0001>

<sc_bundles>
// kernel: kernel.10.cloned.1.call-start
scs
__scs_entry_jumppad:
0x0: {  	(pc) =	sbr.rel $0x88, $3  }
0x1: {  	(tag) =	ssettag $0x0;
	lr =	simm.s32 $0x1  }
0x2: {  	[smem:$0x3F99] =	sst lr;
	_ =	strace $0xD0000000  }
0x3: {  	_ = 	snop  }
0x4: {  	_ = 	snop  }
0x5: {  	_ = 	snop  }
0x6: {  	_ = 	snop  }
0x7: {  	_ = 	snop  }
__scs_overlays_trampoline_lowered:
0x8: {  	[smem:$0x3FA8] =	sst s0  }
0x9: {  	[smem:$0x3FA9] =	sst s1  }
0xa: {  	[smem:$0x3FAA] =	sst s2  }
0xb: {  	[smem:$0x3FAB] =	sst s3  }
0xc: {  	[smem:$0x3FAC] =	sst s4  }
0xd: {  	[smem:$0x3FAD] =	sst s5  }
0xe: {  	[smem:$0x3FAE] =	sst s6  }
0xf: {  	[smem:$0x3FAF] =	sst s7  }
0x10: {  	[smem:$0x3FB0] =	sst s8  }
0x11: {  	[smem:$0x3FB1] =	sst s9;
	s0 =	simm.s32 @!p0 $0x0  }
0x12: {  	s1 =	sld [smem:$0x3F97];
	s0 =	simm.s32 @p0 $0x1  }
0x13: {  	[smem:$0x3FB2] =	sst s0;
	s0 =	simm.s32 @!p1 $0x0  }
0x14: {  	s2 =	sld [smem:$0x3F96];
	s0 =	simm.s32 @p1 $0x1  }
0x15: {  	[smem:$0x3FB3] =	sst s0;
	s0 =	simm.s32 @!p2 $0x0  }
0x16: {  	s3 =	sld [smem:$0x3FDB];
	s0 =	simm.s32 @p2 $0x1  }
0x17: {  	s4 =	simm.s32 $0x1BF5;
	[smem:$0x3FB5] =	sst s0  }
0x18: {  	s0 =	sld [smem:$0x3F98];
	_ =	swait.ge [sflag:s4], $0x0  }
0x19: {  	s7 =	sld [smem:$0x3F99]  }
0x1a: {  	s8 =	sadd.s32 $0xFFFFE003, lr  }
0x1b: {  	s9 =	sadd.s32 $0xFFFFFEF7, lr;
	s5 =	simm.s32 $0xFFFFFFFF;
	p2 =	slt.u32 s8, $0xFFFFF086  }
0x1c: {  	p1 =	slt.u32 s9, $0xF7A;
	s5 =	simm.s32 @!p2 $0x0  }
0x1d: {  	s5 =	simm.s32 @p1 $0x1;
	p0 =	seq.s32 s7, s2  }
0x1e: {  	s7 =	smul.u32 @!p0 $0xF7A, s2;
	p2 =	seq.s32 @!p0 s5, $0x0  }
0x1f: {  	s9 =	smul.u32 $0xF7A, s1;
	s8 =	simm.s32 @!p0 $0x1BF5;
	p2 =	por !p2, p0  }
0x20: {  	[sflag:s8] =	ssyncset.s32 @!p0 $0xFFFFF086;
	s6 =	sadd.s32 @!p0 s3, s7;
	s7 =	simm.s32 @!p0 $0x108  }
0x21: {  	s3 =	sadd.s32 s3, s9;
	s6 =	sadd.s32 @!p0 $0x88, s6;
	s7 =	simm.s32 @p2 $0x1082  }
0x22: {  	[simem:s7], [sflag:s8] =	dma.local @!p0 [hbm:s6], $0xF7A  }
0x23: {  	s9 =	sor.u32 $0xD0000000, s2;
	s6 =	simm.s32 $0x108;
	_ =	swait.ge @!p0 [sflag:s8], $0x0  }
0x24: {  	s3 =	sadd.s32 $0x88, s3;
	s6 =	simm.s32 @!p1 $0x1082;
	[sflag:s4] =	ssyncset.s32 $0xFFFFF086  }
0x25: {  	[simem:s6], [sflag:s4] =	dma.local [hbm:s3], $0xF7A  }
0x26: {  	[smem:$0x3F99] =	sst s1;
	(tag) =	ssettag s2;
	_ =	strace s9  }
0x27: {  	s1 =	sld [smem:$0x3FA9]  }
0x28: {  	s2 =	sld [smem:$0x3FAA]  }
0x29: {  	s4 =	sld [smem:$0x3FAC]  }
0x2a: {  	p0 =	seq.s32 s5, $0x0;
	s5 =	sld [smem:$0x3FAD]  }
0x2b: {  	s6 =	sld [smem:$0x3FAE]  }
0x2c: {  	s7 =	sld [smem:$0x3FAF]  }
0x2d: {  	s3 =	simm.s32 $0x108;
	s8 =	sld [smem:$0x3FB0]  }
0x2e: {  	s3 =	simm.s32 @!p0 $0x1082;
	s9 =	sld [smem:$0x3FB1]  }
0x2f: {  	lr =	sadd.s32 s0, s3;
	s0 =	sld [smem:$0x3FA8]  }
0x30: {  	s3 =	sld [smem:$0x3FAB]  }
0x31: {  	[smem:$0x3FB4] =	sst s10  }
0x32: {  	s10 =	sld [smem:$0x3FB2];
	_ =	sdelay $0x3  }
0x33: {  	p0 =	seq.s32 s10, $0x1;
	s10 =	sld [smem:$0x3FB4];
	_ =	sdelay $0x3  }
0x34: {  	[smem:$0x3FB4] =	sst s10  }
0x35: {  	s10 =	sld [smem:$0x3FB3];
	_ =	sdelay $0x3  }
0x36: {  	p1 =	seq.s32 s10, $0x1;
	s10 =	sld [smem:$0x3FB4];
	_ =	sdelay $0x3  }
0x37: {  	[smem:$0x3FB4] =	sst s10  }
0x38: {  	s10 =	sld [smem:$0x3FB5]  }
0x39: {  	_ = 	snop;
	(pc) =	sbr.ind lr, $3  }
0x3a: {  	_ = 	snop  }
0x3b: {  	_ = 	snop  }
0x3c: {  	p2 =	seq.s32 s10, $0x1;
	s10 =	sld [smem:$0x3FB4]  }
0x3d: {  	_ =	shalt  }
0x3e: {  	_ =	shalt  }
0x3f: {  	_ =	shalt  }
0x40: {  	_ =	shalt  }
0x41: {  	_ =	shalt  }
0x42: {  	_ =	shalt  }
0x43: {  	_ =	shalt  }
0x44: {  	_ =	shalt  }
0x45: {  	_ =	shalt  }
0x46: {  	_ =	shalt  }
0x47: {  	_ =	shalt  }
0x48: {  	_ =	shalt  }
0x49: {  	_ =	shalt  }
0x4a: {  	_ =	shalt  }
0x4b: {  	_ =	shalt  }
0x4c: {  	_ =	shalt  }
0x4d: {  	_ =	shalt  }
0x4e: {  	_ =	shalt  }
0x4f: {  	_ =	shalt  }
0x50: {  	_ =	shalt  }
0x51: {  	_ =	shalt  }
0x52: {  	_ =	shalt  }
0x53: {  	_ =	shalt  }
0x54: {  	_ =	shalt  }
0x55: {  	_ =	shalt  }
0x56: {  	_ =	shalt  }
0x57: {  	_ =	shalt  }
0x58: {  	_ =	shalt  }
0x59: {  	_ =	shalt  }
0x5a: {  	_ =	shalt  }
0x5b: {  	_ =	shalt  }
0x5c: {  	_ =	shalt  }
0x5d: {  	_ =	shalt  }
0x5e: {  	_ =	shalt  }
0x5f: {  	_ =	shalt  }
0x60: {  	_ =	shalt  }
0x61: {  	_ =	shalt  }
0x62: {  	_ =	shalt  }
0x63: {  	_ =	shalt  }
0x64: {  	_ =	shalt  }
0x65: {  	_ =	shalt  }
0x66: {  	_ =	shalt  }
0x67: {  	_ =	shalt  }
0x68: {  	_ =	shalt  }
0x69: {  	_ =	shalt  }
0x6a: {  	_ =	shalt  }
0x6b: {  	_ =	shalt  }
0x6c: {  	_ =	shalt  }
0x6d: {  	_ =	shalt  }
0x6e: {  	_ =	shalt  }
0x6f: {  	_ =	shalt  }
0x70: {  	_ =	shalt  }
0x71: {  	_ =	shalt  }
0x72: {  	_ =	shalt  }
0x73: {  	_ =	shalt  }
0x74: {  	_ =	shalt  }
0x75: {  	_ =	shalt  }
0x76: {  	_ =	shalt  }
0x77: {  	_ =	shalt  }
0x78: {  	_ =	shalt  }
0x79: {  	_ =	shalt  }
0x7a: {  	_ =	shalt  }
0x7b: {  	_ =	shalt  }
0x7c: {  	_ =	shalt  }
0x7d: {  	_ =	shalt  }
0x7e: {  	_ =	shalt  }
0x7f: {  	_ =	shalt  }
0x80: {  	_ =	shalt  }
0x81: {  	_ =	shalt  }
0x82: {  	_ =	shalt  }
0x83: {  	_ =	shalt  }
0x84: {  	_ =	shalt  }
0x85: {  	_ =	shalt  }
0x86: {  	_ =	shalt  }
0x87: {  	_ =	shalt  }
.Lfunc_end0:
.L_simem_size_0:
called_computation.1_lowered:
.L_overlay_start_0:
0x88: {  	s2 =	sld [smem:$0x3FD9]  }
0x89: {  	s3 =	sld [smem:$0x3FFE];
	_ =	sdelay $0x1  }
0x8a: {  	s1 =	srdreg.scid  }
0x8b: {  	s0 =	sand.u32 $0x1, s1  }
0x8c: {  	s16 =	sshll.u32 s0, $0xA;
	s2 =	sadd.s32 s3, s2  }
0x8d: {  	s2 =	sadd.s32 s2, s16  }
0x8e: {  	[smem:$0x3FC0] =	sst s2  }
0x8f: {  	_ = 	snop  }
0x90: {  	(tm) =	ssettm $0x1  }
0x91: {  	s17 =	sld [smem:$0x3FFB];
	_ =	sdelay $0x3  }
0x92: {  	_ =	strace s17  }
0x93: {  	s2 =	sld [smem:$0x3FFC];
	_ =	sdelay $0x3  }
0x94: {  	_ =	strace s2  }
0x95: {  	s2 =	sld [smem:$0x3FFD];
	_ =	sdelay $0x3  }
0x96: {  	_ =	strace s2  }
0x97: {  	_ =	strace $0x8FFFFFFF  }
0x98: {  	s18 =	sld [smem:$0x3FDB];
	_ =	sdelay $0x1  }
0x99: {  	s19 =	simm.s32 $_scs_section_size  }
0x9a: {  	s4 =	simm.s32 $_size__tile_overlayer_lowered;
	s5 =	simm.s32 $_tile_overlayer_lowered  }
0x9b: {  	s22 =	simm.s32 $0x1BFF;
	s21 =	sshll.u32 s5, $0x1;
	s2 =	sadd.s32 s19, s18  }
0x9c: {  	s6 =	simm.s32 $0x0;
	s20 =	sshll.u32 s4, $0x1;
	s4 =	sadd.s32 s21, s2  }
0x9d: {  	[timem:s6], [sflag:s22] =	dma.local [hbm:s4], s20  }
0x9e: {  	_ =	swait.ge [sflag:s22], s20  }
0x9f: {  	s3 =	ssub.s32 $0x0, s20;
	[sflag:s22] =	ssyncset.done $0x0  }
0xa0: {  	[sflag:s22] =	ssyncadd.s32 s3;
	_ =	sdelay $0x1  }
0xa1: {  	s23 =	simm.s32 $0x1B8B  }
0xa2: {  	_ =	swait.ge [sflag:s23], $0x1  }
0xa3: {  	[sflag:s23] =	ssyncset.done $0x0  }
0xa4: {  	s25 =	simm.s32 $0x1B8E;
	s24 =	sld [smem:$0x3FFE];
	[sflag:s23] =	ssyncadd.s32 $0xFFFFFFFF  }
0xa5: {  	s26 =	simm.s32 $execute0_lowered;
	[smem:$0x3FD2] =	sst s25  }
0xa6: {  	s4 =	sshll.u32 s26, $0x1;
	_ =	strace $0x80000049;
	[dreg:$0x1] =	wrdreg $0xFFFFFFFF  }
0xa7: {  	s28 =	simm.s32 $_size_execute0_lowered;
	s2 =	sadd.s32 s2, s4;
	[dreg:$0x0] =	wrdreg $0x0  }
0xa8: {  	s4 =	sshll.u32 s28, $0x1;
	[dreg:$0x2] =	wrdreg s2  }
0xa9: {  	[dreg:$0x3] =	wrdreg s4  }
0xaa: {  	[dreg:$0x4] =	wrdreg $0xC0  }
0xab: {  	_ =	task [dreg:s6], $0x5FFFF  }
0xac: {  	[dreg:$0x1] =	wrdreg $0xFFFFFFFF  }
0xad: {  	[dreg:$0x0] =	wrdreg $0x60  }
0xae: {  	[dreg:$0x2] =	wrdreg s24  }
0xaf: {  	[dreg:$0x3] =	wrdreg $0x6F400  }
0xb0: {  	[dreg:$0x4] =	wrdreg $0x9  }
0xb1: {  	_ =	task.clear_ibuf [dreg:s6], $0x5FFFF;
	_ =	strace $0x90000049  }
0xb2: {  	s29 =	simm.s32 $0x9;
	_ =	strace $0x8000004B  }
0xb3: {  	_ =	swait.ge [sflag:s29], $0x1  }
0xb4: {  	[sflag:s29] =	ssyncadd.s32 $0xFFFFFFFF  }
0xb5: {  	_ =	strace $0x9000004B  }
0xb6: {  	_ =	sfence  }
0xb7: {  	s30 =	sld [smem:$0x0];
	_ =	sdelay $0x2  }
0xb8: {  	s31 =	sshll.u32 s1, $0xD;
	s1 =	sshrl.u32 s1, $0x2  }
0xb9: {  	s3 =	sand.u32 $0x4000, s31;
	s1 =	sadd.s32 s1, s30  }
0xba: {  	s0 =	sor.u32 s3, s0;
	s1 =	sshll.u32 s1, $0x11  }
0xbb: {  	s0 =	sor.u32 s1, s0  }
0xbc: {  	s0 =	sadd.s32 $0x8F2B, s0  }
0xbd: {  	[sflag:s0] =	ssyncadd.remote.s32 $0x1  }
0xbe: {  	_ =	sfence.sel $0xFFFF  }
0xbf: {  	[dreg:$0x0] =	wrdreg $0xFFFFFFFF;
	(pc) =	sbr.abs _section_cstart, $3  }
0xc0: {  	[dreg:$0x1] =	wrdreg $0xFFFFFFFF  }
0xc1: {  	_ =	task.clear_ibuf [dreg:s6], $0x2FFFF;
	_ =	strace $0x9FFFFFFF  }
0xc2: {  	(tm) =	ssettm $0x7FFFFFFF  }
0xc3: {  	_ =	shalt  }
tec
execute0_lowered:
.L_overlay_start_1:
0x0: {  	(tag) =	ssettag $0x1  }
0x1: {  	s0 =	rddreg [dreg:$0x0]  }
0x2: {  	s2 =	rddreg [dreg:$0x1];
	s1 =	srdreg.scid  }
0x3: {  	s8 =	stileid.u32;
	s3 =	simm.s32 $0x0;
	s17 =	simm.s32 $0x6A40  }
0x4: {  	s18 =	simm.s32 $0x9;
	s19 =	simm.s32 $0x28A0;
	s20 =	simm.s32 $0x64  }
0x5: {  	s21 =	simm.s32 $0x5140;
	s28 =	simm.s32 $0x2;
	s31 =	simm.s32 $0x6400  }
0x6: {  	s29 =	simm.s32 $0x4;
	s30 =	simm.s32 $0x7;
	s1 =	sand.u32 $0x1, s1  }
0x7: {  	s5 =	smul.u32 $0x2800, s8;
	[smem:$0x7FF] =	sst s3;
	s4 =	sshll.u32 s1, $0x4  }
0x8: {  	s6 =	smul.u32 $0x28000, s1;
	_ =	strace $0x8000004A;
	s1 =	ssub.s32 $0x2, s1  }
0x9: {  	s4 =	sor.u32 s8, s4;
	s8 =	smul.u32 $0xA000, s8;
	s22 =	sshrl.u32 s1, $0x1  }
0xa: {  	s7 =	smul.u32 $0x514, s4;
	s4 =	sadd.s32 $0xE00, s0;
	s6 =	sadd.s32 s5, s6  }
0xb: {  	s1 =	ssub.s32 s1, s22;
	s5 =	sadd.s32 s5, s2;
	s22 =	simm.s32 $0x6  }
0xc: {  	s6 =	sshrl.u32 s6, $0x3;
	s8 =	sshrl.u32 s8, $0x2;
	s16 =	smax.u32 s1, $0x1  }
0xd: {  	s1 =	simm.s32 $0x5;
	s7 =	sadd.s32 s7, s0;
	s23 =	sadd.s32 s8, s2  }
0xe: {  	s0 =	sadd.s32 s6, s0;
	s6 =	simm.s32 $0x0;
	s8 =	sadd.s32 $0x500, s23  }
0xf: {  	s24 =	sadd.s32 $0xA00, s23;
	s25 =	sadd.s32 $0xF00, s23;
	s26 =	sadd.s32 $0x1400, s23  }
0x10: {  	s10 =	sadd.s32 $0x1900, s23;
	s11 =	sadd.s32 $0x1E00, s23;
	[dreg:$0x3] =	wrdreg s8  }
0x11: {  	s12 =	sadd.s32 $0x2300, s23;
	s13 =	sadd.s32 $0x56C00, s7;
	[dreg:$0x4] =	wrdreg s24  }
0x12: {  	s14 =	sadd.s32 $0x4C800, s7;
	s15 =	sadd.s32 $0x5E00, s0;
	[dreg:$0x5] =	wrdreg s25  }
0x13: {  	s23 =	simm.s32 $0x5780;
	s0 =	simm.s32 $0x3;
	[dreg:$0x6] =	wrdreg s26  }
0x14: {  	v0 =	vimm.f32 $0.0e+00;
	s24 =	simm.s32 $0x1;
	s26 =	simm.s32 $0x5DC0;
	s25 =	simm.s32 $0x8  }
.LBB2_1:
0x15: {  	[tilespmem:$0x6A40] =	vst v0  }
0x16: {  	[tilespmem:$0x6A50] =	vst v0  }
0x17: {  	[tilespmem:$0x6A60] =	vst v0  }
0x18: {  	[tilespmem:$0x6A70] =	vst v0  }
0x19: {  	[tilespmem:$0x6A80] =	vst v0  }
0x1a: {  	[tilespmem:$0x6A90] =	vst v0  }
0x1b: {  	[tilespmem:$0x6AA0] =	vst v0  }
0x1c: {  	[tilespmem:$0x6AB0] =	vst v0  }
0x1d: {  	[tilespmem:$0x6AC0] =	vst v0  }
0x1e: {  	[tilespmem:$0x6AD0] =	vst v0  }
0x1f: {  	[tilespmem:$0x6AE0] =	vst v0  }
0x20: {  	[tilespmem:$0x6AF0] =	vst v0  }
0x21: {  	[tilespmem:$0x6B00] =	vst v0  }
0x22: {  	[tilespmem:$0x6B10] =	vst v0  }
0x23: {  	[tilespmem:$0x6B20] =	vst v0  }
0x24: {  	[tilespmem:$0x6B30] =	vst v0  }
0x25: {  	[tilespmem:$0x6B40] =	vst v0  }
0x26: {  	[tilespmem:$0x6B50] =	vst v0  }
0x27: {  	[tilespmem:$0x6B60] =	vst v0  }
0x28: {  	[tilespmem:$0x6B70] =	vst v0  }
0x29: {  	[tilespmem:$0x6B80] =	vst v0  }
0x2a: {  	[tilespmem:$0x6B90] =	vst v0  }
0x2b: {  	[tilespmem:$0x6BA0] =	vst v0  }
0x2c: {  	[tilespmem:$0x6BB0] =	vst v0  }
0x2d: {  	[tilespmem:$0x6BC0] =	vst v0  }
0x2e: {  	[tilespmem:$0x6BD0] =	vst v0  }
0x2f: {  	[tilespmem:$0x6BE0] =	vst v0  }
0x30: {  	[tilespmem:$0x6BF0] =	vst v0  }
0x31: {  	[tilespmem:$0x6C00] =	vst v0  }
0x32: {  	[tilespmem:$0x6C10] =	vst v0  }
0x33: {  	[tilespmem:$0x6C20] =	vst v0  }
0x34: {  	[tilespmem:$0x6C30] =	vst v0  }
0x35: {  	[tilespmem:$0x6C40] =	vst v0  }
0x36: {  	[tilespmem:$0x6C50] =	vst v0  }
0x37: {  	[tilespmem:$0x6C60] =	vst v0  }
0x38: {  	[tilespmem:$0x6C70] =	vst v0  }
0x39: {  	[tilespmem:$0x6C80] =	vst v0  }
0x3a: {  	[tilespmem:$0x6C90] =	vst v0  }
0x3b: {  	[tilespmem:$0x6CA0] =	vst v0  }
0x3c: {  	[tilespmem:$0x6CB0] =	vst v0  }
0x3d: {  	[tilespmem:$0x6CC0] =	vst v0  }
0x3e: {  	[tilespmem:$0x6CD0] =	vst v0  }
0x3f: {  	[tilespmem:$0x6CE0] =	vst v0  }
0x40: {  	[tilespmem:$0x6CF0] =	vst v0  }
0x41: {  	[tilespmem:$0x6D00] =	vst v0  }
0x42: {  	[tilespmem:$0x6D10] =	vst v0  }
0x43: {  	[tilespmem:$0x6D20] =	vst v0  }
0x44: {  	[tilespmem:$0x6D30] =	vst v0  }
0x45: {  	[tilespmem:$0x6D40] =	vst v0  }
0x46: {  	[tilespmem:$0x6D50] =	vst v0  }
0x47: {  	[tilespmem:$0x6D60] =	vst v0  }
0x48: {  	[tilespmem:$0x6D70] =	vst v0  }
0x49: {  	[tilespmem:$0x6D80] =	vst v0  }
0x4a: {  	[tilespmem:$0x6D90] =	vst v0  }
0x4b: {  	[tilespmem:$0x6DA0] =	vst v0  }
0x4c: {  	[tilespmem:$0x6DB0] =	vst v0  }
0x4d: {  	[tilespmem:$0x6DC0] =	vst v0  }
0x4e: {  	[tilespmem:$0x6DD0] =	vst v0  }
0x4f: {  	[tilespmem:$0x6DE0] =	vst v0  }
0x50: {  	[tilespmem:$0x6DF0] =	vst v0  }
0x51: {  	[tilespmem:$0x6E00] =	vst v0  }
0x52: {  	[tilespmem:$0x6E10] =	vst v0  }
0x53: {  	[tilespmem:$0x6E20] =	vst v0  }
0x54: {  	[tilespmem:$0x6E30] =	vst v0  }
0x55: {  	[tilespmem:$0x6E40] =	vst v0  }
0x56: {  	[tilespmem:$0x6E50] =	vst v0  }
0x57: {  	[tilespmem:$0x6E60] =	vst v0  }
0x58: {  	[tilespmem:$0x6E70] =	vst v0  }
0x59: {  	[tilespmem:$0x6E80] =	vst v0  }
0x5a: {  	[tilespmem:$0x6E90] =	vst v0  }
0x5b: {  	[tilespmem:$0x6EA0] =	vst v0  }
0x5c: {  	[tilespmem:$0x6EB0] =	vst v0  }
0x5d: {  	[tilespmem:$0x6EC0] =	vst v0  }
0x5e: {  	[tilespmem:$0x6ED0] =	vst v0  }
0x5f: {  	[tilespmem:$0x6EE0] =	vst v0  }
0x60: {  	[tilespmem:$0x6EF0] =	vst v0  }
0x61: {  	[tilespmem:$0x6F00] =	vst v0  }
0x62: {  	[tilespmem:$0x6F10] =	vst v0  }
0x63: {  	[tilespmem:$0x6F20] =	vst v0  }
0x64: {  	[tilespmem:$0x6F30] =	vst v0  }
0x65: {  	[spmem:s5] =	stream.linear.scatter [tilespmem:s17], [sflag:$0x9], $0x500, $0x38;
	[tilespmem:$0x9740] =	vst v63  }
0x66: {  	_ =	swait.ge [sflag:s18], $0x500  }
0x67: {  	[sflag:s18] =	ssyncset.done $0x0  }
0x68: {  	s7 =	rddreg [dreg:$0x3];
	[sflag:s18] =	ssyncadd.s32 $0xFFFFFB00  }
0x69: {  	[spmem:s7] =	stream.linear.scatter [tilespmem:s17], [sflag:$0x9], $0x500, $0x38;
	[tilespmem:$0x9740] =	vst v63  }
0x6a: {  	_ =	swait.ge [sflag:s18], $0x500  }
0x6b: {  	[sflag:s18] =	ssyncset.done $0x0  }
0x6c: {  	s8 =	rddreg [dreg:$0x4];
	[sflag:s18] =	ssyncadd.s32 $0xFFFFFB00  }
0x6d: {  	[spmem:s8] =	stream.linear.scatter [tilespmem:s17], [sflag:$0x9], $0x500, $0x38;
	[tilespmem:$0x9740] =	vst v63  }
0x6e: {  	_ =	swait.ge [sflag:s18], $0x500  }
0x6f: {  	[sflag:s18] =	ssyncset.done $0x0  }
0x70: {  	s9 =	rddreg [dreg:$0x5];
	[sflag:s18] =	ssyncadd.s32 $0xFFFFFB00  }
0x71: {  	[spmem:s9] =	stream.linear.scatter [tilespmem:s17], [sflag:$0x9], $0x500, $0x38;
	[tilespmem:$0x9740] =	vst v63  }
0x72: {  	_ =	swait.ge [sflag:s18], $0x500  }
0x73: {  	[sflag:s18] =	ssyncset.done $0x0  }
0x74: {  	s8 =	rddreg [dreg:$0x6];
	[sflag:s18] =	ssyncadd.s32 $0xFFFFFB00  }
0x75: {  	[spmem:s8] =	stream.linear.scatter [tilespmem:s17], [sflag:$0x9], $0x500, $0x38;
	[tilespmem:$0x9740] =	vst v63  }
0x76: {  	_ =	swait.ge [sflag:s18], $0x500  }
0x77: {  	[sflag:s18] =	ssyncset.done $0x0  }
0x78: {  	[sflag:s18] =	ssyncadd.s32 $0xFFFFFB00  }
0x79: {  	[spmem:s10] =	stream.linear.scatter [tilespmem:s17], [sflag:$0x9], $0x500, $0x38;
	[tilespmem:$0x9740] =	vst v63  }
0x7a: {  	_ =	swait.ge [sflag:s18], $0x500  }
0x7b: {  	[sflag:s18] =	ssyncset.done $0x0  }
0x7c: {  	[sflag:s18] =	ssyncadd.s32 $0xFFFFFB00  }
0x7d: {  	[spmem:s11] =	stream.linear.scatter [tilespmem:s17], [sflag:$0x9], $0x500, $0x38;
	[tilespmem:$0x9740] =	vst v63  }
0x7e: {  	_ =	swait.ge [sflag:s18], $0x500  }
0x7f: {  	[sflag:s18] =	ssyncset.done $0x0  }
0x80: {  	[sflag:s18] =	ssyncadd.s32 $0xFFFFFB00  }
0x81: {  	[spmem:s12] =	stream.linear.scatter [tilespmem:s17], [sflag:$0x9], $0x500, $0x38;
	[tilespmem:$0x9740] =	vst v63  }
0x82: {  	_ =	swait.ge [sflag:s18], $0x500  }
0x83: {  	[sflag:s18] =	ssyncset.done $0x0  }
0x84: {  	[sflag:s18] =	ssyncadd.s32 $0xFFFFFB00  }
0x85: {  	[tilespmem:s3], [sflag:$0x9] =	stream.linear.gather [hbm4b:s13+s3], $0x28A0, $0x38;
	[tilespmem:$0x9740] =	vst v63  }
0x86: {  	_ =	swait.ge [sflag:s18], $0x28A0  }
0x87: {  	[sflag:s18] =	ssyncset.done $0x0  }
0x88: {  	[sflag:s18] =	ssyncadd.s32 $0xFFFFD760  }
0x89: {  	[tilespmem:s19], [sflag:$0x9] =	stream.linear.gather [hbm4b:s14+s3], $0x28A0, $0x38;
	[tilespmem:$0x9740] =	vst v63  }
0x8a: {  	_ =	swait.ge [sflag:s18], $0x28A0  }
0x8b: {  	[sflag:s18] =	ssyncset.done $0x0  }
0x8c: {  	[sflag:s18] =	ssyncadd.s32 $0xFFFFD760  }
0x8d: {  	[bflag:$0x0] =	sbarrier.arrive $0xFFFF  }
0x8e: {  	[tilespmem:s21], [sflag:$0x1] =	stream.indirect.gather [hbm4b:s4+s20], $0x10, s3, s20, $0xb8;
	[tilespmem:$0x9740] =	vst v63  }
0x8f: {  	s9 =	simm.s32 $0x68  }
0x90: {  	[tilespmem:s23], [sflag:$0x2] =	stream.indirect.gather [hbm4b:s4+s20], $0x10, s9, s20, $0xb8;
	[tilespmem:$0x9740] =	vst v63  }
0x91: {  	_ =	swait.ge [sflag:s24], $0x640  }
0x92: {  	[sflag:s24] =	ssyncset.done $0x0  }
0x93: {  	[sflag:s24] =	ssyncadd.s32 $0xFFFFF9C0  }
0x94: {  	[spmem:s2] =	stream.indirect.scatter.add.f32 [tilespmem:s21], [sflag:$0x5], $0x10, s19, s20, $0xb8;
	[tilespmem:$0x9740] =	vst v63  }
0x95: {  	s8 =	simm.s32 $0xD0  }
0x96: {  	[tilespmem:s26], [sflag:$0x3] =	stream.indirect.gather [hbm4b:s4+s20], $0x10, s8, s20, $0xb8;
	[tilespmem:$0x9740] =	vst v63  }
0x97: {  	_ =	swait.ge [sflag:s28], $0x640  }
0x98: {  	[sflag:s28] =	ssyncset.done $0x0  }
0x99: {  	s9 =	simm.s32 $0x2908;
	[sflag:s28] =	ssyncadd.s32 $0xFFFFF9C0  }
0x9a: {  	[spmem:s2] =	stream.indirect.scatter.add.f32 [tilespmem:s23], [sflag:$0x6], $0x10, s9, s20, $0xb8;
	[tilespmem:$0x9740] =	vst v63  }
0x9b: {  	s8 =	simm.s32 $0x138  }
0x9c: {  	[tilespmem:s31], [sflag:$0x4] =	stream.indirect.gather [hbm4b:s4+s20], $0x10, s8, s20, $0xb8;
	[tilespmem:$0x9740] =	vst v63  }
0x9d: {  	_ =	swait.ge [sflag:s0], $0x640  }
0x9e: {  	[sflag:s0] =	ssyncset.done $0x0  }
0x9f: {  	s9 =	simm.s32 $0x2970;
	[sflag:s0] =	ssyncadd.s32 $0xFFFFF9C0  }
0xa0: {  	[spmem:s2] =	stream.indirect.scatter.add.f32 [tilespmem:s26], [sflag:$0x7], $0x10, s9, s20, $0xb8;
	[tilespmem:$0x9740] =	vst v63  }
0xa1: {  	_ =	swait.ge [sflag:s1], $0x640  }
0xa2: {  	[sflag:s1] =	ssyncset.done $0x0  }
0xa3: {  	s8 =	simm.s32 $0x1A0;
	[sflag:s1] =	ssyncadd.s32 $0xFFFFF9C0  }
0xa4: {  	[tilespmem:s21], [sflag:$0x1] =	stream.indirect.gather [hbm4b:s4+s20], $0x10, s8, s20, $0xb8;
	[tilespmem:$0x9740] =	vst v63  }
0xa5: {  	_ =	swait.ge [sflag:s29], $0x640  }
0xa6: {  	[sflag:s29] =	ssyncset.done $0x0  }
0xa7: {  	s9 =	simm.s32 $0x29D8;
	[sflag:s29] =	ssyncadd.s32 $0xFFFFF9C0  }
0xa8: {  	[spmem:s2] =	stream.indirect.scatter.add.f32 [tilespmem:s31], [sflag:$0x8], $0x10, s9, s20, $0xb8;
	[tilespmem:$0x9740] =	vst v63  }
0xa9: {  	_ =	swait.ge [sflag:s22], $0x640  }
0xaa: {  	[sflag:s22] =	ssyncset.done $0x0  }
0xab: {  	s8 =	simm.s32 $0x208;
	[sflag:s22] =	ssyncadd.s32 $0xFFFFF9C0  }
0xac: {  	[tilespmem:s23], [sflag:$0x2] =	stream.indirect.gather [hbm4b:s4+s20], $0x10, s8, s20, $0xb8;
	[tilespmem:$0x9740] =	vst v63  }
0xad: {  	_ =	swait.ge [sflag:s24], $0x640  }
0xae: {  	[sflag:s24] =	ssyncset.done $0x0  }
0xaf: {  	s9 =	simm.s32 $0x2A40;
	[sflag:s24] =	ssyncadd.s32 $0xFFFFF9C0  }
0xb0: {  	[spmem:s2] =	stream.indirect.scatter.add.f32 [tilespmem:s21], [sflag:$0x5], $0x10, s9, s20, $0xb8;
	[tilespmem:$0x9740] =	vst v63  }
0xb1: {  	_ =	swait.ge [sflag:s30], $0x640  }
0xb2: {  	[sflag:s30] =	ssyncset.done $0x0  }
0xb3: {  	s8 =	simm.s32 $0x270;
	[sflag:s30] =	ssyncadd.s32 $0xFFFFF9C0  }
0xb4: {  	[tilespmem:s26], [sflag:$0x3] =	stream.indirect.gather [hbm4b:s4+s20], $0x10, s8, s20, $0xb8;
	[tilespmem:$0x9740] =	vst v63  }
0xb5: {  	_ =	swait.ge [sflag:s28], $0x640  }
0xb6: {  	[sflag:s28] =	ssyncset.done $0x0  }
0xb7: {  	s9 =	simm.s32 $0x2AA8;
	[sflag:s28] =	ssyncadd.s32 $0xFFFFF9C0  }
0xb8: {  	[spmem:s2] =	stream.indirect.scatter.add.f32 [tilespmem:s23], [sflag:$0x6], $0x10, s9, s20, $0xb8;
	[tilespmem:$0x9740] =	vst v63  }
0xb9: {  	_ =	swait.ge [sflag:s25], $0x640  }
0xba: {  	[sflag:s25] =	ssyncset.done $0x0  }
0xbb: {  	s8 =	simm.s32 $0x2D8;
	[sflag:s25] =	ssyncadd.s32 $0xFFFFF9C0  }
0xbc: {  	[tilespmem:s31], [sflag:$0x4] =	stream.indirect.gather [hbm4b:s4+s20], $0x10, s8, s20, $0xb8;
	[tilespmem:$0x9740] =	vst v63  }
0xbd: {  	_ =	swait.ge [sflag:s0], $0x640  }
0xbe: {  	[sflag:s0] =	ssyncset.done $0x0  }
0xbf: {  	s9 =	simm.s32 $0x2B10;
	[sflag:s0] =	ssyncadd.s32 $0xFFFFF9C0  }
0xc0: {  	[spmem:s2] =	stream.indirect.scatter.add.f32 [tilespmem:s26], [sflag:$0x7], $0x10, s9, s20, $0xb8;
	[tilespmem:$0x9740] =	vst v63  }
0xc1: {  	_ =	swait.ge [sflag:s1], $0x640  }
0xc2: {  	[sflag:s1] =	ssyncset.done $0x0  }
0xc3: {  	s8 =	simm.s32 $0x340;
	[sflag:s1] =	ssyncadd.s32 $0xFFFFF9C0  }
0xc4: {  	[tilespmem:s21], [sflag:$0x1] =	stream.indirect.gather [hbm4b:s4+s20], $0x10, s8, s20, $0xb8;
	[tilespmem:$0x9740] =	vst v63  }
0xc5: {  	_ =	swait.ge [sflag:s29], $0x640  }
0xc6: {  	[sflag:s29] =	ssyncset.done $0x0  }
0xc7: {  	s9 =	simm.s32 $0x2B78;
	[sflag:s29] =	ssyncadd.s32 $0xFFFFF9C0  }
0xc8: {  	[spmem:s2] =	stream.indirect.scatter.add.f32 [tilespmem:s31], [sflag:$0x8], $0x10, s9, s20, $0xb8;
	[tilespmem:$0x9740] =	vst v63  }
0xc9: {  	_ =	swait.ge [sflag:s22], $0x640  }
0xca: {  	[sflag:s22] =	ssyncset.done $0x0  }
0xcb: {  	s7 =	simm.s32 $0x680;
	s8 =	simm.s32 $0x3A8;
	[sflag:s22] =	ssyncadd.s32 $0xFFFFF9C0  }
.LBB2_2:
0xcc: {  	[tilespmem:s23], [sflag:$0x2] =	stream.indirect.gather [hbm4b:s4+s20], $0x10, s8, s20, $0xb8;
	[tilespmem:$0x9740] =	vst v63  }
0xcd: {  	s8 =	smov.u32 s7  }
0xce: {  	p0 =	sne.s32 s7, $0x8F00;
	s7 =	sadd.s32 $0x680, s7;
	_ =	swait.ge [sflag:s24], $0x640  }
0xcf: {  	s8 =	sshra.s32 s8, $0x2;
	[sflag:s24] =	ssyncset.done $0x0  }
0xd0: {  	s9 =	sadd.s32 $0x2A40, s8;
	[sflag:s24] =	ssyncadd.s32 $0xFFFFF9C0  }
0xd1: {  	[spmem:s2] =	stream.indirect.scatter.add.f32 [tilespmem:s21], [sflag:$0x5], $0x10, s9, s20, $0xb8;
	[tilespmem:$0x9740] =	vst v63  }
0xd2: {  	_ =	swait.ge [sflag:s30], $0x640  }
0xd3: {  	[sflag:s30] =	ssyncset.done $0x0  }
0xd4: {  	s9 =	sadd.s32 $0x270, s8;
	[sflag:s30] =	ssyncadd.s32 $0xFFFFF9C0  }
0xd5: {  	[tilespmem:s26], [sflag:$0x3] =	stream.indirect.gather [hbm4b:s4+s20], $0x10, s9, s20, $0xb8;
	[tilespmem:$0x9740] =	vst v63  }
0xd6: {  	_ =	swait.ge [sflag:s28], $0x640  }
0xd7: {  	[sflag:s28] =	ssyncset.done $0x0  }
0xd8: {  	s9 =	sadd.s32 $0x2AA8, s8;
	[sflag:s28] =	ssyncadd.s32 $0xFFFFF9C0  }
0xd9: {  	[spmem:s2] =	stream.indirect.scatter.add.f32 [tilespmem:s23], [sflag:$0x6], $0x10, s9, s20, $0xb8;
	[tilespmem:$0x9740] =	vst v63  }
0xda: {  	_ =	swait.ge [sflag:s25], $0x640  }
0xdb: {  	[sflag:s25] =	ssyncset.done $0x0  }
0xdc: {  	s9 =	sadd.s32 $0x2D8, s8;
	[sflag:s25] =	ssyncadd.s32 $0xFFFFF9C0  }
0xdd: {  	[tilespmem:s31], [sflag:$0x4] =	stream.indirect.gather [hbm4b:s4+s20], $0x10, s9, s20, $0xb8;
	[tilespmem:$0x9740] =	vst v63  }
0xde: {  	_ =	swait.ge [sflag:s0], $0x640  }
0xdf: {  	[sflag:s0] =	ssyncset.done $0x0  }
0xe0: {  	s9 =	sadd.s32 $0x2B10, s8;
	[sflag:s0] =	ssyncadd.s32 $0xFFFFF9C0  }
0xe1: {  	[spmem:s2] =	stream.indirect.scatter.add.f32 [tilespmem:s26], [sflag:$0x7], $0x10, s9, s20, $0xb8;
	[tilespmem:$0x9740] =	vst v63  }
0xe2: {  	_ =	swait.ge [sflag:s1], $0x640  }
0xe3: {  	[sflag:s1] =	ssyncset.done $0x0  }
0xe4: {  	s9 =	sadd.s32 $0x340, s8;
	[sflag:s1] =	ssyncadd.s32 $0xFFFFF9C0  }
0xe5: {  	[tilespmem:s21], [sflag:$0x1] =	stream.indirect.gather [hbm4b:s4+s20], $0x10, s9, s20, $0xb8;
	[tilespmem:$0x9740] =	vst v63  }
0xe6: {  	_ =	swait.ge [sflag:s29], $0x640  }
0xe7: {  	[sflag:s29] =	ssyncset.done $0x0  }
.Ltmp0:
0xe8: {  	s9 =	sadd.s32 $0x2B78, s8;
	[sflag:s29] =	ssyncadd.s32 $0xFFFFF9C0;
	(pc) =	sbr.rel @p0 .LBB2_2-.Ltmp0, $4  }
0xe9: {  	[spmem:s2] =	stream.indirect.scatter.add.f32 [tilespmem:s31], [sflag:$0x8], $0x10, s9, s20, $0xb8;
	[tilespmem:$0x9740] =	vst v63  }
0xea: {  	_ =	swait.ge [sflag:s22], $0x640  }
0xeb: {  	[sflag:s22] =	ssyncset.done $0x0  }
0xec: {  	s8 =	sadd.s32 $0x3A8, s8;
	[sflag:s22] =	ssyncadd.s32 $0xFFFFF9C0  }
0xed: {  	[tilespmem:s23], [sflag:$0x2] =	stream.indirect.gather [hbm4b:s4+s20], $0x10, s8, s20, $0xb8;
	[tilespmem:$0x9740] =	vst v63  }
0xee: {  	_ =	swait.ge [sflag:s24], $0x640  }
0xef: {  	[sflag:s24] =	ssyncset.done $0x0  }
0xf0: {  	s7 =	simm.s32 $0x4FA0;
	[sflag:s24] =	ssyncadd.s32 $0xFFFFF9C0  }
0xf1: {  	[spmem:s2] =	stream.indirect.scatter.add.f32 [tilespmem:s21], [sflag:$0x5], $0x10, s7, s20, $0xb8;
	[tilespmem:$0x9740] =	vst v63  }
0xf2: {  	_ =	swait.ge [sflag:s30], $0x640  }
0xf3: {  	[sflag:s30] =	ssyncset.done $0x0  }
0xf4: {  	s9 =	simm.s32 $0x27D0;
	[sflag:s30] =	ssyncadd.s32 $0xFFFFF9C0  }
0xf5: {  	[tilespmem:s26], [sflag:$0x3] =	stream.indirect.gather [hbm4b:s4+s20], $0x10, s9, s20, $0xb8;
	[tilespmem:$0x9740] =	vst v63  }
0xf6: {  	_ =	swait.ge [sflag:s28], $0x640  }
0xf7: {  	[sflag:s28] =	ssyncset.done $0x0  }
0xf8: {  	s8 =	simm.s32 $0x5008;
	[sflag:s28] =	ssyncadd.s32 $0xFFFFF9C0  }
0xf9: {  	[spmem:s2] =	stream.indirect.scatter.add.f32 [tilespmem:s23], [sflag:$0x6], $0x10, s8, s20, $0xb8;
	[tilespmem:$0x9740] =	vst v63  }
0xfa: {  	_ =	swait.ge [sflag:s25], $0x640  }
0xfb: {  	[sflag:s25] =	ssyncset.done $0x0  }
0xfc: {  	s9 =	simm.s32 $0x2838;
	[sflag:s25] =	ssyncadd.s32 $0xFFFFF9C0  }
0xfd: {  	[tilespmem:s31], [sflag:$0x4] =	stream.indirect.gather [hbm4b:s4+s20], $0x10, s9, s20, $0xb8;
	[tilespmem:$0x9740] =	vst v63  }
0xfe: {  	_ =	swait.ge [sflag:s0], $0x640  }
0xff: {  	[sflag:s0] =	ssyncset.done $0x0  }
0x100: {  	s8 =	simm.s32 $0x5070;
	[sflag:s0] =	ssyncadd.s32 $0xFFFFF9C0  }
0x101: {  	[spmem:s2] =	stream.indirect.scatter.add.f32 [tilespmem:s26], [sflag:$0x7], $0x10, s8, s20, $0xb8;
	[tilespmem:$0x9740] =	vst v63  }
0x102: {  	_ =	swait.ge [sflag:s29], $0x640  }
0x103: {  	[sflag:s29] =	ssyncset.done $0x0  }
0x104: {  	s9 =	simm.s32 $0x50D8;
	[sflag:s29] =	ssyncadd.s32 $0xFFFFF9C0  }
0x105: {  	[spmem:s2] =	stream.indirect.scatter.add.f32 [tilespmem:s31], [sflag:$0x8], $0x10, s9, s20, $0xb8;
	[tilespmem:$0x9740] =	vst v63  }
0x106: {  	_ =	swait.ge [sflag:s1], $0x640  }
0x107: {  	[sflag:s1] =	ssyncset.done $0x0  }
0x108: {  	[sflag:s1] =	ssyncadd.s32 $0xFFFFF9C0  }
0x109: {  	_ =	swait.ge [sflag:s22], $0x640  }
0x10a: {  	[sflag:s22] =	ssyncset.done $0x0  }
0x10b: {  	[sflag:s22] =	ssyncadd.s32 $0xFFFFF9C0  }
0x10c: {  	_ =	swait.ge [sflag:s30], $0x640  }
0x10d: {  	[sflag:s30] =	ssyncset.done $0x0  }
0x10e: {  	[sflag:s30] =	ssyncadd.s32 $0xFFFFF9C0  }
0x10f: {  	s8 =	stileid.u32;
	_ =	swait.ge [sflag:s25], $0x640  }
0x110: {  	s6 =	sadd.s32 $0x1, s6;
	s7 =	sshll.u32 s8, $0x6;
	[sflag:s25] =	ssyncset.done $0x0  }
0x111: {  	p0 =	sne.s32 s6, s16;
	s7 =	sor.u32 $0x1C09, s7;
	[sflag:s25] =	ssyncadd.s32 $0xFFFFF9C0  }
.Ltmp1:
0x112: {  	s9 =	sshrl.u32 s5, $0x3;
	[bflag:$0x0] =	sbarrier.arrive $0xFFFF;
	(pc) =	sbr.rel @p0 .LBB2_1-.Ltmp1, $4  }
0x113: {  	[hbm:s15], [sflag:s7] =	dma.local [spmem:s9], $0x500  }
0x114: {  	_ =	swait.ge [sflag:s18], $0x500  }
0x115: {  	[sflag:s18] =	ssyncset.done $0x0  }
0x116: {  	[sflag:s18] =	ssyncadd.s32 $0xFFFFFB00  }
0x117: {  	_ =	sfence.sel $0x180000  }
0x118: {  	[bflag:$0x0] =	sbarrier.arrive $0xFFFF  }
0x119: {  	_ =	strace $0x9000004A  }
0x11a: {  	s0 =	stileid.u32;
	[bflag:$0x2] =	sbarrier.arrive $0xFFFF  }
0x11b: {  	p0 =	sne.s32 s0, $0x0;
	s0 =	rddreg [dreg:$0x2]  }
0x11c: {  	s0 =	sadd.s32 @!p0 $0x100000, s0  }
0x11d: {  	[sflag:s0] =	ssyncadd.tile.s32 @!p0 $0x1;
	_ =	shalt  }
.Lfunc_end2:
_tile_overlayer_lowered:
.L_overlay_start_2:
0x11e: {  	(tag) =	ssettag $0x2  }
0x11f: {  	s0 =	rddreg [dreg:$0x0];
	s2 =	stileid.u32  }
0x120: {  	s1 =	rddreg [dreg:$0x1];
	p0 =	sne.s32 s2, $0x0  }
0x121: {  	s3 =	rddreg [dreg:$0x2];
	[bflag:$0x3] =	sbarrier.arrive $0xFFFF;
	s2 =	simm.s32 @!p0 $0x1C09  }
0x122: {  	[timem:s3], [sflag:s2] =	dma.local @!p0 [hbm:s0], s1  }
0x123: {  	s0 =	simm.s32 @!p0 $0x9  }
0x124: {  	_ =	swait.ge @!p0 [sflag:s0], s1  }
0x125: {  	s1 =	ssub.s32 @!p0 $0x0, s1;
	[sflag:s0] =	ssyncset.done @!p0 $0x0  }
0x126: {  	[sflag:s0] =	ssyncadd.s32 @!p0 s1  }
0x127: {  	[bflag:$0x3] =	sbarrier.arrive $0xFFFF  }
0x128: {  	_ =	shalt  }

// kernel: kernel.7.cloned.1.call-start
scs
__scs_entry_jumppad:
0x0: {  	(pc) =	sbr.rel $0x88, $3  }
0x1: {  	(tag) =	ssettag $0x0;
	lr =	simm.s32 $0x1  }
0x2: {  	[smem:$0x3F99] =	sst lr;
	_ =	strace $0xD0000000  }
0x3: {  	_ = 	snop  }
0x4: {  	_ = 	snop  }
0x5: {  	_ = 	snop  }
0x6: {  	_ = 	snop  }
0x7: {  	_ = 	snop  }
__scs_overlays_trampoline_lowered:
0x8: {  	[smem:$0x3FA8] =	sst s0  }
0x9: {  	[smem:$0x3FA9] =	sst s1  }
0xa: {  	[smem:$0x3FAA] =	sst s2  }
0xb: {  	[smem:$0x3FAB] =	sst s3  }
0xc: {  	[smem:$0x3FAC] =	sst s4  }
0xd: {  	[smem:$0x3FAD] =	sst s5  }
0xe: {  	[smem:$0x3FAE] =	sst s6  }
0xf: {  	[smem:$0x3FAF] =	sst s7  }
0x10: {  	[smem:$0x3FB0] =	sst s8  }
0x11: {  	[smem:$0x3FB1] =	sst s9;
	s0 =	simm.s32 @!p0 $0x0  }
0x12: {  	s1 =	sld [smem:$0x3F97];
	s0 =	simm.s32 @p0 $0x1  }
0x13: {  	[smem:$0x3FB2] =	sst s0;
	s0 =	simm.s32 @!p1 $0x0  }
0x14: {  	s2 =	sld [smem:$0x3F96];
	s0 =	simm.s32 @p1 $0x1  }
0x15: {  	[smem:$0x3FB3] =	sst s0;
	s0 =	simm.s32 @!p2 $0x0  }
0x16: {  	s3 =	sld [smem:$0x3FDB];
	s0 =	simm.s32 @p2 $0x1  }
0x17: {  	s4 =	simm.s32 $0x1BF5;
	[smem:$0x3FB5] =	sst s0  }
0x18: {  	s0 =	sld [smem:$0x3F98];
	_ =	swait.ge [sflag:s4], $0x0  }
0x19: {  	s7 =	sld [smem:$0x3F99]  }
0x1a: {  	s8 =	sadd.s32 $0xFFFFE003, lr  }
0x1b: {  	s9 =	sadd.s32 $0xFFFFFEF7, lr;
	s5 =	simm.s32 $0xFFFFFFFF;
	p2 =	slt.u32 s8, $0xFFFFF086  }
0x1c: {  	p1 =	slt.u32 s9, $0xF7A;
	s5 =	simm.s32 @!p2 $0x0  }
0x1d: {  	s5 =	simm.s32 @p1 $0x1;
	p0 =	seq.s32 s7, s2  }
0x1e: {  	s7 =	smul.u32 @!p0 $0xF7A, s2;
	p2 =	seq.s32 @!p0 s5, $0x0  }
0x1f: {  	s9 =	smul.u32 $0xF7A, s1;
	s8 =	simm.s32 @!p0 $0x1BF5;
	p2 =	por !p2, p0  }
0x20: {  	[sflag:s8] =	ssyncset.s32 @!p0 $0xFFFFF086;
	s6 =	sadd.s32 @!p0 s3, s7;
	s7 =	simm.s32 @!p0 $0x108  }
0x21: {  	s3 =	sadd.s32 s3, s9;
	s6 =	sadd.s32 @!p0 $0x88, s6;
	s7 =	simm.s32 @p2 $0x1082  }
0x22: {  	[simem:s7], [sflag:s8] =	dma.local @!p0 [hbm:s6], $0xF7A  }
0x23: {  	s9 =	sor.u32 $0xD0000000, s2;
	s6 =	simm.s32 $0x108;
	_ =	swait.ge @!p0 [sflag:s8], $0x0  }
0x24: {  	s3 =	sadd.s32 $0x88, s3;
	s6 =	simm.s32 @!p1 $0x1082;
	[sflag:s4] =	ssyncset.s32 $0xFFFFF086  }
0x25: {  	[simem:s6], [sflag:s4] =	dma.local [hbm:s3], $0xF7A  }
0x26: {  	[smem:$0x3F99] =	sst s1;
	(tag) =	ssettag s2;
	_ =	strace s9  }
0x27: {  	s1 =	sld [smem:$0x3FA9]  }
0x28: {  	s2 =	sld [smem:$0x3FAA]  }
0x29: {  	s4 =	sld [smem:$0x3FAC]  }
0x2a: {  	p0 =	seq.s32 s5, $0x0;
	s5 =	sld [smem:$0x3FAD]  }
0x2b: {  	s6 =	sld [smem:$0x3FAE]  }
0x2c: {  	s7 =	sld [smem:$0x3FAF]  }
0x2d: {  	s3 =	simm.s32 $0x108;
	s8 =	sld [smem:$0x3FB0]  }
0x2e: {  	s3 =	simm.s32 @!p0 $0x1082;
	s9 =	sld [smem:$0x3FB1]  }
0x2f: {  	lr =	sadd.s32 s0, s3;
	s0 =	sld [smem:$0x3FA8]  }
0x30: {  	s3 =	sld [smem:$0x3FAB]  }
0x31: {  	[smem:$0x3FB4] =	sst s10  }
0x32: {  	s10 =	sld [smem:$0x3FB2];
	_ =	sdelay $0x3  }
0x33: {  	p0 =	seq.s32 s10, $0x1;
	s10 =	sld [smem:$0x3FB4];
	_ =	sdelay $0x3  }
0x34: {  	[smem:$0x3FB4] =	sst s10  }
0x35: {  	s10 =	sld [smem:$0x3FB3];
	_ =	sdelay $0x3  }
0x36: {  	p1 =	seq.s32 s10, $0x1;
	s10 =	sld [smem:$0x3FB4];
	_ =	sdelay $0x3  }
0x37: {  	[smem:$0x3FB4] =	sst s10  }
0x38: {  	s10 =	sld [smem:$0x3FB5]  }
0x39: {  	_ = 	snop;
	(pc) =	sbr.ind lr, $3  }
0x3a: {  	_ = 	snop  }
0x3b: {  	_ = 	snop  }
0x3c: {  	p2 =	seq.s32 s10, $0x1;
	s10 =	sld [smem:$0x3FB4]  }
0x3d: {  	_ =	shalt  }
0x3e: {  	_ =	shalt  }
0x3f: {  	_ =	shalt  }
0x40: {  	_ =	shalt  }
0x41: {  	_ =	shalt  }
0x42: {  	_ =	shalt  }
0x43: {  	_ =	shalt  }
0x44: {  	_ =	shalt  }
0x45: {  	_ =	shalt  }
0x46: {  	_ =	shalt  }
0x47: {  	_ =	shalt  }
0x48: {  	_ =	shalt  }
0x49: {  	_ =	shalt  }
0x4a: {  	_ =	shalt  }
0x4b: {  	_ =	shalt  }
0x4c: {  	_ =	shalt  }
0x4d: {  	_ =	shalt  }
0x4e: {  	_ =	shalt  }
0x4f: {  	_ =	shalt  }
0x50: {  	_ =	shalt  }
0x51: {  	_ =	shalt  }
0x52: {  	_ =	shalt  }
0x53: {  	_ =	shalt  }
0x54: {  	_ =	shalt  }
0x55: {  	_ =	shalt  }
0x56: {  	_ =	shalt  }
0x57: {  	_ =	shalt  }
0x58: {  	_ =	shalt  }
0x59: {  	_ =	shalt  }
0x5a: {  	_ =	shalt  }
0x5b: {  	_ =	shalt  }
0x5c: {  	_ =	shalt  }
0x5d: {  	_ =	shalt  }
0x5e: {  	_ =	shalt  }
0x5f: {  	_ =	shalt  }
0x60: {  	_ =	shalt  }
0x61: {  	_ =	shalt  }
0x62: {  	_ =	shalt  }
0x63: {  	_ =	shalt  }
0x64: {  	_ =	shalt  }
0x65: {  	_ =	shalt  }
0x66: {  	_ =	shalt  }
0x67: {  	_ =	shalt  }
0x68: {  	_ =	shalt  }
0x69: {  	_ =	shalt  }
0x6a: {  	_ =	shalt  }
0x6b: {  	_ =	shalt  }
0x6c: {  	_ =	shalt  }
0x6d: {  	_ =	shalt  }
0x6e: {  	_ =	shalt  }
0x6f: {  	_ =	shalt  }
0x70: {  	_ =	shalt  }
0x71: {  	_ =	shalt  }
0x72: {  	_ =	shalt  }
0x73: {  	_ =	shalt  }
0x74: {  	_ =	shalt  }
0x75: {  	_ =	shalt  }
0x76: {  	_ =	shalt  }
0x77: {  	_ =	shalt  }
0x78: {  	_ =	shalt  }
0x79: {  	_ =	shalt  }
0x7a: {  	_ =	shalt  }
0x7b: {  	_ =	shalt  }
0x7c: {  	_ =	shalt  }
0x7d: {  	_ =	shalt  }
0x7e: {  	_ =	shalt  }
0x7f: {  	_ =	shalt  }
0x80: {  	_ =	shalt  }
0x81: {  	_ =	shalt  }
0x82: {  	_ =	shalt  }
0x83: {  	_ =	shalt  }
0x84: {  	_ =	shalt  }
0x85: {  	_ =	shalt  }
0x86: {  	_ =	shalt  }
0x87: {  	_ =	shalt  }
.Lfunc_end0:
.L_simem_size_0:
called_computation_lowered:
.L_overlay_start_0:
0x88: {  	s2 =	sld [smem:$0x3FD9]  }
0x89: {  	s3 =	sld [smem:$0x3FFE];
	_ =	sdelay $0x1  }
0x8a: {  	s1 =	srdreg.scid  }
0x8b: {  	s0 =	sand.u32 $0x1, s1  }
0x8c: {  	s17 =	sshll.u32 s0, $0xA;
	s2 =	sadd.s32 s3, s2  }
0x8d: {  	s2 =	sadd.s32 s2, s17  }
0x8e: {  	[smem:$0x3FC0] =	sst s2  }
0x8f: {  	_ = 	snop  }
0x90: {  	s2 =	sld [smem:$0x3FC9];
	(tm) =	ssettm $0x1  }
0x91: {  	s18 =	sld [smem:$0x3FFB];
	_ =	sdelay $0x3  }
0x92: {  	_ =	strace s18  }
0x93: {  	s3 =	sld [smem:$0x3FFC];
	_ =	sdelay $0x3  }
0x94: {  	_ =	strace s3  }
0x95: {  	s3 =	sld [smem:$0x3FFD];
	_ =	sdelay $0x3  }
0x96: {  	_ =	strace s3  }
0x97: {  	_ =	strace $0x8FFFFFFF  }
0x98: {  	s19 =	sld [smem:$0x3FDB];
	_ =	sdelay $0x1  }
0x99: {  	s4 =	simm.s32 $_scs_section_size  }
0x9a: {  	s5 =	simm.s32 $_size__tile_overlayer_lowered;
	s6 =	simm.s32 $_tile_overlayer_lowered  }
0x9b: {  	s22 =	simm.s32 $0x1BFF;
	s21 =	sshll.u32 s6, $0x1;
	s3 =	sadd.s32 s4, s19  }
0x9c: {  	s7 =	simm.s32 $0x0;
	s20 =	sshll.u32 s5, $0x1;
	s5 =	sadd.s32 s21, s3  }
0x9d: {  	[timem:s7], [sflag:s22] =	dma.local [hbm:s5], s20  }
0x9e: {  	_ =	swait.ge [sflag:s22], s20  }
0x9f: {  	s4 =	ssub.s32 $0x0, s20;
	[sflag:s22] =	ssyncset.done $0x0  }
0xa0: {  	[sflag:s22] =	ssyncadd.s32 s4;
	_ =	sdelay $0x1  }
0xa1: {  	s23 =	simm.s32 $0x1B8B  }
0xa2: {  	_ =	swait.ge [sflag:s23], $0x1  }
0xa3: {  	[sflag:s23] =	ssyncset.done $0x0  }
0xa4: {  	s25 =	simm.s32 $0x1B8E;
	s24 =	sld [smem:$0x3FFE];
	[sflag:s23] =	ssyncadd.s32 $0xFFFFFFFF  }
0xa5: {  	s26 =	simm.s32 $execute0_lowered;
	[smem:$0x3FD2] =	sst s25  }
0xa6: {  	s5 =	sshll.u32 s26, $0x1;
	_ =	strace $0x80000046;
	[dreg:$0x1] =	wrdreg $0xFFFFFFFF  }
0xa7: {  	s28 =	simm.s32 $_size_execute0_lowered;
	s3 =	sadd.s32 s3, s5;
	[dreg:$0x0] =	wrdreg $0x0  }
0xa8: {  	s5 =	sshll.u32 s28, $0x1;
	[dreg:$0x2] =	wrdreg s3  }
0xa9: {  	[dreg:$0x3] =	wrdreg s5  }
0xaa: {  	[dreg:$0x4] =	wrdreg $0xC0  }
0xab: {  	_ =	task [dreg:s7], $0x5FFFF  }
0xac: {  	[dreg:$0x1] =	wrdreg $0xFFFFFFFF  }
0xad: {  	[dreg:$0x0] =	wrdreg $0x60  }
0xae: {  	[dreg:$0x2] =	wrdreg s2  }
0xaf: {  	[dreg:$0x3] =	wrdreg s24  }
0xb0: {  	[dreg:$0x4] =	wrdreg $0x125C00  }
0xb1: {  	[dreg:$0x5] =	wrdreg $0x1C5C00  }
0xb2: {  	[dreg:$0x6] =	wrdreg $0x9  }
0xb3: {  	_ =	task.clear_ibuf [dreg:s7], $0x7FFFF;
	_ =	strace $0x90000046  }
0xb4: {  	s29 =	simm.s32 $0x9;
	_ =	strace $0x80000048  }
0xb5: {  	_ =	swait.ge [sflag:s29], $0x1  }
0xb6: {  	[sflag:s29] =	ssyncadd.s32 $0xFFFFFFFF  }
0xb7: {  	_ =	strace $0x90000048  }
0xb8: {  	_ =	sfence  }
0xb9: {  	s30 =	sld [smem:$0x0];
	_ =	sdelay $0x2  }
0xba: {  	s31 =	sshll.u32 s1, $0xD;
	s1 =	sshrl.u32 s1, $0x2  }
0xbb: {  	s3 =	sand.u32 $0x4000, s31;
	s1 =	sadd.s32 s1, s30  }
0xbc: {  	s0 =	sor.u32 s3, s0;
	s1 =	sshll.u32 s1, $0x11  }
0xbd: {  	s0 =	sor.u32 s1, s0  }
0xbe: {  	s0 =	sadd.s32 $0x8F2B, s0  }
0xbf: {  	[sflag:s0] =	ssyncadd.remote.s32 $0x1  }
0xc0: {  	_ =	sfence.sel $0xFFFF  }
0xc1: {  	[dreg:$0x0] =	wrdreg $0xFFFFFFFF;
	(pc) =	sbr.abs _section_cstart, $3  }
0xc2: {  	[dreg:$0x1] =	wrdreg $0xFFFFFFFF  }
0xc3: {  	_ =	task.clear_ibuf [dreg:s7], $0x2FFFF;
	_ =	strace $0x9FFFFFFF  }
0xc4: {  	(tm) =	ssettm $0x7FFFFFFF  }
0xc5: {  	_ =	shalt  }
tec
execute0_lowered:
.L_overlay_start_1:
0x0: {  	(tag) =	ssettag $0x1  }
0x1: {  	s1 =	rddreg [dreg:$0x0]  }
0x2: {  	s0 =	rddreg [dreg:$0x1];
	s11 =	stileid.u32  }
0x3: {  	s2 =	srdreg.scid;
	s6 =	smul.u32 $0x5140, s11  }
0x4: {  	s3 =	rddreg [dreg:$0x2];
	s8 =	smul.u32 $0xA000, s11  }
0x5: {  	s4 =	rddreg [dreg:$0x3];
	s10 =	smul.u32 $0x2800, s11  }
0x6: {  	s5 =	simm.s32 $0x0;
	s2 =	sand.u32 $0x1, s2;
	s11 =	smul.u32 $0x280, s11  }
0x7: {  	s29 =	simm.s32 $0x10680;
	s30 =	simm.s32 $0xB;
	s7 =	smul.u32 $0x51400, s2  }
0x8: {  	s31 =	simm.s32 $0x11A80;
	[smem:$0x7FF] =	sst s5;
	s9 =	smul.u32 $0xA0000, s2  }
0x9: {  	_ =	strace $0x80000047;
	s12 =	ssub.s32 $0x2, s2;
	p0 =	sne.s32 s2, $0x0  }
0xa: {  	s13 =	sshrl.u32 s10, $0x3;
	s14 =	sshrl.u32 s12, $0x1;
	s15 =	sor.u32 $0x50, s11  }
0xb: {  	s16 =	sadd.s32 $0xF0, s11;
	s18 =	sadd.s32 $0x140, s11;
	s23 =	sadd.s32 $0x190, s11  }
0xc: {  	s26 =	sadd.s32 $0x230, s11;
	s7 =	sadd.s32 s6, s7;
	s9 =	sadd.s32 s8, s9  }
0xd: {  	s6 =	sshrl.u32 s6, $0x3;
	s19 =	sshll.u32 s15, $0x6;
	s17 =	sshll.u32 s16, $0x6  }
0xe: {  	s22 =	sshll.u32 s18, $0x6;
	s24 =	sshll.u32 s23, $0x6;
	s7 =	sshrl.u32 s7, $0x3  }
0xf: {  	s9 =	sshrl.u32 s9, $0x3;
	s6 =	sadd.s32 s6, s0;
	s21 =	sadd.s32 s17, s3  }
0x10: {  	s17 =	simm.s32 $0x1;
	s7 =	sadd.s32 s7, s0;
	s9 =	sadd.s32 s9, s0  }
0x11: {  	s0 =	sadd.s32 s13, s0;
	s13 =	ssub.s32 s12, s14;
	s12 =	sadd.s32 s19, s3  }
0x12: {  	s14 =	sadd.s32 $0xA0, s11;
	[dreg:$0x7] =	wrdreg s21;
	s19 =	sadd.s32 $0x1E0, s11  }
0x13: {  	s11 =	sshll.u32 s26, $0x6;
	s21 =	sshll.u32 s23, $0x4;
	[dreg:$0x5] =	wrdreg s12  }
0x14: {  	s20 =	sshll.u32 s14, $0x6;
	s25 =	sshll.u32 s19, $0x6;
	s11 =	sadd.s32 s11, s3  }
0x15: {  	s14 =	sshll.u32 s14, $0x4;
	s0 =	sadd.s32 $0x47800, s0;
	s12 =	sadd.s32 s20, s3  }
0x16: {  	s2 =	sadd.s32 s25, s3;
	[dreg:$0xb] =	wrdreg s11;
	s11 =	sshll.u32 s15, $0x4  }
0x17: {  	s15 =	sshll.u32 s16, $0x4;
	s20 =	sshll.u32 s18, $0x4;
	s25 =	sadd.s32 $0x15400, s6  }
0x18: {  	[dreg:$0x16] =	wrdreg s0;
	s0 =	sadd.s32 s10, s4;
	s18 =	simm.s32 $0xED80  }
0x19: {  	s6 =	simm.s32 $0x7;
	s10 =	simm.s32 $0x0;
	[dreg:$0x6] =	wrdreg s12  }
0x1a: {  	s12 =	sadd.s32 s22, s3;
	[dreg:$0xa] =	wrdreg s2;
	s16 =	sadd.s32 s15, s4  }
0x1b: {  	s22 =	sshll.u32 s19, $0x4;
	s2 =	sshll.u32 s26, $0x4;
	[dreg:$0x15] =	wrdreg s25  }
0x1c: {  	s26 =	smax.u32 s13, $0x1;
	s28 =	sshrl.u32 @!p0 s0, $0x3;
	[dreg:$0x8] =	wrdreg s12  }
0x1d: {  	s15 =	simm.s32 $0xA280;
	s19 =	simm.s32 $0x3;
	[dreg:$0xf] =	wrdreg s16  }
0x1e: {  	s0 =	simm.s32 $0x4;
	s12 =	sadd.s32 s24, s3;
	[dreg:$0x17] =	wrdreg s26  }
0x1f: {  	s23 =	sadd.s32 s22, s4;
	s2 =	sadd.s32 s2, s4;
	[dreg:$0x9] =	wrdreg s12  }
0x20: {  	s24 =	sadd.s32 $0xE00, s7;
	s16 =	simm.s32 $0xBB80;
	[dreg:$0x12] =	wrdreg s23  }
0x21: {  	s12 =	sadd.s32 s8, s3;
	s8 =	sshrl.u32 s8, $0x2;
	[dreg:$0x13] =	wrdreg s2  }
0x22: {  	s7 =	simm.s32 $0x2;
	[dreg:$0x14] =	wrdreg s24;
	s8 =	sadd.s32 s8, s4  }
0x23: {  	s24 =	sadd.s32 $0x1F800, s9;
	[dreg:$0xc] =	wrdreg s8;
	s8 =	sadd.s32 s11, s4  }
0x24: {  	s9 =	simm.s32 $0x5;
	[dreg:$0xd] =	wrdreg s8;
	s8 =	sadd.s32 s14, s4  }
0x25: {  	s14 =	simm.s32 $0x64;
	[dreg:$0xe] =	wrdreg s8;
	s8 =	sadd.s32 s20, s4  }
0x26: {  	s20 =	simm.s32 $0xD480;
	[dreg:$0x10] =	wrdreg s8;
	s8 =	sadd.s32 s21, s4  }
0x27: {  	v0 =	vimm.f32 $0.0e+00;
	v1 =	vimm.f32 $1.000000000e+00;
	s21 =	simm.s32 $0x6;
	[dreg:$0x11] =	wrdreg s8;
	s8 =	simm.s32 $0x8  }
.LBB2_1:
0x28: {  	s2 =	simm.s32 $0x0;
	s11 =	simm.s32 $0x500  }
.LBB2_2:
0x29: {  	p1 =	sne.s32 s11, $0x4B00;
	[tilespmem:s2+$0x107B0] =	vst v0  }
0x2a: {  	[tilespmem:s2+$0x10680] =	vst v0  }
0x2b: {  	[tilespmem:s2+$0x10690] =	vst v0  }
0x2c: {  	[tilespmem:s2+$0x106A0] =	vst v0  }
0x2d: {  	[tilespmem:s2+$0x106B0] =	vst v0  }
0x2e: {  	[tilespmem:s2+$0x106C0] =	vst v0  }
0x2f: {  	[tilespmem:s2+$0x106D0] =	vst v0  }
0x30: {  	[tilespmem:s2+$0x106E0] =	vst v0  }
0x31: {  	[tilespmem:s2+$0x106F0] =	vst v0  }
0x32: {  	[tilespmem:s2+$0x10700] =	vst v0  }
0x33: {  	[tilespmem:s2+$0x10710] =	vst v0  }
0x34: {  	[tilespmem:s2+$0x10720] =	vst v0  }
0x35: {  	[tilespmem:s2+$0x10730] =	vst v0  }
0x36: {  	[tilespmem:s2+$0x10740] =	vst v0  }
0x37: {  	[tilespmem:s2+$0x10750] =	vst v0  }
.Ltmp0:
0x38: {  	[tilespmem:s2+$0x10760] =	vst v0;
	(pc) =	sbr.rel @p1 .LBB2_2-.Ltmp0, $4  }
0x39: {  	[tilespmem:s2+$0x10770] =	vst v0  }
0x3a: {  	[tilespmem:s2+$0x10780] =	vst v0  }
0x3b: {  	[tilespmem:s2+$0x10790] =	vst v0  }
0x3c: {  	[tilespmem:s2+$0x107A0] =	vst v0;
	s2 =	sshra.s32 s11, $0x2;
	s11 =	sadd.s32 $0x500, s11  }
0x3d: {  	[tilespmem:s2+$0x107B0] =	vst v0  }
0x3e: {  	[tilespmem:s2+$0x10680] =	vst v0  }
0x3f: {  	[tilespmem:s2+$0x10690] =	vst v0  }
0x40: {  	[tilespmem:s2+$0x106A0] =	vst v0  }
0x41: {  	[tilespmem:s2+$0x106B0] =	vst v0  }
0x42: {  	[tilespmem:s2+$0x106C0] =	vst v0  }
0x43: {  	[tilespmem:s2+$0x106D0] =	vst v0  }
0x44: {  	[tilespmem:s2+$0x106E0] =	vst v0  }
0x45: {  	[tilespmem:s2+$0x106F0] =	vst v0  }
0x46: {  	[tilespmem:s2+$0x10700] =	vst v0  }
0x47: {  	[tilespmem:s2+$0x10710] =	vst v0  }
0x48: {  	[tilespmem:s2+$0x10720] =	vst v0  }
0x49: {  	[tilespmem:s2+$0x10730] =	vst v0  }
0x4a: {  	[tilespmem:s2+$0x10740] =	vst v0  }
0x4b: {  	[tilespmem:s2+$0x10750] =	vst v0  }
0x4c: {  	[tilespmem:s2+$0x10760] =	vst v0  }
0x4d: {  	[tilespmem:s2+$0x10770] =	vst v0  }
0x4e: {  	[tilespmem:s2+$0x10780] =	vst v0  }
0x4f: {  	[tilespmem:s2+$0x10790] =	vst v0  }
0x50: {  	[tilespmem:s2+$0x107A0] =	vst v0  }
0x51: {  	[spmem:s12] =	stream.linear.scatter [tilespmem:s29], [sflag:$0xB], $0x1400, $0x38;
	[tilespmem:$0x1EDC0] =	vst v63  }
0x52: {  	_ =	swait.ge [sflag:s30], $0x1400  }
0x53: {  	[sflag:s30] =	ssyncset.done $0x0  }
0x54: {  	s26 =	rddreg [dreg:$0x5];
	[sflag:s30] =	ssyncadd.s32 $0xFFFFEC00  }
0x55: {  	[spmem:s26] =	stream.linear.scatter [tilespmem:s29], [sflag:$0xB], $0x1400, $0x38;
	[tilespmem:$0x1EDC0] =	vst v63  }
0x56: {  	_ =	swait.ge [sflag:s30], $0x1400  }
0x57: {  	[sflag:s30] =	ssyncset.done $0x0  }
0x58: {  	s11 =	rddreg [dreg:$0x6];
	[sflag:s30] =	ssyncadd.s32 $0xFFFFEC00  }
0x59: {  	[spmem:s11] =	stream.linear.scatter [tilespmem:s29], [sflag:$0xB], $0x1400, $0x38;
	[tilespmem:$0x1EDC0] =	vst v63  }
0x5a: {  	_ =	swait.ge [sflag:s30], $0x1400  }
0x5b: {  	[sflag:s30] =	ssyncset.done $0x0  }
0x5c: {  	s13 =	rddreg [dreg:$0x7];
	[sflag:s30] =	ssyncadd.s32 $0xFFFFEC00  }
0x5d: {  	[spmem:s13] =	stream.linear.scatter [tilespmem:s29], [sflag:$0xB], $0x1400, $0x38;
	[tilespmem:$0x1EDC0] =	vst v63  }
0x5e: {  	_ =	swait.ge [sflag:s30], $0x1400  }
0x5f: {  	[sflag:s30] =	ssyncset.done $0x0  }
0x60: {  	s22 =	rddreg [dreg:$0x8];
	[sflag:s30] =	ssyncadd.s32 $0xFFFFEC00  }
0x61: {  	[spmem:s22] =	stream.linear.scatter [tilespmem:s29], [sflag:$0xB], $0x1400, $0x38;
	[tilespmem:$0x1EDC0] =	vst v63  }
0x62: {  	_ =	swait.ge [sflag:s30], $0x1400  }
0x63: {  	[sflag:s30] =	ssyncset.done $0x0  }
0x64: {  	s23 =	rddreg [dreg:$0x9];
	[sflag:s30] =	ssyncadd.s32 $0xFFFFEC00  }
0x65: {  	[spmem:s23] =	stream.linear.scatter [tilespmem:s29], [sflag:$0xB], $0x1400, $0x38;
	[tilespmem:$0x1EDC0] =	vst v63  }
0x66: {  	_ =	swait.ge [sflag:s30], $0x1400  }
0x67: {  	[sflag:s30] =	ssyncset.done $0x0  }
0x68: {  	s25 =	rddreg [dreg:$0xa];
	[sflag:s30] =	ssyncadd.s32 $0xFFFFEC00  }
0x69: {  	[spmem:s25] =	stream.linear.scatter [tilespmem:s29], [sflag:$0xB], $0x1400, $0x38;
	[tilespmem:$0x1EDC0] =	vst v63  }
0x6a: {  	_ =	swait.ge [sflag:s30], $0x1400  }
0x6b: {  	[sflag:s30] =	ssyncset.done $0x0  }
.Ltmp1:
0x6c: {  	s26 =	rddreg [dreg:$0xb];
	[sflag:s30] =	ssyncadd.s32 $0xFFFFEC00;
	(pc) =	sbr.rel @p0 .LBB2_5-.Ltmp1, $4  }
0x6d: {  	[spmem:s26] =	stream.linear.scatter [tilespmem:s29], [sflag:$0xB], $0x1400, $0x38;
	[tilespmem:$0x1EDC0] =	vst v63  }
0x6e: {  	_ =	swait.ge [sflag:s30], $0x1400  }
0x6f: {  	[sflag:s30] =	ssyncset.done $0x0  }
0x70: {  	[sflag:s30] =	ssyncadd.s32 $0xFFFFEC00  }
0x71: {  	[tilespmem:$0x11A80] =	vst v0  }
0x72: {  	[tilespmem:$0x11A90] =	vst v0  }
0x73: {  	[tilespmem:$0x11AA0] =	vst v0  }
0x74: {  	[tilespmem:$0x11AB0] =	vst v0  }
0x75: {  	[tilespmem:$0x11AC0] =	vst v0  }
0x76: {  	[tilespmem:$0x11AD0] =	vst v0  }
0x77: {  	[tilespmem:$0x11AE0] =	vst v0  }
0x78: {  	[tilespmem:$0x11AF0] =	vst v0  }
0x79: {  	[tilespmem:$0x11B00] =	vst v0  }
0x7a: {  	[tilespmem:$0x11B10] =	vst v0  }
0x7b: {  	[tilespmem:$0x11B20] =	vst v0  }
0x7c: {  	[tilespmem:$0x11B30] =	vst v0  }
0x7d: {  	[tilespmem:$0x11B40] =	vst v0  }
0x7e: {  	[tilespmem:$0x11B50] =	vst v0  }
0x7f: {  	[tilespmem:$0x11B60] =	vst v0  }
0x80: {  	[tilespmem:$0x11B70] =	vst v0  }
0x81: {  	[tilespmem:$0x11B80] =	vst v0  }
0x82: {  	[tilespmem:$0x11B90] =	vst v0  }
0x83: {  	[tilespmem:$0x11BA0] =	vst v0  }
0x84: {  	[tilespmem:$0x11BB0] =	vst v0  }
0x85: {  	[tilespmem:$0x11BC0] =	vst v0  }
0x86: {  	[tilespmem:$0x11BD0] =	vst v0  }
0x87: {  	[tilespmem:$0x11BE0] =	vst v0  }
0x88: {  	[tilespmem:$0x11BF0] =	vst v0  }
0x89: {  	[tilespmem:$0x11C00] =	vst v0  }
0x8a: {  	[tilespmem:$0x11C10] =	vst v0  }
0x8b: {  	[tilespmem:$0x11C20] =	vst v0  }
0x8c: {  	[tilespmem:$0x11C30] =	vst v0  }
0x8d: {  	[tilespmem:$0x11C40] =	vst v0  }
0x8e: {  	[tilespmem:$0x11C50] =	vst v0  }
0x8f: {  	[tilespmem:$0x11C60] =	vst v0  }
0x90: {  	[tilespmem:$0x11C70] =	vst v0  }
0x91: {  	[tilespmem:$0x11C80] =	vst v0  }
0x92: {  	[tilespmem:$0x11C90] =	vst v0  }
0x93: {  	[tilespmem:$0x11CA0] =	vst v0  }
0x94: {  	[tilespmem:$0x11CB0] =	vst v0  }
0x95: {  	[tilespmem:$0x11CC0] =	vst v0  }
0x96: {  	[tilespmem:$0x11CD0] =	vst v0  }
0x97: {  	[tilespmem:$0x11CE0] =	vst v0  }
0x98: {  	[tilespmem:$0x11CF0] =	vst v0  }
0x99: {  	[tilespmem:$0x11D00] =	vst v0  }
0x9a: {  	[tilespmem:$0x11D10] =	vst v0  }
0x9b: {  	[tilespmem:$0x11D20] =	vst v0  }
0x9c: {  	[tilespmem:$0x11D30] =	vst v0  }
0x9d: {  	[tilespmem:$0x11D40] =	vst v0  }
0x9e: {  	[tilespmem:$0x11D50] =	vst v0  }
0x9f: {  	[tilespmem:$0x11D60] =	vst v0  }
0xa0: {  	[tilespmem:$0x11D70] =	vst v0  }
0xa1: {  	[tilespmem:$0x11D80] =	vst v0  }
0xa2: {  	[tilespmem:$0x11D90] =	vst v0  }
0xa3: {  	[tilespmem:$0x11DA0] =	vst v0  }
0xa4: {  	[tilespmem:$0x11DB0] =	vst v0  }
0xa5: {  	[tilespmem:$0x11DC0] =	vst v0  }
0xa6: {  	[tilespmem:$0x11DD0] =	vst v0  }
0xa7: {  	[tilespmem:$0x11DE0] =	vst v0  }
0xa8: {  	[tilespmem:$0x11DF0] =	vst v0  }
0xa9: {  	[tilespmem:$0x11E00] =	vst v0  }
0xaa: {  	[tilespmem:$0x11E10] =	vst v0  }
0xab: {  	[tilespmem:$0x11E20] =	vst v0  }
0xac: {  	[tilespmem:$0x11E30] =	vst v0  }
0xad: {  	[tilespmem:$0x11E40] =	vst v0  }
0xae: {  	[tilespmem:$0x11E50] =	vst v0  }
0xaf: {  	[tilespmem:$0x11E60] =	vst v0  }
0xb0: {  	[tilespmem:$0x11E70] =	vst v0  }
0xb1: {  	[tilespmem:$0x11E80] =	vst v0  }
0xb2: {  	[tilespmem:$0x11E90] =	vst v0  }
0xb3: {  	[tilespmem:$0x11EA0] =	vst v0  }
0xb4: {  	[tilespmem:$0x11EB0] =	vst v0  }
0xb5: {  	[tilespmem:$0x11EC0] =	vst v0  }
0xb6: {  	[tilespmem:$0x11ED0] =	vst v0  }
0xb7: {  	[tilespmem:$0x11EE0] =	vst v0  }
0xb8: {  	[tilespmem:$0x11EF0] =	vst v0  }
0xb9: {  	[tilespmem:$0x11F00] =	vst v0  }
0xba: {  	[tilespmem:$0x11F10] =	vst v0  }
0xbb: {  	[tilespmem:$0x11F20] =	vst v0  }
0xbc: {  	[tilespmem:$0x11F30] =	vst v0  }
0xbd: {  	[tilespmem:$0x11F40] =	vst v0  }
0xbe: {  	[tilespmem:$0x11F50] =	vst v0  }
0xbf: {  	[tilespmem:$0x11F60] =	vst v0  }
0xc0: {  	[tilespmem:$0x11F70] =	vst v0;
	s2 =	rddreg [dreg:$0xc]  }
0xc1: {  	[spmem:s2] =	stream.linear.scatter [tilespmem:s31], [sflag:$0xB], $0x500, $0x38;
	[tilespmem:$0x1EDC0] =	vst v63  }
0xc2: {  	_ =	swait.ge [sflag:s30], $0x500  }
0xc3: {  	[sflag:s30] =	ssyncset.done $0x0  }
0xc4: {  	s26 =	rddreg [dreg:$0xd];
	[sflag:s30] =	ssyncadd.s32 $0xFFFFFB00  }
0xc5: {  	[spmem:s26] =	stream.linear.scatter [tilespmem:s31], [sflag:$0xB], $0x500, $0x38;
	[tilespmem:$0x1EDC0] =	vst v63  }
0xc6: {  	_ =	swait.ge [sflag:s30], $0x500  }
0xc7: {  	[sflag:s30] =	ssyncset.done $0x0  }
0xc8: {  	s11 =	rddreg [dreg:$0xe];
	[sflag:s30] =	ssyncadd.s32 $0xFFFFFB00  }
0xc9: {  	[spmem:s11] =	stream.linear.scatter [tilespmem:s31], [sflag:$0xB], $0x500, $0x38;
	[tilespmem:$0x1EDC0] =	vst v63  }
0xca: {  	_ =	swait.ge [sflag:s30], $0x500  }
0xcb: {  	[sflag:s30] =	ssyncset.done $0x0  }
0xcc: {  	s13 =	rddreg [dreg:$0xf];
	[sflag:s30] =	ssyncadd.s32 $0xFFFFFB00  }
0xcd: {  	[spmem:s13] =	stream.linear.scatter [tilespmem:s31], [sflag:$0xB], $0x500, $0x38;
	[tilespmem:$0x1EDC0] =	vst v63  }
0xce: {  	_ =	swait.ge [sflag:s30], $0x500  }
0xcf: {  	[sflag:s30] =	ssyncset.done $0x0  }
0xd0: {  	s22 =	rddreg [dreg:$0x10];
	[sflag:s30] =	ssyncadd.s32 $0xFFFFFB00  }
0xd1: {  	[spmem:s22] =	stream.linear.scatter [tilespmem:s31], [sflag:$0xB], $0x500, $0x38;
	[tilespmem:$0x1EDC0] =	vst v63  }
0xd2: {  	_ =	swait.ge [sflag:s30], $0x500  }
0xd3: {  	[sflag:s30] =	ssyncset.done $0x0  }
0xd4: {  	s23 =	rddreg [dreg:$0x11];
	[sflag:s30] =	ssyncadd.s32 $0xFFFFFB00  }
0xd5: {  	[spmem:s23] =	stream.linear.scatter [tilespmem:s31], [sflag:$0xB], $0x500, $0x38;
	[tilespmem:$0x1EDC0] =	vst v63  }
0xd6: {  	_ =	swait.ge [sflag:s30], $0x500  }
0xd7: {  	[sflag:s30] =	ssyncset.done $0x0  }
0xd8: {  	s25 =	rddreg [dreg:$0x12];
	[sflag:s30] =	ssyncadd.s32 $0xFFFFFB00  }
0xd9: {  	[spmem:s25] =	stream.linear.scatter [tilespmem:s31], [sflag:$0xB], $0x500, $0x38;
	[tilespmem:$0x1EDC0] =	vst v63  }
0xda: {  	_ =	swait.ge [sflag:s30], $0x500  }
0xdb: {  	[sflag:s30] =	ssyncset.done $0x0  }
0xdc: {  	s26 =	rddreg [dreg:$0x13];
	[sflag:s30] =	ssyncadd.s32 $0xFFFFFB00  }
0xdd: {  	[spmem:s26] =	stream.linear.scatter [tilespmem:s31], [sflag:$0xB], $0x500, $0x38;
	[tilespmem:$0x1EDC0] =	vst v63  }
0xde: {  	_ =	swait.ge [sflag:s30], $0x500  }
0xdf: {  	[sflag:s30] =	ssyncset.done $0x0  }
0xe0: {  	[sflag:s30] =	ssyncadd.s32 $0xFFFFFB00  }
0xe1: {  	[tilespmem:$0x11F80] =	vst v1  }
0xe2: {  	[tilespmem:$0x11F90] =	vst v1  }
0xe3: {  	[tilespmem:$0x11FA0] =	vst v1  }
0xe4: {  	[tilespmem:$0x11FB0] =	vst v1  }
0xe5: {  	[tilespmem:$0x11FC0] =	vst v1  }
0xe6: {  	[tilespmem:$0x11FD0] =	vst v1  }
0xe7: {  	[tilespmem:$0x11FE0] =	vst v1  }
0xe8: {  	[tilespmem:$0x11FF0] =	vst v1  }
0xe9: {  	[tilespmem:$0x12000] =	vst v1  }
0xea: {  	[tilespmem:$0x12010] =	vst v1  }
0xeb: {  	[tilespmem:$0x12020] =	vst v1  }
0xec: {  	[tilespmem:$0x12030] =	vst v1  }
0xed: {  	[tilespmem:$0x12040] =	vst v1  }
0xee: {  	[tilespmem:$0x12050] =	vst v1  }
0xef: {  	[tilespmem:$0x12060] =	vst v1  }
0xf0: {  	[tilespmem:$0x12070] =	vst v1  }
0xf1: {  	[tilespmem:$0x12080] =	vst v1  }
0xf2: {  	[tilespmem:$0x12090] =	vst v1  }
0xf3: {  	[tilespmem:$0x120A0] =	vst v1  }
0xf4: {  	[tilespmem:$0x120B0] =	vst v1  }
0xf5: {  	[tilespmem:$0x120C0] =	vst v1  }
0xf6: {  	[tilespmem:$0x120D0] =	vst v1  }
0xf7: {  	[tilespmem:$0x120E0] =	vst v1  }
0xf8: {  	[tilespmem:$0x120F0] =	vst v1  }
0xf9: {  	[tilespmem:$0x12100] =	vst v1  }
0xfa: {  	[tilespmem:$0x12110] =	vst v1  }
0xfb: {  	[tilespmem:$0x12120] =	vst v1  }
0xfc: {  	[tilespmem:$0x12130] =	vst v1  }
0xfd: {  	[tilespmem:$0x12140] =	vst v1  }
0xfe: {  	[tilespmem:$0x12150] =	vst v1  }
0xff: {  	[tilespmem:$0x12160] =	vst v1  }
0x100: {  	[tilespmem:$0x12170] =	vst v1  }
0x101: {  	[tilespmem:$0x12180] =	vst v1  }
0x102: {  	[tilespmem:$0x12190] =	vst v1  }
0x103: {  	[tilespmem:$0x121A0] =	vst v1  }
0x104: {  	[tilespmem:$0x121B0] =	vst v1  }
0x105: {  	[tilespmem:$0x121C0] =	vst v1  }
0x106: {  	[tilespmem:$0x121D0] =	vst v1  }
0x107: {  	[tilespmem:$0x121E0] =	vst v1  }
0x108: {  	[tilespmem:$0x121F0] =	vst v1  }
0x109: {  	[tilespmem:$0x12200] =	vst v1  }
0x10a: {  	[tilespmem:$0x12210] =	vst v1  }
0x10b: {  	[tilespmem:$0x12220] =	vst v1  }
0x10c: {  	[tilespmem:$0x12230] =	vst v1  }
0x10d: {  	[tilespmem:$0x12240] =	vst v1  }
0x10e: {  	[tilespmem:$0x12250] =	vst v1  }
0x10f: {  	[tilespmem:$0x12260] =	vst v1  }
0x110: {  	[tilespmem:$0x12270] =	vst v1  }
0x111: {  	[tilespmem:$0x12280] =	vst v1  }
0x112: {  	[tilespmem:$0x12290] =	vst v1  }
0x113: {  	[tilespmem:$0x122A0] =	vst v1  }
0x114: {  	[tilespmem:$0x122B0] =	vst v1  }
0x115: {  	[tilespmem:$0x122C0] =	vst v1  }
0x116: {  	[tilespmem:$0x122D0] =	vst v1  }
0x117: {  	[tilespmem:$0x122E0] =	vst v1  }
0x118: {  	[tilespmem:$0x122F0] =	vst v1  }
0x119: {  	[tilespmem:$0x12300] =	vst v1  }
0x11a: {  	[tilespmem:$0x12310] =	vst v1  }
0x11b: {  	[tilespmem:$0x12320] =	vst v1  }
0x11c: {  	[tilespmem:$0x12330] =	vst v1  }
0x11d: {  	[tilespmem:$0x12340] =	vst v1  }
0x11e: {  	[tilespmem:$0x12350] =	vst v1  }
0x11f: {  	[tilespmem:$0x12360] =	vst v1  }
0x120: {  	[tilespmem:$0x12370] =	vst v1  }
0x121: {  	[tilespmem:$0x12380] =	vst v1  }
0x122: {  	[tilespmem:$0x12390] =	vst v1  }
0x123: {  	[tilespmem:$0x123A0] =	vst v1  }
0x124: {  	[tilespmem:$0x123B0] =	vst v1  }
0x125: {  	[tilespmem:$0x123C0] =	vst v1  }
0x126: {  	[tilespmem:$0x123D0] =	vst v1  }
0x127: {  	[tilespmem:$0x123E0] =	vst v1  }
0x128: {  	[tilespmem:$0x123F0] =	vst v1  }
0x129: {  	[tilespmem:$0x12400] =	vst v1  }
0x12a: {  	[tilespmem:$0x12410] =	vst v1  }
0x12b: {  	[tilespmem:$0x12420] =	vst v1  }
0x12c: {  	[tilespmem:$0x12430] =	vst v1  }
0x12d: {  	[tilespmem:$0x12440] =	vst v1  }
0x12e: {  	[tilespmem:$0x12450] =	vst v1  }
0x12f: {  	[tilespmem:$0x12460] =	vst v1  }
0x130: {  	[tilespmem:$0x12470] =	vst v1  }
0x131: {  	[tilespmem:$0x12480] =	vst v1  }
0x132: {  	[tilespmem:$0x12490] =	vst v1  }
0x133: {  	[tilespmem:$0x124A0] =	vst v1  }
0x134: {  	[tilespmem:$0x124B0] =	vst v1  }
0x135: {  	[tilespmem:$0x124C0] =	vst v1  }
0x136: {  	[tilespmem:$0x124D0] =	vst v1  }
0x137: {  	[tilespmem:$0x124E0] =	vst v1  }
0x138: {  	[tilespmem:$0x124F0] =	vst v1  }
0x139: {  	[tilespmem:$0x12500] =	vst v1  }
0x13a: {  	[tilespmem:$0x12510] =	vst v1  }
0x13b: {  	[tilespmem:$0x12520] =	vst v1  }
0x13c: {  	[tilespmem:$0x12530] =	vst v1  }
0x13d: {  	[tilespmem:$0x12540] =	vst v1  }
0x13e: {  	[tilespmem:$0x12550] =	vst v1  }
0x13f: {  	[tilespmem:$0x12560] =	vst v1  }
0x140: {  	[tilespmem:$0x12570] =	vst v1  }
0x141: {  	[tilespmem:$0x12580] =	vst v1  }
0x142: {  	[tilespmem:$0x12590] =	vst v1  }
0x143: {  	[tilespmem:$0x125A0] =	vst v1  }
0x144: {  	[tilespmem:$0x125B0] =	vst v1  }
.LBB2_5:
0x145: {  	s2 =	rddreg [dreg:$0x14]  }
0x146: {  	[tilespmem:s5], [sflag:$0xB] =	stream.linear.gather [hbm4b:s2+s5], $0x5140, $0x38;
	[tilespmem:$0x1EDC0] =	vst v63  }
0x147: {  	_ =	swait.ge [sflag:s30], $0x5140  }
0x148: {  	[sflag:s30] =	ssyncset.done $0x0  }
0x149: {  	s11 =	simm.s32 $0x5140;
	s23 =	rddreg [dreg:$0x15];
	[sflag:s30] =	ssyncadd.s32 $0xFFFFAEC0  }
0x14a: {  	[tilespmem:s11], [sflag:$0xB] =	stream.linear.gather [hbm4b:s23+s5], $0x5140, $0x38;
	[tilespmem:$0x1EDC0] =	vst v63  }
0x14b: {  	_ =	swait.ge [sflag:s30], $0x5140  }
0x14c: {  	[sflag:s30] =	ssyncset.done $0x0  }
0x14d: {  	[sflag:s30] =	ssyncadd.s32 $0xFFFFAEC0  }
0x14e: {  	[bflag:$0x0] =	sbarrier.arrive $0xFFFF  }
0x14f: {  	[tilespmem:s15], [sflag:$0x1] =	stream.indirect.gather [hbm4b:s1+s14], $0x40, s5, s14, $0xb8;
	[tilespmem:$0x1EDC0] =	vst v63  }
0x150: {  	s25 =	simm.s32 $0x68  }
0x151: {  	[tilespmem:s16], [sflag:$0x2] =	stream.indirect.gather [hbm4b:s1+s14], $0x40, s25, s14, $0xb8;
	[tilespmem:$0x1EDC0] =	vst v63  }
0x152: {  	_ =	swait.ge [sflag:s17], $0x1900  }
0x153: {  	[sflag:s17] =	ssyncset.done $0x0  }
0x154: {  	[sflag:s17] =	ssyncadd.s32 $0xFFFFE700  }
0x155: {  	[spmem:s3] =	stream.indirect.scatter.add.f32 [tilespmem:s15], [sflag:$0x5], $0x40, s11, s14, $0xb8;
	[tilespmem:$0x1EDC0] =	vst v63  }
0x156: {  	s13 =	simm.s32 @p0 $0xD480;
	s2 =	simm.s32 @p0 $0x64;
	s11 =	simm.s32 @p0 $0xD0  }
0x157: {  	[tilespmem:s13], [sflag:$0x3] =	stream.indirect.gather @p0 [hbm4b:s1+s2], $0x40, s11, s2, $0xb8;
	[tilespmem:$0x1EDC0] =	vst v63  }
0x158: {  	s11 =	simm.s32 @p0 $0x2  }
0x159: {  	_ =	swait.ge @p0 [sflag:s11], $0x1900  }
0x15a: {  	[sflag:s11] =	ssyncset.done @p0 $0x0  }
0x15b: {  	s13 =	simm.s32 @p0 $0xBB80;
	[sflag:s11] =	ssyncadd.s32 @p0 $0xFFFFE700;
	s11 =	simm.s32 @p0 $0x51A8  }
0x15c: {  	[spmem:s3] =	stream.indirect.scatter.add.f32 @p0 [tilespmem:s13], [sflag:$0x6], $0x40, s11, s2, $0xb8;
	[tilespmem:$0x1EDC0] =	vst v63  }
0x15d: {  	s22 =	simm.s32 @!p0 $0x5140;
	s11 =	simm.s32 @!p0 $0x64;
	s13 =	simm.s32 @!p0 $0x11F80  }
0x15e: {  	[spmem:s4] =	stream.indirect.scatter.add.f32 @!p0 [tilespmem:s13], [sflag:$0x9], $0x10, s22, s11, $0xb8;
	[tilespmem:$0x1EDC0] =	vst v63  }
0x15f: {  	s23 =	simm.s32 @!p0 $0xD480;
	s22 =	simm.s32 @!p0 $0xD0  }
0x160: {  	[tilespmem:s23], [sflag:$0x3] =	stream.indirect.gather @!p0 [hbm4b:s1+s11], $0x40, s22, s11, $0xb8;
	[tilespmem:$0x1EDC0] =	vst v63  }
0x161: {  	s22 =	simm.s32 @!p0 $0x2  }
0x162: {  	_ =	swait.ge @!p0 [sflag:s22], $0x1900  }
0x163: {  	[sflag:s22] =	ssyncset.done @!p0 $0x0  }
0x164: {  	s23 =	simm.s32 @!p0 $0xBB80;
	[sflag:s22] =	ssyncadd.s32 @!p0 $0xFFFFE700;
	s22 =	simm.s32 @!p0 $0x51A8  }
0x165: {  	[spmem:s3] =	stream.indirect.scatter.add.f32 @!p0 [tilespmem:s23], [sflag:$0x6], $0x40, s22, s11, $0xb8;
	[tilespmem:$0x1EDC0] =	vst v63  }
0x166: {  	_ = 	snop  }
0x167: {  	[spmem:s4] =	stream.indirect.scatter.add.f32 @!p0 [tilespmem:s13], [sflag:$0xA], $0x10, s22, s11, $0xb8;
	[tilespmem:$0x1EDC0] =	vst v63  }
0x168: {  	s26 =	simm.s32 $0x138  }
0x169: {  	[tilespmem:s18], [sflag:$0x4] =	stream.indirect.gather [hbm4b:s1+s14], $0x40, s26, s14, $0xb8;
	[tilespmem:$0x1EDC0] =	vst v63  }
0x16a: {  	_ =	swait.ge [sflag:s19], $0x1900  }
0x16b: {  	[sflag:s19] =	ssyncset.done $0x0  }
0x16c: {  	s23 =	simm.s32 $0x5210;
	s22 =	simm.s32 @p0 $0x5;
	[sflag:s19] =	ssyncadd.s32 $0xFFFFE700  }
0x16d: {  	[spmem:s3] =	stream.indirect.scatter.add.f32 [tilespmem:s20], [sflag:$0x7], $0x40, s23, s14, $0xb8;
	[tilespmem:$0x1EDC0] =	vst v63  }
0x16e: {  	_ =	swait.ge @p0 [sflag:s22], $0x1900  }
0x16f: {  	[sflag:s22] =	ssyncset.done @p0 $0x0  }
0x170: {  	s23 =	simm.s32 @p0 $0xA280;
	[sflag:s22] =	ssyncadd.s32 @p0 $0xFFFFE700;
	s22 =	simm.s32 @p0 $0x1A0  }
0x171: {  	[tilespmem:s23], [sflag:$0x1] =	stream.indirect.gather @p0 [hbm4b:s1+s2], $0x40, s22, s2, $0xb8;
	[tilespmem:$0x1EDC0] =	vst v63  }
0x172: {  	s22 =	simm.s32 @p0 $0x4  }
0x173: {  	_ =	swait.ge @p0 [sflag:s22], $0x1900  }
0x174: {  	[sflag:s22] =	ssyncset.done @p0 $0x0  }
0x175: {  	s23 =	simm.s32 @p0 $0xED80;
	[sflag:s22] =	ssyncadd.s32 @p0 $0xFFFFE700;
	s22 =	simm.s32 @p0 $0x5278  }
0x176: {  	[spmem:s3] =	stream.indirect.scatter.add.f32 @p0 [tilespmem:s23], [sflag:$0x8], $0x40, s22, s2, $0xb8;
	[tilespmem:$0x1EDC0] =	vst v63  }
0x177: {  	s2 =	simm.s32 @!p0 $0x9  }
0x178: {  	_ =	swait.ge @!p0 [sflag:s2], $0x640  }
0x179: {  	[sflag:s2] =	ssyncset.done @!p0 $0x0  }
0x17a: {  	s22 =	simm.s32 @!p0 $0x5210;
	[sflag:s2] =	ssyncadd.s32 @!p0 $0xFFFFF9C0  }
0x17b: {  	[spmem:s4] =	stream.indirect.scatter.add.f32 @!p0 [tilespmem:s13], [sflag:$0x9], $0x10, s22, s11, $0xb8;
	[tilespmem:$0x1EDC0] =	vst v63  }
0x17c: {  	s22 =	simm.s32 @!p0 $0x5  }
0x17d: {  	_ =	swait.ge @!p0 [sflag:s22], $0x1900  }
0x17e: {  	[sflag:s22] =	ssyncset.done @!p0 $0x0  }
0x17f: {  	s23 =	simm.s32 @!p0 $0xA280;
	[sflag:s22] =	ssyncadd.s32 @!p0 $0xFFFFE700;
	s22 =	simm.s32 @!p0 $0x1A0  }
0x180: {  	[tilespmem:s23], [sflag:$0x1] =	stream.indirect.gather @!p0 [hbm4b:s1+s11], $0x40, s22, s11, $0xb8;
	[tilespmem:$0x1EDC0] =	vst v63  }
0x181: {  	s22 =	simm.s32 @!p0 $0x4  }
0x182: {  	_ =	swait.ge @!p0 [sflag:s22], $0x1900  }
0x183: {  	[sflag:s22] =	ssyncset.done @!p0 $0x0  }
0x184: {  	s23 =	simm.s32 @!p0 $0x5278;
	[sflag:s22] =	ssyncadd.s32 @!p0 $0xFFFFE700;
	s22 =	simm.s32 @!p0 $0xED80  }
0x185: {  	[spmem:s3] =	stream.indirect.scatter.add.f32 @!p0 [tilespmem:s22], [sflag:$0x8], $0x40, s23, s11, $0xb8;
	[tilespmem:$0x1EDC0] =	vst v63  }
0x186: {  	s22 =	simm.s32 @!p0 $0xA  }
0x187: {  	_ =	swait.ge @!p0 [sflag:s22], $0x640  }
0x188: {  	[sflag:s22] =	ssyncset.done @!p0 $0x0  }
0x189: {  	[sflag:s22] =	ssyncadd.s32 @!p0 $0xFFFFF9C0  }
0x18a: {  	[spmem:s4] =	stream.indirect.scatter.add.f32 @!p0 [tilespmem:s13], [sflag:$0xA], $0x10, s23, s11, $0xb8;
	[tilespmem:$0x1EDC0] =	vst v63  }
0x18b: {  	_ =	swait.ge [sflag:s21], $0x1900  }
0x18c: {  	[sflag:s21] =	ssyncset.done $0x0  }
0x18d: {  	s25 =	simm.s32 $0x208;
	[sflag:s21] =	ssyncadd.s32 $0xFFFFE700  }
0x18e: {  	[tilespmem:s16], [sflag:$0x2] =	stream.indirect.gather [hbm4b:s1+s14], $0x40, s25, s14, $0xb8;
	[tilespmem:$0x1EDC0] =	vst v63  }
0x18f: {  	_ =	swait.ge [sflag:s17], $0x1900  }
0x190: {  	[sflag:s17] =	ssyncset.done $0x0  }
0x191: {  	s23 =	simm.s32 $0x52E0;
	[sflag:s17] =	ssyncadd.s32 $0xFFFFE700  }
0x192: {  	[spmem:s3] =	stream.indirect.scatter.add.f32 [tilespmem:s15], [sflag:$0x5], $0x40, s23, s14, $0xb8;
	[tilespmem:$0x1EDC0] =	vst v63  }
0x193: {  	_ =	swait.ge @!p0 [sflag:s2], $0x640  }
0x194: {  	[sflag:s2] =	ssyncset.done @!p0 $0x0  }
0x195: {  	[sflag:s2] =	ssyncadd.s32 @!p0 $0xFFFFF9C0  }
0x196: {  	[spmem:s4] =	stream.indirect.scatter.add.f32 @!p0 [tilespmem:s13], [sflag:$0x9], $0x10, s23, s11, $0xb8;
	[tilespmem:$0x1EDC0] =	vst v63  }
0x197: {  	_ =	swait.ge [sflag:s6], $0x1900  }
0x198: {  	[sflag:s6] =	ssyncset.done $0x0  }
0x199: {  	s26 =	simm.s32 $0x270;
	[sflag:s6] =	ssyncadd.s32 $0xFFFFE700  }
0x19a: {  	[tilespmem:s20], [sflag:$0x3] =	stream.indirect.gather [hbm4b:s1+s14], $0x40, s26, s14, $0xb8;
	[tilespmem:$0x1EDC0] =	vst v63  }
0x19b: {  	_ =	swait.ge [sflag:s7], $0x1900  }
0x19c: {  	[sflag:s7] =	ssyncset.done $0x0  }
0x19d: {  	s23 =	simm.s32 $0x5348;
	[sflag:s7] =	ssyncadd.s32 $0xFFFFE700  }
0x19e: {  	[spmem:s3] =	stream.indirect.scatter.add.f32 [tilespmem:s16], [sflag:$0x6], $0x40, s23, s14, $0xb8;
	[tilespmem:$0x1EDC0] =	vst v63  }
0x19f: {  	_ =	swait.ge @!p0 [sflag:s22], $0x640  }
0x1a0: {  	[sflag:s22] =	ssyncset.done @!p0 $0x0  }
0x1a1: {  	[sflag:s22] =	ssyncadd.s32 @!p0 $0xFFFFF9C0  }
0x1a2: {  	[spmem:s4] =	stream.indirect.scatter.add.f32 @!p0 [tilespmem:s13], [sflag:$0xA], $0x10, s23, s11, $0xb8;
	[tilespmem:$0x1EDC0] =	vst v63  }
0x1a3: {  	_ =	swait.ge [sflag:s8], $0x1900  }
0x1a4: {  	[sflag:s8] =	ssyncset.done $0x0  }
0x1a5: {  	s25 =	simm.s32 $0x2D8;
	[sflag:s8] =	ssyncadd.s32 $0xFFFFE700  }
0x1a6: {  	[tilespmem:s18], [sflag:$0x4] =	stream.indirect.gather [hbm4b:s1+s14], $0x40, s25, s14, $0xb8;
	[tilespmem:$0x1EDC0] =	vst v63  }
0x1a7: {  	_ =	swait.ge [sflag:s19], $0x1900  }
0x1a8: {  	[sflag:s19] =	ssyncset.done $0x0  }
0x1a9: {  	s23 =	simm.s32 $0x53B0;
	[sflag:s19] =	ssyncadd.s32 $0xFFFFE700  }
0x1aa: {  	[spmem:s3] =	stream.indirect.scatter.add.f32 [tilespmem:s20], [sflag:$0x7], $0x40, s23, s14, $0xb8;
	[tilespmem:$0x1EDC0] =	vst v63  }
0x1ab: {  	_ =	swait.ge @!p0 [sflag:s2], $0x640  }
0x1ac: {  	[sflag:s2] =	ssyncset.done @!p0 $0x0  }
0x1ad: {  	[sflag:s2] =	ssyncadd.s32 @!p0 $0xFFFFF9C0  }
0x1ae: {  	[spmem:s4] =	stream.indirect.scatter.add.f32 @!p0 [tilespmem:s13], [sflag:$0x9], $0x10, s23, s11, $0xb8;
	[tilespmem:$0x1EDC0] =	vst v63  }
0x1af: {  	_ =	swait.ge [sflag:s9], $0x1900  }
0x1b0: {  	[sflag:s9] =	ssyncset.done $0x0  }
0x1b1: {  	s26 =	simm.s32 $0x340;
	[sflag:s9] =	ssyncadd.s32 $0xFFFFE700  }
0x1b2: {  	[tilespmem:s15], [sflag:$0x1] =	stream.indirect.gather [hbm4b:s1+s14], $0x40, s26, s14, $0xb8;
	[tilespmem:$0x1EDC0] =	vst v63  }
0x1b3: {  	_ =	swait.ge [sflag:s0], $0x1900  }
0x1b4: {  	[sflag:s0] =	ssyncset.done $0x0  }
0x1b5: {  	s23 =	simm.s32 $0x5418;
	[sflag:s0] =	ssyncadd.s32 $0xFFFFE700  }
0x1b6: {  	[spmem:s3] =	stream.indirect.scatter.add.f32 [tilespmem:s18], [sflag:$0x8], $0x40, s23, s14, $0xb8;
	[tilespmem:$0x1EDC0] =	vst v63  }
0x1b7: {  	_ =	swait.ge @!p0 [sflag:s22], $0x640  }
0x1b8: {  	[sflag:s22] =	ssyncset.done @!p0 $0x0  }
0x1b9: {  	[sflag:s22] =	ssyncadd.s32 @!p0 $0xFFFFF9C0  }
0x1ba: {  	[spmem:s4] =	stream.indirect.scatter.add.f32 @!p0 [tilespmem:s13], [sflag:$0xA], $0x10, s23, s11, $0xb8;
	[tilespmem:$0x1EDC0] =	vst v63  }
0x1bb: {  	_ =	swait.ge [sflag:s21], $0x1900  }
0x1bc: {  	[sflag:s21] =	ssyncset.done $0x0  }
0x1bd: {  	s25 =	simm.s32 $0x3A8;
	s23 =	simm.s32 $0x680;
	[sflag:s21] =	ssyncadd.s32 $0xFFFFE700  }
.LBB2_6:
0x1be: {  	[tilespmem:s16], [sflag:$0x2] =	stream.indirect.gather [hbm4b:s1+s14], $0x40, s25, s14, $0xb8;
	[tilespmem:$0x1EDC0] =	vst v63  }
0x1bf: {  	s25 =	smov.u32 s23;
	s23 =	sadd.s32 $0x680, s23;
	_ =	swait.ge [sflag:s17], $0x1900  }
0x1c0: {  	s25 =	sshra.s32 s25, $0x2;
	p1 =	sne.s32 s23, $0x13800;
	[sflag:s17] =	ssyncset.done $0x0  }
0x1c1: {  	s26 =	sadd.s32 $0x52E0, s25;
	[sflag:s17] =	ssyncadd.s32 $0xFFFFE700  }
0x1c2: {  	[spmem:s3] =	stream.indirect.scatter.add.f32 [tilespmem:s15], [sflag:$0x5], $0x40, s26, s14, $0xb8;
	[tilespmem:$0x1EDC0] =	vst v63  }
0x1c3: {  	_ =	swait.ge @!p0 [sflag:s2], $0x640  }
0x1c4: {  	[sflag:s2] =	ssyncset.done @!p0 $0x0  }
0x1c5: {  	[sflag:s2] =	ssyncadd.s32 @!p0 $0xFFFFF9C0  }
0x1c6: {  	[spmem:s4] =	stream.indirect.scatter.add.f32 @!p0 [tilespmem:s13], [sflag:$0x9], $0x10, s26, s11, $0xb8;
	[tilespmem:$0x1EDC0] =	vst v63  }
0x1c7: {  	_ =	swait.ge [sflag:s6], $0x1900  }
0x1c8: {  	[sflag:s6] =	ssyncset.done $0x0  }
0x1c9: {  	s26 =	sadd.s32 $0x270, s25;
	[sflag:s6] =	ssyncadd.s32 $0xFFFFE700  }
0x1ca: {  	[tilespmem:s20], [sflag:$0x3] =	stream.indirect.gather [hbm4b:s1+s14], $0x40, s26, s14, $0xb8;
	[tilespmem:$0x1EDC0] =	vst v63  }
0x1cb: {  	_ =	swait.ge [sflag:s7], $0x1900  }
0x1cc: {  	[sflag:s7] =	ssyncset.done $0x0  }
0x1cd: {  	s26 =	sadd.s32 $0x5348, s25;
	[sflag:s7] =	ssyncadd.s32 $0xFFFFE700  }
0x1ce: {  	[spmem:s3] =	stream.indirect.scatter.add.f32 [tilespmem:s16], [sflag:$0x6], $0x40, s26, s14, $0xb8;
	[tilespmem:$0x1EDC0] =	vst v63  }
0x1cf: {  	_ =	swait.ge @!p0 [sflag:s22], $0x640  }
0x1d0: {  	[sflag:s22] =	ssyncset.done @!p0 $0x0  }
0x1d1: {  	[sflag:s22] =	ssyncadd.s32 @!p0 $0xFFFFF9C0  }
0x1d2: {  	[spmem:s4] =	stream.indirect.scatter.add.f32 @!p0 [tilespmem:s13], [sflag:$0xA], $0x10, s26, s11, $0xb8;
	[tilespmem:$0x1EDC0] =	vst v63  }
0x1d3: {  	_ =	swait.ge [sflag:s8], $0x1900  }
0x1d4: {  	[sflag:s8] =	ssyncset.done $0x0  }
0x1d5: {  	s26 =	sadd.s32 $0x2D8, s25;
	[sflag:s8] =	ssyncadd.s32 $0xFFFFE700  }
0x1d6: {  	[tilespmem:s18], [sflag:$0x4] =	stream.indirect.gather [hbm4b:s1+s14], $0x40, s26, s14, $0xb8;
	[tilespmem:$0x1EDC0] =	vst v63  }
0x1d7: {  	_ =	swait.ge [sflag:s19], $0x1900  }
0x1d8: {  	[sflag:s19] =	ssyncset.done $0x0  }
0x1d9: {  	s26 =	sadd.s32 $0x53B0, s25;
	[sflag:s19] =	ssyncadd.s32 $0xFFFFE700  }
0x1da: {  	[spmem:s3] =	stream.indirect.scatter.add.f32 [tilespmem:s20], [sflag:$0x7], $0x40, s26, s14, $0xb8;
	[tilespmem:$0x1EDC0] =	vst v63  }
0x1db: {  	_ =	swait.ge @!p0 [sflag:s2], $0x640  }
0x1dc: {  	[sflag:s2] =	ssyncset.done @!p0 $0x0  }
0x1dd: {  	[sflag:s2] =	ssyncadd.s32 @!p0 $0xFFFFF9C0  }
0x1de: {  	[spmem:s4] =	stream.indirect.scatter.add.f32 @!p0 [tilespmem:s13], [sflag:$0x9], $0x10, s26, s11, $0xb8;
	[tilespmem:$0x1EDC0] =	vst v63  }
0x1df: {  	_ =	swait.ge [sflag:s9], $0x1900  }
0x1e0: {  	[sflag:s9] =	ssyncset.done $0x0  }
0x1e1: {  	s26 =	sadd.s32 $0x340, s25;
	[sflag:s9] =	ssyncadd.s32 $0xFFFFE700  }
0x1e2: {  	[tilespmem:s15], [sflag:$0x1] =	stream.indirect.gather [hbm4b:s1+s14], $0x40, s26, s14, $0xb8;
	[tilespmem:$0x1EDC0] =	vst v63  }
0x1e3: {  	_ =	swait.ge [sflag:s0], $0x1900  }
0x1e4: {  	[sflag:s0] =	ssyncset.done $0x0  }
0x1e5: {  	s26 =	sadd.s32 $0x5418, s25;
	[sflag:s0] =	ssyncadd.s32 $0xFFFFE700  }
0x1e6: {  	[spmem:s3] =	stream.indirect.scatter.add.f32 [tilespmem:s18], [sflag:$0x8], $0x40, s26, s14, $0xb8;
	[tilespmem:$0x1EDC0] =	vst v63  }
0x1e7: {  	_ =	swait.ge @!p0 [sflag:s22], $0x640  }
0x1e8: {  	[sflag:s22] =	ssyncset.done @!p0 $0x0  }
.Ltmp2:
0x1e9: {  	[sflag:s22] =	ssyncadd.s32 @!p0 $0xFFFFF9C0;
	(pc) =	sbr.rel @p1 .LBB2_6-.Ltmp2, $4  }
0x1ea: {  	[spmem:s4] =	stream.indirect.scatter.add.f32 @!p0 [tilespmem:s13], [sflag:$0xA], $0x10, s26, s11, $0xb8;
	[tilespmem:$0x1EDC0] =	vst v63  }
0x1eb: {  	_ =	swait.ge [sflag:s21], $0x1900  }
0x1ec: {  	[sflag:s21] =	ssyncset.done $0x0  }
0x1ed: {  	s25 =	sadd.s32 $0x3A8, s25;
	[sflag:s21] =	ssyncadd.s32 $0xFFFFE700  }
0x1ee: {  	[tilespmem:s16], [sflag:$0x2] =	stream.indirect.gather [hbm4b:s1+s14], $0x40, s25, s14, $0xb8;
	[tilespmem:$0x1EDC0] =	vst v63  }
0x1ef: {  	_ =	swait.ge [sflag:s17], $0x1900  }
0x1f0: {  	[sflag:s17] =	ssyncset.done $0x0  }
0x1f1: {  	s2 =	simm.s32 $0xA0E0;
	[sflag:s17] =	ssyncadd.s32 $0xFFFFE700  }
0x1f2: {  	[spmem:s3] =	stream.indirect.scatter.add.f32 [tilespmem:s15], [sflag:$0x5], $0x40, s2, s14, $0xb8;
	[tilespmem:$0x1EDC0] =	vst v63  }
0x1f3: {  	s2 =	simm.s32 @p0 $0x7  }
0x1f4: {  	_ =	swait.ge @p0 [sflag:s2], $0x1900  }
0x1f5: {  	s11 =	simm.s32 @p0 $0x64;
	[sflag:s2] =	ssyncset.done @p0 $0x0  }
0x1f6: {  	s13 =	simm.s32 @p0 $0xD480;
	[sflag:s2] =	ssyncadd.s32 @p0 $0xFFFFE700;
	s2 =	simm.s32 @p0 $0x5070  }
0x1f7: {  	[tilespmem:s13], [sflag:$0x3] =	stream.indirect.gather @p0 [hbm4b:s1+s11], $0x40, s2, s11, $0xb8;
	[tilespmem:$0x1EDC0] =	vst v63  }
0x1f8: {  	s2 =	simm.s32 @p0 $0x2  }
0x1f9: {  	_ =	swait.ge @p0 [sflag:s2], $0x1900  }
0x1fa: {  	[sflag:s2] =	ssyncset.done @p0 $0x0  }
0x1fb: {  	s13 =	simm.s32 @p0 $0xBB80;
	[sflag:s2] =	ssyncadd.s32 @p0 $0xFFFFE700;
	s2 =	simm.s32 @p0 $0xA148  }
0x1fc: {  	[spmem:s3] =	stream.indirect.scatter.add.f32 @p0 [tilespmem:s13], [sflag:$0x6], $0x40, s2, s11, $0xb8;
	[tilespmem:$0x1EDC0] =	vst v63  }
0x1fd: {  	s2 =	simm.s32 @!p0 $0x9  }
0x1fe: {  	_ =	swait.ge @!p0 [sflag:s2], $0x640  }
0x1ff: {  	s22 =	simm.s32 @!p0 $0xA0E0;
	[sflag:s2] =	ssyncset.done @!p0 $0x0  }
0x200: {  	s23 =	simm.s32 @!p0 $0x11F80;
	s13 =	simm.s32 @!p0 $0x64;
	[sflag:s2] =	ssyncadd.s32 @!p0 $0xFFFFF9C0  }
0x201: {  	[spmem:s4] =	stream.indirect.scatter.add.f32 @!p0 [tilespmem:s23], [sflag:$0x9], $0x10, s22, s13, $0xb8;
	[tilespmem:$0x1EDC0] =	vst v63  }
0x202: {  	s22 =	simm.s32 @!p0 $0x7  }
0x203: {  	_ =	swait.ge @!p0 [sflag:s22], $0x1900  }
0x204: {  	[sflag:s22] =	ssyncset.done @!p0 $0x0  }
0x205: {  	s25 =	simm.s32 @!p0 $0xD480;
	[sflag:s22] =	ssyncadd.s32 @!p0 $0xFFFFE700;
	s22 =	simm.s32 @!p0 $0x5070  }
0x206: {  	[tilespmem:s25], [sflag:$0x3] =	stream.indirect.gather @!p0 [hbm4b:s1+s13], $0x40, s22, s13, $0xb8;
	[tilespmem:$0x1EDC0] =	vst v63  }
0x207: {  	s22 =	simm.s32 @!p0 $0x2  }
0x208: {  	_ =	swait.ge @!p0 [sflag:s22], $0x1900  }
0x209: {  	[sflag:s22] =	ssyncset.done @!p0 $0x0  }
0x20a: {  	s25 =	simm.s32 @!p0 $0xBB80;
	[sflag:s22] =	ssyncadd.s32 @!p0 $0xFFFFE700;
	s22 =	simm.s32 @!p0 $0xA148  }
0x20b: {  	[spmem:s3] =	stream.indirect.scatter.add.f32 @!p0 [tilespmem:s25], [sflag:$0x6], $0x40, s22, s13, $0xb8;
	[tilespmem:$0x1EDC0] =	vst v63  }
0x20c: {  	s25 =	simm.s32 @!p0 $0xA  }
0x20d: {  	_ =	swait.ge @!p0 [sflag:s25], $0x640  }
0x20e: {  	[sflag:s25] =	ssyncset.done @!p0 $0x0  }
0x20f: {  	[sflag:s25] =	ssyncadd.s32 @!p0 $0xFFFFF9C0  }
0x210: {  	[spmem:s4] =	stream.indirect.scatter.add.f32 @!p0 [tilespmem:s23], [sflag:$0xA], $0x10, s22, s13, $0xb8;
	[tilespmem:$0x1EDC0] =	vst v63  }
0x211: {  	_ =	swait.ge [sflag:s8], $0x1900  }
0x212: {  	[sflag:s8] =	ssyncset.done $0x0  }
0x213: {  	s26 =	simm.s32 $0x50D8;
	[sflag:s8] =	ssyncadd.s32 $0xFFFFE700  }
0x214: {  	[tilespmem:s18], [sflag:$0x4] =	stream.indirect.gather [hbm4b:s1+s14], $0x40, s26, s14, $0xb8;
	[tilespmem:$0x1EDC0] =	vst v63  }
0x215: {  	_ =	swait.ge [sflag:s19], $0x1900  }
0x216: {  	[sflag:s19] =	ssyncset.done $0x0  }
0x217: {  	s22 =	simm.s32 @p0 $0x4;
	s26 =	simm.s32 $0xA1B0;
	[sflag:s19] =	ssyncadd.s32 $0xFFFFE700  }
0x218: {  	[spmem:s3] =	stream.indirect.scatter.add.f32 [tilespmem:s20], [sflag:$0x7], $0x40, s26, s14, $0xb8;
	[tilespmem:$0x1EDC0] =	vst v63  }
0x219: {  	_ =	swait.ge @p0 [sflag:s22], $0x1900  }
0x21a: {  	[sflag:s22] =	ssyncset.done @p0 $0x0  }
0x21b: {  	s26 =	simm.s32 @p0 $0xED80;
	[sflag:s22] =	ssyncadd.s32 @p0 $0xFFFFE700;
	s22 =	simm.s32 @p0 $0xA218  }
0x21c: {  	[spmem:s3] =	stream.indirect.scatter.add.f32 @p0 [tilespmem:s26], [sflag:$0x8], $0x40, s22, s11, $0xb8;
	[tilespmem:$0x1EDC0] =	vst v63  }
0x21d: {  	_ =	swait.ge @!p0 [sflag:s2], $0x640  }
0x21e: {  	[sflag:s2] =	ssyncset.done @!p0 $0x0  }
0x21f: {  	s11 =	simm.s32 @!p0 $0xA1B0;
	[sflag:s2] =	ssyncadd.s32 @!p0 $0xFFFFF9C0  }
0x220: {  	[spmem:s4] =	stream.indirect.scatter.add.f32 @!p0 [tilespmem:s23], [sflag:$0x9], $0x10, s11, s13, $0xb8;
	[tilespmem:$0x1EDC0] =	vst v63  }
0x221: {  	s11 =	simm.s32 @!p0 $0x4  }
0x222: {  	_ =	swait.ge @!p0 [sflag:s11], $0x1900  }
0x223: {  	[sflag:s11] =	ssyncset.done @!p0 $0x0  }
0x224: {  	s22 =	simm.s32 @!p0 $0xED80;
	[sflag:s11] =	ssyncadd.s32 @!p0 $0xFFFFE700;
	s11 =	simm.s32 @!p0 $0xA218  }
0x225: {  	[spmem:s3] =	stream.indirect.scatter.add.f32 @!p0 [tilespmem:s22], [sflag:$0x8], $0x40, s11, s13, $0xb8;
	[tilespmem:$0x1EDC0] =	vst v63  }
0x226: {  	_ =	swait.ge @!p0 [sflag:s25], $0x640  }
0x227: {  	[sflag:s25] =	ssyncset.done @!p0 $0x0  }
0x228: {  	[sflag:s25] =	ssyncadd.s32 @!p0 $0xFFFFF9C0  }
0x229: {  	[spmem:s4] =	stream.indirect.scatter.add.f32 @!p0 [tilespmem:s23], [sflag:$0xA], $0x10, s11, s13, $0xb8;
	[tilespmem:$0x1EDC0] =	vst v63  }
0x22a: {  	_ =	swait.ge [sflag:s9], $0x1900  }
0x22b: {  	[sflag:s9] =	ssyncset.done $0x0  }
0x22c: {  	[sflag:s9] =	ssyncadd.s32 $0xFFFFE700  }
0x22d: {  	_ =	swait.ge [sflag:s21], $0x1900  }
0x22e: {  	[sflag:s21] =	ssyncset.done $0x0  }
0x22f: {  	[sflag:s21] =	ssyncadd.s32 $0xFFFFE700  }
0x230: {  	_ =	swait.ge [sflag:s6], $0x1900  }
0x231: {  	[sflag:s6] =	ssyncset.done $0x0  }
0x232: {  	[sflag:s6] =	ssyncadd.s32 $0xFFFFE700  }
0x233: {  	_ =	swait.ge [sflag:s8], $0x1900  }
0x234: {  	s22 =	stileid.u32;
	[sflag:s8] =	ssyncset.done $0x0  }
0x235: {  	s11 =	sshll.u32 @p0 s22, $0x6;
	[sflag:s8] =	ssyncadd.s32 $0xFFFFE700  }
0x236: {  	s13 =	sshrl.u32 @p0 s12, $0x3;
	s11 =	sor.u32 @p0 $0x1C0B, s11;
	[bflag:$0x0] =	sbarrier.arrive @p0 $0xFFFF  }
0x237: {  	[hbm:s24], [sflag:s11] =	dma.local @p0 [spmem:s13], $0x1400  }
0x238: {  	s11 =	simm.s32 @p0 $0xB  }
0x239: {  	_ =	swait.ge @p0 [sflag:s11], $0x1400  }
0x23a: {  	[sflag:s11] =	ssyncset.done @p0 $0x0  }
0x23b: {  	[sflag:s11] =	ssyncadd.s32 @p0 $0xFFFFEC00  }
0x23c: {  	_ =	swait.ge @!p0 [sflag:s2], $0x640  }
0x23d: {  	[sflag:s2] =	ssyncset.done @!p0 $0x0  }
0x23e: {  	[sflag:s2] =	ssyncadd.s32 @!p0 $0xFFFFF9C0  }
0x23f: {  	_ =	swait.ge @!p0 [sflag:s25], $0x640  }
0x240: {  	[sflag:s25] =	ssyncset.done @!p0 $0x0  }
0x241: {  	s2 =	sshll.u32 @!p0 s22, $0x6;
	[sflag:s25] =	ssyncadd.s32 @!p0 $0xFFFFF9C0  }
0x242: {  	s11 =	sshrl.u32 @!p0 s12, $0x3;
	s2 =	sor.u32 @!p0 $0x1C0B, s2;
	[bflag:$0x0] =	sbarrier.arrive @!p0 $0xFFFF  }
0x243: {  	[hbm:s24], [sflag:s2] =	dma.local @!p0 [spmem:s11], $0x1400  }
0x244: {  	s11 =	simm.s32 @!p0 $0xB  }
0x245: {  	_ =	swait.ge @!p0 [sflag:s11], $0x1400  }
0x246: {  	[sflag:s11] =	ssyncset.done @!p0 $0x0  }
0x247: {  	s22 =	rddreg [dreg:$0x16];
	[sflag:s11] =	ssyncadd.s32 @!p0 $0xFFFFEC00  }
0x248: {  	[hbm:s22], [sflag:s2] =	dma.local @!p0 [spmem:s28], $0x500  }
0x249: {  	_ =	swait.ge @!p0 [sflag:s11], $0x500  }
0x24a: {  	s10 =	sadd.s32 $0x1, s10;
	s26 =	rddreg [dreg:$0x17]  }
0x24b: {  	p1 =	sne.s32 s10, s26  }
.Ltmp3:
0x24c: {  	_ = 	snop;
	(pc) =	sbr.rel @p1 .LBB2_1-.Ltmp3, $3  }
0x24d: {  	_ =	sdelay $0x1  }
0x24e: {  	[sflag:s11] =	ssyncset.done @!p0 $0x0  }
0x24f: {  	s13 =	stileid.u32;
	[sflag:s11] =	ssyncadd.s32 @!p0 $0xFFFFFB00  }
0x250: {  	_ =	sfence.sel $0x180000  }
0x251: {  	[bflag:$0x0] =	sbarrier.arrive $0xFFFF  }
0x252: {  	_ =	strace $0x90000047  }
0x253: {  	[bflag:$0x2] =	sbarrier.arrive $0xFFFF  }
0x254: {  	p0 =	sne.s32 s13, $0x0;
	s0 =	rddreg [dreg:$0x4]  }
0x255: {  	s0 =	sadd.s32 @!p0 $0x100000, s0  }
0x256: {  	[sflag:s0] =	ssyncadd.tile.s32 @!p0 $0x1;
	_ =	shalt  }
.Lfunc_end2:
_tile_overlayer_lowered:
.L_overlay_start_2:
0x257: {  	(tag) =	ssettag $0x2  }
0x258: {  	s0 =	rddreg [dreg:$0x0];
	s2 =	stileid.u32  }
0x259: {  	s1 =	rddreg [dreg:$0x1];
	p0 =	sne.s32 s2, $0x0  }
0x25a: {  	s3 =	rddreg [dreg:$0x2];
	[bflag:$0x3] =	sbarrier.arrive $0xFFFF;
	s2 =	simm.s32 @!p0 $0x1C0B  }
0x25b: {  	[timem:s3], [sflag:s2] =	dma.local @!p0 [hbm:s0], s1  }
0x25c: {  	s0 =	simm.s32 @!p0 $0xB  }
0x25d: {  	_ =	swait.ge @!p0 [sflag:s0], s1  }
0x25e: {  	s1 =	ssub.s32 @!p0 $0x0, s1;
	[sflag:s0] =	ssyncset.done @!p0 $0x0  }
0x25f: {  	[sflag:s0] =	ssyncadd.s32 @!p0 s1  }
0x260: {  	[bflag:$0x3] =	sbarrier.arrive $0xFFFF  }
0x261: {  	_ =	shalt  }

</sc_bundles>
